<compile_context>
chip_gen: v7x
topology: tpu7x:2x2x1
jax: 0.10.2.dev20260603
libtpu: 0.0.44.dev20260713+nightly
codegen_flags: <defaults>
</compile_context>

<pallas_src>
import functools

import jax
import jax.numpy as jnp
from jax import lax
from jax.experimental import pallas as pl
from jax.experimental.pallas import tpu as pltpu
from jax.experimental.pallas import tpu_sc as plsc

EMBED = 64
SIZES = (512, 1024, 2048, 4096, 8192)
OFFS = (0, 512, 1536, 3584, 7680)
TOTAL = 15872
NTOK = 32768
BT = 256
BC = 512


CHUNKW = (512, 1024, 2048, 2048, 4096)


def _bf16_rtne(x):
    return x.astype(jnp.bfloat16).astype(jnp.float32)


def _argmin_body(x_ref, dall_ref, d2_ref, idx_ref):
    xb = x_ref[...]
    f2 = jnp.sum(xb * xb, axis=1, keepdims=True)
    xb16 = xb.astype(jnp.bfloat16)
    cols = []
    for k in range(len(SIZES)):
        run_v = None
        run_i = None
        for c0 in range(OFFS[k], OFFS[k] + SIZES[k], CHUNKW[k]):
            cm = None
            ci = None
            for c in range(c0, c0 + CHUNKW[k], BC):
                db = dall_ref[:, c:c + BC]
                sim = jnp.dot(xb16, db, preferred_element_type=jnp.float32)
                dist = (f2 + d2_ref[:, c:c + BC]) - 2.0 * sim
                bm = jnp.min(dist, axis=1, keepdims=True)
                ii = lax.broadcasted_iota(jnp.int32, (BT, BC), 1) + c
                barg = jnp.min(jnp.where(dist == bm, ii, jnp.int32(2**30)),
                               axis=1, keepdims=True)
                if cm is None:
                    cm, ci = bm, barg
                else:
                    upd = bm < cm
                    ci = jnp.where(upd, barg, ci)
                    cm = jnp.where(upd, bm, cm)
            if run_v is None:
                run_v, run_i = _bf16_rtne(cm), ci
            else:
                upd = cm < run_v
                run_i = jnp.where(upd, ci, run_i)
                run_v = _bf16_rtne(jnp.where(upd, cm, run_v))
        cols.append(run_i)
    idx_ref[...] = jnp.concatenate(cols, axis=1)


def _compute_indices(flat, dall16, d2):
    grid = NTOK // BT
    return pl.pallas_call(
        _argmin_body,
        grid=(grid,),
        in_specs=[
            pl.BlockSpec((BT, EMBED), lambda i: (i, 0)),
            pl.BlockSpec((EMBED, TOTAL), lambda i: (0, 0)),
            pl.BlockSpec((1, TOTAL), lambda i: (0, 0)),
        ],
        out_specs=pl.BlockSpec((BT, len(SIZES)), lambda i: (i, 0)),
        out_shape=jax.ShapeDtypeStruct((NTOK, len(SIZES)), jnp.int32),
    )(flat, dall16, d2)


def kernel(x, alpha_vq, dict_9, dict_10, dict_11, dict_12, dict_13):
    dicts = [dict_9, dict_10, dict_11, dict_12, dict_13]
    alpha = jax.nn.softmax(alpha_vq)
    flat = x.reshape(-1, EMBED)

    dall = jnp.concatenate(dicts, axis=1)
    d2 = jnp.sum(dall ** 2, axis=0, keepdims=True)

    gidx = _compute_indices(flat, dall.astype(jnp.bfloat16), d2)

    tab = dall.T * jnp.repeat(alpha, jnp.array(SIZES), total_repeat_length=TOTAL)[:, None]
    tabp = jnp.pad(tab, ((0, 0), (0, 128 - EMBED)))
    idx2d = gidx.reshape(NTOK * len(SIZES) // 128, 128)
    wq = _sc_gather(tabp, idx2d)
    return wq.reshape(x.shape)


NW = 32
TPW = NTOK // NW
CH = 128
NCHUNK = TPW // CH


def _sc_gather(tab, idx2d):
    mesh = plsc.VectorSubcoreMesh(core_axis_name="c", subcore_axis_name="s")

    @functools.partial(
        pl.kernel,
        out_type=jax.ShapeDtypeStruct((NTOK, EMBED), jnp.float32),
        mesh=mesh,
        scratch_types=[
            pltpu.VMEM((128,), jnp.int32),
            pltpu.VMEM((128,), jnp.int32),
            pltpu.VMEM((128,), jnp.int32),
            pltpu.VMEM((128,), jnp.int32),
            pltpu.VMEM((128,), jnp.int32),
            pltpu.VMEM((5 * CH, 128), jnp.float32),
            pltpu.VMEM((CH, EMBED), jnp.float32),
            pltpu.SemaphoreType.DMA,
        ],
    )
    def body(tab_hbm, idx_hbm, out_hbm, i0, i1, i2, i3, i4, rows_v, acc_v, sem):
        wid = lax.axis_index("s") * 2 + lax.axis_index("c")
        ibufs = (i0, i1, i2, i3, i4)
        for ch in range(NCHUNK):
            row0 = wid * (TPW * 5 // 128) + ch * 5
            t0 = wid * TPW + ch * CH
            for g in range(5):
                pltpu.sync_copy(idx_hbm.at[row0 + g], ibufs[g])
            handles = [
                pltpu.async_copy(tab_hbm.at[ibufs[g]],
                                 rows_v.at[pl.ds(g * 128, 128)], sem)
                for g in range(5)
            ]
            for h in handles:
                h.wait()

            def tok(t, _):
                t5 = t * 5
                for c in range(EMBED // 16):
                    s = pl.ds(c * 16, 16)
                    acc_v[t, s] = ((rows_v[t5, s] + rows_v[t5 + 1, s])
                                   + (rows_v[t5 + 2, s] + rows_v[t5 + 3, s])
                                   + rows_v[t5 + 4, s])
                return 0
            lax.fori_loop(0, CH, tok, 0)
            pltpu.sync_copy(acc_v, out_hbm.at[pl.ds(t0, CH)])

    return body(tab, idx2d)

# --- scband reference (transcript-rebuilt; emitter-appended) ---
"""Pipeline reference for scband-dartsvqblock-21174188769556 (READ-ONLY COPY).

The authoritative reference and input builder live on the scoring server;
editing this copy changes nothing except your own understanding.
"""

import jax, jax.numpy as jnp
import numpy as np

EMBED_DIM = 64
DICT_LOG2 = [9, 10, 11, 12, 13]  # num_embeddings [512, 8192] -> dicts of size 2^9 .. 2^13
TASK_LR = 1.0
BETA = 0.25


def setup_inputs(seed: int = 0) -> dict:
    key = jax.random.key(seed)
    ks = jax.random.split(key, len(DICT_LOG2) + 2)
    inp = {}
    inp['x'] = jax.random.normal(ks[0], (32, 1024, EMBED_DIM), dtype=jnp.float32)
    # learned architecture weights alpha_vq (one per dictionary)
    inp['alpha_vq'] = jax.random.normal(ks[1], (len(DICT_LOG2),), dtype=jnp.float32) * 0.1
    # learned codebooks, RandomUniform init (keras default [-0.05, 0.05])
    for i, lg in enumerate(DICT_LOG2):
        inp['dict_%d' % lg] = jax.random.uniform(ks[2 + i], (EMBED_DIM, 2 ** lg), dtype=jnp.float32, minval=-0.05, maxval=0.05)
    return inp


def _get_code_indices(flat, dictionary):
    similarity = flat @ dictionary
    distances = (jnp.sum(flat ** 2, axis=1, keepdims=True)
                 + jnp.sum(dictionary ** 2, axis=0, keepdims=True)
                 - 2.0 * similarity)
    return jnp.argmin(distances, axis=1)


def reference(x, alpha_vq, dict_9, dict_10, dict_11, dict_12, dict_13):
    dicts = [dict_9, dict_10, dict_11, dict_12, dict_13]
    img_dims = x.shape
    alpha = jax.nn.softmax(alpha_vq)
    flat = x.reshape(-1, EMBED_DIM)
    q = []
    for d in dicts:
        code_idx = _get_code_indices(flat, d)
        # one_hot @ d^T is a gather of codebook rows
        quantized = jnp.take(d.T, code_idx, axis=0)
        q.append(quantized)
    weighted_q = jnp.sum(jnp.stack(q, axis=0) * alpha[:, None, None], axis=0)
    weighted_q = weighted_q.reshape(img_dims)
    weighted_q = TASK_LR * weighted_q
    out = x + jax.lax.stop_gradient(weighted_q - x)
    return out

if __name__ == "__main__":
    import jax
    _d = setup_inputs()
    print(jax.jit(kernel)(*tuple(_d.values())))

</pallas_src>

<mosaic_0001>
#map = affine_map<(d0, d1) -> (0, 0)>
module attributes {stable_mosaic.version = 14 : i64} {
  func.func @body(%arg0: i32, %arg1: i32, %arg2: memref<15872x128xf32, #tpu.memory_space<hbm>>, %arg3: memref<1280x128xi32, #tpu.memory_space<hbm>>, %arg4: memref<32768x64xf32, #tpu.memory_space<hbm>>, %arg5: memref<128xi32, #tpu.memory_space<vmem>>, %arg6: memref<128xi32, #tpu.memory_space<vmem>>, %arg7: memref<128xi32, #tpu.memory_space<vmem>>, %arg8: memref<128xi32, #tpu.memory_space<vmem>>, %arg9: memref<128xi32, #tpu.memory_space<vmem>>, %arg10: memref<640x128xf32, #tpu.memory_space<vmem>>, %arg11: memref<128x64xf32, #tpu.memory_space<vmem>>, %arg12: memref<!tpu.dma_semaphore, #tpu.memory_space<semaphore_mem>>) attributes {dimension_semantics = [#tpu.dimension_semantics<core_parallel>, #tpu.dimension_semantics<subcore_parallel>], iteration_bounds = array<i64: 2, 16>, scalar_prefetch = 0 : i64, scratch_operands = 8 : i64, tpu.core_type = #tpu.core_type<sc_vector_subcore>, window_params = [{transform_indices = #map}, {transform_indices = #map}, {transform_indices = #map}]} {
    %mul3A = arith.constant 2 : i32
    %mul3A_0 = arith.muli %arg1, %mul3A : i32
    %add3A = arith.addi %mul3A_0, %arg0 : i32
    %mul3A_1 = arith.constant 40 : i32
    %mul3A_2 = arith.muli %add3A, %mul3A_1 : i32
    %add3A_3 = arith.constant 0 : i32
    %add3A_4 = arith.addi %mul3A_2, %add3A_3 : i32
    %mul3A_5 = arith.constant 1024 : i32
    %mul3A_6 = arith.muli %add3A, %mul3A_5 : i32
    %add3A_7 = arith.constant 0 : i32
    %add3A_8 = arith.addi %mul3A_6, %add3A_7 : i32
    %add3A_9 = arith.constant 0 : i32
    %add3A_10 = arith.addi %add3A_4, %add3A_9 : i32
    "tpu.region"() ({
      %run_scoped3A = tpu.sem_alloc : memref<!tpu.dma_semaphore, #tpu.memory_space<semaphore_mem>>
      %dma_start3A_678 = arith.constant 0 : i32
      %dma_start3A_679 = tpu.memref_slice %arg3[%add3A_10, %dma_start3A_678] : memref<1280x128xi32, #tpu.memory_space<hbm>> -> memref<1x128xi32, #tpu.memory_space<hbm>>
      %dma_start3A_680 = tpu.memref_squeeze %dma_start3A_679 : memref<1x128xi32, #tpu.memory_space<hbm>> -> memref<128xi32, #tpu.memory_space<hbm>>
      %dma_start3A_681 = arith.constant 0 : i32
      %dma_start3A_682 = tpu.memref_slice %arg3[%add3A_10, %dma_start3A_681] : memref<1280x128xi32, #tpu.memory_space<hbm>> -> memref<1x128xi32, #tpu.memory_space<hbm>>
      %dma_start3A_683 = tpu.memref_squeeze %dma_start3A_682 : memref<1x128xi32, #tpu.memory_space<hbm>> -> memref<128xi32, #tpu.memory_space<hbm>>
      tpu.enqueue_dma source(%dma_start3A_683 : memref<128xi32, #tpu.memory_space<hbm>>) target(%arg5 : memref<128xi32, #tpu.memory_space<vmem>>) target_semaphore(%run_scoped3A : memref<!tpu.dma_semaphore, #tpu.memory_space<semaphore_mem>>)
      %dma_wait3A_684 = arith.constant 0 : i32
      %dma_wait3A_685 = tpu.memref_slice %arg3[%add3A_10, %dma_wait3A_684] : memref<1280x128xi32, #tpu.memory_space<hbm>> -> memref<1x128xi32, #tpu.memory_space<hbm>>
      %dma_wait3A_686 = tpu.memref_squeeze %dma_wait3A_685 : memref<1x128xi32, #tpu.memory_space<hbm>> -> memref<128xi32, #tpu.memory_space<hbm>>
      %dma_wait3A_687 = arith.constant 0 : i32
      %dma_wait3A_688 = tpu.memref_slice %arg3[%add3A_10, %dma_wait3A_687] : memref<1280x128xi32, #tpu.memory_space<hbm>> -> memref<1x128xi32, #tpu.memory_space<hbm>>
      %dma_wait3A_689 = tpu.memref_squeeze %dma_wait3A_688 : memref<1x128xi32, #tpu.memory_space<hbm>> -> memref<128xi32, #tpu.memory_space<hbm>>
      tpu.wait_dma2 semaphore(%run_scoped3A : memref<!tpu.dma_semaphore, #tpu.memory_space<semaphore_mem>>) src(%dma_wait3A_689 : memref<128xi32, #tpu.memory_space<hbm>>) dst(%arg5 : memref<128xi32, #tpu.memory_space<vmem>>)
      tpu.yield
    }) : () -> ()
    %add3A_11 = arith.constant 1 : i32
    %add3A_12 = arith.addi %add3A_4, %add3A_11 : i32
    "tpu.region"() ({
      %run_scoped3A = tpu.sem_alloc : memref<!tpu.dma_semaphore, #tpu.memory_space<semaphore_mem>>
      %dma_start3A_678 = arith.constant 0 : i32
      %dma_start3A_679 = tpu.memref_slice %arg3[%add3A_12, %dma_start3A_678] : memref<1280x128xi32, #tpu.memory_space<hbm>> -> memref<1x128xi32, #tpu.memory_space<hbm>>
      %dma_start3A_680 = tpu.memref_squeeze %dma_start3A_679 : memref<1x128xi32, #tpu.memory_space<hbm>> -> memref<128xi32, #tpu.memory_space<hbm>>
      %dma_start3A_681 = arith.constant 0 : i32
      %dma_start3A_682 = tpu.memref_slice %arg3[%add3A_12, %dma_start3A_681] : memref<1280x128xi32, #tpu.memory_space<hbm>> -> memref<1x128xi32, #tpu.memory_space<hbm>>
      %dma_start3A_683 = tpu.memref_squeeze %dma_start3A_682 : memref<1x128xi32, #tpu.memory_space<hbm>> -> memref<128xi32, #tpu.memory_space<hbm>>
      tpu.enqueue_dma source(%dma_start3A_683 : memref<128xi32, #tpu.memory_space<hbm>>) target(%arg6 : memref<128xi32, #tpu.memory_space<vmem>>) target_semaphore(%run_scoped3A : memref<!tpu.dma_semaphore, #tpu.memory_space<semaphore_mem>>)
      %dma_wait3A_684 = arith.constant 0 : i32
      %dma_wait3A_685 = tpu.memref_slice %arg3[%add3A_12, %dma_wait3A_684] : memref<1280x128xi32, #tpu.memory_space<hbm>> -> memref<1x128xi32, #tpu.memory_space<hbm>>
      %dma_wait3A_686 = tpu.memref_squeeze %dma_wait3A_685 : memref<1x128xi32, #tpu.memory_space<hbm>> -> memref<128xi32, #tpu.memory_space<hbm>>
      %dma_wait3A_687 = arith.constant 0 : i32
      %dma_wait3A_688 = tpu.memref_slice %arg3[%add3A_12, %dma_wait3A_687] : memref<1280x128xi32, #tpu.memory_space<hbm>> -> memref<1x128xi32, #tpu.memory_space<hbm>>
      %dma_wait3A_689 = tpu.memref_squeeze %dma_wait3A_688 : memref<1x128xi32, #tpu.memory_space<hbm>> -> memref<128xi32, #tpu.memory_space<hbm>>
      tpu.wait_dma2 semaphore(%run_scoped3A : memref<!tpu.dma_semaphore, #tpu.memory_space<semaphore_mem>>) src(%dma_wait3A_689 : memref<128xi32, #tpu.memory_space<hbm>>) dst(%arg6 : memref<128xi32, #tpu.memory_space<vmem>>)
      tpu.yield
    }) : () -> ()
    %add3A_13 = arith.constant 2 : i32
    %add3A_14 = arith.addi %add3A_4, %add3A_13 : i32
    "tpu.region"() ({
      %run_scoped3A = tpu.sem_alloc : memref<!tpu.dma_semaphore, #tpu.memory_space<semaphore_mem>>
      %dma_start3A_678 = arith.constant 0 : i32
      %dma_start3A_679 = tpu.memref_slice %arg3[%add3A_14, %dma_start3A_678] : memref<1280x128xi32, #tpu.memory_space<hbm>> -> memref<1x128xi32, #tpu.memory_space<hbm>>
      %dma_start3A_680 = tpu.memref_squeeze %dma_start3A_679 : memref<1x128xi32, #tpu.memory_space<hbm>> -> memref<128xi32, #tpu.memory_space<hbm>>
      %dma_start3A_681 = arith.constant 0 : i32
      %dma_start3A_682 = tpu.memref_slice %arg3[%add3A_14, %dma_start3A_681] : memref<1280x128xi32, #tpu.memory_space<hbm>> -> memref<1x128xi32, #tpu.memory_space<hbm>>
      %dma_start3A_683 = tpu.memref_squeeze %dma_start3A_682 : memref<1x128xi32, #tpu.memory_space<hbm>> -> memref<128xi32, #tpu.memory_space<hbm>>
      tpu.enqueue_dma source(%dma_start3A_683 : memref<128xi32, #tpu.memory_space<hbm>>) target(%arg7 : memref<128xi32, #tpu.memory_space<vmem>>) target_semaphore(%run_scoped3A : memref<!tpu.dma_semaphore, #tpu.memory_space<semaphore_mem>>)
      %dma_wait3A_684 = arith.constant 0 : i32
      %dma_wait3A_685 = tpu.memref_slice %arg3[%add3A_14, %dma_wait3A_684] : memref<1280x128xi32, #tpu.memory_space<hbm>> -> memref<1x128xi32, #tpu.memory_space<hbm>>
      %dma_wait3A_686 = tpu.memref_squeeze %dma_wait3A_685 : memref<1x128xi32, #tpu.memory_space<hbm>> -> memref<128xi32, #tpu.memory_space<hbm>>
      %dma_wait3A_687 = arith.constant 0 : i32
      %dma_wait3A_688 = tpu.memref_slice %arg3[%add3A_14, %dma_wait3A_687] : memref<1280x128xi32, #tpu.memory_space<hbm>> -> memref<1x128xi32, #tpu.memory_space<hbm>>
      %dma_wait3A_689 = tpu.memref_squeeze %dma_wait3A_688 : memref<1x128xi32, #tpu.memory_space<hbm>> -> memref<128xi32, #tpu.memory_space<hbm>>
      tpu.wait_dma2 semaphore(%run_scoped3A : memref<!tpu.dma_semaphore, #tpu.memory_space<semaphore_mem>>) src(%dma_wait3A_689 : memref<128xi32, #tpu.memory_space<hbm>>) dst(%arg7 : memref<128xi32, #tpu.memory_space<vmem>>)
      tpu.yield
    }) : () -> ()
    %add3A_15 = arith.constant 3 : i32
    %add3A_16 = arith.addi %add3A_4, %add3A_15 : i32
    "tpu.region"() ({
      %run_scoped3A = tpu.sem_alloc : memref<!tpu.dma_semaphore, #tpu.memory_space<semaphore_mem>>
      %dma_start3A_678 = arith.constant 0 : i32
      %dma_start3A_679 = tpu.memref_slice %arg3[%add3A_16, %dma_start3A_678] : memref<1280x128xi32, #tpu.memory_space<hbm>> -> memref<1x128xi32, #tpu.memory_space<hbm>>
      %dma_start3A_680 = tpu.memref_squeeze %dma_start3A_679 : memref<1x128xi32, #tpu.memory_space<hbm>> -> memref<128xi32, #tpu.memory_space<hbm>>
      %dma_start3A_681 = arith.constant 0 : i32
      %dma_start3A_682 = tpu.memref_slice %arg3[%add3A_16, %dma_start3A_681] : memref<1280x128xi32, #tpu.memory_space<hbm>> -> memref<1x128xi32, #tpu.memory_space<hbm>>
      %dma_start3A_683 = tpu.memref_squeeze %dma_start3A_682 : memref<1x128xi32, #tpu.memory_space<hbm>> -> memref<128xi32, #tpu.memory_space<hbm>>
      tpu.enqueue_dma source(%dma_start3A_683 : memref<128xi32, #tpu.memory_space<hbm>>) target(%arg8 : memref<128xi32, #tpu.memory_space<vmem>>) target_semaphore(%run_scoped3A : memref<!tpu.dma_semaphore, #tpu.memory_space<semaphore_mem>>)
      %dma_wait3A_684 = arith.constant 0 : i32
      %dma_wait3A_685 = tpu.memref_slice %arg3[%add3A_16, %dma_wait3A_684] : memref<1280x128xi32, #tpu.memory_space<hbm>> -> memref<1x128xi32, #tpu.memory_space<hbm>>
      %dma_wait3A_686 = tpu.memref_squeeze %dma_wait3A_685 : memref<1x128xi32, #tpu.memory_space<hbm>> -> memref<128xi32, #tpu.memory_space<hbm>>
      %dma_wait3A_687 = arith.constant 0 : i32
      %dma_wait3A_688 = tpu.memref_slice %arg3[%add3A_16, %dma_wait3A_687] : memref<1280x128xi32, #tpu.memory_space<hbm>> -> memref<1x128xi32, #tpu.memory_space<hbm>>
      %dma_wait3A_689 = tpu.memref_squeeze %dma_wait3A_688 : memref<1x128xi32, #tpu.memory_space<hbm>> -> memref<128xi32, #tpu.memory_space<hbm>>
      tpu.wait_dma2 semaphore(%run_scoped3A : memref<!tpu.dma_semaphore, #tpu.memory_space<semaphore_mem>>) src(%dma_wait3A_689 : memref<128xi32, #tpu.memory_space<hbm>>) dst(%arg8 : memref<128xi32, #tpu.memory_space<vmem>>)
      tpu.yield
    }) : () -> ()
    %add3A_17 = arith.constant 4 : i32
    %add3A_18 = arith.addi %add3A_4, %add3A_17 : i32
    "tpu.region"() ({
      %run_scoped3A = tpu.sem_alloc : memref<!tpu.dma_semaphore, #tpu.memory_space<semaphore_mem>>
      %dma_start3A_678 = arith.constant 0 : i32
      %dma_start3A_679 = tpu.memref_slice %arg3[%add3A_18, %dma_start3A_678] : memref<1280x128xi32, #tpu.memory_space<hbm>> -> memref<1x128xi32, #tpu.memory_space<hbm>>
      %dma_start3A_680 = tpu.memref_squeeze %dma_start3A_679 : memref<1x128xi32, #tpu.memory_space<hbm>> -> memref<128xi32, #tpu.memory_space<hbm>>
      %dma_start3A_681 = arith.constant 0 : i32
      %dma_start3A_682 = tpu.memref_slice %arg3[%add3A_18, %dma_start3A_681] : memref<1280x128xi32, #tpu.memory_space<hbm>> -> memref<1x128xi32, #tpu.memory_space<hbm>>
      %dma_start3A_683 = tpu.memref_squeeze %dma_start3A_682 : memref<1x128xi32, #tpu.memory_space<hbm>> -> memref<128xi32, #tpu.memory_space<hbm>>
      tpu.enqueue_dma source(%dma_start3A_683 : memref<128xi32, #tpu.memory_space<hbm>>) target(%arg9 : memref<128xi32, #tpu.memory_space<vmem>>) target_semaphore(%run_scoped3A : memref<!tpu.dma_semaphore, #tpu.memory_space<semaphore_mem>>)
      %dma_wait3A_684 = arith.constant 0 : i32
      %dma_wait3A_685 = tpu.memref_slice %arg3[%add3A_18, %dma_wait3A_684] : memref<1280x128xi32, #tpu.memory_space<hbm>> -> memref<1x128xi32, #tpu.memory_space<hbm>>
      %dma_wait3A_686 = tpu.memref_squeeze %dma_wait3A_685 : memref<1x128xi32, #tpu.memory_space<hbm>> -> memref<128xi32, #tpu.memory_space<hbm>>
      %dma_wait3A_687 = arith.constant 0 : i32
      %dma_wait3A_688 = tpu.memref_slice %arg3[%add3A_18, %dma_wait3A_687] : memref<1280x128xi32, #tpu.memory_space<hbm>> -> memref<1x128xi32, #tpu.memory_space<hbm>>
      %dma_wait3A_689 = tpu.memref_squeeze %dma_wait3A_688 : memref<1x128xi32, #tpu.memory_space<hbm>> -> memref<128xi32, #tpu.memory_space<hbm>>
      tpu.wait_dma2 semaphore(%run_scoped3A : memref<!tpu.dma_semaphore, #tpu.memory_space<semaphore_mem>>) src(%dma_wait3A_689 : memref<128xi32, #tpu.memory_space<hbm>>) dst(%arg9 : memref<128xi32, #tpu.memory_space<vmem>>)
      tpu.yield
    }) : () -> ()
    %dma_start3A = arith.constant 0 : i32
    %dma_start3A_19 = arith.constant 0 : i32
    %dma_start3A_20 = tpu.memref_slice %arg10[%dma_start3A, %dma_start3A_19] : memref<640x128xf32, #tpu.memory_space<vmem>> -> memref<128x128xf32, #tpu.memory_space<vmem>>
    %dma_start3A_21 = arith.constant 0 : i32
    %dma_start3A_22 = arith.constant 0 : i32
    %dma_start3A_23 = tpu.memref_slice %arg2[%dma_start3A_21, %dma_start3A_22] : memref<15872x128xf32, #tpu.memory_space<hbm>> -> memref<15872x128xf32, #tpu.memory_space<hbm>>
    tpu.enqueue_indirect_dma source(%dma_start3A_23 : memref<15872x128xf32, #tpu.memory_space<hbm>>) target(%dma_start3A_20 : memref<128x128xf32, #tpu.memory_space<vmem>>) offsets(%arg5 : memref<128xi32, #tpu.memory_space<vmem>>) semaphore(%arg12 : memref<!tpu.dma_semaphore, #tpu.memory_space<semaphore_mem>>)
    %dma_start3A_24 = arith.constant 128 : i32
    %dma_start3A_25 = arith.constant 0 : i32
    %dma_start3A_26 = tpu.memref_slice %arg10[%dma_start3A_24, %dma_start3A_25] : memref<640x128xf32, #tpu.memory_space<vmem>> -> memref<128x128xf32, #tpu.memory_space<vmem>>
    %dma_start3A_27 = arith.constant 0 : i32
    %dma_start3A_28 = arith.constant 0 : i32
    %dma_start3A_29 = tpu.memref_slice %arg2[%dma_start3A_27, %dma_start3A_28] : memref<15872x128xf32, #tpu.memory_space<hbm>> -> memref<15872x128xf32, #tpu.memory_space<hbm>>
    tpu.enqueue_indirect_dma source(%dma_start3A_29 : memref<15872x128xf32, #tpu.memory_space<hbm>>) target(%dma_start3A_26 : memref<128x128xf32, #tpu.memory_space<vmem>>) offsets(%arg6 : memref<128xi32, #tpu.memory_space<vmem>>) semaphore(%arg12 : memref<!tpu.dma_semaphore, #tpu.memory_space<semaphore_mem>>)
    %dma_start3A_30 = arith.constant 256 : i32
    %dma_start3A_31 = arith.constant 0 : i32
    %dma_start3A_32 = tpu.memref_slice %arg10[%dma_start3A_30, %dma_start3A_31] : memref<640x128xf32, #tpu.memory_space<vmem>> -> memref<128x128xf32, #tpu.memory_space<vmem>>
    %dma_start3A_33 = arith.constant 0 : i32
    %dma_start3A_34 = arith.constant 0 : i32
    %dma_start3A_35 = tpu.memref_slice %arg2[%dma_start3A_33, %dma_start3A_34] : memref<15872x128xf32, #tpu.memory_space<hbm>> -> memref<15872x128xf32, #tpu.memory_space<hbm>>
    tpu.enqueue_indirect_dma source(%dma_start3A_35 : memref<15872x128xf32, #tpu.memory_space<hbm>>) target(%dma_start3A_32 : memref<128x128xf32, #tpu.memory_space<vmem>>) offsets(%arg7 : memref<128xi32, #tpu.memory_space<vmem>>) semaphore(%arg12 : memref<!tpu.dma_semaphore, #tpu.memory_space<semaphore_mem>>)
    %dma_start3A_36 = arith.constant 384 : i32
    %dma_start3A_37 = arith.constant 0 : i32
    %dma_start3A_38 = tpu.memref_slice %arg10[%dma_start3A_36, %dma_start3A_37] : memref<640x128xf32, #tpu.memory_space<vmem>> -> memref<128x128xf32, #tpu.memory_space<vmem>>
    %dma_start3A_39 = arith.constant 0 : i32
    %dma_start3A_40 = arith.constant 0 : i32
    %dma_start3A_41 = tpu.memref_slice %arg2[%dma_start3A_39, %dma_start3A_40] : memref<15872x128xf32, #tpu.memory_space<hbm>> -> memref<15872x128xf32, #tpu.memory_space<hbm>>
    tpu.enqueue_indirect_dma source(%dma_start3A_41 : memref<15872x128xf32, #tpu.memory_space<hbm>>) target(%dma_start3A_38 : memref<128x128xf32, #tpu.memory_space<vmem>>) offsets(%arg8 : memref<128xi32, #tpu.memory_space<vmem>>) semaphore(%arg12 : memref<!tpu.dma_semaphore, #tpu.memory_space<semaphore_mem>>)
    %dma_start3A_42 = arith.constant 512 : i32
    %dma_start3A_43 = arith.constant 0 : i32
    %dma_start3A_44 = tpu.memref_slice %arg10[%dma_start3A_42, %dma_start3A_43] : memref<640x128xf32, #tpu.memory_space<vmem>> -> memref<128x128xf32, #tpu.memory_space<vmem>>
    %dma_start3A_45 = arith.constant 0 : i32
    %dma_start3A_46 = arith.constant 0 : i32
    %dma_start3A_47 = tpu.memref_slice %arg2[%dma_start3A_45, %dma_start3A_46] : memref<15872x128xf32, #tpu.memory_space<hbm>> -> memref<15872x128xf32, #tpu.memory_space<hbm>>
    tpu.enqueue_indirect_dma source(%dma_start3A_47 : memref<15872x128xf32, #tpu.memory_space<hbm>>) target(%dma_start3A_44 : memref<128x128xf32, #tpu.memory_space<vmem>>) offsets(%arg9 : memref<128xi32, #tpu.memory_space<vmem>>) semaphore(%arg12 : memref<!tpu.dma_semaphore, #tpu.memory_space<semaphore_mem>>)
    %dma_wait3A = arith.constant 0 : i32
    %dma_wait3A_48 = arith.constant 0 : i32
    %dma_wait3A_49 = tpu.memref_slice %arg10[%dma_wait3A, %dma_wait3A_48] : memref<640x128xf32, #tpu.memory_space<vmem>> -> memref<128x128xf32, #tpu.memory_space<vmem>>
    %dma_wait3A_50 = arith.constant 0 : i32
    %dma_wait3A_51 = arith.constant 0 : i32
    %dma_wait3A_52 = tpu.memref_slice %arg2[%dma_wait3A_50, %dma_wait3A_51] : memref<15872x128xf32, #tpu.memory_space<hbm>> -> memref<15872x128xf32, #tpu.memory_space<hbm>>
    tpu.wait_indirect_dma semaphore(%arg12 : memref<!tpu.dma_semaphore, #tpu.memory_space<semaphore_mem>>) src(%dma_wait3A_52 : memref<15872x128xf32, #tpu.memory_space<hbm>>) dst(%dma_wait3A_49 : memref<128x128xf32, #tpu.memory_space<vmem>>)
    %dma_wait3A_53 = arith.constant 128 : i32
    %dma_wait3A_54 = arith.constant 0 : i32
    %dma_wait3A_55 = tpu.memref_slice %arg10[%dma_wait3A_53, %dma_wait3A_54] : memref<640x128xf32, #tpu.memory_space<vmem>> -> memref<128x128xf32, #tpu.memory_space<vmem>>
    %dma_wait3A_56 = arith.constant 0 : i32
    %dma_wait3A_57 = arith.constant 0 : i32
    %dma_wait3A_58 = tpu.memref_slice %arg2[%dma_wait3A_56, %dma_wait3A_57] : memref<15872x128xf32, #tpu.memory_space<hbm>> -> memref<15872x128xf32, #tpu.memory_space<hbm>>
    tpu.wait_indirect_dma semaphore(%arg12 : memref<!tpu.dma_semaphore, #tpu.memory_space<semaphore_mem>>) src(%dma_wait3A_58 : memref<15872x128xf32, #tpu.memory_space<hbm>>) dst(%dma_wait3A_55 : memref<128x128xf32, #tpu.memory_space<vmem>>)
    %dma_wait3A_59 = arith.constant 256 : i32
    %dma_wait3A_60 = arith.constant 0 : i32
    %dma_wait3A_61 = tpu.memref_slice %arg10[%dma_wait3A_59, %dma_wait3A_60] : memref<640x128xf32, #tpu.memory_space<vmem>> -> memref<128x128xf32, #tpu.memory_space<vmem>>
    %dma_wait3A_62 = arith.constant 0 : i32
    %dma_wait3A_63 = arith.constant 0 : i32
    %dma_wait3A_64 = tpu.memref_slice %arg2[%dma_wait3A_62, %dma_wait3A_63] : memref<15872x128xf32, #tpu.memory_space<hbm>> -> memref<15872x128xf32, #tpu.memory_space<hbm>>
    tpu.wait_indirect_dma semaphore(%arg12 : memref<!tpu.dma_semaphore, #tpu.memory_space<semaphore_mem>>) src(%dma_wait3A_64 : memref<15872x128xf32, #tpu.memory_space<hbm>>) dst(%dma_wait3A_61 : memref<128x128xf32, #tpu.memory_space<vmem>>)
    %dma_wait3A_65 = arith.constant 384 : i32
    %dma_wait3A_66 = arith.constant 0 : i32
    %dma_wait3A_67 = tpu.memref_slice %arg10[%dma_wait3A_65, %dma_wait3A_66] : memref<640x128xf32, #tpu.memory_space<vmem>> -> memref<128x128xf32, #tpu.memory_space<vmem>>
    %dma_wait3A_68 = arith.constant 0 : i32
    %dma_wait3A_69 = arith.constant 0 : i32
    %dma_wait3A_70 = tpu.memref_slice %arg2[%dma_wait3A_68, %dma_wait3A_69] : memref<15872x128xf32, #tpu.memory_space<hbm>> -> memref<15872x128xf32, #tpu.memory_space<hbm>>
    tpu.wait_indirect_dma semaphore(%arg12 : memref<!tpu.dma_semaphore, #tpu.memory_space<semaphore_mem>>) src(%dma_wait3A_70 : memref<15872x128xf32, #tpu.memory_space<hbm>>) dst(%dma_wait3A_67 : memref<128x128xf32, #tpu.memory_space<vmem>>)
    %dma_wait3A_71 = arith.constant 512 : i32
    %dma_wait3A_72 = arith.constant 0 : i32
    %dma_wait3A_73 = tpu.memref_slice %arg10[%dma_wait3A_71, %dma_wait3A_72] : memref<640x128xf32, #tpu.memory_space<vmem>> -> memref<128x128xf32, #tpu.memory_space<vmem>>
    %dma_wait3A_74 = arith.constant 0 : i32
    %dma_wait3A_75 = arith.constant 0 : i32
    %dma_wait3A_76 = tpu.memref_slice %arg2[%dma_wait3A_74, %dma_wait3A_75] : memref<15872x128xf32, #tpu.memory_space<hbm>> -> memref<15872x128xf32, #tpu.memory_space<hbm>>
    tpu.wait_indirect_dma semaphore(%arg12 : memref<!tpu.dma_semaphore, #tpu.memory_space<semaphore_mem>>) src(%dma_wait3A_76 : memref<15872x128xf32, #tpu.memory_space<hbm>>) dst(%dma_wait3A_73 : memref<128x128xf32, #tpu.memory_space<vmem>>)
    %scan3A = arith.constant 0 : i32
    %scan3A_77 = arith.constant 0 : i32
    %scan3A_78 = arith.constant 128 : i32
    %scan3A_79 = arith.addi %scan3A_77, %scan3A_78 : i32
    %scan3A_80 = arith.constant 1 : i32
    %scan3A_81 = scf.for %scan3A_678 = %scan3A_77 to %scan3A_79 step %scan3A_80 iter_args(%scan3A_679 = %scan3A) -> (i32)  : i32 {
      %mul3A_680 = arith.constant 5 : i32
      %mul3A_681 = arith.muli %scan3A_678, %mul3A_680 : i32
      %get3A = arith.index_cast %mul3A_681 : i32 to index
      %get3A_682 = arith.constant 0 : index
      %get3A_683 = tpu.vector_load %arg10[%get3A, %get3A_682] {strides = array<i32>} : memref<640x128xf32, #tpu.memory_space<vmem>>, vector<1x16xf32>,
      %get3A_684 = vector.shape_cast %get3A_683 : vector<1x16xf32> to vector<16xf32>
      %add3A_685 = arith.constant 1 : i32
      %add3A_686 = arith.addi %mul3A_681, %add3A_685 : i32
      %get3A_687 = arith.index_cast %add3A_686 : i32 to index
      %get3A_688 = arith.constant 0 : index
      %get3A_689 = tpu.vector_load %arg10[%get3A_687, %get3A_688] {strides = array<i32>} : memref<640x128xf32, #tpu.memory_space<vmem>>, vector<1x16xf32>,
      %get3A_690 = vector.shape_cast %get3A_689 : vector<1x16xf32> to vector<16xf32>
      %add3A_691 = arith.addf %get3A_684, %get3A_690 : vector<16xf32>
      %add3A_692 = arith.constant 2 : i32
      %add3A_693 = arith.addi %mul3A_681, %add3A_692 : i32
      %get3A_694 = arith.index_cast %add3A_693 : i32 to index
      %get3A_695 = arith.constant 0 : index
      %get3A_696 = tpu.vector_load %arg10[%get3A_694, %get3A_695] {strides = array<i32>} : memref<640x128xf32, #tpu.memory_space<vmem>>, vector<1x16xf32>,
      %get3A_697 = vector.shape_cast %get3A_696 : vector<1x16xf32> to vector<16xf32>
      %add3A_698 = arith.constant 3 : i32
      %add3A_699 = arith.addi %mul3A_681, %add3A_698 : i32
      %get3A_700 = arith.index_cast %add3A_699 : i32 to index
      %get3A_701 = arith.constant 0 : index
      %get3A_702 = tpu.vector_load %arg10[%get3A_700, %get3A_701] {strides = array<i32>} : memref<640x128xf32, #tpu.memory_space<vmem>>, vector<1x16xf32>,
      %get3A_703 = vector.shape_cast %get3A_702 : vector<1x16xf32> to vector<16xf32>
      %add3A_704 = arith.addf %get3A_697, %get3A_703 : vector<16xf32>
      %add3A_705 = arith.addf %add3A_691, %add3A_704 : vector<16xf32>
      %add3A_706 = arith.constant 4 : i32
      %add3A_707 = arith.addi %mul3A_681, %add3A_706 : i32
      %get3A_708 = arith.index_cast %add3A_707 : i32 to index
      %get3A_709 = arith.constant 0 : index
      %get3A_710 = tpu.vector_load %arg10[%get3A_708, %get3A_709] {strides = array<i32>} : memref<640x128xf32, #tpu.memory_space<vmem>>, vector<1x16xf32>,
      %get3A_711 = vector.shape_cast %get3A_710 : vector<1x16xf32> to vector<16xf32>
      %add3A_712 = arith.addf %add3A_705, %get3A_711 : vector<16xf32>
      %swap3A = arith.index_cast %scan3A_678 : i32 to index
      %swap3A_713 = arith.constant 0 : index
      %swap3A_714 = tpu.vector_load %arg11[%swap3A, %swap3A_713] {strides = array<i32>} : memref<128x64xf32, #tpu.memory_space<vmem>>, vector<1x16xf32>,
      %swap3A_715 = vector.shape_cast %swap3A_714 : vector<1x16xf32> to vector<16xf32>
      %swap3A_716 = vector.shape_cast %add3A_712 : vector<16xf32> to vector<1x16xf32>
      tpu.vector_store %arg11[%swap3A, %swap3A_713], %swap3A_716 {strides = array<i32>} : memref<128x64xf32, #tpu.memory_space<vmem>>, vector<1x16xf32>,
      %get3A_717 = arith.index_cast %mul3A_681 : i32 to index
      %get3A_718 = arith.constant 16 : index
      %get3A_719 = tpu.vector_load %arg10[%get3A_717, %get3A_718] {strides = array<i32>} : memref<640x128xf32, #tpu.memory_space<vmem>>, vector<1x16xf32>,
      %get3A_720 = vector.shape_cast %get3A_719 : vector<1x16xf32> to vector<16xf32>
      %add3A_721 = arith.constant 1 : i32
      %add3A_722 = arith.addi %mul3A_681, %add3A_721 : i32
      %get3A_723 = arith.index_cast %add3A_722 : i32 to index
      %get3A_724 = arith.constant 16 : index
      %get3A_725 = tpu.vector_load %arg10[%get3A_723, %get3A_724] {strides = array<i32>} : memref<640x128xf32, #tpu.memory_space<vmem>>, vector<1x16xf32>,
      %get3A_726 = vector.shape_cast %get3A_725 : vector<1x16xf32> to vector<16xf32>
      %add3A_727 = arith.addf %get3A_720, %get3A_726 : vector<16xf32>
      %add3A_728 = arith.constant 2 : i32
      %add3A_729 = arith.addi %mul3A_681, %add3A_728 : i32
      %get3A_730 = arith.index_cast %add3A_729 : i32 to index
      %get3A_731 = arith.constant 16 : index
      %get3A_732 = tpu.vector_load %arg10[%get3A_730, %get3A_731] {strides = array<i32>} : memref<640x128xf32, #tpu.memory_space<vmem>>, vector<1x16xf32>,
      %get3A_733 = vector.shape_cast %get3A_732 : vector<1x16xf32> to vector<16xf32>
      %add3A_734 = arith.constant 3 : i32
      %add3A_735 = arith.addi %mul3A_681, %add3A_734 : i32
      %get3A_736 = arith.index_cast %add3A_735 : i32 to index
      %get3A_737 = arith.constant 16 : index
      %get3A_738 = tpu.vector_load %arg10[%get3A_736, %get3A_737] {strides = array<i32>} : memref<640x128xf32, #tpu.memory_space<vmem>>, vector<1x16xf32>,
      %get3A_739 = vector.shape_cast %get3A_738 : vector<1x16xf32> to vector<16xf32>
      %add3A_740 = arith.addf %get3A_733, %get3A_739 : vector<16xf32>
      %add3A_741 = arith.addf %add3A_727, %add3A_740 : vector<16xf32>
      %add3A_742 = arith.constant 4 : i32
      %add3A_743 = arith.addi %mul3A_681, %add3A_742 : i32
      %get3A_744 = arith.index_cast %add3A_743 : i32 to index
      %get3A_745 = arith.constant 16 : index
      %get3A_746 = tpu.vector_load %arg10[%get3A_744, %get3A_745] {strides = array<i32>} : memref<640x128xf32, #tpu.memory_space<vmem>>, vector<1x16xf32>,
      %get3A_747 = vector.shape_cast %get3A_746 : vector<1x16xf32> to vector<16xf32>
      %add3A_748 = arith.addf %add3A_741, %get3A_747 : vector<16xf32>
      %swap3A_749 = arith.index_cast %scan3A_678 : i32 to index
      %swap3A_750 = arith.constant 16 : index
      %swap3A_751 = tpu.vector_load %arg11[%swap3A_749, %swap3A_750] {strides = array<i32>} : memref<128x64xf32, #tpu.memory_space<vmem>>, vector<1x16xf32>,
      %swap3A_752 = vector.shape_cast %swap3A_751 : vector<1x16xf32> to vector<16xf32>
      %swap3A_753 = vector.shape_cast %add3A_748 : vector<16xf32> to vector<1x16xf32>
      tpu.vector_store %arg11[%swap3A_749, %swap3A_750], %swap3A_753 {strides = array<i32>} : memref<128x64xf32, #tpu.memory_space<vmem>>, vector<1x16xf32>,
      %get3A_754 = arith.index_cast %mul3A_681 : i32 to index
      %get3A_755 = arith.constant 32 : index
      %get3A_756 = tpu.vector_load %arg10[%get3A_754, %get3A_755] {strides = array<i32>} : memref<640x128xf32, #tpu.memory_space<vmem>>, vector<1x16xf32>,
      %get3A_757 = vector.shape_cast %get3A_756 : vector<1x16xf32> to vector<16xf32>
      %add3A_758 = arith.constant 1 : i32
      %add3A_759 = arith.addi %mul3A_681, %add3A_758 : i32
      %get3A_760 = arith.index_cast %add3A_759 : i32 to index
      %get3A_761 = arith.constant 32 : index
      %get3A_762 = tpu.vector_load %arg10[%get3A_760, %get3A_761] {strides = array<i32>} : memref<640x128xf32, #tpu.memory_space<vmem>>, vector<1x16xf32>,
      %get3A_763 = vector.shape_cast %get3A_762 : vector<1x16xf32> to vector<16xf32>
      %add3A_764 = arith.addf %get3A_757, %get3A_763 : vector<16xf32>
      %add3A_765 = arith.constant 2 : i32
      %add3A_766 = arith.addi %mul3A_681, %add3A_765 : i32
      %get3A_767 = arith.index_cast %add3A_766 : i32 to index
      %get3A_768 = arith.constant 32 : index
      %get3A_769 = tpu.vector_load %arg10[%get3A_767, %get3A_768] {strides = array<i32>} : memref<640x128xf32, #tpu.memory_space<vmem>>, vector<1x16xf32>,
      %get3A_770 = vector.shape_cast %get3A_769 : vector<1x16xf32> to vector<16xf32>
      %add3A_771 = arith.constant 3 : i32
      %add3A_772 = arith.addi %mul3A_681, %add3A_771 : i32
      %get3A_773 = arith.index_cast %add3A_772 : i32 to index
      %get3A_774 = arith.constant 32 : index
      %get3A_775 = tpu.vector_load %arg10[%get3A_773, %get3A_774] {strides = array<i32>} : memref<640x128xf32, #tpu.memory_space<vmem>>, vector<1x16xf32>,
      %get3A_776 = vector.shape_cast %get3A_775 : vector<1x16xf32> to vector<16xf32>
      %add3A_777 = arith.addf %get3A_770, %get3A_776 : vector<16xf32>
      %add3A_778 = arith.addf %add3A_764, %add3A_777 : vector<16xf32>
      %add3A_779 = arith.constant 4 : i32
      %add3A_780 = arith.addi %mul3A_681, %add3A_779 : i32
      %get3A_781 = arith.index_cast %add3A_780 : i32 to index
      %get3A_782 = arith.constant 32 : index
      %get3A_783 = tpu.vector_load %arg10[%get3A_781, %get3A_782] {strides = array<i32>} : memref<640x128xf32, #tpu.memory_space<vmem>>, vector<1x16xf32>,
      %get3A_784 = vector.shape_cast %get3A_783 : vector<1x16xf32> to vector<16xf32>
      %add3A_785 = arith.addf %add3A_778, %get3A_784 : vector<16xf32>
      %swap3A_786 = arith.index_cast %scan3A_678 : i32 to index
      %swap3A_787 = arith.constant 32 : index
      %swap3A_788 = tpu.vector_load %arg11[%swap3A_786, %swap3A_787] {strides = array<i32>} : memref<128x64xf32, #tpu.memory_space<vmem>>, vector<1x16xf32>,
      %swap3A_789 = vector.shape_cast %swap3A_788 : vector<1x16xf32> to vector<16xf32>
      %swap3A_790 = vector.shape_cast %add3A_785 : vector<16xf32> to vector<1x16xf32>
      tpu.vector_store %arg11[%swap3A_786, %swap3A_787], %swap3A_790 {strides = array<i32>} : memref<128x64xf32, #tpu.memory_space<vmem>>, vector<1x16xf32>,
      %get3A_791 = arith.index_cast %mul3A_681 : i32 to index
      %get3A_792 = arith.constant 48 : index
      %get3A_793 = tpu.vector_load %arg10[%get3A_791, %get3A_792] {strides = array<i32>} : memref<640x128xf32, #tpu.memory_space<vmem>>, vector<1x16xf32>,
      %get3A_794 = vector.shape_cast %get3A_793 : vector<1x16xf32> to vector<16xf32>
      %add3A_795 = arith.constant 1 : i32
      %add3A_796 = arith.addi %mul3A_681, %add3A_795 : i32
      %get3A_797 = arith.index_cast %add3A_796 : i32 to index
      %get3A_798 = arith.constant 48 : index
      %get3A_799 = tpu.vector_load %arg10[%get3A_797, %get3A_798] {strides = array<i32>} : memref<640x128xf32, #tpu.memory_space<vmem>>, vector<1x16xf32>,
      %get3A_800 = vector.shape_cast %get3A_799 : vector<1x16xf32> to vector<16xf32>
      %add3A_801 = arith.addf %get3A_794, %get3A_800 : vector<16xf32>
      %add3A_802 = arith.constant 2 : i32
      %add3A_803 = arith.addi %mul3A_681, %add3A_802 : i32
      %get3A_804 = arith.index_cast %add3A_803 : i32 to index
      %get3A_805 = arith.constant 48 : index
      %get3A_806 = tpu.vector_load %arg10[%get3A_804, %get3A_805] {strides = array<i32>} : memref<640x128xf32, #tpu.memory_space<vmem>>, vector<1x16xf32>,
      %get3A_807 = vector.shape_cast %get3A_806 : vector<1x16xf32> to vector<16xf32>
      %add3A_808 = arith.constant 3 : i32
      %add3A_809 = arith.addi %mul3A_681, %add3A_808 : i32
      %get3A_810 = arith.index_cast %add3A_809 : i32 to index
      %get3A_811 = arith.constant 48 : index
      %get3A_812 = tpu.vector_load %arg10[%get3A_810, %get3A_811] {strides = array<i32>} : memref<640x128xf32, #tpu.memory_space<vmem>>, vector<1x16xf32>,
      %get3A_813 = vector.shape_cast %get3A_812 : vector<1x16xf32> to vector<16xf32>
      %add3A_814 = arith.addf %get3A_807, %get3A_813 : vector<16xf32>
      %add3A_815 = arith.addf %add3A_801, %add3A_814 : vector<16xf32>
      %add3A_816 = arith.constant 4 : i32
      %add3A_817 = arith.addi %mul3A_681, %add3A_816 : i32
      %get3A_818 = arith.index_cast %add3A_817 : i32 to index
      %get3A_819 = arith.constant 48 : index
      %get3A_820 = tpu.vector_load %arg10[%get3A_818, %get3A_819] {strides = array<i32>} : memref<640x128xf32, #tpu.memory_space<vmem>>, vector<1x16xf32>,
      %get3A_821 = vector.shape_cast %get3A_820 : vector<1x16xf32> to vector<16xf32>
      %add3A_822 = arith.addf %add3A_815, %get3A_821 : vector<16xf32>
      %swap3A_823 = arith.index_cast %scan3A_678 : i32 to index
      %swap3A_824 = arith.constant 48 : index
      %swap3A_825 = tpu.vector_load %arg11[%swap3A_823, %swap3A_824] {strides = array<i32>} : memref<128x64xf32, #tpu.memory_space<vmem>>, vector<1x16xf32>,
      %swap3A_826 = vector.shape_cast %swap3A_825 : vector<1x16xf32> to vector<16xf32>
      %swap3A_827 = vector.shape_cast %add3A_822 : vector<16xf32> to vector<1x16xf32>
      tpu.vector_store %arg11[%swap3A_823, %swap3A_824], %swap3A_827 {strides = array<i32>} : memref<128x64xf32, #tpu.memory_space<vmem>>, vector<1x16xf32>,
      %scan3A_828 = arith.constant 0 : i32
      scf.yield %scan3A_828 : i32
    }
    %scan3A_82 = arith.constant 128 : i32
    "tpu.region"() ({
      %run_scoped3A = tpu.sem_alloc : memref<!tpu.dma_semaphore, #tpu.memory_space<semaphore_mem>>
      %dma_start3A_678 = arith.constant 0 : i32
      %dma_start3A_679 = tpu.memref_slice %arg4[%add3A_8, %dma_start3A_678] : memref<32768x64xf32, #tpu.memory_space<hbm>> -> memref<128x64xf32, #tpu.memory_space<hbm>>
      %dma_start3A_680 = arith.constant 0 : i32
      %dma_start3A_681 = tpu.memref_slice %arg4[%add3A_8, %dma_start3A_680] : memref<32768x64xf32, #tpu.memory_space<hbm>> -> memref<128x64xf32, #tpu.memory_space<hbm>>
      tpu.enqueue_dma source(%arg11 : memref<128x64xf32, #tpu.memory_space<vmem>>) target(%dma_start3A_681 : memref<128x64xf32, #tpu.memory_space<hbm>>) target_semaphore(%run_scoped3A : memref<!tpu.dma_semaphore, #tpu.memory_space<semaphore_mem>>)
      %dma_wait3A_682 = arith.constant 0 : i32
      %dma_wait3A_683 = tpu.memref_slice %arg4[%add3A_8, %dma_wait3A_682] : memref<32768x64xf32, #tpu.memory_space<hbm>> -> memref<128x64xf32, #tpu.memory_space<hbm>>
      %dma_wait3A_684 = arith.constant 0 : i32
      %dma_wait3A_685 = tpu.memref_slice %arg4[%add3A_8, %dma_wait3A_684] : memref<32768x64xf32, #tpu.memory_space<hbm>> -> memref<128x64xf32, #tpu.memory_space<hbm>>
      tpu.wait_dma2 semaphore(%run_scoped3A : memref<!tpu.dma_semaphore, #tpu.memory_space<semaphore_mem>>) src(%arg11 : memref<128x64xf32, #tpu.memory_space<vmem>>) dst(%dma_wait3A_685 : memref<128x64xf32, #tpu.memory_space<hbm>>)
      tpu.yield
    }) : () -> ()
    %mul3A_83 = arith.constant 40 : i32
    %mul3A_84 = arith.muli %add3A, %mul3A_83 : i32
    %add3A_85 = arith.constant 5 : i32
    %add3A_86 = arith.addi %mul3A_84, %add3A_85 : i32
    %mul3A_87 = arith.constant 1024 : i32
    %mul3A_88 = arith.muli %add3A, %mul3A_87 : i32
    %add3A_89 = arith.constant 128 : i32
    %add3A_90 = arith.addi %mul3A_88, %add3A_89 : i32
    %add3A_91 = arith.constant 0 : i32
    %add3A_92 = arith.addi %add3A_86, %add3A_91 : i32
    "tpu.region"() ({
      %run_scoped3A = tpu.sem_alloc : memref<!tpu.dma_semaphore, #tpu.memory_space<semaphore_mem>>
      %dma_start3A_678 = arith.constant 0 : i32
      %dma_start3A_679 = tpu.memref_slice %arg3[%add3A_92, %dma_start3A_678] : memref<1280x128xi32, #tpu.memory_space<hbm>> -> memref<1x128xi32, #tpu.memory_space<hbm>>
      %dma_start3A_680 = tpu.memref_squeeze %dma_start3A_679 : memref<1x128xi32, #tpu.memory_space<hbm>> -> memref<128xi32, #tpu.memory_space<hbm>>
      %dma_start3A_681 = arith.constant 0 : i32
      %dma_start3A_682 = tpu.memref_slice %arg3[%add3A_92, %dma_start3A_681] : memref<1280x128xi32, #tpu.memory_space<hbm>> -> memref<1x128xi32, #tpu.memory_space<hbm>>
      %dma_start3A_683 = tpu.memref_squeeze %dma_start3A_682 : memref<1x128xi32, #tpu.memory_space<hbm>> -> memref<128xi32, #tpu.memory_space<hbm>>
      tpu.enqueue_dma source(%dma_start3A_683 : memref<128xi32, #tpu.memory_space<hbm>>) target(%arg5 : memref<128xi32, #tpu.memory_space<vmem>>) target_semaphore(%run_scoped3A : memref<!tpu.dma_semaphore, #tpu.memory_space<semaphore_mem>>)
      %dma_wait3A_684 = arith.constant 0 : i32
      %dma_wait3A_685 = tpu.memref_slice %arg3[%add3A_92, %dma_wait3A_684] : memref<1280x128xi32, #tpu.memory_space<hbm>> -> memref<1x128xi32, #tpu.memory_space<hbm>>
      %dma_wait3A_686 = tpu.memref_squeeze %dma_wait3A_685 : memref<1x128xi32, #tpu.memory_space<hbm>> -> memref<128xi32, #tpu.memory_space<hbm>>
      %dma_wait3A_687 = arith.constant 0 : i32
      %dma_wait3A_688 = tpu.memref_slice %arg3[%add3A_92, %dma_wait3A_687] : memref<1280x128xi32, #tpu.memory_space<hbm>> -> memref<1x128xi32, #tpu.memory_space<hbm>>
      %dma_wait3A_689 = tpu.memref_squeeze %dma_wait3A_688 : memref<1x128xi32, #tpu.memory_space<hbm>> -> memref<128xi32, #tpu.memory_space<hbm>>
      tpu.wait_dma2 semaphore(%run_scoped3A : memref<!tpu.dma_semaphore, #tpu.memory_space<semaphore_mem>>) src(%dma_wait3A_689 : memref<128xi32, #tpu.memory_space<hbm>>) dst(%arg5 : memref<128xi32, #tpu.memory_space<vmem>>)
      tpu.yield
    }) : () -> ()
    %add3A_93 = arith.constant 1 : i32
    %add3A_94 = arith.addi %add3A_86, %add3A_93 : i32
    "tpu.region"() ({
      %run_scoped3A = tpu.sem_alloc : memref<!tpu.dma_semaphore, #tpu.memory_space<semaphore_mem>>
      %dma_start3A_678 = arith.constant 0 : i32
      %dma_start3A_679 = tpu.memref_slice %arg3[%add3A_94, %dma_start3A_678] : memref<1280x128xi32, #tpu.memory_space<hbm>> -> memref<1x128xi32, #tpu.memory_space<hbm>>
      %dma_start3A_680 = tpu.memref_squeeze %dma_start3A_679 : memref<1x128xi32, #tpu.memory_space<hbm>> -> memref<128xi32, #tpu.memory_space<hbm>>
      %dma_start3A_681 = arith.constant 0 : i32
      %dma_start3A_682 = tpu.memref_slice %arg3[%add3A_94, %dma_start3A_681] : memref<1280x128xi32, #tpu.memory_space<hbm>> -> memref<1x128xi32, #tpu.memory_space<hbm>>
      %dma_start3A_683 = tpu.memref_squeeze %dma_start3A_682 : memref<1x128xi32, #tpu.memory_space<hbm>> -> memref<128xi32, #tpu.memory_space<hbm>>
      tpu.enqueue_dma source(%dma_start3A_683 : memref<128xi32, #tpu.memory_space<hbm>>) target(%arg6 : memref<128xi32, #tpu.memory_space<vmem>>) target_semaphore(%run_scoped3A : memref<!tpu.dma_semaphore, #tpu.memory_space<semaphore_mem>>)
      %dma_wait3A_684 = arith.constant 0 : i32
      %dma_wait3A_685 = tpu.memref_slice %arg3[%add3A_94, %dma_wait3A_684] : memref<1280x128xi32, #tpu.memory_space<hbm>> -> memref<1x128xi32, #tpu.memory_space<hbm>>
      %dma_wait3A_686 = tpu.memref_squeeze %dma_wait3A_685 : memref<1x128xi32, #tpu.memory_space<hbm>> -> memref<128xi32, #tpu.memory_space<hbm>>
      %dma_wait3A_687 = arith.constant 0 : i32
      %dma_wait3A_688 = tpu.memref_slice %arg3[%add3A_94, %dma_wait3A_687] : memref<1280x128xi32, #tpu.memory_space<hbm>> -> memref<1x128xi32, #tpu.memory_space<hbm>>
      %dma_wait3A_689 = tpu.memref_squeeze %dma_wait3A_688 : memref<1x128xi32, #tpu.memory_space<hbm>> -> memref<128xi32, #tpu.memory_space<hbm>>
      tpu.wait_dma2 semaphore(%run_scoped3A : memref<!tpu.dma_semaphore, #tpu.memory_space<semaphore_mem>>) src(%dma_wait3A_689 : memref<128xi32, #tpu.memory_space<hbm>>) dst(%arg6 : memref<128xi32, #tpu.memory_space<vmem>>)
      tpu.yield
    }) : () -> ()
    %add3A_95 = arith.constant 2 : i32
    %add3A_96 = arith.addi %add3A_86, %add3A_95 : i32
    "tpu.region"() ({
      %run_scoped3A = tpu.sem_alloc : memref<!tpu.dma_semaphore, #tpu.memory_space<semaphore_mem>>
      %dma_start3A_678 = arith.constant 0 : i32
      %dma_start3A_679 = tpu.memref_slice %arg3[%add3A_96, %dma_start3A_678] : memref<1280x128xi32, #tpu.memory_space<hbm>> -> memref<1x128xi32, #tpu.memory_space<hbm>>
      %dma_start3A_680 = tpu.memref_squeeze %dma_start3A_679 : memref<1x128xi32, #tpu.memory_space<hbm>> -> memref<128xi32, #tpu.memory_space<hbm>>
      %dma_start3A_681 = arith.constant 0 : i32
      %dma_start3A_682 = tpu.memref_slice %arg3[%add3A_96, %dma_start3A_681] : memref<1280x128xi32, #tpu.memory_space<hbm>> -> memref<1x128xi32, #tpu.memory_space<hbm>>
      %dma_start3A_683 = tpu.memref_squeeze %dma_start3A_682 : memref<1x128xi32, #tpu.memory_space<hbm>> -> memref<128xi32, #tpu.memory_space<hbm>>
      tpu.enqueue_dma source(%dma_start3A_683 : memref<128xi32, #tpu.memory_space<hbm>>) target(%arg7 : memref<128xi32, #tpu.memory_space<vmem>>) target_semaphore(%run_scoped3A : memref<!tpu.dma_semaphore, #tpu.memory_space<semaphore_mem>>)
      %dma_wait3A_684 = arith.constant 0 : i32
      %dma_wait3A_685 = tpu.memref_slice %arg3[%add3A_96, %dma_wait3A_684] : memref<1280x128xi32, #tpu.memory_space<hbm>> -> memref<1x128xi32, #tpu.memory_space<hbm>>
      %dma_wait3A_686 = tpu.memref_squeeze %dma_wait3A_685 : memref<1x128xi32, #tpu.memory_space<hbm>> -> memref<128xi32, #tpu.memory_space<hbm>>
      %dma_wait3A_687 = arith.constant 0 : i32
      %dma_wait3A_688 = tpu.memref_slice %arg3[%add3A_96, %dma_wait3A_687] : memref<1280x128xi32, #tpu.memory_space<hbm>> -> memref<1x128xi32, #tpu.memory_space<hbm>>
      %dma_wait3A_689 = tpu.memref_squeeze %dma_wait3A_688 : memref<1x128xi32, #tpu.memory_space<hbm>> -> memref<128xi32, #tpu.memory_space<hbm>>
      tpu.wait_dma2 semaphore(%run_scoped3A : memref<!tpu.dma_semaphore, #tpu.memory_space<semaphore_mem>>) src(%dma_wait3A_689 : memref<128xi32, #tpu.memory_space<hbm>>) dst(%arg7 : memref<128xi32, #tpu.memory_space<vmem>>)
      tpu.yield
    }) : () -> ()
    %add3A_97 = arith.constant 3 : i32
    %add3A_98 = arith.addi %add3A_86, %add3A_97 : i32
    "tpu.region"() ({
      %run_scoped3A = tpu.sem_alloc : memref<!tpu.dma_semaphore, #tpu.memory_space<semaphore_mem>>
      %dma_start3A_678 = arith.constant 0 : i32
      %dma_start3A_679 = tpu.memref_slice %arg3[%add3A_98, %dma_start3A_678] : memref<1280x128xi32, #tpu.memory_space<hbm>> -> memref<1x128xi32, #tpu.memory_space<hbm>>
      %dma_start3A_680 = tpu.memref_squeeze %dma_start3A_679 : memref<1x128xi32, #tpu.memory_space<hbm>> -> memref<128xi32, #tpu.memory_space<hbm>>
      %dma_start3A_681 = arith.constant 0 : i32
      %dma_start3A_682 = tpu.memref_slice %arg3[%add3A_98, %dma_start3A_681] : memref<1280x128xi32, #tpu.memory_space<hbm>> -> memref<1x128xi32, #tpu.memory_space<hbm>>
      %dma_start3A_683 = tpu.memref_squeeze %dma_start3A_682 : memref<1x128xi32, #tpu.memory_space<hbm>> -> memref<128xi32, #tpu.memory_space<hbm>>
      tpu.enqueue_dma source(%dma_start3A_683 : memref<128xi32, #tpu.memory_space<hbm>>) target(%arg8 : memref<128xi32, #tpu.memory_space<vmem>>) target_semaphore(%run_scoped3A : memref<!tpu.dma_semaphore, #tpu.memory_space<semaphore_mem>>)
      %dma_wait3A_684 = arith.constant 0 : i32
      %dma_wait3A_685 = tpu.memref_slice %arg3[%add3A_98, %dma_wait3A_684] : memref<1280x128xi32, #tpu.memory_space<hbm>> -> memref<1x128xi32, #tpu.memory_space<hbm>>
      %dma_wait3A_686 = tpu.memref_squeeze %dma_wait3A_685 : memref<1x128xi32, #tpu.memory_space<hbm>> -> memref<128xi32, #tpu.memory_space<hbm>>
      %dma_wait3A_687 = arith.constant 0 : i32
      %dma_wait3A_688 = tpu.memref_slice %arg3[%add3A_98, %dma_wait3A_687] : memref<1280x128xi32, #tpu.memory_space<hbm>> -> memref<1x128xi32, #tpu.memory_space<hbm>>
      %dma_wait3A_689 = tpu.memref_squeeze %dma_wait3A_688 : memref<1x128xi32, #tpu.memory_space<hbm>> -> memref<128xi32, #tpu.memory_space<hbm>>
      tpu.wait_dma2 semaphore(%run_scoped3A : memref<!tpu.dma_semaphore, #tpu.memory_space<semaphore_mem>>) src(%dma_wait3A_689 : memref<128xi32, #tpu.memory_space<hbm>>) dst(%arg8 : memref<128xi32, #tpu.memory_space<vmem>>)
      tpu.yield
    }) : () -> ()
    %add3A_99 = arith.constant 4 : i32
    %add3A_100 = arith.addi %add3A_86, %add3A_99 : i32
    "tpu.region"() ({
      %run_scoped3A = tpu.sem_alloc : memref<!tpu.dma_semaphore, #tpu.memory_space<semaphore_mem>>
      %dma_start3A_678 = arith.constant 0 : i32
      %dma_start3A_679 = tpu.memref_slice %arg3[%add3A_100, %dma_start3A_678] : memref<1280x128xi32, #tpu.memory_space<hbm>> -> memref<1x128xi32, #tpu.memory_space<hbm>>
      %dma_start3A_680 = tpu.memref_squeeze %dma_start3A_679 : memref<1x128xi32, #tpu.memory_space<hbm>> -> memref<128xi32, #tpu.memory_space<hbm>>
      %dma_start3A_681 = arith.constant 0 : i32
      %dma_start3A_682 = tpu.memref_slice %arg3[%add3A_100, %dma_start3A_681] : memref<1280x128xi32, #tpu.memory_space<hbm>> -> memref<1x128xi32, #tpu.memory_space<hbm>>
      %dma_start3A_683 = tpu.memref_squeeze %dma_start3A_682 : memref<1x128xi32, #tpu.memory_space<hbm>> -> memref<128xi32, #tpu.memory_space<hbm>>
      tpu.enqueue_dma source(%dma_start3A_683 : memref<128xi32, #tpu.memory_space<hbm>>) target(%arg9 : memref<128xi32, #tpu.memory_space<vmem>>) target_semaphore(%run_scoped3A : memref<!tpu.dma_semaphore, #tpu.memory_space<semaphore_mem>>)
      %dma_wait3A_684 = arith.constant 0 : i32
      %dma_wait3A_685 = tpu.memref_slice %arg3[%add3A_100, %dma_wait3A_684] : memref<1280x128xi32, #tpu.memory_space<hbm>> -> memref<1x128xi32, #tpu.memory_space<hbm>>
      %dma_wait3A_686 = tpu.memref_squeeze %dma_wait3A_685 : memref<1x128xi32, #tpu.memory_space<hbm>> -> memref<128xi32, #tpu.memory_space<hbm>>
      %dma_wait3A_687 = arith.constant 0 : i32
      %dma_wait3A_688 = tpu.memref_slice %arg3[%add3A_100, %dma_wait3A_687] : memref<1280x128xi32, #tpu.memory_space<hbm>> -> memref<1x128xi32, #tpu.memory_space<hbm>>
      %dma_wait3A_689 = tpu.memref_squeeze %dma_wait3A_688 : memref<1x128xi32, #tpu.memory_space<hbm>> -> memref<128xi32, #tpu.memory_space<hbm>>
      tpu.wait_dma2 semaphore(%run_scoped3A : memref<!tpu.dma_semaphore, #tpu.memory_space<semaphore_mem>>) src(%dma_wait3A_689 : memref<128xi32, #tpu.memory_space<hbm>>) dst(%arg9 : memref<128xi32, #tpu.memory_space<vmem>>)
      tpu.yield
    }) : () -> ()
    %dma_start3A_101 = arith.constant 0 : i32
    %dma_start3A_102 = arith.constant 0 : i32
    %dma_start3A_103 = tpu.memref_slice %arg10[%dma_start3A_101, %dma_start3A_102] : memref<640x128xf32, #tpu.memory_space<vmem>> -> memref<128x128xf32, #tpu.memory_space<vmem>>
    %dma_start3A_104 = arith.constant 0 : i32
    %dma_start3A_105 = arith.constant 0 : i32
    %dma_start3A_106 = tpu.memref_slice %arg2[%dma_start3A_104, %dma_start3A_105] : memref<15872x128xf32, #tpu.memory_space<hbm>> -> memref<15872x128xf32, #tpu.memory_space<hbm>>
    tpu.enqueue_indirect_dma source(%dma_start3A_106 : memref<15872x128xf32, #tpu.memory_space<hbm>>) target(%dma_start3A_103 : memref<128x128xf32, #tpu.memory_space<vmem>>) offsets(%arg5 : memref<128xi32, #tpu.memory_space<vmem>>) semaphore(%arg12 : memref<!tpu.dma_semaphore, #tpu.memory_space<semaphore_mem>>)
    %dma_start3A_107 = arith.constant 128 : i32
    %dma_start3A_108 = arith.constant 0 : i32
    %dma_start3A_109 = tpu.memref_slice %arg10[%dma_start3A_107, %dma_start3A_108] : memref<640x128xf32, #tpu.memory_space<vmem>> -> memref<128x128xf32, #tpu.memory_space<vmem>>
    %dma_start3A_110 = arith.constant 0 : i32
    %dma_start3A_111 = arith.constant 0 : i32
    %dma_start3A_112 = tpu.memref_slice %arg2[%dma_start3A_110, %dma_start3A_111] : memref<15872x128xf32, #tpu.memory_space<hbm>> -> memref<15872x128xf32, #tpu.memory_space<hbm>>
    tpu.enqueue_indirect_dma source(%dma_start3A_112 : memref<15872x128xf32, #tpu.memory_space<hbm>>) target(%dma_start3A_109 : memref<128x128xf32, #tpu.memory_space<vmem>>) offsets(%arg6 : memref<128xi32, #tpu.memory_space<vmem>>) semaphore(%arg12 : memref<!tpu.dma_semaphore, #tpu.memory_space<semaphore_mem>>)
    %dma_start3A_113 = arith.constant 256 : i32
    %dma_start3A_114 = arith.constant 0 : i32
    %dma_start3A_115 = tpu.memref_slice %arg10[%dma_start3A_113, %dma_start3A_114] : memref<640x128xf32, #tpu.memory_space<vmem>> -> memref<128x128xf32, #tpu.memory_space<vmem>>
    %dma_start3A_116 = arith.constant 0 : i32
    %dma_start3A_117 = arith.constant 0 : i32
    %dma_start3A_118 = tpu.memref_slice %arg2[%dma_start3A_116, %dma_start3A_117] : memref<15872x128xf32, #tpu.memory_space<hbm>> -> memref<15872x128xf32, #tpu.memory_space<hbm>>
    tpu.enqueue_indirect_dma source(%dma_start3A_118 : memref<15872x128xf32, #tpu.memory_space<hbm>>) target(%dma_start3A_115 : memref<128x128xf32, #tpu.memory_space<vmem>>) offsets(%arg7 : memref<128xi32, #tpu.memory_space<vmem>>) semaphore(%arg12 : memref<!tpu.dma_semaphore, #tpu.memory_space<semaphore_mem>>)
    %dma_start3A_119 = arith.constant 384 : i32
    %dma_start3A_120 = arith.constant 0 : i32
    %dma_start3A_121 = tpu.memref_slice %arg10[%dma_start3A_119, %dma_start3A_120] : memref<640x128xf32, #tpu.memory_space<vmem>> -> memref<128x128xf32, #tpu.memory_space<vmem>>
    %dma_start3A_122 = arith.constant 0 : i32
    %dma_start3A_123 = arith.constant 0 : i32
    %dma_start3A_124 = tpu.memref_slice %arg2[%dma_start3A_122, %dma_start3A_123] : memref<15872x128xf32, #tpu.memory_space<hbm>> -> memref<15872x128xf32, #tpu.memory_space<hbm>>
    tpu.enqueue_indirect_dma source(%dma_start3A_124 : memref<15872x128xf32, #tpu.memory_space<hbm>>) target(%dma_start3A_121 : memref<128x128xf32, #tpu.memory_space<vmem>>) offsets(%arg8 : memref<128xi32, #tpu.memory_space<vmem>>) semaphore(%arg12 : memref<!tpu.dma_semaphore, #tpu.memory_space<semaphore_mem>>)
    %dma_start3A_125 = arith.constant 512 : i32
    %dma_start3A_126 = arith.constant 0 : i32
    %dma_start3A_127 = tpu.memref_slice %arg10[%dma_start3A_125, %dma_start3A_126] : memref<640x128xf32, #tpu.memory_space<vmem>> -> memref<128x128xf32, #tpu.memory_space<vmem>>
    %dma_start3A_128 = arith.constant 0 : i32
    %dma_start3A_129 = arith.constant 0 : i32
    %dma_start3A_130 = tpu.memref_slice %arg2[%dma_start3A_128, %dma_start3A_129] : memref<15872x128xf32, #tpu.memory_space<hbm>> -> memref<15872x128xf32, #tpu.memory_space<hbm>>
    tpu.enqueue_indirect_dma source(%dma_start3A_130 : memref<15872x128xf32, #tpu.memory_space<hbm>>) target(%dma_start3A_127 : memref<128x128xf32, #tpu.memory_space<vmem>>) offsets(%arg9 : memref<128xi32, #tpu.memory_space<vmem>>) semaphore(%arg12 : memref<!tpu.dma_semaphore, #tpu.memory_space<semaphore_mem>>)
    %dma_wait3A_131 = arith.constant 0 : i32
    %dma_wait3A_132 = arith.constant 0 : i32
    %dma_wait3A_133 = tpu.memref_slice %arg10[%dma_wait3A_131, %dma_wait3A_132] : memref<640x128xf32, #tpu.memory_space<vmem>> -> memref<128x128xf32, #tpu.memory_space<vmem>>
    %dma_wait3A_134 = arith.constant 0 : i32
    %dma_wait3A_135 = arith.constant 0 : i32
    %dma_wait3A_136 = tpu.memref_slice %arg2[%dma_wait3A_134, %dma_wait3A_135] : memref<15872x128xf32, #tpu.memory_space<hbm>> -> memref<15872x128xf32, #tpu.memory_space<hbm>>
    tpu.wait_indirect_dma semaphore(%arg12 : memref<!tpu.dma_semaphore, #tpu.memory_space<semaphore_mem>>) src(%dma_wait3A_136 : memref<15872x128xf32, #tpu.memory_space<hbm>>) dst(%dma_wait3A_133 : memref<128x128xf32, #tpu.memory_space<vmem>>)
    %dma_wait3A_137 = arith.constant 128 : i32
    %dma_wait3A_138 = arith.constant 0 : i32
    %dma_wait3A_139 = tpu.memref_slice %arg10[%dma_wait3A_137, %dma_wait3A_138] : memref<640x128xf32, #tpu.memory_space<vmem>> -> memref<128x128xf32, #tpu.memory_space<vmem>>
    %dma_wait3A_140 = arith.constant 0 : i32
    %dma_wait3A_141 = arith.constant 0 : i32
    %dma_wait3A_142 = tpu.memref_slice %arg2[%dma_wait3A_140, %dma_wait3A_141] : memref<15872x128xf32, #tpu.memory_space<hbm>> -> memref<15872x128xf32, #tpu.memory_space<hbm>>
    tpu.wait_indirect_dma semaphore(%arg12 : memref<!tpu.dma_semaphore, #tpu.memory_space<semaphore_mem>>) src(%dma_wait3A_142 : memref<15872x128xf32, #tpu.memory_space<hbm>>) dst(%dma_wait3A_139 : memref<128x128xf32, #tpu.memory_space<vmem>>)
    %dma_wait3A_143 = arith.constant 256 : i32
    %dma_wait3A_144 = arith.constant 0 : i32
    %dma_wait3A_145 = tpu.memref_slice %arg10[%dma_wait3A_143, %dma_wait3A_144] : memref<640x128xf32, #tpu.memory_space<vmem>> -> memref<128x128xf32, #tpu.memory_space<vmem>>
    %dma_wait3A_146 = arith.constant 0 : i32
    %dma_wait3A_147 = arith.constant 0 : i32
    %dma_wait3A_148 = tpu.memref_slice %arg2[%dma_wait3A_146, %dma_wait3A_147] : memref<15872x128xf32, #tpu.memory_space<hbm>> -> memref<15872x128xf32, #tpu.memory_space<hbm>>
    tpu.wait_indirect_dma semaphore(%arg12 : memref<!tpu.dma_semaphore, #tpu.memory_space<semaphore_mem>>) src(%dma_wait3A_148 : memref<15872x128xf32, #tpu.memory_space<hbm>>) dst(%dma_wait3A_145 : memref<128x128xf32, #tpu.memory_space<vmem>>)
    %dma_wait3A_149 = arith.constant 384 : i32
    %dma_wait3A_150 = arith.constant 0 : i32
    %dma_wait3A_151 = tpu.memref_slice %arg10[%dma_wait3A_149, %dma_wait3A_150] : memref<640x128xf32, #tpu.memory_space<vmem>> -> memref<128x128xf32, #tpu.memory_space<vmem>>
    %dma_wait3A_152 = arith.constant 0 : i32
    %dma_wait3A_153 = arith.constant 0 : i32
    %dma_wait3A_154 = tpu.memref_slice %arg2[%dma_wait3A_152, %dma_wait3A_153] : memref<15872x128xf32, #tpu.memory_space<hbm>> -> memref<15872x128xf32, #tpu.memory_space<hbm>>
    tpu.wait_indirect_dma semaphore(%arg12 : memref<!tpu.dma_semaphore, #tpu.memory_space<semaphore_mem>>) src(%dma_wait3A_154 : memref<15872x128xf32, #tpu.memory_space<hbm>>) dst(%dma_wait3A_151 : memref<128x128xf32, #tpu.memory_space<vmem>>)
    %dma_wait3A_155 = arith.constant 512 : i32
    %dma_wait3A_156 = arith.constant 0 : i32
    %dma_wait3A_157 = tpu.memref_slice %arg10[%dma_wait3A_155, %dma_wait3A_156] : memref<640x128xf32, #tpu.memory_space<vmem>> -> memref<128x128xf32, #tpu.memory_space<vmem>>
    %dma_wait3A_158 = arith.constant 0 : i32
    %dma_wait3A_159 = arith.constant 0 : i32
    %dma_wait3A_160 = tpu.memref_slice %arg2[%dma_wait3A_158, %dma_wait3A_159] : memref<15872x128xf32, #tpu.memory_space<hbm>> -> memref<15872x128xf32, #tpu.memory_space<hbm>>
    tpu.wait_indirect_dma semaphore(%arg12 : memref<!tpu.dma_semaphore, #tpu.memory_space<semaphore_mem>>) src(%dma_wait3A_160 : memref<15872x128xf32, #tpu.memory_space<hbm>>) dst(%dma_wait3A_157 : memref<128x128xf32, #tpu.memory_space<vmem>>)
    %scan3A_161 = arith.constant 0 : i32
    %scan3A_162 = arith.constant 0 : i32
    %scan3A_163 = arith.constant 128 : i32
    %scan3A_164 = arith.addi %scan3A_162, %scan3A_163 : i32
    %scan3A_165 = arith.constant 1 : i32
    %scan3A_166 = scf.for %scan3A_678 = %scan3A_162 to %scan3A_164 step %scan3A_165 iter_args(%scan3A_679 = %scan3A_161) -> (i32)  : i32 {
      %mul3A_680 = arith.constant 5 : i32
      %mul3A_681 = arith.muli %scan3A_678, %mul3A_680 : i32
      %get3A = arith.index_cast %mul3A_681 : i32 to index
      %get3A_682 = arith.constant 0 : index
      %get3A_683 = tpu.vector_load %arg10[%get3A, %get3A_682] {strides = array<i32>} : memref<640x128xf32, #tpu.memory_space<vmem>>, vector<1x16xf32>,
      %get3A_684 = vector.shape_cast %get3A_683 : vector<1x16xf32> to vector<16xf32>
      %add3A_685 = arith.constant 1 : i32
      %add3A_686 = arith.addi %mul3A_681, %add3A_685 : i32
      %get3A_687 = arith.index_cast %add3A_686 : i32 to index
      %get3A_688 = arith.constant 0 : index
      %get3A_689 = tpu.vector_load %arg10[%get3A_687, %get3A_688] {strides = array<i32>} : memref<640x128xf32, #tpu.memory_space<vmem>>, vector<1x16xf32>,
      %get3A_690 = vector.shape_cast %get3A_689 : vector<1x16xf32> to vector<16xf32>
      %add3A_691 = arith.addf %get3A_684, %get3A_690 : vector<16xf32>
      %add3A_692 = arith.constant 2 : i32
      %add3A_693 = arith.addi %mul3A_681, %add3A_692 : i32
      %get3A_694 = arith.index_cast %add3A_693 : i32 to index
      %get3A_695 = arith.constant 0 : index
      %get3A_696 = tpu.vector_load %arg10[%get3A_694, %get3A_695] {strides = array<i32>} : memref<640x128xf32, #tpu.memory_space<vmem>>, vector<1x16xf32>,
      %get3A_697 = vector.shape_cast %get3A_696 : vector<1x16xf32> to vector<16xf32>
      %add3A_698 = arith.constant 3 : i32
      %add3A_699 = arith.addi %mul3A_681, %add3A_698 : i32
      %get3A_700 = arith.index_cast %add3A_699 : i32 to index
      %get3A_701 = arith.constant 0 : index
      %get3A_702 = tpu.vector_load %arg10[%get3A_700, %get3A_701] {strides = array<i32>} : memref<640x128xf32, #tpu.memory_space<vmem>>, vector<1x16xf32>,
      %get3A_703 = vector.shape_cast %get3A_702 : vector<1x16xf32> to vector<16xf32>
      %add3A_704 = arith.addf %get3A_697, %get3A_703 : vector<16xf32>
      %add3A_705 = arith.addf %add3A_691, %add3A_704 : vector<16xf32>
      %add3A_706 = arith.constant 4 : i32
      %add3A_707 = arith.addi %mul3A_681, %add3A_706 : i32
      %get3A_708 = arith.index_cast %add3A_707 : i32 to index
      %get3A_709 = arith.constant 0 : index
      %get3A_710 = tpu.vector_load %arg10[%get3A_708, %get3A_709] {strides = array<i32>} : memref<640x128xf32, #tpu.memory_space<vmem>>, vector<1x16xf32>,
      %get3A_711 = vector.shape_cast %get3A_710 : vector<1x16xf32> to vector<16xf32>
      %add3A_712 = arith.addf %add3A_705, %get3A_711 : vector<16xf32>
      %swap3A = arith.index_cast %scan3A_678 : i32 to index
      %swap3A_713 = arith.constant 0 : index
      %swap3A_714 = tpu.vector_load %arg11[%swap3A, %swap3A_713] {strides = array<i32>} : memref<128x64xf32, #tpu.memory_space<vmem>>, vector<1x16xf32>,
      %swap3A_715 = vector.shape_cast %swap3A_714 : vector<1x16xf32> to vector<16xf32>
      %swap3A_716 = vector.shape_cast %add3A_712 : vector<16xf32> to vector<1x16xf32>
      tpu.vector_store %arg11[%swap3A, %swap3A_713], %swap3A_716 {strides = array<i32>} : memref<128x64xf32, #tpu.memory_space<vmem>>, vector<1x16xf32>,
      %get3A_717 = arith.index_cast %mul3A_681 : i32 to index
      %get3A_718 = arith.constant 16 : index
      %get3A_719 = tpu.vector_load %arg10[%get3A_717, %get3A_718] {strides = array<i32>} : memref<640x128xf32, #tpu.memory_space<vmem>>, vector<1x16xf32>,
      %get3A_720 = vector.shape_cast %get3A_719 : vector<1x16xf32> to vector<16xf32>
      %add3A_721 = arith.constant 1 : i32
      %add3A_722 = arith.addi %mul3A_681, %add3A_721 : i32
      %get3A_723 = arith.index_cast %add3A_722 : i32 to index
      %get3A_724 = arith.constant 16 : index
      %get3A_725 = tpu.vector_load %arg10[%get3A_723, %get3A_724] {strides = array<i32>} : memref<640x128xf32, #tpu.memory_space<vmem>>, vector<1x16xf32>,
      %get3A_726 = vector.shape_cast %get3A_725 : vector<1x16xf32> to vector<16xf32>
      %add3A_727 = arith.addf %get3A_720, %get3A_726 : vector<16xf32>
      %add3A_728 = arith.constant 2 : i32
      %add3A_729 = arith.addi %mul3A_681, %add3A_728 : i32
      %get3A_730 = arith.index_cast %add3A_729 : i32 to index
      %get3A_731 = arith.constant 16 : index
      %get3A_732 = tpu.vector_load %arg10[%get3A_730, %get3A_731] {strides = array<i32>} : memref<640x128xf32, #tpu.memory_space<vmem>>, vector<1x16xf32>,
      %get3A_733 = vector.shape_cast %get3A_732 : vector<1x16xf32> to vector<16xf32>
      %add3A_734 = arith.constant 3 : i32
      %add3A_735 = arith.addi %mul3A_681, %add3A_734 : i32
      %get3A_736 = arith.index_cast %add3A_735 : i32 to index
      %get3A_737 = arith.constant 16 : index
      %get3A_738 = tpu.vector_load %arg10[%get3A_736, %get3A_737] {strides = array<i32>} : memref<640x128xf32, #tpu.memory_space<vmem>>, vector<1x16xf32>,
      %get3A_739 = vector.shape_cast %get3A_738 : vector<1x16xf32> to vector<16xf32>
      %add3A_740 = arith.addf %get3A_733, %get3A_739 : vector<16xf32>
      %add3A_741 = arith.addf %add3A_727, %add3A_740 : vector<16xf32>
      %add3A_742 = arith.constant 4 : i32
      %add3A_743 = arith.addi %mul3A_681, %add3A_742 : i32
      %get3A_744 = arith.index_cast %add3A_743 : i32 to index
      %get3A_745 = arith.constant 16 : index
      %get3A_746 = tpu.vector_load %arg10[%get3A_744, %get3A_745] {strides = array<i32>} : memref<640x128xf32, #tpu.memory_space<vmem>>, vector<1x16xf32>,
      %get3A_747 = vector.shape_cast %get3A_746 : vector<1x16xf32> to vector<16xf32>
      %add3A_748 = arith.addf %add3A_741, %get3A_747 : vector<16xf32>
      %swap3A_749 = arith.index_cast %scan3A_678 : i32 to index
      %swap3A_750 = arith.constant 16 : index
      %swap3A_751 = tpu.vector_load %arg11[%swap3A_749, %swap3A_750] {strides = array<i32>} : memref<128x64xf32, #tpu.memory_space<vmem>>, vector<1x16xf32>,
      %swap3A_752 = vector.shape_cast %swap3A_751 : vector<1x16xf32> to vector<16xf32>
      %swap3A_753 = vector.shape_cast %add3A_748 : vector<16xf32> to vector<1x16xf32>
      tpu.vector_store %arg11[%swap3A_749, %swap3A_750], %swap3A_753 {strides = array<i32>} : memref<128x64xf32, #tpu.memory_space<vmem>>, vector<1x16xf32>,
      %get3A_754 = arith.index_cast %mul3A_681 : i32 to index
      %get3A_755 = arith.constant 32 : index
      %get3A_756 = tpu.vector_load %arg10[%get3A_754, %get3A_755] {strides = array<i32>} : memref<640x128xf32, #tpu.memory_space<vmem>>, vector<1x16xf32>,
      %get3A_757 = vector.shape_cast %get3A_756 : vector<1x16xf32> to vector<16xf32>
      %add3A_758 = arith.constant 1 : i32
      %add3A_759 = arith.addi %mul3A_681, %add3A_758 : i32
      %get3A_760 = arith.index_cast %add3A_759 : i32 to index
      %get3A_761 = arith.constant 32 : index
      %get3A_762 = tpu.vector_load %arg10[%get3A_760, %get3A_761] {strides = array<i32>} : memref<640x128xf32, #tpu.memory_space<vmem>>, vector<1x16xf32>,
      %get3A_763 = vector.shape_cast %get3A_762 : vector<1x16xf32> to vector<16xf32>
      %add3A_764 = arith.addf %get3A_757, %get3A_763 : vector<16xf32>
      %add3A_765 = arith.constant 2 : i32
      %add3A_766 = arith.addi %mul3A_681, %add3A_765 : i32
      %get3A_767 = arith.index_cast %add3A_766 : i32 to index
      %get3A_768 = arith.constant 32 : index
      %get3A_769 = tpu.vector_load %arg10[%get3A_767, %get3A_768] {strides = array<i32>} : memref<640x128xf32, #tpu.memory_space<vmem>>, vector<1x16xf32>,
      %get3A_770 = vector.shape_cast %get3A_769 : vector<1x16xf32> to vector<16xf32>
      %add3A_771 = arith.constant 3 : i32
      %add3A_772 = arith.addi %mul3A_681, %add3A_771 : i32
      %get3A_773 = arith.index_cast %add3A_772 : i32 to index
      %get3A_774 = arith.constant 32 : index
      %get3A_775 = tpu.vector_load %arg10[%get3A_773, %get3A_774] {strides = array<i32>} : memref<640x128xf32, #tpu.memory_space<vmem>>, vector<1x16xf32>,
      %get3A_776 = vector.shape_cast %get3A_775 : vector<1x16xf32> to vector<16xf32>
      %add3A_777 = arith.addf %get3A_770, %get3A_776 : vector<16xf32>
      %add3A_778 = arith.addf %add3A_764, %add3A_777 : vector<16xf32>
      %add3A_779 = arith.constant 4 : i32
      %add3A_780 = arith.addi %mul3A_681, %add3A_779 : i32
      %get3A_781 = arith.index_cast %add3A_780 : i32 to index
      %get3A_782 = arith.constant 32 : index
      %get3A_783 = tpu.vector_load %arg10[%get3A_781, %get3A_782] {strides = array<i32>} : memref<640x128xf32, #tpu.memory_space<vmem>>, vector<1x16xf32>,
      %get3A_784 = vector.shape_cast %get3A_783 : vector<1x16xf32> to vector<16xf32>
      %add3A_785 = arith.addf %add3A_778, %get3A_784 : vector<16xf32>
      %swap3A_786 = arith.index_cast %scan3A_678 : i32 to index
      %swap3A_787 = arith.constant 32 : index
      %swap3A_788 = tpu.vector_load %arg11[%swap3A_786, %swap3A_787] {strides = array<i32>} : memref<128x64xf32, #tpu.memory_space<vmem>>, vector<1x16xf32>,
      %swap3A_789 = vector.shape_cast %swap3A_788 : vector<1x16xf32> to vector<16xf32>
      %swap3A_790 = vector.shape_cast %add3A_785 : vector<16xf32> to vector<1x16xf32>
      tpu.vector_store %arg11[%swap3A_786, %swap3A_787], %swap3A_790 {strides = array<i32>} : memref<128x64xf32, #tpu.memory_space<vmem>>, vector<1x16xf32>,
      %get3A_791 = arith.index_cast %mul3A_681 : i32 to index
      %get3A_792 = arith.constant 48 : index
      %get3A_793 = tpu.vector_load %arg10[%get3A_791, %get3A_792] {strides = array<i32>} : memref<640x128xf32, #tpu.memory_space<vmem>>, vector<1x16xf32>,
      %get3A_794 = vector.shape_cast %get3A_793 : vector<1x16xf32> to vector<16xf32>
      %add3A_795 = arith.constant 1 : i32
      %add3A_796 = arith.addi %mul3A_681, %add3A_795 : i32
      %get3A_797 = arith.index_cast %add3A_796 : i32 to index
      %get3A_798 = arith.constant 48 : index
      %get3A_799 = tpu.vector_load %arg10[%get3A_797, %get3A_798] {strides = array<i32>} : memref<640x128xf32, #tpu.memory_space<vmem>>, vector<1x16xf32>,
      %get3A_800 = vector.shape_cast %get3A_799 : vector<1x16xf32> to vector<16xf32>
      %add3A_801 = arith.addf %get3A_794, %get3A_800 : vector<16xf32>
      %add3A_802 = arith.constant 2 : i32
      %add3A_803 = arith.addi %mul3A_681, %add3A_802 : i32
      %get3A_804 = arith.index_cast %add3A_803 : i32 to index
      %get3A_805 = arith.constant 48 : index
      %get3A_806 = tpu.vector_load %arg10[%get3A_804, %get3A_805] {strides = array<i32>} : memref<640x128xf32, #tpu.memory_space<vmem>>, vector<1x16xf32>,
      %get3A_807 = vector.shape_cast %get3A_806 : vector<1x16xf32> to vector<16xf32>
      %add3A_808 = arith.constant 3 : i32
      %add3A_809 = arith.addi %mul3A_681, %add3A_808 : i32
      %get3A_810 = arith.index_cast %add3A_809 : i32 to index
      %get3A_811 = arith.constant 48 : index
      %get3A_812 = tpu.vector_load %arg10[%get3A_810, %get3A_811] {strides = array<i32>} : memref<640x128xf32, #tpu.memory_space<vmem>>, vector<1x16xf32>,
      %get3A_813 = vector.shape_cast %get3A_812 : vector<1x16xf32> to vector<16xf32>
      %add3A_814 = arith.addf %get3A_807, %get3A_813 : vector<16xf32>
      %add3A_815 = arith.addf %add3A_801, %add3A_814 : vector<16xf32>
      %add3A_816 = arith.constant 4 : i32
      %add3A_817 = arith.addi %mul3A_681, %add3A_816 : i32
      %get3A_818 = arith.index_cast %add3A_817 : i32 to index
      %get3A_819 = arith.constant 48 : index
      %get3A_820 = tpu.vector_load %arg10[%get3A_818, %get3A_819] {strides = array<i32>} : memref<640x128xf32, #tpu.memory_space<vmem>>, vector<1x16xf32>,
      %get3A_821 = vector.shape_cast %get3A_820 : vector<1x16xf32> to vector<16xf32>
      %add3A_822 = arith.addf %add3A_815, %get3A_821 : vector<16xf32>
      %swap3A_823 = arith.index_cast %scan3A_678 : i32 to index
      %swap3A_824 = arith.constant 48 : index
      %swap3A_825 = tpu.vector_load %arg11[%swap3A_823, %swap3A_824] {strides = array<i32>} : memref<128x64xf32, #tpu.memory_space<vmem>>, vector<1x16xf32>,
      %swap3A_826 = vector.shape_cast %swap3A_825 : vector<1x16xf32> to vector<16xf32>
      %swap3A_827 = vector.shape_cast %add3A_822 : vector<16xf32> to vector<1x16xf32>
      tpu.vector_store %arg11[%swap3A_823, %swap3A_824], %swap3A_827 {strides = array<i32>} : memref<128x64xf32, #tpu.memory_space<vmem>>, vector<1x16xf32>,
      %scan3A_828 = arith.constant 0 : i32
      scf.yield %scan3A_828 : i32
    }
    %scan3A_167 = arith.constant 128 : i32
    "tpu.region"() ({
      %run_scoped3A = tpu.sem_alloc : memref<!tpu.dma_semaphore, #tpu.memory_space<semaphore_mem>>
      %dma_start3A_678 = arith.constant 0 : i32
      %dma_start3A_679 = tpu.memref_slice %arg4[%add3A_90, %dma_start3A_678] : memref<32768x64xf32, #tpu.memory_space<hbm>> -> memref<128x64xf32, #tpu.memory_space<hbm>>
      %dma_start3A_680 = arith.constant 0 : i32
      %dma_start3A_681 = tpu.memref_slice %arg4[%add3A_90, %dma_start3A_680] : memref<32768x64xf32, #tpu.memory_space<hbm>> -> memref<128x64xf32, #tpu.memory_space<hbm>>
      tpu.enqueue_dma source(%arg11 : memref<128x64xf32, #tpu.memory_space<vmem>>) target(%dma_start3A_681 : memref<128x64xf32, #tpu.memory_space<hbm>>) target_semaphore(%run_scoped3A : memref<!tpu.dma_semaphore, #tpu.memory_space<semaphore_mem>>)
      %dma_wait3A_682 = arith.constant 0 : i32
      %dma_wait3A_683 = tpu.memref_slice %arg4[%add3A_90, %dma_wait3A_682] : memref<32768x64xf32, #tpu.memory_space<hbm>> -> memref<128x64xf32, #tpu.memory_space<hbm>>
      %dma_wait3A_684 = arith.constant 0 : i32
      %dma_wait3A_685 = tpu.memref_slice %arg4[%add3A_90, %dma_wait3A_684] : memref<32768x64xf32, #tpu.memory_space<hbm>> -> memref<128x64xf32, #tpu.memory_space<hbm>>
      tpu.wait_dma2 semaphore(%run_scoped3A : memref<!tpu.dma_semaphore, #tpu.memory_space<semaphore_mem>>) src(%arg11 : memref<128x64xf32, #tpu.memory_space<vmem>>) dst(%dma_wait3A_685 : memref<128x64xf32, #tpu.memory_space<hbm>>)
      tpu.yield
    }) : () -> ()
    %mul3A_168 = arith.constant 40 : i32
    %mul3A_169 = arith.muli %add3A, %mul3A_168 : i32
    %add3A_170 = arith.constant 10 : i32
    %add3A_171 = arith.addi %mul3A_169, %add3A_170 : i32
    %mul3A_172 = arith.constant 1024 : i32
    %mul3A_173 = arith.muli %add3A, %mul3A_172 : i32
    %add3A_174 = arith.constant 256 : i32
    %add3A_175 = arith.addi %mul3A_173, %add3A_174 : i32
    %add3A_176 = arith.constant 0 : i32
    %add3A_177 = arith.addi %add3A_171, %add3A_176 : i32
    "tpu.region"() ({
      %run_scoped3A = tpu.sem_alloc : memref<!tpu.dma_semaphore, #tpu.memory_space<semaphore_mem>>
      %dma_start3A_678 = arith.constant 0 : i32
      %dma_start3A_679 = tpu.memref_slice %arg3[%add3A_177, %dma_start3A_678] : memref<1280x128xi32, #tpu.memory_space<hbm>> -> memref<1x128xi32, #tpu.memory_space<hbm>>
      %dma_start3A_680 = tpu.memref_squeeze %dma_start3A_679 : memref<1x128xi32, #tpu.memory_space<hbm>> -> memref<128xi32, #tpu.memory_space<hbm>>
      %dma_start3A_681 = arith.constant 0 : i32
      %dma_start3A_682 = tpu.memref_slice %arg3[%add3A_177, %dma_start3A_681] : memref<1280x128xi32, #tpu.memory_space<hbm>> -> memref<1x128xi32, #tpu.memory_space<hbm>>
      %dma_start3A_683 = tpu.memref_squeeze %dma_start3A_682 : memref<1x128xi32, #tpu.memory_space<hbm>> -> memref<128xi32, #tpu.memory_space<hbm>>
      tpu.enqueue_dma source(%dma_start3A_683 : memref<128xi32, #tpu.memory_space<hbm>>) target(%arg5 : memref<128xi32, #tpu.memory_space<vmem>>) target_semaphore(%run_scoped3A : memref<!tpu.dma_semaphore, #tpu.memory_space<semaphore_mem>>)
      %dma_wait3A_684 = arith.constant 0 : i32
      %dma_wait3A_685 = tpu.memref_slice %arg3[%add3A_177, %dma_wait3A_684] : memref<1280x128xi32, #tpu.memory_space<hbm>> -> memref<1x128xi32, #tpu.memory_space<hbm>>
      %dma_wait3A_686 = tpu.memref_squeeze %dma_wait3A_685 : memref<1x128xi32, #tpu.memory_space<hbm>> -> memref<128xi32, #tpu.memory_space<hbm>>
      %dma_wait3A_687 = arith.constant 0 : i32
      %dma_wait3A_688 = tpu.memref_slice %arg3[%add3A_177, %dma_wait3A_687] : memref<1280x128xi32, #tpu.memory_space<hbm>> -> memref<1x128xi32, #tpu.memory_space<hbm>>
      %dma_wait3A_689 = tpu.memref_squeeze %dma_wait3A_688 : memref<1x128xi32, #tpu.memory_space<hbm>> -> memref<128xi32, #tpu.memory_space<hbm>>
      tpu.wait_dma2 semaphore(%run_scoped3A : memref<!tpu.dma_semaphore, #tpu.memory_space<semaphore_mem>>) src(%dma_wait3A_689 : memref<128xi32, #tpu.memory_space<hbm>>) dst(%arg5 : memref<128xi32, #tpu.memory_space<vmem>>)
      tpu.yield
    }) : () -> ()
    %add3A_178 = arith.constant 1 : i32
    %add3A_179 = arith.addi %add3A_171, %add3A_178 : i32
    "tpu.region"() ({
      %run_scoped3A = tpu.sem_alloc : memref<!tpu.dma_semaphore, #tpu.memory_space<semaphore_mem>>
      %dma_start3A_678 = arith.constant 0 : i32
      %dma_start3A_679 = tpu.memref_slice %arg3[%add3A_179, %dma_start3A_678] : memref<1280x128xi32, #tpu.memory_space<hbm>> -> memref<1x128xi32, #tpu.memory_space<hbm>>
      %dma_start3A_680 = tpu.memref_squeeze %dma_start3A_679 : memref<1x128xi32, #tpu.memory_space<hbm>> -> memref<128xi32, #tpu.memory_space<hbm>>
      %dma_start3A_681 = arith.constant 0 : i32
      %dma_start3A_682 = tpu.memref_slice %arg3[%add3A_179, %dma_start3A_681] : memref<1280x128xi32, #tpu.memory_space<hbm>> -> memref<1x128xi32, #tpu.memory_space<hbm>>
      %dma_start3A_683 = tpu.memref_squeeze %dma_start3A_682 : memref<1x128xi32, #tpu.memory_space<hbm>> -> memref<128xi32, #tpu.memory_space<hbm>>
      tpu.enqueue_dma source(%dma_start3A_683 : memref<128xi32, #tpu.memory_space<hbm>>) target(%arg6 : memref<128xi32, #tpu.memory_space<vmem>>) target_semaphore(%run_scoped3A : memref<!tpu.dma_semaphore, #tpu.memory_space<semaphore_mem>>)
      %dma_wait3A_684 = arith.constant 0 : i32
      %dma_wait3A_685 = tpu.memref_slice %arg3[%add3A_179, %dma_wait3A_684] : memref<1280x128xi32, #tpu.memory_space<hbm>> -> memref<1x128xi32, #tpu.memory_space<hbm>>
      %dma_wait3A_686 = tpu.memref_squeeze %dma_wait3A_685 : memref<1x128xi32, #tpu.memory_space<hbm>> -> memref<128xi32, #tpu.memory_space<hbm>>
      %dma_wait3A_687 = arith.constant 0 : i32
      %dma_wait3A_688 = tpu.memref_slice %arg3[%add3A_179, %dma_wait3A_687] : memref<1280x128xi32, #tpu.memory_space<hbm>> -> memref<1x128xi32, #tpu.memory_space<hbm>>
      %dma_wait3A_689 = tpu.memref_squeeze %dma_wait3A_688 : memref<1x128xi32, #tpu.memory_space<hbm>> -> memref<128xi32, #tpu.memory_space<hbm>>
      tpu.wait_dma2 semaphore(%run_scoped3A : memref<!tpu.dma_semaphore, #tpu.memory_space<semaphore_mem>>) src(%dma_wait3A_689 : memref<128xi32, #tpu.memory_space<hbm>>) dst(%arg6 : memref<128xi32, #tpu.memory_space<vmem>>)
      tpu.yield
    }) : () -> ()
    %add3A_180 = arith.constant 2 : i32
    %add3A_181 = arith.addi %add3A_171, %add3A_180 : i32
    "tpu.region"() ({
      %run_scoped3A = tpu.sem_alloc : memref<!tpu.dma_semaphore, #tpu.memory_space<semaphore_mem>>
      %dma_start3A_678 = arith.constant 0 : i32
      %dma_start3A_679 = tpu.memref_slice %arg3[%add3A_181, %dma_start3A_678] : memref<1280x128xi32, #tpu.memory_space<hbm>> -> memref<1x128xi32, #tpu.memory_space<hbm>>
      %dma_start3A_680 = tpu.memref_squeeze %dma_start3A_679 : memref<1x128xi32, #tpu.memory_space<hbm>> -> memref<128xi32, #tpu.memory_space<hbm>>
      %dma_start3A_681 = arith.constant 0 : i32
      %dma_start3A_682 = tpu.memref_slice %arg3[%add3A_181, %dma_start3A_681] : memref<1280x128xi32, #tpu.memory_space<hbm>> -> memref<1x128xi32, #tpu.memory_space<hbm>>
      %dma_start3A_683 = tpu.memref_squeeze %dma_start3A_682 : memref<1x128xi32, #tpu.memory_space<hbm>> -> memref<128xi32, #tpu.memory_space<hbm>>
      tpu.enqueue_dma source(%dma_start3A_683 : memref<128xi32, #tpu.memory_space<hbm>>) target(%arg7 : memref<128xi32, #tpu.memory_space<vmem>>) target_semaphore(%run_scoped3A : memref<!tpu.dma_semaphore, #tpu.memory_space<semaphore_mem>>)
      %dma_wait3A_684 = arith.constant 0 : i32
      %dma_wait3A_685 = tpu.memref_slice %arg3[%add3A_181, %dma_wait3A_684] : memref<1280x128xi32, #tpu.memory_space<hbm>> -> memref<1x128xi32, #tpu.memory_space<hbm>>
      %dma_wait3A_686 = tpu.memref_squeeze %dma_wait3A_685 : memref<1x128xi32, #tpu.memory_space<hbm>> -> memref<128xi32, #tpu.memory_space<hbm>>
      %dma_wait3A_687 = arith.constant 0 : i32
      %dma_wait3A_688 = tpu.memref_slice %arg3[%add3A_181, %dma_wait3A_687] : memref<1280x128xi32, #tpu.memory_space<hbm>> -> memref<1x128xi32, #tpu.memory_space<hbm>>
      %dma_wait3A_689 = tpu.memref_squeeze %dma_wait3A_688 : memref<1x128xi32, #tpu.memory_space<hbm>> -> memref<128xi32, #tpu.memory_space<hbm>>
      tpu.wait_dma2 semaphore(%run_scoped3A : memref<!tpu.dma_semaphore, #tpu.memory_space<semaphore_mem>>) src(%dma_wait3A_689 : memref<128xi32, #tpu.memory_space<hbm>>) dst(%arg7 : memref<128xi32, #tpu.memory_space<vmem>>)
      tpu.yield
    }) : () -> ()
    %add3A_182 = arith.constant 3 : i32
    %add3A_183 = arith.addi %add3A_171, %add3A_182 : i32
    "tpu.region"() ({
      %run_scoped3A = tpu.sem_alloc : memref<!tpu.dma_semaphore, #tpu.memory_space<semaphore_mem>>
      %dma_start3A_678 = arith.constant 0 : i32
      %dma_start3A_679 = tpu.memref_slice %arg3[%add3A_183, %dma_start3A_678] : memref<1280x128xi32, #tpu.memory_space<hbm>> -> memref<1x128xi32, #tpu.memory_space<hbm>>
      %dma_start3A_680 = tpu.memref_squeeze %dma_start3A_679 : memref<1x128xi32, #tpu.memory_space<hbm>> -> memref<128xi32, #tpu.memory_space<hbm>>
      %dma_start3A_681 = arith.constant 0 : i32
      %dma_start3A_682 = tpu.memref_slice %arg3[%add3A_183, %dma_start3A_681] : memref<1280x128xi32, #tpu.memory_space<hbm>> -> memref<1x128xi32, #tpu.memory_space<hbm>>
      %dma_start3A_683 = tpu.memref_squeeze %dma_start3A_682 : memref<1x128xi32, #tpu.memory_space<hbm>> -> memref<128xi32, #tpu.memory_space<hbm>>
      tpu.enqueue_dma source(%dma_start3A_683 : memref<128xi32, #tpu.memory_space<hbm>>) target(%arg8 : memref<128xi32, #tpu.memory_space<vmem>>) target_semaphore(%run_scoped3A : memref<!tpu.dma_semaphore, #tpu.memory_space<semaphore_mem>>)
      %dma_wait3A_684 = arith.constant 0 : i32
      %dma_wait3A_685 = tpu.memref_slice %arg3[%add3A_183, %dma_wait3A_684] : memref<1280x128xi32, #tpu.memory_space<hbm>> -> memref<1x128xi32, #tpu.memory_space<hbm>>
      %dma_wait3A_686 = tpu.memref_squeeze %dma_wait3A_685 : memref<1x128xi32, #tpu.memory_space<hbm>> -> memref<128xi32, #tpu.memory_space<hbm>>
      %dma_wait3A_687 = arith.constant 0 : i32
      %dma_wait3A_688 = tpu.memref_slice %arg3[%add3A_183, %dma_wait3A_687] : memref<1280x128xi32, #tpu.memory_space<hbm>> -> memref<1x128xi32, #tpu.memory_space<hbm>>
      %dma_wait3A_689 = tpu.memref_squeeze %dma_wait3A_688 : memref<1x128xi32, #tpu.memory_space<hbm>> -> memref<128xi32, #tpu.memory_space<hbm>>
      tpu.wait_dma2 semaphore(%run_scoped3A : memref<!tpu.dma_semaphore, #tpu.memory_space<semaphore_mem>>) src(%dma_wait3A_689 : memref<128xi32, #tpu.memory_space<hbm>>) dst(%arg8 : memref<128xi32, #tpu.memory_space<vmem>>)
      tpu.yield
    }) : () -> ()
    %add3A_184 = arith.constant 4 : i32
    %add3A_185 = arith.addi %add3A_171, %add3A_184 : i32
    "tpu.region"() ({
      %run_scoped3A = tpu.sem_alloc : memref<!tpu.dma_semaphore, #tpu.memory_space<semaphore_mem>>
      %dma_start3A_678 = arith.constant 0 : i32
      %dma_start3A_679 = tpu.memref_slice %arg3[%add3A_185, %dma_start3A_678] : memref<1280x128xi32, #tpu.memory_space<hbm>> -> memref<1x128xi32, #tpu.memory_space<hbm>>
      %dma_start3A_680 = tpu.memref_squeeze %dma_start3A_679 : memref<1x128xi32, #tpu.memory_space<hbm>> -> memref<128xi32, #tpu.memory_space<hbm>>
      %dma_start3A_681 = arith.constant 0 : i32
      %dma_start3A_682 = tpu.memref_slice %arg3[%add3A_185, %dma_start3A_681] : memref<1280x128xi32, #tpu.memory_space<hbm>> -> memref<1x128xi32, #tpu.memory_space<hbm>>
      %dma_start3A_683 = tpu.memref_squeeze %dma_start3A_682 : memref<1x128xi32, #tpu.memory_space<hbm>> -> memref<128xi32, #tpu.memory_space<hbm>>
      tpu.enqueue_dma source(%dma_start3A_683 : memref<128xi32, #tpu.memory_space<hbm>>) target(%arg9 : memref<128xi32, #tpu.memory_space<vmem>>) target_semaphore(%run_scoped3A : memref<!tpu.dma_semaphore, #tpu.memory_space<semaphore_mem>>)
      %dma_wait3A_684 = arith.constant 0 : i32
      %dma_wait3A_685 = tpu.memref_slice %arg3[%add3A_185, %dma_wait3A_684] : memref<1280x128xi32, #tpu.memory_space<hbm>> -> memref<1x128xi32, #tpu.memory_space<hbm>>
      %dma_wait3A_686 = tpu.memref_squeeze %dma_wait3A_685 : memref<1x128xi32, #tpu.memory_space<hbm>> -> memref<128xi32, #tpu.memory_space<hbm>>
      %dma_wait3A_687 = arith.constant 0 : i32
      %dma_wait3A_688 = tpu.memref_slice %arg3[%add3A_185, %dma_wait3A_687] : memref<1280x128xi32, #tpu.memory_space<hbm>> -> memref<1x128xi32, #tpu.memory_space<hbm>>
      %dma_wait3A_689 = tpu.memref_squeeze %dma_wait3A_688 : memref<1x128xi32, #tpu.memory_space<hbm>> -> memref<128xi32, #tpu.memory_space<hbm>>
      tpu.wait_dma2 semaphore(%run_scoped3A : memref<!tpu.dma_semaphore, #tpu.memory_space<semaphore_mem>>) src(%dma_wait3A_689 : memref<128xi32, #tpu.memory_space<hbm>>) dst(%arg9 : memref<128xi32, #tpu.memory_space<vmem>>)
      tpu.yield
    }) : () -> ()
    %dma_start3A_186 = arith.constant 0 : i32
    %dma_start3A_187 = arith.constant 0 : i32
    %dma_start3A_188 = tpu.memref_slice %arg10[%dma_start3A_186, %dma_start3A_187] : memref<640x128xf32, #tpu.memory_space<vmem>> -> memref<128x128xf32, #tpu.memory_space<vmem>>
    %dma_start3A_189 = arith.constant 0 : i32
    %dma_start3A_190 = arith.constant 0 : i32
    %dma_start3A_191 = tpu.memref_slice %arg2[%dma_start3A_189, %dma_start3A_190] : memref<15872x128xf32, #tpu.memory_space<hbm>> -> memref<15872x128xf32, #tpu.memory_space<hbm>>
    tpu.enqueue_indirect_dma source(%dma_start3A_191 : memref<15872x128xf32, #tpu.memory_space<hbm>>) target(%dma_start3A_188 : memref<128x128xf32, #tpu.memory_space<vmem>>) offsets(%arg5 : memref<128xi32, #tpu.memory_space<vmem>>) semaphore(%arg12 : memref<!tpu.dma_semaphore, #tpu.memory_space<semaphore_mem>>)
    %dma_start3A_192 = arith.constant 128 : i32
    %dma_start3A_193 = arith.constant 0 : i32
    %dma_start3A_194 = tpu.memref_slice %arg10[%dma_start3A_192, %dma_start3A_193] : memref<640x128xf32, #tpu.memory_space<vmem>> -> memref<128x128xf32, #tpu.memory_space<vmem>>
    %dma_start3A_195 = arith.constant 0 : i32
    %dma_start3A_196 = arith.constant 0 : i32
    %dma_start3A_197 = tpu.memref_slice %arg2[%dma_start3A_195, %dma_start3A_196] : memref<15872x128xf32, #tpu.memory_space<hbm>> -> memref<15872x128xf32, #tpu.memory_space<hbm>>
    tpu.enqueue_indirect_dma source(%dma_start3A_197 : memref<15872x128xf32, #tpu.memory_space<hbm>>) target(%dma_start3A_194 : memref<128x128xf32, #tpu.memory_space<vmem>>) offsets(%arg6 : memref<128xi32, #tpu.memory_space<vmem>>) semaphore(%arg12 : memref<!tpu.dma_semaphore, #tpu.memory_space<semaphore_mem>>)
    %dma_start3A_198 = arith.constant 256 : i32
    %dma_start3A_199 = arith.constant 0 : i32
    %dma_start3A_200 = tpu.memref_slice %arg10[%dma_start3A_198, %dma_start3A_199] : memref<640x128xf32, #tpu.memory_space<vmem>> -> memref<128x128xf32, #tpu.memory_space<vmem>>
    %dma_start3A_201 = arith.constant 0 : i32
    %dma_start3A_202 = arith.constant 0 : i32
    %dma_start3A_203 = tpu.memref_slice %arg2[%dma_start3A_201, %dma_start3A_202] : memref<15872x128xf32, #tpu.memory_space<hbm>> -> memref<15872x128xf32, #tpu.memory_space<hbm>>
    tpu.enqueue_indirect_dma source(%dma_start3A_203 : memref<15872x128xf32, #tpu.memory_space<hbm>>) target(%dma_start3A_200 : memref<128x128xf32, #tpu.memory_space<vmem>>) offsets(%arg7 : memref<128xi32, #tpu.memory_space<vmem>>) semaphore(%arg12 : memref<!tpu.dma_semaphore, #tpu.memory_space<semaphore_mem>>)
    %dma_start3A_204 = arith.constant 384 : i32
    %dma_start3A_205 = arith.constant 0 : i32
    %dma_start3A_206 = tpu.memref_slice %arg10[%dma_start3A_204, %dma_start3A_205] : memref<640x128xf32, #tpu.memory_space<vmem>> -> memref<128x128xf32, #tpu.memory_space<vmem>>
    %dma_start3A_207 = arith.constant 0 : i32
    %dma_start3A_208 = arith.constant 0 : i32
    %dma_start3A_209 = tpu.memref_slice %arg2[%dma_start3A_207, %dma_start3A_208] : memref<15872x128xf32, #tpu.memory_space<hbm>> -> memref<15872x128xf32, #tpu.memory_space<hbm>>
    tpu.enqueue_indirect_dma source(%dma_start3A_209 : memref<15872x128xf32, #tpu.memory_space<hbm>>) target(%dma_start3A_206 : memref<128x128xf32, #tpu.memory_space<vmem>>) offsets(%arg8 : memref<128xi32, #tpu.memory_space<vmem>>) semaphore(%arg12 : memref<!tpu.dma_semaphore, #tpu.memory_space<semaphore_mem>>)
    %dma_start3A_210 = arith.constant 512 : i32
    %dma_start3A_211 = arith.constant 0 : i32
    %dma_start3A_212 = tpu.memref_slice %arg10[%dma_start3A_210, %dma_start3A_211] : memref<640x128xf32, #tpu.memory_space<vmem>> -> memref<128x128xf32, #tpu.memory_space<vmem>>
    %dma_start3A_213 = arith.constant 0 : i32
    %dma_start3A_214 = arith.constant 0 : i32
    %dma_start3A_215 = tpu.memref_slice %arg2[%dma_start3A_213, %dma_start3A_214] : memref<15872x128xf32, #tpu.memory_space<hbm>> -> memref<15872x128xf32, #tpu.memory_space<hbm>>
    tpu.enqueue_indirect_dma source(%dma_start3A_215 : memref<15872x128xf32, #tpu.memory_space<hbm>>) target(%dma_start3A_212 : memref<128x128xf32, #tpu.memory_space<vmem>>) offsets(%arg9 : memref<128xi32, #tpu.memory_space<vmem>>) semaphore(%arg12 : memref<!tpu.dma_semaphore, #tpu.memory_space<semaphore_mem>>)
    %dma_wait3A_216 = arith.constant 0 : i32
    %dma_wait3A_217 = arith.constant 0 : i32
    %dma_wait3A_218 = tpu.memref_slice %arg10[%dma_wait3A_216, %dma_wait3A_217] : memref<640x128xf32, #tpu.memory_space<vmem>> -> memref<128x128xf32, #tpu.memory_space<vmem>>
    %dma_wait3A_219 = arith.constant 0 : i32
    %dma_wait3A_220 = arith.constant 0 : i32
    %dma_wait3A_221 = tpu.memref_slice %arg2[%dma_wait3A_219, %dma_wait3A_220] : memref<15872x128xf32, #tpu.memory_space<hbm>> -> memref<15872x128xf32, #tpu.memory_space<hbm>>
    tpu.wait_indirect_dma semaphore(%arg12 : memref<!tpu.dma_semaphore, #tpu.memory_space<semaphore_mem>>) src(%dma_wait3A_221 : memref<15872x128xf32, #tpu.memory_space<hbm>>) dst(%dma_wait3A_218 : memref<128x128xf32, #tpu.memory_space<vmem>>)
    %dma_wait3A_222 = arith.constant 128 : i32
    %dma_wait3A_223 = arith.constant 0 : i32
    %dma_wait3A_224 = tpu.memref_slice %arg10[%dma_wait3A_222, %dma_wait3A_223] : memref<640x128xf32, #tpu.memory_space<vmem>> -> memref<128x128xf32, #tpu.memory_space<vmem>>
    %dma_wait3A_225 = arith.constant 0 : i32
    %dma_wait3A_226 = arith.constant 0 : i32
    %dma_wait3A_227 = tpu.memref_slice %arg2[%dma_wait3A_225, %dma_wait3A_226] : memref<15872x128xf32, #tpu.memory_space<hbm>> -> memref<15872x128xf32, #tpu.memory_space<hbm>>
    tpu.wait_indirect_dma semaphore(%arg12 : memref<!tpu.dma_semaphore, #tpu.memory_space<semaphore_mem>>) src(%dma_wait3A_227 : memref<15872x128xf32, #tpu.memory_space<hbm>>) dst(%dma_wait3A_224 : memref<128x128xf32, #tpu.memory_space<vmem>>)
    %dma_wait3A_228 = arith.constant 256 : i32
    %dma_wait3A_229 = arith.constant 0 : i32
    %dma_wait3A_230 = tpu.memref_slice %arg10[%dma_wait3A_228, %dma_wait3A_229] : memref<640x128xf32, #tpu.memory_space<vmem>> -> memref<128x128xf32, #tpu.memory_space<vmem>>
    %dma_wait3A_231 = arith.constant 0 : i32
    %dma_wait3A_232 = arith.constant 0 : i32
    %dma_wait3A_233 = tpu.memref_slice %arg2[%dma_wait3A_231, %dma_wait3A_232] : memref<15872x128xf32, #tpu.memory_space<hbm>> -> memref<15872x128xf32, #tpu.memory_space<hbm>>
    tpu.wait_indirect_dma semaphore(%arg12 : memref<!tpu.dma_semaphore, #tpu.memory_space<semaphore_mem>>) src(%dma_wait3A_233 : memref<15872x128xf32, #tpu.memory_space<hbm>>) dst(%dma_wait3A_230 : memref<128x128xf32, #tpu.memory_space<vmem>>)
    %dma_wait3A_234 = arith.constant 384 : i32
    %dma_wait3A_235 = arith.constant 0 : i32
    %dma_wait3A_236 = tpu.memref_slice %arg10[%dma_wait3A_234, %dma_wait3A_235] : memref<640x128xf32, #tpu.memory_space<vmem>> -> memref<128x128xf32, #tpu.memory_space<vmem>>
    %dma_wait3A_237 = arith.constant 0 : i32
    %dma_wait3A_238 = arith.constant 0 : i32
    %dma_wait3A_239 = tpu.memref_slice %arg2[%dma_wait3A_237, %dma_wait3A_238] : memref<15872x128xf32, #tpu.memory_space<hbm>> -> memref<15872x128xf32, #tpu.memory_space<hbm>>
    tpu.wait_indirect_dma semaphore(%arg12 : memref<!tpu.dma_semaphore, #tpu.memory_space<semaphore_mem>>) src(%dma_wait3A_239 : memref<15872x128xf32, #tpu.memory_space<hbm>>) dst(%dma_wait3A_236 : memref<128x128xf32, #tpu.memory_space<vmem>>)
    %dma_wait3A_240 = arith.constant 512 : i32
    %dma_wait3A_241 = arith.constant 0 : i32
    %dma_wait3A_242 = tpu.memref_slice %arg10[%dma_wait3A_240, %dma_wait3A_241] : memref<640x128xf32, #tpu.memory_space<vmem>> -> memref<128x128xf32, #tpu.memory_space<vmem>>
    %dma_wait3A_243 = arith.constant 0 : i32
    %dma_wait3A_244 = arith.constant 0 : i32
    %dma_wait3A_245 = tpu.memref_slice %arg2[%dma_wait3A_243, %dma_wait3A_244] : memref<15872x128xf32, #tpu.memory_space<hbm>> -> memref<15872x128xf32, #tpu.memory_space<hbm>>
    tpu.wait_indirect_dma semaphore(%arg12 : memref<!tpu.dma_semaphore, #tpu.memory_space<semaphore_mem>>) src(%dma_wait3A_245 : memref<15872x128xf32, #tpu.memory_space<hbm>>) dst(%dma_wait3A_242 : memref<128x128xf32, #tpu.memory_space<vmem>>)
    %scan3A_246 = arith.constant 0 : i32
    %scan3A_247 = arith.constant 0 : i32
    %scan3A_248 = arith.constant 128 : i32
    %scan3A_249 = arith.addi %scan3A_247, %scan3A_248 : i32
    %scan3A_250 = arith.constant 1 : i32
    %scan3A_251 = scf.for %scan3A_678 = %scan3A_247 to %scan3A_249 step %scan3A_250 iter_args(%scan3A_679 = %scan3A_246) -> (i32)  : i32 {
      %mul3A_680 = arith.constant 5 : i32
      %mul3A_681 = arith.muli %scan3A_678, %mul3A_680 : i32
      %get3A = arith.index_cast %mul3A_681 : i32 to index
      %get3A_682 = arith.constant 0 : index
      %get3A_683 = tpu.vector_load %arg10[%get3A, %get3A_682] {strides = array<i32>} : memref<640x128xf32, #tpu.memory_space<vmem>>, vector<1x16xf32>,
      %get3A_684 = vector.shape_cast %get3A_683 : vector<1x16xf32> to vector<16xf32>
      %add3A_685 = arith.constant 1 : i32
      %add3A_686 = arith.addi %mul3A_681, %add3A_685 : i32
      %get3A_687 = arith.index_cast %add3A_686 : i32 to index
      %get3A_688 = arith.constant 0 : index
      %get3A_689 = tpu.vector_load %arg10[%get3A_687, %get3A_688] {strides = array<i32>} : memref<640x128xf32, #tpu.memory_space<vmem>>, vector<1x16xf32>,
      %get3A_690 = vector.shape_cast %get3A_689 : vector<1x16xf32> to vector<16xf32>
      %add3A_691 = arith.addf %get3A_684, %get3A_690 : vector<16xf32>
      %add3A_692 = arith.constant 2 : i32
      %add3A_693 = arith.addi %mul3A_681, %add3A_692 : i32
      %get3A_694 = arith.index_cast %add3A_693 : i32 to index
      %get3A_695 = arith.constant 0 : index
      %get3A_696 = tpu.vector_load %arg10[%get3A_694, %get3A_695] {strides = array<i32>} : memref<640x128xf32, #tpu.memory_space<vmem>>, vector<1x16xf32>,
      %get3A_697 = vector.shape_cast %get3A_696 : vector<1x16xf32> to vector<16xf32>
      %add3A_698 = arith.constant 3 : i32
      %add3A_699 = arith.addi %mul3A_681, %add3A_698 : i32
      %get3A_700 = arith.index_cast %add3A_699 : i32 to index
      %get3A_701 = arith.constant 0 : index
      %get3A_702 = tpu.vector_load %arg10[%get3A_700, %get3A_701] {strides = array<i32>} : memref<640x128xf32, #tpu.memory_space<vmem>>, vector<1x16xf32>,
      %get3A_703 = vector.shape_cast %get3A_702 : vector<1x16xf32> to vector<16xf32>
      %add3A_704 = arith.addf %get3A_697, %get3A_703 : vector<16xf32>
      %add3A_705 = arith.addf %add3A_691, %add3A_704 : vector<16xf32>
      %add3A_706 = arith.constant 4 : i32
      %add3A_707 = arith.addi %mul3A_681, %add3A_706 : i32
      %get3A_708 = arith.index_cast %add3A_707 : i32 to index
      %get3A_709 = arith.constant 0 : index
      %get3A_710 = tpu.vector_load %arg10[%get3A_708, %get3A_709] {strides = array<i32>} : memref<640x128xf32, #tpu.memory_space<vmem>>, vector<1x16xf32>,
      %get3A_711 = vector.shape_cast %get3A_710 : vector<1x16xf32> to vector<16xf32>
      %add3A_712 = arith.addf %add3A_705, %get3A_711 : vector<16xf32>
      %swap3A = arith.index_cast %scan3A_678 : i32 to index
      %swap3A_713 = arith.constant 0 : index
      %swap3A_714 = tpu.vector_load %arg11[%swap3A, %swap3A_713] {strides = array<i32>} : memref<128x64xf32, #tpu.memory_space<vmem>>, vector<1x16xf32>,
      %swap3A_715 = vector.shape_cast %swap3A_714 : vector<1x16xf32> to vector<16xf32>
      %swap3A_716 = vector.shape_cast %add3A_712 : vector<16xf32> to vector<1x16xf32>
      tpu.vector_store %arg11[%swap3A, %swap3A_713], %swap3A_716 {strides = array<i32>} : memref<128x64xf32, #tpu.memory_space<vmem>>, vector<1x16xf32>,
      %get3A_717 = arith.index_cast %mul3A_681 : i32 to index
      %get3A_718 = arith.constant 16 : index
      %get3A_719 = tpu.vector_load %arg10[%get3A_717, %get3A_718] {strides = array<i32>} : memref<640x128xf32, #tpu.memory_space<vmem>>, vector<1x16xf32>,
      %get3A_720 = vector.shape_cast %get3A_719 : vector<1x16xf32> to vector<16xf32>
      %add3A_721 = arith.constant 1 : i32
      %add3A_722 = arith.addi %mul3A_681, %add3A_721 : i32
      %get3A_723 = arith.index_cast %add3A_722 : i32 to index
      %get3A_724 = arith.constant 16 : index
      %get3A_725 = tpu.vector_load %arg10[%get3A_723, %get3A_724] {strides = array<i32>} : memref<640x128xf32, #tpu.memory_space<vmem>>, vector<1x16xf32>,
      %get3A_726 = vector.shape_cast %get3A_725 : vector<1x16xf32> to vector<16xf32>
      %add3A_727 = arith.addf %get3A_720, %get3A_726 : vector<16xf32>
      %add3A_728 = arith.constant 2 : i32
      %add3A_729 = arith.addi %mul3A_681, %add3A_728 : i32
      %get3A_730 = arith.index_cast %add3A_729 : i32 to index
      %get3A_731 = arith.constant 16 : index
      %get3A_732 = tpu.vector_load %arg10[%get3A_730, %get3A_731] {strides = array<i32>} : memref<640x128xf32, #tpu.memory_space<vmem>>, vector<1x16xf32>,
      %get3A_733 = vector.shape_cast %get3A_732 : vector<1x16xf32> to vector<16xf32>
      %add3A_734 = arith.constant 3 : i32
      %add3A_735 = arith.addi %mul3A_681, %add3A_734 : i32
      %get3A_736 = arith.index_cast %add3A_735 : i32 to index
      %get3A_737 = arith.constant 16 : index
      %get3A_738 = tpu.vector_load %arg10[%get3A_736, %get3A_737] {strides = array<i32>} : memref<640x128xf32, #tpu.memory_space<vmem>>, vector<1x16xf32>,
      %get3A_739 = vector.shape_cast %get3A_738 : vector<1x16xf32> to vector<16xf32>
      %add3A_740 = arith.addf %get3A_733, %get3A_739 : vector<16xf32>
      %add3A_741 = arith.addf %add3A_727, %add3A_740 : vector<16xf32>
      %add3A_742 = arith.constant 4 : i32
      %add3A_743 = arith.addi %mul3A_681, %add3A_742 : i32
      %get3A_744 = arith.index_cast %add3A_743 : i32 to index
      %get3A_745 = arith.constant 16 : index
      %get3A_746 = tpu.vector_load %arg10[%get3A_744, %get3A_745] {strides = array<i32>} : memref<640x128xf32, #tpu.memory_space<vmem>>, vector<1x16xf32>,
      %get3A_747 = vector.shape_cast %get3A_746 : vector<1x16xf32> to vector<16xf32>
      %add3A_748 = arith.addf %add3A_741, %get3A_747 : vector<16xf32>
      %swap3A_749 = arith.index_cast %scan3A_678 : i32 to index
      %swap3A_750 = arith.constant 16 : index
      %swap3A_751 = tpu.vector_load %arg11[%swap3A_749, %swap3A_750] {strides = array<i32>} : memref<128x64xf32, #tpu.memory_space<vmem>>, vector<1x16xf32>,
      %swap3A_752 = vector.shape_cast %swap3A_751 : vector<1x16xf32> to vector<16xf32>
      %swap3A_753 = vector.shape_cast %add3A_748 : vector<16xf32> to vector<1x16xf32>
      tpu.vector_store %arg11[%swap3A_749, %swap3A_750], %swap3A_753 {strides = array<i32>} : memref<128x64xf32, #tpu.memory_space<vmem>>, vector<1x16xf32>,
      %get3A_754 = arith.index_cast %mul3A_681 : i32 to index
      %get3A_755 = arith.constant 32 : index
      %get3A_756 = tpu.vector_load %arg10[%get3A_754, %get3A_755] {strides = array<i32>} : memref<640x128xf32, #tpu.memory_space<vmem>>, vector<1x16xf32>,
      %get3A_757 = vector.shape_cast %get3A_756 : vector<1x16xf32> to vector<16xf32>
      %add3A_758 = arith.constant 1 : i32
      %add3A_759 = arith.addi %mul3A_681, %add3A_758 : i32
      %get3A_760 = arith.index_cast %add3A_759 : i32 to index
      %get3A_761 = arith.constant 32 : index
      %get3A_762 = tpu.vector_load %arg10[%get3A_760, %get3A_761] {strides = array<i32>} : memref<640x128xf32, #tpu.memory_space<vmem>>, vector<1x16xf32>,
      %get3A_763 = vector.shape_cast %get3A_762 : vector<1x16xf32> to vector<16xf32>
      %add3A_764 = arith.addf %get3A_757, %get3A_763 : vector<16xf32>
      %add3A_765 = arith.constant 2 : i32
      %add3A_766 = arith.addi %mul3A_681, %add3A_765 : i32
      %get3A_767 = arith.index_cast %add3A_766 : i32 to index
      %get3A_768 = arith.constant 32 : index
      %get3A_769 = tpu.vector_load %arg10[%get3A_767, %get3A_768] {strides = array<i32>} : memref<640x128xf32, #tpu.memory_space<vmem>>, vector<1x16xf32>,
      %get3A_770 = vector.shape_cast %get3A_769 : vector<1x16xf32> to vector<16xf32>
      %add3A_771 = arith.constant 3 : i32
      %add3A_772 = arith.addi %mul3A_681, %add3A_771 : i32
      %get3A_773 = arith.index_cast %add3A_772 : i32 to index
      %get3A_774 = arith.constant 32 : index
      %get3A_775 = tpu.vector_load %arg10[%get3A_773, %get3A_774] {strides = array<i32>} : memref<640x128xf32, #tpu.memory_space<vmem>>, vector<1x16xf32>,
      %get3A_776 = vector.shape_cast %get3A_775 : vector<1x16xf32> to vector<16xf32>
      %add3A_777 = arith.addf %get3A_770, %get3A_776 : vector<16xf32>
      %add3A_778 = arith.addf %add3A_764, %add3A_777 : vector<16xf32>
      %add3A_779 = arith.constant 4 : i32
      %add3A_780 = arith.addi %mul3A_681, %add3A_779 : i32
      %get3A_781 = arith.index_cast %add3A_780 : i32 to index
      %get3A_782 = arith.constant 32 : index
      %get3A_783 = tpu.vector_load %arg10[%get3A_781, %get3A_782] {strides = array<i32>} : memref<640x128xf32, #tpu.memory_space<vmem>>, vector<1x16xf32>,
      %get3A_784 = vector.shape_cast %get3A_783 : vector<1x16xf32> to vector<16xf32>
      %add3A_785 = arith.addf %add3A_778, %get3A_784 : vector<16xf32>
      %swap3A_786 = arith.index_cast %scan3A_678 : i32 to index
      %swap3A_787 = arith.constant 32 : index
      %swap3A_788 = tpu.vector_load %arg11[%swap3A_786, %swap3A_787] {strides = array<i32>} : memref<128x64xf32, #tpu.memory_space<vmem>>, vector<1x16xf32>,
      %swap3A_789 = vector.shape_cast %swap3A_788 : vector<1x16xf32> to vector<16xf32>
      %swap3A_790 = vector.shape_cast %add3A_785 : vector<16xf32> to vector<1x16xf32>
      tpu.vector_store %arg11[%swap3A_786, %swap3A_787], %swap3A_790 {strides = array<i32>} : memref<128x64xf32, #tpu.memory_space<vmem>>, vector<1x16xf32>,
      %get3A_791 = arith.index_cast %mul3A_681 : i32 to index
      %get3A_792 = arith.constant 48 : index
      %get3A_793 = tpu.vector_load %arg10[%get3A_791, %get3A_792] {strides = array<i32>} : memref<640x128xf32, #tpu.memory_space<vmem>>, vector<1x16xf32>,
      %get3A_794 = vector.shape_cast %get3A_793 : vector<1x16xf32> to vector<16xf32>
      %add3A_795 = arith.constant 1 : i32
      %add3A_796 = arith.addi %mul3A_681, %add3A_795 : i32
      %get3A_797 = arith.index_cast %add3A_796 : i32 to index
      %get3A_798 = arith.constant 48 : index
      %get3A_799 = tpu.vector_load %arg10[%get3A_797, %get3A_798] {strides = array<i32>} : memref<640x128xf32, #tpu.memory_space<vmem>>, vector<1x16xf32>,
      %get3A_800 = vector.shape_cast %get3A_799 : vector<1x16xf32> to vector<16xf32>
      %add3A_801 = arith.addf %get3A_794, %get3A_800 : vector<16xf32>
      %add3A_802 = arith.constant 2 : i32
      %add3A_803 = arith.addi %mul3A_681, %add3A_802 : i32
      %get3A_804 = arith.index_cast %add3A_803 : i32 to index
      %get3A_805 = arith.constant 48 : index
      %get3A_806 = tpu.vector_load %arg10[%get3A_804, %get3A_805] {strides = array<i32>} : memref<640x128xf32, #tpu.memory_space<vmem>>, vector<1x16xf32>,
      %get3A_807 = vector.shape_cast %get3A_806 : vector<1x16xf32> to vector<16xf32>
      %add3A_808 = arith.constant 3 : i32
      %add3A_809 = arith.addi %mul3A_681, %add3A_808 : i32
      %get3A_810 = arith.index_cast %add3A_809 : i32 to index
      %get3A_811 = arith.constant 48 : index
      %get3A_812 = tpu.vector_load %arg10[%get3A_810, %get3A_811] {strides = array<i32>} : memref<640x128xf32, #tpu.memory_space<vmem>>, vector<1x16xf32>,
      %get3A_813 = vector.shape_cast %get3A_812 : vector<1x16xf32> to vector<16xf32>
      %add3A_814 = arith.addf %get3A_807, %get3A_813 : vector<16xf32>
      %add3A_815 = arith.addf %add3A_801, %add3A_814 : vector<16xf32>
      %add3A_816 = arith.constant 4 : i32
      %add3A_817 = arith.addi %mul3A_681, %add3A_816 : i32
      %get3A_818 = arith.index_cast %add3A_817 : i32 to index
      %get3A_819 = arith.constant 48 : index
      %get3A_820 = tpu.vector_load %arg10[%get3A_818, %get3A_819] {strides = array<i32>} : memref<640x128xf32, #tpu.memory_space<vmem>>, vector<1x16xf32>,
      %get3A_821 = vector.shape_cast %get3A_820 : vector<1x16xf32> to vector<16xf32>
      %add3A_822 = arith.addf %add3A_815, %get3A_821 : vector<16xf32>
      %swap3A_823 = arith.index_cast %scan3A_678 : i32 to index
      %swap3A_824 = arith.constant 48 : index
      %swap3A_825 = tpu.vector_load %arg11[%swap3A_823, %swap3A_824] {strides = array<i32>} : memref<128x64xf32, #tpu.memory_space<vmem>>, vector<1x16xf32>,
      %swap3A_826 = vector.shape_cast %swap3A_825 : vector<1x16xf32> to vector<16xf32>
      %swap3A_827 = vector.shape_cast %add3A_822 : vector<16xf32> to vector<1x16xf32>
      tpu.vector_store %arg11[%swap3A_823, %swap3A_824], %swap3A_827 {strides = array<i32>} : memref<128x64xf32, #tpu.memory_space<vmem>>, vector<1x16xf32>,
      %scan3A_828 = arith.constant 0 : i32
      scf.yield %scan3A_828 : i32
    }
    %scan3A_252 = arith.constant 128 : i32
    "tpu.region"() ({
      %run_scoped3A = tpu.sem_alloc : memref<!tpu.dma_semaphore, #tpu.memory_space<semaphore_mem>>
      %dma_start3A_678 = arith.constant 0 : i32
      %dma_start3A_679 = tpu.memref_slice %arg4[%add3A_175, %dma_start3A_678] : memref<32768x64xf32, #tpu.memory_space<hbm>> -> memref<128x64xf32, #tpu.memory_space<hbm>>
      %dma_start3A_680 = arith.constant 0 : i32
      %dma_start3A_681 = tpu.memref_slice %arg4[%add3A_175, %dma_start3A_680] : memref<32768x64xf32, #tpu.memory_space<hbm>> -> memref<128x64xf32, #tpu.memory_space<hbm>>
      tpu.enqueue_dma source(%arg11 : memref<128x64xf32, #tpu.memory_space<vmem>>) target(%dma_start3A_681 : memref<128x64xf32, #tpu.memory_space<hbm>>) target_semaphore(%run_scoped3A : memref<!tpu.dma_semaphore, #tpu.memory_space<semaphore_mem>>)
      %dma_wait3A_682 = arith.constant 0 : i32
      %dma_wait3A_683 = tpu.memref_slice %arg4[%add3A_175, %dma_wait3A_682] : memref<32768x64xf32, #tpu.memory_space<hbm>> -> memref<128x64xf32, #tpu.memory_space<hbm>>
      %dma_wait3A_684 = arith.constant 0 : i32
      %dma_wait3A_685 = tpu.memref_slice %arg4[%add3A_175, %dma_wait3A_684] : memref<32768x64xf32, #tpu.memory_space<hbm>> -> memref<128x64xf32, #tpu.memory_space<hbm>>
      tpu.wait_dma2 semaphore(%run_scoped3A : memref<!tpu.dma_semaphore, #tpu.memory_space<semaphore_mem>>) src(%arg11 : memref<128x64xf32, #tpu.memory_space<vmem>>) dst(%dma_wait3A_685 : memref<128x64xf32, #tpu.memory_space<hbm>>)
      tpu.yield
    }) : () -> ()
    %mul3A_253 = arith.constant 40 : i32
    %mul3A_254 = arith.muli %add3A, %mul3A_253 : i32
    %add3A_255 = arith.constant 15 : i32
    %add3A_256 = arith.addi %mul3A_254, %add3A_255 : i32
    %mul3A_257 = arith.constant 1024 : i32
    %mul3A_258 = arith.muli %add3A, %mul3A_257 : i32
    %add3A_259 = arith.constant 384 : i32
    %add3A_260 = arith.addi %mul3A_258, %add3A_259 : i32
    %add3A_261 = arith.constant 0 : i32
    %add3A_262 = arith.addi %add3A_256, %add3A_261 : i32
    "tpu.region"() ({
      %run_scoped3A = tpu.sem_alloc : memref<!tpu.dma_semaphore, #tpu.memory_space<semaphore_mem>>
      %dma_start3A_678 = arith.constant 0 : i32
      %dma_start3A_679 = tpu.memref_slice %arg3[%add3A_262, %dma_start3A_678] : memref<1280x128xi32, #tpu.memory_space<hbm>> -> memref<1x128xi32, #tpu.memory_space<hbm>>
      %dma_start3A_680 = tpu.memref_squeeze %dma_start3A_679 : memref<1x128xi32, #tpu.memory_space<hbm>> -> memref<128xi32, #tpu.memory_space<hbm>>
      %dma_start3A_681 = arith.constant 0 : i32
      %dma_start3A_682 = tpu.memref_slice %arg3[%add3A_262, %dma_start3A_681] : memref<1280x128xi32, #tpu.memory_space<hbm>> -> memref<1x128xi32, #tpu.memory_space<hbm>>
      %dma_start3A_683 = tpu.memref_squeeze %dma_start3A_682 : memref<1x128xi32, #tpu.memory_space<hbm>> -> memref<128xi32, #tpu.memory_space<hbm>>
      tpu.enqueue_dma source(%dma_start3A_683 : memref<128xi32, #tpu.memory_space<hbm>>) target(%arg5 : memref<128xi32, #tpu.memory_space<vmem>>) target_semaphore(%run_scoped3A : memref<!tpu.dma_semaphore, #tpu.memory_space<semaphore_mem>>)
      %dma_wait3A_684 = arith.constant 0 : i32
      %dma_wait3A_685 = tpu.memref_slice %arg3[%add3A_262, %dma_wait3A_684] : memref<1280x128xi32, #tpu.memory_space<hbm>> -> memref<1x128xi32, #tpu.memory_space<hbm>>
      %dma_wait3A_686 = tpu.memref_squeeze %dma_wait3A_685 : memref<1x128xi32, #tpu.memory_space<hbm>> -> memref<128xi32, #tpu.memory_space<hbm>>
      %dma_wait3A_687 = arith.constant 0 : i32
      %dma_wait3A_688 = tpu.memref_slice %arg3[%add3A_262, %dma_wait3A_687] : memref<1280x128xi32, #tpu.memory_space<hbm>> -> memref<1x128xi32, #tpu.memory_space<hbm>>
      %dma_wait3A_689 = tpu.memref_squeeze %dma_wait3A_688 : memref<1x128xi32, #tpu.memory_space<hbm>> -> memref<128xi32, #tpu.memory_space<hbm>>
      tpu.wait_dma2 semaphore(%run_scoped3A : memref<!tpu.dma_semaphore, #tpu.memory_space<semaphore_mem>>) src(%dma_wait3A_689 : memref<128xi32, #tpu.memory_space<hbm>>) dst(%arg5 : memref<128xi32, #tpu.memory_space<vmem>>)
      tpu.yield
    }) : () -> ()
    %add3A_263 = arith.constant 1 : i32
    %add3A_264 = arith.addi %add3A_256, %add3A_263 : i32
    "tpu.region"() ({
      %run_scoped3A = tpu.sem_alloc : memref<!tpu.dma_semaphore, #tpu.memory_space<semaphore_mem>>
      %dma_start3A_678 = arith.constant 0 : i32
      %dma_start3A_679 = tpu.memref_slice %arg3[%add3A_264, %dma_start3A_678] : memref<1280x128xi32, #tpu.memory_space<hbm>> -> memref<1x128xi32, #tpu.memory_space<hbm>>
      %dma_start3A_680 = tpu.memref_squeeze %dma_start3A_679 : memref<1x128xi32, #tpu.memory_space<hbm>> -> memref<128xi32, #tpu.memory_space<hbm>>
      %dma_start3A_681 = arith.constant 0 : i32
      %dma_start3A_682 = tpu.memref_slice %arg3[%add3A_264, %dma_start3A_681] : memref<1280x128xi32, #tpu.memory_space<hbm>> -> memref<1x128xi32, #tpu.memory_space<hbm>>
      %dma_start3A_683 = tpu.memref_squeeze %dma_start3A_682 : memref<1x128xi32, #tpu.memory_space<hbm>> -> memref<128xi32, #tpu.memory_space<hbm>>
      tpu.enqueue_dma source(%dma_start3A_683 : memref<128xi32, #tpu.memory_space<hbm>>) target(%arg6 : memref<128xi32, #tpu.memory_space<vmem>>) target_semaphore(%run_scoped3A : memref<!tpu.dma_semaphore, #tpu.memory_space<semaphore_mem>>)
      %dma_wait3A_684 = arith.constant 0 : i32
      %dma_wait3A_685 = tpu.memref_slice %arg3[%add3A_264, %dma_wait3A_684] : memref<1280x128xi32, #tpu.memory_space<hbm>> -> memref<1x128xi32, #tpu.memory_space<hbm>>
      %dma_wait3A_686 = tpu.memref_squeeze %dma_wait3A_685 : memref<1x128xi32, #tpu.memory_space<hbm>> -> memref<128xi32, #tpu.memory_space<hbm>>
      %dma_wait3A_687 = arith.constant 0 : i32
      %dma_wait3A_688 = tpu.memref_slice %arg3[%add3A_264, %dma_wait3A_687] : memref<1280x128xi32, #tpu.memory_space<hbm>> -> memref<1x128xi32, #tpu.memory_space<hbm>>
      %dma_wait3A_689 = tpu.memref_squeeze %dma_wait3A_688 : memref<1x128xi32, #tpu.memory_space<hbm>> -> memref<128xi32, #tpu.memory_space<hbm>>
      tpu.wait_dma2 semaphore(%run_scoped3A : memref<!tpu.dma_semaphore, #tpu.memory_space<semaphore_mem>>) src(%dma_wait3A_689 : memref<128xi32, #tpu.memory_space<hbm>>) dst(%arg6 : memref<128xi32, #tpu.memory_space<vmem>>)
      tpu.yield
    }) : () -> ()
    %add3A_265 = arith.constant 2 : i32
    %add3A_266 = arith.addi %add3A_256, %add3A_265 : i32
    "tpu.region"() ({
      %run_scoped3A = tpu.sem_alloc : memref<!tpu.dma_semaphore, #tpu.memory_space<semaphore_mem>>
      %dma_start3A_678 = arith.constant 0 : i32
      %dma_start3A_679 = tpu.memref_slice %arg3[%add3A_266, %dma_start3A_678] : memref<1280x128xi32, #tpu.memory_space<hbm>> -> memref<1x128xi32, #tpu.memory_space<hbm>>
      %dma_start3A_680 = tpu.memref_squeeze %dma_start3A_679 : memref<1x128xi32, #tpu.memory_space<hbm>> -> memref<128xi32, #tpu.memory_space<hbm>>
      %dma_start3A_681 = arith.constant 0 : i32
      %dma_start3A_682 = tpu.memref_slice %arg3[%add3A_266, %dma_start3A_681] : memref<1280x128xi32, #tpu.memory_space<hbm>> -> memref<1x128xi32, #tpu.memory_space<hbm>>
      %dma_start3A_683 = tpu.memref_squeeze %dma_start3A_682 : memref<1x128xi32, #tpu.memory_space<hbm>> -> memref<128xi32, #tpu.memory_space<hbm>>
      tpu.enqueue_dma source(%dma_start3A_683 : memref<128xi32, #tpu.memory_space<hbm>>) target(%arg7 : memref<128xi32, #tpu.memory_space<vmem>>) target_semaphore(%run_scoped3A : memref<!tpu.dma_semaphore, #tpu.memory_space<semaphore_mem>>)
      %dma_wait3A_684 = arith.constant 0 : i32
      %dma_wait3A_685 = tpu.memref_slice %arg3[%add3A_266, %dma_wait3A_684] : memref<1280x128xi32, #tpu.memory_space<hbm>> -> memref<1x128xi32, #tpu.memory_space<hbm>>
      %dma_wait3A_686 = tpu.memref_squeeze %dma_wait3A_685 : memref<1x128xi32, #tpu.memory_space<hbm>> -> memref<128xi32, #tpu.memory_space<hbm>>
      %dma_wait3A_687 = arith.constant 0 : i32
      %dma_wait3A_688 = tpu.memref_slice %arg3[%add3A_266, %dma_wait3A_687] : memref<1280x128xi32, #tpu.memory_space<hbm>> -> memref<1x128xi32, #tpu.memory_space<hbm>>
      %dma_wait3A_689 = tpu.memref_squeeze %dma_wait3A_688 : memref<1x128xi32, #tpu.memory_space<hbm>> -> memref<128xi32, #tpu.memory_space<hbm>>
      tpu.wait_dma2 semaphore(%run_scoped3A : memref<!tpu.dma_semaphore, #tpu.memory_space<semaphore_mem>>) src(%dma_wait3A_689 : memref<128xi32, #tpu.memory_space<hbm>>) dst(%arg7 : memref<128xi32, #tpu.memory_space<vmem>>)
      tpu.yield
    }) : () -> ()
    %add3A_267 = arith.constant 3 : i32
    %add3A_268 = arith.addi %add3A_256, %add3A_267 : i32
    "tpu.region"() ({
      %run_scoped3A = tpu.sem_alloc : memref<!tpu.dma_semaphore, #tpu.memory_space<semaphore_mem>>
      %dma_start3A_678 = arith.constant 0 : i32
      %dma_start3A_679 = tpu.memref_slice %arg3[%add3A_268, %dma_start3A_678] : memref<1280x128xi32, #tpu.memory_space<hbm>> -> memref<1x128xi32, #tpu.memory_space<hbm>>
      %dma_start3A_680 = tpu.memref_squeeze %dma_start3A_679 : memref<1x128xi32, #tpu.memory_space<hbm>> -> memref<128xi32, #tpu.memory_space<hbm>>
      %dma_start3A_681 = arith.constant 0 : i32
      %dma_start3A_682 = tpu.memref_slice %arg3[%add3A_268, %dma_start3A_681] : memref<1280x128xi32, #tpu.memory_space<hbm>> -> memref<1x128xi32, #tpu.memory_space<hbm>>
      %dma_start3A_683 = tpu.memref_squeeze %dma_start3A_682 : memref<1x128xi32, #tpu.memory_space<hbm>> -> memref<128xi32, #tpu.memory_space<hbm>>
      tpu.enqueue_dma source(%dma_start3A_683 : memref<128xi32, #tpu.memory_space<hbm>>) target(%arg8 : memref<128xi32, #tpu.memory_space<vmem>>) target_semaphore(%run_scoped3A : memref<!tpu.dma_semaphore, #tpu.memory_space<semaphore_mem>>)
      %dma_wait3A_684 = arith.constant 0 : i32
      %dma_wait3A_685 = tpu.memref_slice %arg3[%add3A_268, %dma_wait3A_684] : memref<1280x128xi32, #tpu.memory_space<hbm>> -> memref<1x128xi32, #tpu.memory_space<hbm>>
      %dma_wait3A_686 = tpu.memref_squeeze %dma_wait3A_685 : memref<1x128xi32, #tpu.memory_space<hbm>> -> memref<128xi32, #tpu.memory_space<hbm>>
      %dma_wait3A_687 = arith.constant 0 : i32
      %dma_wait3A_688 = tpu.memref_slice %arg3[%add3A_268, %dma_wait3A_687] : memref<1280x128xi32, #tpu.memory_space<hbm>> -> memref<1x128xi32, #tpu.memory_space<hbm>>
      %dma_wait3A_689 = tpu.memref_squeeze %dma_wait3A_688 : memref<1x128xi32, #tpu.memory_space<hbm>> -> memref<128xi32, #tpu.memory_space<hbm>>
      tpu.wait_dma2 semaphore(%run_scoped3A : memref<!tpu.dma_semaphore, #tpu.memory_space<semaphore_mem>>) src(%dma_wait3A_689 : memref<128xi32, #tpu.memory_space<hbm>>) dst(%arg8 : memref<128xi32, #tpu.memory_space<vmem>>)
      tpu.yield
    }) : () -> ()
    %add3A_269 = arith.constant 4 : i32
    %add3A_270 = arith.addi %add3A_256, %add3A_269 : i32
    "tpu.region"() ({
      %run_scoped3A = tpu.sem_alloc : memref<!tpu.dma_semaphore, #tpu.memory_space<semaphore_mem>>
      %dma_start3A_678 = arith.constant 0 : i32
      %dma_start3A_679 = tpu.memref_slice %arg3[%add3A_270, %dma_start3A_678] : memref<1280x128xi32, #tpu.memory_space<hbm>> -> memref<1x128xi32, #tpu.memory_space<hbm>>
      %dma_start3A_680 = tpu.memref_squeeze %dma_start3A_679 : memref<1x128xi32, #tpu.memory_space<hbm>> -> memref<128xi32, #tpu.memory_space<hbm>>
      %dma_start3A_681 = arith.constant 0 : i32
      %dma_start3A_682 = tpu.memref_slice %arg3[%add3A_270, %dma_start3A_681] : memref<1280x128xi32, #tpu.memory_space<hbm>> -> memref<1x128xi32, #tpu.memory_space<hbm>>
      %dma_start3A_683 = tpu.memref_squeeze %dma_start3A_682 : memref<1x128xi32, #tpu.memory_space<hbm>> -> memref<128xi32, #tpu.memory_space<hbm>>
      tpu.enqueue_dma source(%dma_start3A_683 : memref<128xi32, #tpu.memory_space<hbm>>) target(%arg9 : memref<128xi32, #tpu.memory_space<vmem>>) target_semaphore(%run_scoped3A : memref<!tpu.dma_semaphore, #tpu.memory_space<semaphore_mem>>)
      %dma_wait3A_684 = arith.constant 0 : i32
      %dma_wait3A_685 = tpu.memref_slice %arg3[%add3A_270, %dma_wait3A_684] : memref<1280x128xi32, #tpu.memory_space<hbm>> -> memref<1x128xi32, #tpu.memory_space<hbm>>
      %dma_wait3A_686 = tpu.memref_squeeze %dma_wait3A_685 : memref<1x128xi32, #tpu.memory_space<hbm>> -> memref<128xi32, #tpu.memory_space<hbm>>
      %dma_wait3A_687 = arith.constant 0 : i32
      %dma_wait3A_688 = tpu.memref_slice %arg3[%add3A_270, %dma_wait3A_687] : memref<1280x128xi32, #tpu.memory_space<hbm>> -> memref<1x128xi32, #tpu.memory_space<hbm>>
      %dma_wait3A_689 = tpu.memref_squeeze %dma_wait3A_688 : memref<1x128xi32, #tpu.memory_space<hbm>> -> memref<128xi32, #tpu.memory_space<hbm>>
      tpu.wait_dma2 semaphore(%run_scoped3A : memref<!tpu.dma_semaphore, #tpu.memory_space<semaphore_mem>>) src(%dma_wait3A_689 : memref<128xi32, #tpu.memory_space<hbm>>) dst(%arg9 : memref<128xi32, #tpu.memory_space<vmem>>)
      tpu.yield
    }) : () -> ()
    %dma_start3A_271 = arith.constant 0 : i32
    %dma_start3A_272 = arith.constant 0 : i32
    %dma_start3A_273 = tpu.memref_slice %arg10[%dma_start3A_271, %dma_start3A_272] : memref<640x128xf32, #tpu.memory_space<vmem>> -> memref<128x128xf32, #tpu.memory_space<vmem>>
    %dma_start3A_274 = arith.constant 0 : i32
    %dma_start3A_275 = arith.constant 0 : i32
    %dma_start3A_276 = tpu.memref_slice %arg2[%dma_start3A_274, %dma_start3A_275] : memref<15872x128xf32, #tpu.memory_space<hbm>> -> memref<15872x128xf32, #tpu.memory_space<hbm>>
    tpu.enqueue_indirect_dma source(%dma_start3A_276 : memref<15872x128xf32, #tpu.memory_space<hbm>>) target(%dma_start3A_273 : memref<128x128xf32, #tpu.memory_space<vmem>>) offsets(%arg5 : memref<128xi32, #tpu.memory_space<vmem>>) semaphore(%arg12 : memref<!tpu.dma_semaphore, #tpu.memory_space<semaphore_mem>>)
    %dma_start3A_277 = arith.constant 128 : i32
    %dma_start3A_278 = arith.constant 0 : i32
    %dma_start3A_279 = tpu.memref_slice %arg10[%dma_start3A_277, %dma_start3A_278] : memref<640x128xf32, #tpu.memory_space<vmem>> -> memref<128x128xf32, #tpu.memory_space<vmem>>
    %dma_start3A_280 = arith.constant 0 : i32
    %dma_start3A_281 = arith.constant 0 : i32
    %dma_start3A_282 = tpu.memref_slice %arg2[%dma_start3A_280, %dma_start3A_281] : memref<15872x128xf32, #tpu.memory_space<hbm>> -> memref<15872x128xf32, #tpu.memory_space<hbm>>
    tpu.enqueue_indirect_dma source(%dma_start3A_282 : memref<15872x128xf32, #tpu.memory_space<hbm>>) target(%dma_start3A_279 : memref<128x128xf32, #tpu.memory_space<vmem>>) offsets(%arg6 : memref<128xi32, #tpu.memory_space<vmem>>) semaphore(%arg12 : memref<!tpu.dma_semaphore, #tpu.memory_space<semaphore_mem>>)
    %dma_start3A_283 = arith.constant 256 : i32
    %dma_start3A_284 = arith.constant 0 : i32
    %dma_start3A_285 = tpu.memref_slice %arg10[%dma_start3A_283, %dma_start3A_284] : memref<640x128xf32, #tpu.memory_space<vmem>> -> memref<128x128xf32, #tpu.memory_space<vmem>>
    %dma_start3A_286 = arith.constant 0 : i32
    %dma_start3A_287 = arith.constant 0 : i32
    %dma_start3A_288 = tpu.memref_slice %arg2[%dma_start3A_286, %dma_start3A_287] : memref<15872x128xf32, #tpu.memory_space<hbm>> -> memref<15872x128xf32, #tpu.memory_space<hbm>>
    tpu.enqueue_indirect_dma source(%dma_start3A_288 : memref<15872x128xf32, #tpu.memory_space<hbm>>) target(%dma_start3A_285 : memref<128x128xf32, #tpu.memory_space<vmem>>) offsets(%arg7 : memref<128xi32, #tpu.memory_space<vmem>>) semaphore(%arg12 : memref<!tpu.dma_semaphore, #tpu.memory_space<semaphore_mem>>)
    %dma_start3A_289 = arith.constant 384 : i32
    %dma_start3A_290 = arith.constant 0 : i32
    %dma_start3A_291 = tpu.memref_slice %arg10[%dma_start3A_289, %dma_start3A_290] : memref<640x128xf32, #tpu.memory_space<vmem>> -> memref<128x128xf32, #tpu.memory_space<vmem>>
    %dma_start3A_292 = arith.constant 0 : i32
    %dma_start3A_293 = arith.constant 0 : i32
    %dma_start3A_294 = tpu.memref_slice %arg2[%dma_start3A_292, %dma_start3A_293] : memref<15872x128xf32, #tpu.memory_space<hbm>> -> memref<15872x128xf32, #tpu.memory_space<hbm>>
    tpu.enqueue_indirect_dma source(%dma_start3A_294 : memref<15872x128xf32, #tpu.memory_space<hbm>>) target(%dma_start3A_291 : memref<128x128xf32, #tpu.memory_space<vmem>>) offsets(%arg8 : memref<128xi32, #tpu.memory_space<vmem>>) semaphore(%arg12 : memref<!tpu.dma_semaphore, #tpu.memory_space<semaphore_mem>>)
    %dma_start3A_295 = arith.constant 512 : i32
    %dma_start3A_296 = arith.constant 0 : i32
    %dma_start3A_297 = tpu.memref_slice %arg10[%dma_start3A_295, %dma_start3A_296] : memref<640x128xf32, #tpu.memory_space<vmem>> -> memref<128x128xf32, #tpu.memory_space<vmem>>
    %dma_start3A_298 = arith.constant 0 : i32
    %dma_start3A_299 = arith.constant 0 : i32
    %dma_start3A_300 = tpu.memref_slice %arg2[%dma_start3A_298, %dma_start3A_299] : memref<15872x128xf32, #tpu.memory_space<hbm>> -> memref<15872x128xf32, #tpu.memory_space<hbm>>
    tpu.enqueue_indirect_dma source(%dma_start3A_300 : memref<15872x128xf32, #tpu.memory_space<hbm>>) target(%dma_start3A_297 : memref<128x128xf32, #tpu.memory_space<vmem>>) offsets(%arg9 : memref<128xi32, #tpu.memory_space<vmem>>) semaphore(%arg12 : memref<!tpu.dma_semaphore, #tpu.memory_space<semaphore_mem>>)
    %dma_wait3A_301 = arith.constant 0 : i32
    %dma_wait3A_302 = arith.constant 0 : i32
    %dma_wait3A_303 = tpu.memref_slice %arg10[%dma_wait3A_301, %dma_wait3A_302] : memref<640x128xf32, #tpu.memory_space<vmem>> -> memref<128x128xf32, #tpu.memory_space<vmem>>
    %dma_wait3A_304 = arith.constant 0 : i32
    %dma_wait3A_305 = arith.constant 0 : i32
    %dma_wait3A_306 = tpu.memref_slice %arg2[%dma_wait3A_304, %dma_wait3A_305] : memref<15872x128xf32, #tpu.memory_space<hbm>> -> memref<15872x128xf32, #tpu.memory_space<hbm>>
    tpu.wait_indirect_dma semaphore(%arg12 : memref<!tpu.dma_semaphore, #tpu.memory_space<semaphore_mem>>) src(%dma_wait3A_306 : memref<15872x128xf32, #tpu.memory_space<hbm>>) dst(%dma_wait3A_303 : memref<128x128xf32, #tpu.memory_space<vmem>>)
    %dma_wait3A_307 = arith.constant 128 : i32
    %dma_wait3A_308 = arith.constant 0 : i32
    %dma_wait3A_309 = tpu.memref_slice %arg10[%dma_wait3A_307, %dma_wait3A_308] : memref<640x128xf32, #tpu.memory_space<vmem>> -> memref<128x128xf32, #tpu.memory_space<vmem>>
    %dma_wait3A_310 = arith.constant 0 : i32
    %dma_wait3A_311 = arith.constant 0 : i32
    %dma_wait3A_312 = tpu.memref_slice %arg2[%dma_wait3A_310, %dma_wait3A_311] : memref<15872x128xf32, #tpu.memory_space<hbm>> -> memref<15872x128xf32, #tpu.memory_space<hbm>>
    tpu.wait_indirect_dma semaphore(%arg12 : memref<!tpu.dma_semaphore, #tpu.memory_space<semaphore_mem>>) src(%dma_wait3A_312 : memref<15872x128xf32, #tpu.memory_space<hbm>>) dst(%dma_wait3A_309 : memref<128x128xf32, #tpu.memory_space<vmem>>)
    %dma_wait3A_313 = arith.constant 256 : i32
    %dma_wait3A_314 = arith.constant 0 : i32
    %dma_wait3A_315 = tpu.memref_slice %arg10[%dma_wait3A_313, %dma_wait3A_314] : memref<640x128xf32, #tpu.memory_space<vmem>> -> memref<128x128xf32, #tpu.memory_space<vmem>>
    %dma_wait3A_316 = arith.constant 0 : i32
    %dma_wait3A_317 = arith.constant 0 : i32
    %dma_wait3A_318 = tpu.memref_slice %arg2[%dma_wait3A_316, %dma_wait3A_317] : memref<15872x128xf32, #tpu.memory_space<hbm>> -> memref<15872x128xf32, #tpu.memory_space<hbm>>
    tpu.wait_indirect_dma semaphore(%arg12 : memref<!tpu.dma_semaphore, #tpu.memory_space<semaphore_mem>>) src(%dma_wait3A_318 : memref<15872x128xf32, #tpu.memory_space<hbm>>) dst(%dma_wait3A_315 : memref<128x128xf32, #tpu.memory_space<vmem>>)
    %dma_wait3A_319 = arith.constant 384 : i32
    %dma_wait3A_320 = arith.constant 0 : i32
    %dma_wait3A_321 = tpu.memref_slice %arg10[%dma_wait3A_319, %dma_wait3A_320] : memref<640x128xf32, #tpu.memory_space<vmem>> -> memref<128x128xf32, #tpu.memory_space<vmem>>
    %dma_wait3A_322 = arith.constant 0 : i32
    %dma_wait3A_323 = arith.constant 0 : i32
    %dma_wait3A_324 = tpu.memref_slice %arg2[%dma_wait3A_322, %dma_wait3A_323] : memref<15872x128xf32, #tpu.memory_space<hbm>> -> memref<15872x128xf32, #tpu.memory_space<hbm>>
    tpu.wait_indirect_dma semaphore(%arg12 : memref<!tpu.dma_semaphore, #tpu.memory_space<semaphore_mem>>) src(%dma_wait3A_324 : memref<15872x128xf32, #tpu.memory_space<hbm>>) dst(%dma_wait3A_321 : memref<128x128xf32, #tpu.memory_space<vmem>>)
    %dma_wait3A_325 = arith.constant 512 : i32
    %dma_wait3A_326 = arith.constant 0 : i32
    %dma_wait3A_327 = tpu.memref_slice %arg10[%dma_wait3A_325, %dma_wait3A_326] : memref<640x128xf32, #tpu.memory_space<vmem>> -> memref<128x128xf32, #tpu.memory_space<vmem>>
    %dma_wait3A_328 = arith.constant 0 : i32
    %dma_wait3A_329 = arith.constant 0 : i32
    %dma_wait3A_330 = tpu.memref_slice %arg2[%dma_wait3A_328, %dma_wait3A_329] : memref<15872x128xf32, #tpu.memory_space<hbm>> -> memref<15872x128xf32, #tpu.memory_space<hbm>>
    tpu.wait_indirect_dma semaphore(%arg12 : memref<!tpu.dma_semaphore, #tpu.memory_space<semaphore_mem>>) src(%dma_wait3A_330 : memref<15872x128xf32, #tpu.memory_space<hbm>>) dst(%dma_wait3A_327 : memref<128x128xf32, #tpu.memory_space<vmem>>)
    %scan3A_331 = arith.constant 0 : i32
    %scan3A_332 = arith.constant 0 : i32
    %scan3A_333 = arith.constant 128 : i32
    %scan3A_334 = arith.addi %scan3A_332, %scan3A_333 : i32
    %scan3A_335 = arith.constant 1 : i32
    %scan3A_336 = scf.for %scan3A_678 = %scan3A_332 to %scan3A_334 step %scan3A_335 iter_args(%scan3A_679 = %scan3A_331) -> (i32)  : i32 {
      %mul3A_680 = arith.constant 5 : i32
      %mul3A_681 = arith.muli %scan3A_678, %mul3A_680 : i32
      %get3A = arith.index_cast %mul3A_681 : i32 to index
      %get3A_682 = arith.constant 0 : index
      %get3A_683 = tpu.vector_load %arg10[%get3A, %get3A_682] {strides = array<i32>} : memref<640x128xf32, #tpu.memory_space<vmem>>, vector<1x16xf32>,
      %get3A_684 = vector.shape_cast %get3A_683 : vector<1x16xf32> to vector<16xf32>
      %add3A_685 = arith.constant 1 : i32
      %add3A_686 = arith.addi %mul3A_681, %add3A_685 : i32
      %get3A_687 = arith.index_cast %add3A_686 : i32 to index
      %get3A_688 = arith.constant 0 : index
      %get3A_689 = tpu.vector_load %arg10[%get3A_687, %get3A_688] {strides = array<i32>} : memref<640x128xf32, #tpu.memory_space<vmem>>, vector<1x16xf32>,
      %get3A_690 = vector.shape_cast %get3A_689 : vector<1x16xf32> to vector<16xf32>
      %add3A_691 = arith.addf %get3A_684, %get3A_690 : vector<16xf32>
      %add3A_692 = arith.constant 2 : i32
      %add3A_693 = arith.addi %mul3A_681, %add3A_692 : i32
      %get3A_694 = arith.index_cast %add3A_693 : i32 to index
      %get3A_695 = arith.constant 0 : index
      %get3A_696 = tpu.vector_load %arg10[%get3A_694, %get3A_695] {strides = array<i32>} : memref<640x128xf32, #tpu.memory_space<vmem>>, vector<1x16xf32>,
      %get3A_697 = vector.shape_cast %get3A_696 : vector<1x16xf32> to vector<16xf32>
      %add3A_698 = arith.constant 3 : i32
      %add3A_699 = arith.addi %mul3A_681, %add3A_698 : i32
      %get3A_700 = arith.index_cast %add3A_699 : i32 to index
      %get3A_701 = arith.constant 0 : index
      %get3A_702 = tpu.vector_load %arg10[%get3A_700, %get3A_701] {strides = array<i32>} : memref<640x128xf32, #tpu.memory_space<vmem>>, vector<1x16xf32>,
      %get3A_703 = vector.shape_cast %get3A_702 : vector<1x16xf32> to vector<16xf32>
      %add3A_704 = arith.addf %get3A_697, %get3A_703 : vector<16xf32>
      %add3A_705 = arith.addf %add3A_691, %add3A_704 : vector<16xf32>
      %add3A_706 = arith.constant 4 : i32
      %add3A_707 = arith.addi %mul3A_681, %add3A_706 : i32
      %get3A_708 = arith.index_cast %add3A_707 : i32 to index
      %get3A_709 = arith.constant 0 : index
      %get3A_710 = tpu.vector_load %arg10[%get3A_708, %get3A_709] {strides = array<i32>} : memref<640x128xf32, #tpu.memory_space<vmem>>, vector<1x16xf32>,
      %get3A_711 = vector.shape_cast %get3A_710 : vector<1x16xf32> to vector<16xf32>
      %add3A_712 = arith.addf %add3A_705, %get3A_711 : vector<16xf32>
      %swap3A = arith.index_cast %scan3A_678 : i32 to index
      %swap3A_713 = arith.constant 0 : index
      %swap3A_714 = tpu.vector_load %arg11[%swap3A, %swap3A_713] {strides = array<i32>} : memref<128x64xf32, #tpu.memory_space<vmem>>, vector<1x16xf32>,
      %swap3A_715 = vector.shape_cast %swap3A_714 : vector<1x16xf32> to vector<16xf32>
      %swap3A_716 = vector.shape_cast %add3A_712 : vector<16xf32> to vector<1x16xf32>
      tpu.vector_store %arg11[%swap3A, %swap3A_713], %swap3A_716 {strides = array<i32>} : memref<128x64xf32, #tpu.memory_space<vmem>>, vector<1x16xf32>,
      %get3A_717 = arith.index_cast %mul3A_681 : i32 to index
      %get3A_718 = arith.constant 16 : index
      %get3A_719 = tpu.vector_load %arg10[%get3A_717, %get3A_718] {strides = array<i32>} : memref<640x128xf32, #tpu.memory_space<vmem>>, vector<1x16xf32>,
      %get3A_720 = vector.shape_cast %get3A_719 : vector<1x16xf32> to vector<16xf32>
      %add3A_721 = arith.constant 1 : i32
      %add3A_722 = arith.addi %mul3A_681, %add3A_721 : i32
      %get3A_723 = arith.index_cast %add3A_722 : i32 to index
      %get3A_724 = arith.constant 16 : index
      %get3A_725 = tpu.vector_load %arg10[%get3A_723, %get3A_724] {strides = array<i32>} : memref<640x128xf32, #tpu.memory_space<vmem>>, vector<1x16xf32>,
      %get3A_726 = vector.shape_cast %get3A_725 : vector<1x16xf32> to vector<16xf32>
      %add3A_727 = arith.addf %get3A_720, %get3A_726 : vector<16xf32>
      %add3A_728 = arith.constant 2 : i32
      %add3A_729 = arith.addi %mul3A_681, %add3A_728 : i32
      %get3A_730 = arith.index_cast %add3A_729 : i32 to index
      %get3A_731 = arith.constant 16 : index
      %get3A_732 = tpu.vector_load %arg10[%get3A_730, %get3A_731] {strides = array<i32>} : memref<640x128xf32, #tpu.memory_space<vmem>>, vector<1x16xf32>,
      %get3A_733 = vector.shape_cast %get3A_732 : vector<1x16xf32> to vector<16xf32>
      %add3A_734 = arith.constant 3 : i32
      %add3A_735 = arith.addi %mul3A_681, %add3A_734 : i32
      %get3A_736 = arith.index_cast %add3A_735 : i32 to index
      %get3A_737 = arith.constant 16 : index
      %get3A_738 = tpu.vector_load %arg10[%get3A_736, %get3A_737] {strides = array<i32>} : memref<640x128xf32, #tpu.memory_space<vmem>>, vector<1x16xf32>,
      %get3A_739 = vector.shape_cast %get3A_738 : vector<1x16xf32> to vector<16xf32>
      %add3A_740 = arith.addf %get3A_733, %get3A_739 : vector<16xf32>
      %add3A_741 = arith.addf %add3A_727, %add3A_740 : vector<16xf32>
      %add3A_742 = arith.constant 4 : i32
      %add3A_743 = arith.addi %mul3A_681, %add3A_742 : i32
      %get3A_744 = arith.index_cast %add3A_743 : i32 to index
      %get3A_745 = arith.constant 16 : index
      %get3A_746 = tpu.vector_load %arg10[%get3A_744, %get3A_745] {strides = array<i32>} : memref<640x128xf32, #tpu.memory_space<vmem>>, vector<1x16xf32>,
      %get3A_747 = vector.shape_cast %get3A_746 : vector<1x16xf32> to vector<16xf32>
      %add3A_748 = arith.addf %add3A_741, %get3A_747 : vector<16xf32>
      %swap3A_749 = arith.index_cast %scan3A_678 : i32 to index
      %swap3A_750 = arith.constant 16 : index
      %swap3A_751 = tpu.vector_load %arg11[%swap3A_749, %swap3A_750] {strides = array<i32>} : memref<128x64xf32, #tpu.memory_space<vmem>>, vector<1x16xf32>,
      %swap3A_752 = vector.shape_cast %swap3A_751 : vector<1x16xf32> to vector<16xf32>
      %swap3A_753 = vector.shape_cast %add3A_748 : vector<16xf32> to vector<1x16xf32>
      tpu.vector_store %arg11[%swap3A_749, %swap3A_750], %swap3A_753 {strides = array<i32>} : memref<128x64xf32, #tpu.memory_space<vmem>>, vector<1x16xf32>,
      %get3A_754 = arith.index_cast %mul3A_681 : i32 to index
      %get3A_755 = arith.constant 32 : index
      %get3A_756 = tpu.vector_load %arg10[%get3A_754, %get3A_755] {strides = array<i32>} : memref<640x128xf32, #tpu.memory_space<vmem>>, vector<1x16xf32>,
      %get3A_757 = vector.shape_cast %get3A_756 : vector<1x16xf32> to vector<16xf32>
      %add3A_758 = arith.constant 1 : i32
      %add3A_759 = arith.addi %mul3A_681, %add3A_758 : i32
      %get3A_760 = arith.index_cast %add3A_759 : i32 to index
      %get3A_761 = arith.constant 32 : index
      %get3A_762 = tpu.vector_load %arg10[%get3A_760, %get3A_761] {strides = array<i32>} : memref<640x128xf32, #tpu.memory_space<vmem>>, vector<1x16xf32>,
      %get3A_763 = vector.shape_cast %get3A_762 : vector<1x16xf32> to vector<16xf32>
      %add3A_764 = arith.addf %get3A_757, %get3A_763 : vector<16xf32>
      %add3A_765 = arith.constant 2 : i32
      %add3A_766 = arith.addi %mul3A_681, %add3A_765 : i32
      %get3A_767 = arith.index_cast %add3A_766 : i32 to index
      %get3A_768 = arith.constant 32 : index
      %get3A_769 = tpu.vector_load %arg10[%get3A_767, %get3A_768] {strides = array<i32>} : memref<640x128xf32, #tpu.memory_space<vmem>>, vector<1x16xf32>,
      %get3A_770 = vector.shape_cast %get3A_769 : vector<1x16xf32> to vector<16xf32>
      %add3A_771 = arith.constant 3 : i32
      %add3A_772 = arith.addi %mul3A_681, %add3A_771 : i32
      %get3A_773 = arith.index_cast %add3A_772 : i32 to index
      %get3A_774 = arith.constant 32 : index
      %get3A_775 = tpu.vector_load %arg10[%get3A_773, %get3A_774] {strides = array<i32>} : memref<640x128xf32, #tpu.memory_space<vmem>>, vector<1x16xf32>,
      %get3A_776 = vector.shape_cast %get3A_775 : vector<1x16xf32> to vector<16xf32>
      %add3A_777 = arith.addf %get3A_770, %get3A_776 : vector<16xf32>
      %add3A_778 = arith.addf %add3A_764, %add3A_777 : vector<16xf32>
      %add3A_779 = arith.constant 4 : i32
      %add3A_780 = arith.addi %mul3A_681, %add3A_779 : i32
      %get3A_781 = arith.index_cast %add3A_780 : i32 to index
      %get3A_782 = arith.constant 32 : index
      %get3A_783 = tpu.vector_load %arg10[%get3A_781, %get3A_782] {strides = array<i32>} : memref<640x128xf32, #tpu.memory_space<vmem>>, vector<1x16xf32>,
      %get3A_784 = vector.shape_cast %get3A_783 : vector<1x16xf32> to vector<16xf32>
      %add3A_785 = arith.addf %add3A_778, %get3A_784 : vector<16xf32>
      %swap3A_786 = arith.index_cast %scan3A_678 : i32 to index
      %swap3A_787 = arith.constant 32 : index
      %swap3A_788 = tpu.vector_load %arg11[%swap3A_786, %swap3A_787] {strides = array<i32>} : memref<128x64xf32, #tpu.memory_space<vmem>>, vector<1x16xf32>,
      %swap3A_789 = vector.shape_cast %swap3A_788 : vector<1x16xf32> to vector<16xf32>
      %swap3A_790 = vector.shape_cast %add3A_785 : vector<16xf32> to vector<1x16xf32>
      tpu.vector_store %arg11[%swap3A_786, %swap3A_787], %swap3A_790 {strides = array<i32>} : memref<128x64xf32, #tpu.memory_space<vmem>>, vector<1x16xf32>,
      %get3A_791 = arith.index_cast %mul3A_681 : i32 to index
      %get3A_792 = arith.constant 48 : index
      %get3A_793 = tpu.vector_load %arg10[%get3A_791, %get3A_792] {strides = array<i32>} : memref<640x128xf32, #tpu.memory_space<vmem>>, vector<1x16xf32>,
      %get3A_794 = vector.shape_cast %get3A_793 : vector<1x16xf32> to vector<16xf32>
      %add3A_795 = arith.constant 1 : i32
      %add3A_796 = arith.addi %mul3A_681, %add3A_795 : i32
      %get3A_797 = arith.index_cast %add3A_796 : i32 to index
      %get3A_798 = arith.constant 48 : index
      %get3A_799 = tpu.vector_load %arg10[%get3A_797, %get3A_798] {strides = array<i32>} : memref<640x128xf32, #tpu.memory_space<vmem>>, vector<1x16xf32>,
      %get3A_800 = vector.shape_cast %get3A_799 : vector<1x16xf32> to vector<16xf32>
      %add3A_801 = arith.addf %get3A_794, %get3A_800 : vector<16xf32>
      %add3A_802 = arith.constant 2 : i32
      %add3A_803 = arith.addi %mul3A_681, %add3A_802 : i32
      %get3A_804 = arith.index_cast %add3A_803 : i32 to index
      %get3A_805 = arith.constant 48 : index
      %get3A_806 = tpu.vector_load %arg10[%get3A_804, %get3A_805] {strides = array<i32>} : memref<640x128xf32, #tpu.memory_space<vmem>>, vector<1x16xf32>,
      %get3A_807 = vector.shape_cast %get3A_806 : vector<1x16xf32> to vector<16xf32>
      %add3A_808 = arith.constant 3 : i32
      %add3A_809 = arith.addi %mul3A_681, %add3A_808 : i32
      %get3A_810 = arith.index_cast %add3A_809 : i32 to index
      %get3A_811 = arith.constant 48 : index
      %get3A_812 = tpu.vector_load %arg10[%get3A_810, %get3A_811] {strides = array<i32>} : memref<640x128xf32, #tpu.memory_space<vmem>>, vector<1x16xf32>,
      %get3A_813 = vector.shape_cast %get3A_812 : vector<1x16xf32> to vector<16xf32>
      %add3A_814 = arith.addf %get3A_807, %get3A_813 : vector<16xf32>
      %add3A_815 = arith.addf %add3A_801, %add3A_814 : vector<16xf32>
      %add3A_816 = arith.constant 4 : i32
      %add3A_817 = arith.addi %mul3A_681, %add3A_816 : i32
      %get3A_818 = arith.index_cast %add3A_817 : i32 to index
      %get3A_819 = arith.constant 48 : index
      %get3A_820 = tpu.vector_load %arg10[%get3A_818, %get3A_819] {strides = array<i32>} : memref<640x128xf32, #tpu.memory_space<vmem>>, vector<1x16xf32>,
      %get3A_821 = vector.shape_cast %get3A_820 : vector<1x16xf32> to vector<16xf32>
      %add3A_822 = arith.addf %add3A_815, %get3A_821 : vector<16xf32>
      %swap3A_823 = arith.index_cast %scan3A_678 : i32 to index
      %swap3A_824 = arith.constant 48 : index
      %swap3A_825 = tpu.vector_load %arg11[%swap3A_823, %swap3A_824] {strides = array<i32>} : memref<128x64xf32, #tpu.memory_space<vmem>>, vector<1x16xf32>,
      %swap3A_826 = vector.shape_cast %swap3A_825 : vector<1x16xf32> to vector<16xf32>
      %swap3A_827 = vector.shape_cast %add3A_822 : vector<16xf32> to vector<1x16xf32>
      tpu.vector_store %arg11[%swap3A_823, %swap3A_824], %swap3A_827 {strides = array<i32>} : memref<128x64xf32, #tpu.memory_space<vmem>>, vector<1x16xf32>,
      %scan3A_828 = arith.constant 0 : i32
      scf.yield %scan3A_828 : i32
    }
    %scan3A_337 = arith.constant 128 : i32
    "tpu.region"() ({
      %run_scoped3A = tpu.sem_alloc : memref<!tpu.dma_semaphore, #tpu.memory_space<semaphore_mem>>
      %dma_start3A_678 = arith.constant 0 : i32
      %dma_start3A_679 = tpu.memref_slice %arg4[%add3A_260, %dma_start3A_678] : memref<32768x64xf32, #tpu.memory_space<hbm>> -> memref<128x64xf32, #tpu.memory_space<hbm>>
      %dma_start3A_680 = arith.constant 0 : i32
      %dma_start3A_681 = tpu.memref_slice %arg4[%add3A_260, %dma_start3A_680] : memref<32768x64xf32, #tpu.memory_space<hbm>> -> memref<128x64xf32, #tpu.memory_space<hbm>>
      tpu.enqueue_dma source(%arg11 : memref<128x64xf32, #tpu.memory_space<vmem>>) target(%dma_start3A_681 : memref<128x64xf32, #tpu.memory_space<hbm>>) target_semaphore(%run_scoped3A : memref<!tpu.dma_semaphore, #tpu.memory_space<semaphore_mem>>)
      %dma_wait3A_682 = arith.constant 0 : i32
      %dma_wait3A_683 = tpu.memref_slice %arg4[%add3A_260, %dma_wait3A_682] : memref<32768x64xf32, #tpu.memory_space<hbm>> -> memref<128x64xf32, #tpu.memory_space<hbm>>
      %dma_wait3A_684 = arith.constant 0 : i32
      %dma_wait3A_685 = tpu.memref_slice %arg4[%add3A_260, %dma_wait3A_684] : memref<32768x64xf32, #tpu.memory_space<hbm>> -> memref<128x64xf32, #tpu.memory_space<hbm>>
      tpu.wait_dma2 semaphore(%run_scoped3A : memref<!tpu.dma_semaphore, #tpu.memory_space<semaphore_mem>>) src(%arg11 : memref<128x64xf32, #tpu.memory_space<vmem>>) dst(%dma_wait3A_685 : memref<128x64xf32, #tpu.memory_space<hbm>>)
      tpu.yield
    }) : () -> ()
    %mul3A_338 = arith.constant 40 : i32
    %mul3A_339 = arith.muli %add3A, %mul3A_338 : i32
    %add3A_340 = arith.constant 20 : i32
    %add3A_341 = arith.addi %mul3A_339, %add3A_340 : i32
    %mul3A_342 = arith.constant 1024 : i32
    %mul3A_343 = arith.muli %add3A, %mul3A_342 : i32
    %add3A_344 = arith.constant 512 : i32
    %add3A_345 = arith.addi %mul3A_343, %add3A_344 : i32
    %add3A_346 = arith.constant 0 : i32
    %add3A_347 = arith.addi %add3A_341, %add3A_346 : i32
    "tpu.region"() ({
      %run_scoped3A = tpu.sem_alloc : memref<!tpu.dma_semaphore, #tpu.memory_space<semaphore_mem>>
      %dma_start3A_678 = arith.constant 0 : i32
      %dma_start3A_679 = tpu.memref_slice %arg3[%add3A_347, %dma_start3A_678] : memref<1280x128xi32, #tpu.memory_space<hbm>> -> memref<1x128xi32, #tpu.memory_space<hbm>>
      %dma_start3A_680 = tpu.memref_squeeze %dma_start3A_679 : memref<1x128xi32, #tpu.memory_space<hbm>> -> memref<128xi32, #tpu.memory_space<hbm>>
      %dma_start3A_681 = arith.constant 0 : i32
      %dma_start3A_682 = tpu.memref_slice %arg3[%add3A_347, %dma_start3A_681] : memref<1280x128xi32, #tpu.memory_space<hbm>> -> memref<1x128xi32, #tpu.memory_space<hbm>>
      %dma_start3A_683 = tpu.memref_squeeze %dma_start3A_682 : memref<1x128xi32, #tpu.memory_space<hbm>> -> memref<128xi32, #tpu.memory_space<hbm>>
      tpu.enqueue_dma source(%dma_start3A_683 : memref<128xi32, #tpu.memory_space<hbm>>) target(%arg5 : memref<128xi32, #tpu.memory_space<vmem>>) target_semaphore(%run_scoped3A : memref<!tpu.dma_semaphore, #tpu.memory_space<semaphore_mem>>)
      %dma_wait3A_684 = arith.constant 0 : i32
      %dma_wait3A_685 = tpu.memref_slice %arg3[%add3A_347, %dma_wait3A_684] : memref<1280x128xi32, #tpu.memory_space<hbm>> -> memref<1x128xi32, #tpu.memory_space<hbm>>
      %dma_wait3A_686 = tpu.memref_squeeze %dma_wait3A_685 : memref<1x128xi32, #tpu.memory_space<hbm>> -> memref<128xi32, #tpu.memory_space<hbm>>
      %dma_wait3A_687 = arith.constant 0 : i32
      %dma_wait3A_688 = tpu.memref_slice %arg3[%add3A_347, %dma_wait3A_687] : memref<1280x128xi32, #tpu.memory_space<hbm>> -> memref<1x128xi32, #tpu.memory_space<hbm>>
      %dma_wait3A_689 = tpu.memref_squeeze %dma_wait3A_688 : memref<1x128xi32, #tpu.memory_space<hbm>> -> memref<128xi32, #tpu.memory_space<hbm>>
      tpu.wait_dma2 semaphore(%run_scoped3A : memref<!tpu.dma_semaphore, #tpu.memory_space<semaphore_mem>>) src(%dma_wait3A_689 : memref<128xi32, #tpu.memory_space<hbm>>) dst(%arg5 : memref<128xi32, #tpu.memory_space<vmem>>)
      tpu.yield
    }) : () -> ()
    %add3A_348 = arith.constant 1 : i32
    %add3A_349 = arith.addi %add3A_341, %add3A_348 : i32
    "tpu.region"() ({
      %run_scoped3A = tpu.sem_alloc : memref<!tpu.dma_semaphore, #tpu.memory_space<semaphore_mem>>
      %dma_start3A_678 = arith.constant 0 : i32
      %dma_start3A_679 = tpu.memref_slice %arg3[%add3A_349, %dma_start3A_678] : memref<1280x128xi32, #tpu.memory_space<hbm>> -> memref<1x128xi32, #tpu.memory_space<hbm>>
      %dma_start3A_680 = tpu.memref_squeeze %dma_start3A_679 : memref<1x128xi32, #tpu.memory_space<hbm>> -> memref<128xi32, #tpu.memory_space<hbm>>
      %dma_start3A_681 = arith.constant 0 : i32
      %dma_start3A_682 = tpu.memref_slice %arg3[%add3A_349, %dma_start3A_681] : memref<1280x128xi32, #tpu.memory_space<hbm>> -> memref<1x128xi32, #tpu.memory_space<hbm>>
      %dma_start3A_683 = tpu.memref_squeeze %dma_start3A_682 : memref<1x128xi32, #tpu.memory_space<hbm>> -> memref<128xi32, #tpu.memory_space<hbm>>
      tpu.enqueue_dma source(%dma_start3A_683 : memref<128xi32, #tpu.memory_space<hbm>>) target(%arg6 : memref<128xi32, #tpu.memory_space<vmem>>) target_semaphore(%run_scoped3A : memref<!tpu.dma_semaphore, #tpu.memory_space<semaphore_mem>>)
      %dma_wait3A_684 = arith.constant 0 : i32
      %dma_wait3A_685 = tpu.memref_slice %arg3[%add3A_349, %dma_wait3A_684] : memref<1280x128xi32, #tpu.memory_space<hbm>> -> memref<1x128xi32, #tpu.memory_space<hbm>>
      %dma_wait3A_686 = tpu.memref_squeeze %dma_wait3A_685 : memref<1x128xi32, #tpu.memory_space<hbm>> -> memref<128xi32, #tpu.memory_space<hbm>>
      %dma_wait3A_687 = arith.constant 0 : i32
      %dma_wait3A_688 = tpu.memref_slice %arg3[%add3A_349, %dma_wait3A_687] : memref<1280x128xi32, #tpu.memory_space<hbm>> -> memref<1x128xi32, #tpu.memory_space<hbm>>
      %dma_wait3A_689 = tpu.memref_squeeze %dma_wait3A_688 : memref<1x128xi32, #tpu.memory_space<hbm>> -> memref<128xi32, #tpu.memory_space<hbm>>
      tpu.wait_dma2 semaphore(%run_scoped3A : memref<!tpu.dma_semaphore, #tpu.memory_space<semaphore_mem>>) src(%dma_wait3A_689 : memref<128xi32, #tpu.memory_space<hbm>>) dst(%arg6 : memref<128xi32, #tpu.memory_space<vmem>>)
      tpu.yield
    }) : () -> ()
    %add3A_350 = arith.constant 2 : i32
    %add3A_351 = arith.addi %add3A_341, %add3A_350 : i32
    "tpu.region"() ({
      %run_scoped3A = tpu.sem_alloc : memref<!tpu.dma_semaphore, #tpu.memory_space<semaphore_mem>>
      %dma_start3A_678 = arith.constant 0 : i32
      %dma_start3A_679 = tpu.memref_slice %arg3[%add3A_351, %dma_start3A_678] : memref<1280x128xi32, #tpu.memory_space<hbm>> -> memref<1x128xi32, #tpu.memory_space<hbm>>
      %dma_start3A_680 = tpu.memref_squeeze %dma_start3A_679 : memref<1x128xi32, #tpu.memory_space<hbm>> -> memref<128xi32, #tpu.memory_space<hbm>>
      %dma_start3A_681 = arith.constant 0 : i32
      %dma_start3A_682 = tpu.memref_slice %arg3[%add3A_351, %dma_start3A_681] : memref<1280x128xi32, #tpu.memory_space<hbm>> -> memref<1x128xi32, #tpu.memory_space<hbm>>
      %dma_start3A_683 = tpu.memref_squeeze %dma_start3A_682 : memref<1x128xi32, #tpu.memory_space<hbm>> -> memref<128xi32, #tpu.memory_space<hbm>>
      tpu.enqueue_dma source(%dma_start3A_683 : memref<128xi32, #tpu.memory_space<hbm>>) target(%arg7 : memref<128xi32, #tpu.memory_space<vmem>>) target_semaphore(%run_scoped3A : memref<!tpu.dma_semaphore, #tpu.memory_space<semaphore_mem>>)
      %dma_wait3A_684 = arith.constant 0 : i32
      %dma_wait3A_685 = tpu.memref_slice %arg3[%add3A_351, %dma_wait3A_684] : memref<1280x128xi32, #tpu.memory_space<hbm>> -> memref<1x128xi32, #tpu.memory_space<hbm>>
      %dma_wait3A_686 = tpu.memref_squeeze %dma_wait3A_685 : memref<1x128xi32, #tpu.memory_space<hbm>> -> memref<128xi32, #tpu.memory_space<hbm>>
      %dma_wait3A_687 = arith.constant 0 : i32
      %dma_wait3A_688 = tpu.memref_slice %arg3[%add3A_351, %dma_wait3A_687] : memref<1280x128xi32, #tpu.memory_space<hbm>> -> memref<1x128xi32, #tpu.memory_space<hbm>>
      %dma_wait3A_689 = tpu.memref_squeeze %dma_wait3A_688 : memref<1x128xi32, #tpu.memory_space<hbm>> -> memref<128xi32, #tpu.memory_space<hbm>>
      tpu.wait_dma2 semaphore(%run_scoped3A : memref<!tpu.dma_semaphore, #tpu.memory_space<semaphore_mem>>) src(%dma_wait3A_689 : memref<128xi32, #tpu.memory_space<hbm>>) dst(%arg7 : memref<128xi32, #tpu.memory_space<vmem>>)
      tpu.yield
    }) : () -> ()
    %add3A_352 = arith.constant 3 : i32
    %add3A_353 = arith.addi %add3A_341, %add3A_352 : i32
    "tpu.region"() ({
      %run_scoped3A = tpu.sem_alloc : memref<!tpu.dma_semaphore, #tpu.memory_space<semaphore_mem>>
      %dma_start3A_678 = arith.constant 0 : i32
      %dma_start3A_679 = tpu.memref_slice %arg3[%add3A_353, %dma_start3A_678] : memref<1280x128xi32, #tpu.memory_space<hbm>> -> memref<1x128xi32, #tpu.memory_space<hbm>>
      %dma_start3A_680 = tpu.memref_squeeze %dma_start3A_679 : memref<1x128xi32, #tpu.memory_space<hbm>> -> memref<128xi32, #tpu.memory_space<hbm>>
      %dma_start3A_681 = arith.constant 0 : i32
      %dma_start3A_682 = tpu.memref_slice %arg3[%add3A_353, %dma_start3A_681] : memref<1280x128xi32, #tpu.memory_space<hbm>> -> memref<1x128xi32, #tpu.memory_space<hbm>>
      %dma_start3A_683 = tpu.memref_squeeze %dma_start3A_682 : memref<1x128xi32, #tpu.memory_space<hbm>> -> memref<128xi32, #tpu.memory_space<hbm>>
      tpu.enqueue_dma source(%dma_start3A_683 : memref<128xi32, #tpu.memory_space<hbm>>) target(%arg8 : memref<128xi32, #tpu.memory_space<vmem>>) target_semaphore(%run_scoped3A : memref<!tpu.dma_semaphore, #tpu.memory_space<semaphore_mem>>)
      %dma_wait3A_684 = arith.constant 0 : i32
      %dma_wait3A_685 = tpu.memref_slice %arg3[%add3A_353, %dma_wait3A_684] : memref<1280x128xi32, #tpu.memory_space<hbm>> -> memref<1x128xi32, #tpu.memory_space<hbm>>
      %dma_wait3A_686 = tpu.memref_squeeze %dma_wait3A_685 : memref<1x128xi32, #tpu.memory_space<hbm>> -> memref<128xi32, #tpu.memory_space<hbm>>
      %dma_wait3A_687 = arith.constant 0 : i32
      %dma_wait3A_688 = tpu.memref_slice %arg3[%add3A_353, %dma_wait3A_687] : memref<1280x128xi32, #tpu.memory_space<hbm>> -> memref<1x128xi32, #tpu.memory_space<hbm>>
      %dma_wait3A_689 = tpu.memref_squeeze %dma_wait3A_688 : memref<1x128xi32, #tpu.memory_space<hbm>> -> memref<128xi32, #tpu.memory_space<hbm>>
      tpu.wait_dma2 semaphore(%run_scoped3A : memref<!tpu.dma_semaphore, #tpu.memory_space<semaphore_mem>>) src(%dma_wait3A_689 : memref<128xi32, #tpu.memory_space<hbm>>) dst(%arg8 : memref<128xi32, #tpu.memory_space<vmem>>)
      tpu.yield
    }) : () -> ()
    %add3A_354 = arith.constant 4 : i32
    %add3A_355 = arith.addi %add3A_341, %add3A_354 : i32
    "tpu.region"() ({
      %run_scoped3A = tpu.sem_alloc : memref<!tpu.dma_semaphore, #tpu.memory_space<semaphore_mem>>
      %dma_start3A_678 = arith.constant 0 : i32
      %dma_start3A_679 = tpu.memref_slice %arg3[%add3A_355, %dma_start3A_678] : memref<1280x128xi32, #tpu.memory_space<hbm>> -> memref<1x128xi32, #tpu.memory_space<hbm>>
      %dma_start3A_680 = tpu.memref_squeeze %dma_start3A_679 : memref<1x128xi32, #tpu.memory_space<hbm>> -> memref<128xi32, #tpu.memory_space<hbm>>
      %dma_start3A_681 = arith.constant 0 : i32
      %dma_start3A_682 = tpu.memref_slice %arg3[%add3A_355, %dma_start3A_681] : memref<1280x128xi32, #tpu.memory_space<hbm>> -> memref<1x128xi32, #tpu.memory_space<hbm>>
      %dma_start3A_683 = tpu.memref_squeeze %dma_start3A_682 : memref<1x128xi32, #tpu.memory_space<hbm>> -> memref<128xi32, #tpu.memory_space<hbm>>
      tpu.enqueue_dma source(%dma_start3A_683 : memref<128xi32, #tpu.memory_space<hbm>>) target(%arg9 : memref<128xi32, #tpu.memory_space<vmem>>) target_semaphore(%run_scoped3A : memref<!tpu.dma_semaphore, #tpu.memory_space<semaphore_mem>>)
      %dma_wait3A_684 = arith.constant 0 : i32
      %dma_wait3A_685 = tpu.memref_slice %arg3[%add3A_355, %dma_wait3A_684] : memref<1280x128xi32, #tpu.memory_space<hbm>> -> memref<1x128xi32, #tpu.memory_space<hbm>>
      %dma_wait3A_686 = tpu.memref_squeeze %dma_wait3A_685 : memref<1x128xi32, #tpu.memory_space<hbm>> -> memref<128xi32, #tpu.memory_space<hbm>>
      %dma_wait3A_687 = arith.constant 0 : i32
      %dma_wait3A_688 = tpu.memref_slice %arg3[%add3A_355, %dma_wait3A_687] : memref<1280x128xi32, #tpu.memory_space<hbm>> -> memref<1x128xi32, #tpu.memory_space<hbm>>
      %dma_wait3A_689 = tpu.memref_squeeze %dma_wait3A_688 : memref<1x128xi32, #tpu.memory_space<hbm>> -> memref<128xi32, #tpu.memory_space<hbm>>
      tpu.wait_dma2 semaphore(%run_scoped3A : memref<!tpu.dma_semaphore, #tpu.memory_space<semaphore_mem>>) src(%dma_wait3A_689 : memref<128xi32, #tpu.memory_space<hbm>>) dst(%arg9 : memref<128xi32, #tpu.memory_space<vmem>>)
      tpu.yield
    }) : () -> ()
    %dma_start3A_356 = arith.constant 0 : i32
    %dma_start3A_357 = arith.constant 0 : i32
    %dma_start3A_358 = tpu.memref_slice %arg10[%dma_start3A_356, %dma_start3A_357] : memref<640x128xf32, #tpu.memory_space<vmem>> -> memref<128x128xf32, #tpu.memory_space<vmem>>
    %dma_start3A_359 = arith.constant 0 : i32
    %dma_start3A_360 = arith.constant 0 : i32
    %dma_start3A_361 = tpu.memref_slice %arg2[%dma_start3A_359, %dma_start3A_360] : memref<15872x128xf32, #tpu.memory_space<hbm>> -> memref<15872x128xf32, #tpu.memory_space<hbm>>
    tpu.enqueue_indirect_dma source(%dma_start3A_361 : memref<15872x128xf32, #tpu.memory_space<hbm>>) target(%dma_start3A_358 : memref<128x128xf32, #tpu.memory_space<vmem>>) offsets(%arg5 : memref<128xi32, #tpu.memory_space<vmem>>) semaphore(%arg12 : memref<!tpu.dma_semaphore, #tpu.memory_space<semaphore_mem>>)
    %dma_start3A_362 = arith.constant 128 : i32
    %dma_start3A_363 = arith.constant 0 : i32
    %dma_start3A_364 = tpu.memref_slice %arg10[%dma_start3A_362, %dma_start3A_363] : memref<640x128xf32, #tpu.memory_space<vmem>> -> memref<128x128xf32, #tpu.memory_space<vmem>>
    %dma_start3A_365 = arith.constant 0 : i32
    %dma_start3A_366 = arith.constant 0 : i32
    %dma_start3A_367 = tpu.memref_slice %arg2[%dma_start3A_365, %dma_start3A_366] : memref<15872x128xf32, #tpu.memory_space<hbm>> -> memref<15872x128xf32, #tpu.memory_space<hbm>>
    tpu.enqueue_indirect_dma source(%dma_start3A_367 : memref<15872x128xf32, #tpu.memory_space<hbm>>) target(%dma_start3A_364 : memref<128x128xf32, #tpu.memory_space<vmem>>) offsets(%arg6 : memref<128xi32, #tpu.memory_space<vmem>>) semaphore(%arg12 : memref<!tpu.dma_semaphore, #tpu.memory_space<semaphore_mem>>)
    %dma_start3A_368 = arith.constant 256 : i32
    %dma_start3A_369 = arith.constant 0 : i32
    %dma_start3A_370 = tpu.memref_slice %arg10[%dma_start3A_368, %dma_start3A_369] : memref<640x128xf32, #tpu.memory_space<vmem>> -> memref<128x128xf32, #tpu.memory_space<vmem>>
    %dma_start3A_371 = arith.constant 0 : i32
    %dma_start3A_372 = arith.constant 0 : i32
    %dma_start3A_373 = tpu.memref_slice %arg2[%dma_start3A_371, %dma_start3A_372] : memref<15872x128xf32, #tpu.memory_space<hbm>> -> memref<15872x128xf32, #tpu.memory_space<hbm>>
    tpu.enqueue_indirect_dma source(%dma_start3A_373 : memref<15872x128xf32, #tpu.memory_space<hbm>>) target(%dma_start3A_370 : memref<128x128xf32, #tpu.memory_space<vmem>>) offsets(%arg7 : memref<128xi32, #tpu.memory_space<vmem>>) semaphore(%arg12 : memref<!tpu.dma_semaphore, #tpu.memory_space<semaphore_mem>>)
    %dma_start3A_374 = arith.constant 384 : i32
    %dma_start3A_375 = arith.constant 0 : i32
    %dma_start3A_376 = tpu.memref_slice %arg10[%dma_start3A_374, %dma_start3A_375] : memref<640x128xf32, #tpu.memory_space<vmem>> -> memref<128x128xf32, #tpu.memory_space<vmem>>
    %dma_start3A_377 = arith.constant 0 : i32
    %dma_start3A_378 = arith.constant 0 : i32
    %dma_start3A_379 = tpu.memref_slice %arg2[%dma_start3A_377, %dma_start3A_378] : memref<15872x128xf32, #tpu.memory_space<hbm>> -> memref<15872x128xf32, #tpu.memory_space<hbm>>
    tpu.enqueue_indirect_dma source(%dma_start3A_379 : memref<15872x128xf32, #tpu.memory_space<hbm>>) target(%dma_start3A_376 : memref<128x128xf32, #tpu.memory_space<vmem>>) offsets(%arg8 : memref<128xi32, #tpu.memory_space<vmem>>) semaphore(%arg12 : memref<!tpu.dma_semaphore, #tpu.memory_space<semaphore_mem>>)
    %dma_start3A_380 = arith.constant 512 : i32
    %dma_start3A_381 = arith.constant 0 : i32
    %dma_start3A_382 = tpu.memref_slice %arg10[%dma_start3A_380, %dma_start3A_381] : memref<640x128xf32, #tpu.memory_space<vmem>> -> memref<128x128xf32, #tpu.memory_space<vmem>>
    %dma_start3A_383 = arith.constant 0 : i32
    %dma_start3A_384 = arith.constant 0 : i32
    %dma_start3A_385 = tpu.memref_slice %arg2[%dma_start3A_383, %dma_start3A_384] : memref<15872x128xf32, #tpu.memory_space<hbm>> -> memref<15872x128xf32, #tpu.memory_space<hbm>>
    tpu.enqueue_indirect_dma source(%dma_start3A_385 : memref<15872x128xf32, #tpu.memory_space<hbm>>) target(%dma_start3A_382 : memref<128x128xf32, #tpu.memory_space<vmem>>) offsets(%arg9 : memref<128xi32, #tpu.memory_space<vmem>>) semaphore(%arg12 : memref<!tpu.dma_semaphore, #tpu.memory_space<semaphore_mem>>)
    %dma_wait3A_386 = arith.constant 0 : i32
    %dma_wait3A_387 = arith.constant 0 : i32
    %dma_wait3A_388 = tpu.memref_slice %arg10[%dma_wait3A_386, %dma_wait3A_387] : memref<640x128xf32, #tpu.memory_space<vmem>> -> memref<128x128xf32, #tpu.memory_space<vmem>>
    %dma_wait3A_389 = arith.constant 0 : i32
    %dma_wait3A_390 = arith.constant 0 : i32
    %dma_wait3A_391 = tpu.memref_slice %arg2[%dma_wait3A_389, %dma_wait3A_390] : memref<15872x128xf32, #tpu.memory_space<hbm>> -> memref<15872x128xf32, #tpu.memory_space<hbm>>
    tpu.wait_indirect_dma semaphore(%arg12 : memref<!tpu.dma_semaphore, #tpu.memory_space<semaphore_mem>>) src(%dma_wait3A_391 : memref<15872x128xf32, #tpu.memory_space<hbm>>) dst(%dma_wait3A_388 : memref<128x128xf32, #tpu.memory_space<vmem>>)
    %dma_wait3A_392 = arith.constant 128 : i32
    %dma_wait3A_393 = arith.constant 0 : i32
    %dma_wait3A_394 = tpu.memref_slice %arg10[%dma_wait3A_392, %dma_wait3A_393] : memref<640x128xf32, #tpu.memory_space<vmem>> -> memref<128x128xf32, #tpu.memory_space<vmem>>
    %dma_wait3A_395 = arith.constant 0 : i32
    %dma_wait3A_396 = arith.constant 0 : i32
    %dma_wait3A_397 = tpu.memref_slice %arg2[%dma_wait3A_395, %dma_wait3A_396] : memref<15872x128xf32, #tpu.memory_space<hbm>> -> memref<15872x128xf32, #tpu.memory_space<hbm>>
    tpu.wait_indirect_dma semaphore(%arg12 : memref<!tpu.dma_semaphore, #tpu.memory_space<semaphore_mem>>) src(%dma_wait3A_397 : memref<15872x128xf32, #tpu.memory_space<hbm>>) dst(%dma_wait3A_394 : memref<128x128xf32, #tpu.memory_space<vmem>>)
    %dma_wait3A_398 = arith.constant 256 : i32
    %dma_wait3A_399 = arith.constant 0 : i32
    %dma_wait3A_400 = tpu.memref_slice %arg10[%dma_wait3A_398, %dma_wait3A_399] : memref<640x128xf32, #tpu.memory_space<vmem>> -> memref<128x128xf32, #tpu.memory_space<vmem>>
    %dma_wait3A_401 = arith.constant 0 : i32
    %dma_wait3A_402 = arith.constant 0 : i32
    %dma_wait3A_403 = tpu.memref_slice %arg2[%dma_wait3A_401, %dma_wait3A_402] : memref<15872x128xf32, #tpu.memory_space<hbm>> -> memref<15872x128xf32, #tpu.memory_space<hbm>>
    tpu.wait_indirect_dma semaphore(%arg12 : memref<!tpu.dma_semaphore, #tpu.memory_space<semaphore_mem>>) src(%dma_wait3A_403 : memref<15872x128xf32, #tpu.memory_space<hbm>>) dst(%dma_wait3A_400 : memref<128x128xf32, #tpu.memory_space<vmem>>)
    %dma_wait3A_404 = arith.constant 384 : i32
    %dma_wait3A_405 = arith.constant 0 : i32
    %dma_wait3A_406 = tpu.memref_slice %arg10[%dma_wait3A_404, %dma_wait3A_405] : memref<640x128xf32, #tpu.memory_space<vmem>> -> memref<128x128xf32, #tpu.memory_space<vmem>>
    %dma_wait3A_407 = arith.constant 0 : i32
    %dma_wait3A_408 = arith.constant 0 : i32
    %dma_wait3A_409 = tpu.memref_slice %arg2[%dma_wait3A_407, %dma_wait3A_408] : memref<15872x128xf32, #tpu.memory_space<hbm>> -> memref<15872x128xf32, #tpu.memory_space<hbm>>
    tpu.wait_indirect_dma semaphore(%arg12 : memref<!tpu.dma_semaphore, #tpu.memory_space<semaphore_mem>>) src(%dma_wait3A_409 : memref<15872x128xf32, #tpu.memory_space<hbm>>) dst(%dma_wait3A_406 : memref<128x128xf32, #tpu.memory_space<vmem>>)
    %dma_wait3A_410 = arith.constant 512 : i32
    %dma_wait3A_411 = arith.constant 0 : i32
    %dma_wait3A_412 = tpu.memref_slice %arg10[%dma_wait3A_410, %dma_wait3A_411] : memref<640x128xf32, #tpu.memory_space<vmem>> -> memref<128x128xf32, #tpu.memory_space<vmem>>
    %dma_wait3A_413 = arith.constant 0 : i32
    %dma_wait3A_414 = arith.constant 0 : i32
    %dma_wait3A_415 = tpu.memref_slice %arg2[%dma_wait3A_413, %dma_wait3A_414] : memref<15872x128xf32, #tpu.memory_space<hbm>> -> memref<15872x128xf32, #tpu.memory_space<hbm>>
    tpu.wait_indirect_dma semaphore(%arg12 : memref<!tpu.dma_semaphore, #tpu.memory_space<semaphore_mem>>) src(%dma_wait3A_415 : memref<15872x128xf32, #tpu.memory_space<hbm>>) dst(%dma_wait3A_412 : memref<128x128xf32, #tpu.memory_space<vmem>>)
    %scan3A_416 = arith.constant 0 : i32
    %scan3A_417 = arith.constant 0 : i32
    %scan3A_418 = arith.constant 128 : i32
    %scan3A_419 = arith.addi %scan3A_417, %scan3A_418 : i32
    %scan3A_420 = arith.constant 1 : i32
    %scan3A_421 = scf.for %scan3A_678 = %scan3A_417 to %scan3A_419 step %scan3A_420 iter_args(%scan3A_679 = %scan3A_416) -> (i32)  : i32 {
      %mul3A_680 = arith.constant 5 : i32
      %mul3A_681 = arith.muli %scan3A_678, %mul3A_680 : i32
      %get3A = arith.index_cast %mul3A_681 : i32 to index
      %get3A_682 = arith.constant 0 : index
      %get3A_683 = tpu.vector_load %arg10[%get3A, %get3A_682] {strides = array<i32>} : memref<640x128xf32, #tpu.memory_space<vmem>>, vector<1x16xf32>,
      %get3A_684 = vector.shape_cast %get3A_683 : vector<1x16xf32> to vector<16xf32>
      %add3A_685 = arith.constant 1 : i32
      %add3A_686 = arith.addi %mul3A_681, %add3A_685 : i32
      %get3A_687 = arith.index_cast %add3A_686 : i32 to index
      %get3A_688 = arith.constant 0 : index
      %get3A_689 = tpu.vector_load %arg10[%get3A_687, %get3A_688] {strides = array<i32>} : memref<640x128xf32, #tpu.memory_space<vmem>>, vector<1x16xf32>,
      %get3A_690 = vector.shape_cast %get3A_689 : vector<1x16xf32> to vector<16xf32>
      %add3A_691 = arith.addf %get3A_684, %get3A_690 : vector<16xf32>
      %add3A_692 = arith.constant 2 : i32
      %add3A_693 = arith.addi %mul3A_681, %add3A_692 : i32
      %get3A_694 = arith.index_cast %add3A_693 : i32 to index
      %get3A_695 = arith.constant 0 : index
      %get3A_696 = tpu.vector_load %arg10[%get3A_694, %get3A_695] {strides = array<i32>} : memref<640x128xf32, #tpu.memory_space<vmem>>, vector<1x16xf32>,
      %get3A_697 = vector.shape_cast %get3A_696 : vector<1x16xf32> to vector<16xf32>
      %add3A_698 = arith.constant 3 : i32
      %add3A_699 = arith.addi %mul3A_681, %add3A_698 : i32
      %get3A_700 = arith.index_cast %add3A_699 : i32 to index
      %get3A_701 = arith.constant 0 : index
      %get3A_702 = tpu.vector_load %arg10[%get3A_700, %get3A_701] {strides = array<i32>} : memref<640x128xf32, #tpu.memory_space<vmem>>, vector<1x16xf32>,
      %get3A_703 = vector.shape_cast %get3A_702 : vector<1x16xf32> to vector<16xf32>
      %add3A_704 = arith.addf %get3A_697, %get3A_703 : vector<16xf32>
      %add3A_705 = arith.addf %add3A_691, %add3A_704 : vector<16xf32>
      %add3A_706 = arith.constant 4 : i32
      %add3A_707 = arith.addi %mul3A_681, %add3A_706 : i32
      %get3A_708 = arith.index_cast %add3A_707 : i32 to index
      %get3A_709 = arith.constant 0 : index
      %get3A_710 = tpu.vector_load %arg10[%get3A_708, %get3A_709] {strides = array<i32>} : memref<640x128xf32, #tpu.memory_space<vmem>>, vector<1x16xf32>,
      %get3A_711 = vector.shape_cast %get3A_710 : vector<1x16xf32> to vector<16xf32>
      %add3A_712 = arith.addf %add3A_705, %get3A_711 : vector<16xf32>
      %swap3A = arith.index_cast %scan3A_678 : i32 to index
      %swap3A_713 = arith.constant 0 : index
      %swap3A_714 = tpu.vector_load %arg11[%swap3A, %swap3A_713] {strides = array<i32>} : memref<128x64xf32, #tpu.memory_space<vmem>>, vector<1x16xf32>,
      %swap3A_715 = vector.shape_cast %swap3A_714 : vector<1x16xf32> to vector<16xf32>
      %swap3A_716 = vector.shape_cast %add3A_712 : vector<16xf32> to vector<1x16xf32>
      tpu.vector_store %arg11[%swap3A, %swap3A_713], %swap3A_716 {strides = array<i32>} : memref<128x64xf32, #tpu.memory_space<vmem>>, vector<1x16xf32>,
      %get3A_717 = arith.index_cast %mul3A_681 : i32 to index
      %get3A_718 = arith.constant 16 : index
      %get3A_719 = tpu.vector_load %arg10[%get3A_717, %get3A_718] {strides = array<i32>} : memref<640x128xf32, #tpu.memory_space<vmem>>, vector<1x16xf32>,
      %get3A_720 = vector.shape_cast %get3A_719 : vector<1x16xf32> to vector<16xf32>
      %add3A_721 = arith.constant 1 : i32
      %add3A_722 = arith.addi %mul3A_681, %add3A_721 : i32
      %get3A_723 = arith.index_cast %add3A_722 : i32 to index
      %get3A_724 = arith.constant 16 : index
      %get3A_725 = tpu.vector_load %arg10[%get3A_723, %get3A_724] {strides = array<i32>} : memref<640x128xf32, #tpu.memory_space<vmem>>, vector<1x16xf32>,
      %get3A_726 = vector.shape_cast %get3A_725 : vector<1x16xf32> to vector<16xf32>
      %add3A_727 = arith.addf %get3A_720, %get3A_726 : vector<16xf32>
      %add3A_728 = arith.constant 2 : i32
      %add3A_729 = arith.addi %mul3A_681, %add3A_728 : i32
      %get3A_730 = arith.index_cast %add3A_729 : i32 to index
      %get3A_731 = arith.constant 16 : index
      %get3A_732 = tpu.vector_load %arg10[%get3A_730, %get3A_731] {strides = array<i32>} : memref<640x128xf32, #tpu.memory_space<vmem>>, vector<1x16xf32>,
      %get3A_733 = vector.shape_cast %get3A_732 : vector<1x16xf32> to vector<16xf32>
      %add3A_734 = arith.constant 3 : i32
      %add3A_735 = arith.addi %mul3A_681, %add3A_734 : i32
      %get3A_736 = arith.index_cast %add3A_735 : i32 to index
      %get3A_737 = arith.constant 16 : index
      %get3A_738 = tpu.vector_load %arg10[%get3A_736, %get3A_737] {strides = array<i32>} : memref<640x128xf32, #tpu.memory_space<vmem>>, vector<1x16xf32>,
      %get3A_739 = vector.shape_cast %get3A_738 : vector<1x16xf32> to vector<16xf32>
      %add3A_740 = arith.addf %get3A_733, %get3A_739 : vector<16xf32>
      %add3A_741 = arith.addf %add3A_727, %add3A_740 : vector<16xf32>
      %add3A_742 = arith.constant 4 : i32
      %add3A_743 = arith.addi %mul3A_681, %add3A_742 : i32
      %get3A_744 = arith.index_cast %add3A_743 : i32 to index
      %get3A_745 = arith.constant 16 : index
      %get3A_746 = tpu.vector_load %arg10[%get3A_744, %get3A_745] {strides = array<i32>} : memref<640x128xf32, #tpu.memory_space<vmem>>, vector<1x16xf32>,
      %get3A_747 = vector.shape_cast %get3A_746 : vector<1x16xf32> to vector<16xf32>
      %add3A_748 = arith.addf %add3A_741, %get3A_747 : vector<16xf32>
      %swap3A_749 = arith.index_cast %scan3A_678 : i32 to index
      %swap3A_750 = arith.constant 16 : index
      %swap3A_751 = tpu.vector_load %arg11[%swap3A_749, %swap3A_750] {strides = array<i32>} : memref<128x64xf32, #tpu.memory_space<vmem>>, vector<1x16xf32>,
      %swap3A_752 = vector.shape_cast %swap3A_751 : vector<1x16xf32> to vector<16xf32>
      %swap3A_753 = vector.shape_cast %add3A_748 : vector<16xf32> to vector<1x16xf32>
      tpu.vector_store %arg11[%swap3A_749, %swap3A_750], %swap3A_753 {strides = array<i32>} : memref<128x64xf32, #tpu.memory_space<vmem>>, vector<1x16xf32>,
      %get3A_754 = arith.index_cast %mul3A_681 : i32 to index
      %get3A_755 = arith.constant 32 : index
      %get3A_756 = tpu.vector_load %arg10[%get3A_754, %get3A_755] {strides = array<i32>} : memref<640x128xf32, #tpu.memory_space<vmem>>, vector<1x16xf32>,
      %get3A_757 = vector.shape_cast %get3A_756 : vector<1x16xf32> to vector<16xf32>
      %add3A_758 = arith.constant 1 : i32
      %add3A_759 = arith.addi %mul3A_681, %add3A_758 : i32
      %get3A_760 = arith.index_cast %add3A_759 : i32 to index
      %get3A_761 = arith.constant 32 : index
      %get3A_762 = tpu.vector_load %arg10[%get3A_760, %get3A_761] {strides = array<i32>} : memref<640x128xf32, #tpu.memory_space<vmem>>, vector<1x16xf32>,
      %get3A_763 = vector.shape_cast %get3A_762 : vector<1x16xf32> to vector<16xf32>
      %add3A_764 = arith.addf %get3A_757, %get3A_763 : vector<16xf32>
      %add3A_765 = arith.constant 2 : i32
      %add3A_766 = arith.addi %mul3A_681, %add3A_765 : i32
      %get3A_767 = arith.index_cast %add3A_766 : i32 to index
      %get3A_768 = arith.constant 32 : index
      %get3A_769 = tpu.vector_load %arg10[%get3A_767, %get3A_768] {strides = array<i32>} : memref<640x128xf32, #tpu.memory_space<vmem>>, vector<1x16xf32>,
      %get3A_770 = vector.shape_cast %get3A_769 : vector<1x16xf32> to vector<16xf32>
      %add3A_771 = arith.constant 3 : i32
      %add3A_772 = arith.addi %mul3A_681, %add3A_771 : i32
      %get3A_773 = arith.index_cast %add3A_772 : i32 to index
      %get3A_774 = arith.constant 32 : index
      %get3A_775 = tpu.vector_load %arg10[%get3A_773, %get3A_774] {strides = array<i32>} : memref<640x128xf32, #tpu.memory_space<vmem>>, vector<1x16xf32>,
      %get3A_776 = vector.shape_cast %get3A_775 : vector<1x16xf32> to vector<16xf32>
      %add3A_777 = arith.addf %get3A_770, %get3A_776 : vector<16xf32>
      %add3A_778 = arith.addf %add3A_764, %add3A_777 : vector<16xf32>
      %add3A_779 = arith.constant 4 : i32
      %add3A_780 = arith.addi %mul3A_681, %add3A_779 : i32
      %get3A_781 = arith.index_cast %add3A_780 : i32 to index
      %get3A_782 = arith.constant 32 : index
      %get3A_783 = tpu.vector_load %arg10[%get3A_781, %get3A_782] {strides = array<i32>} : memref<640x128xf32, #tpu.memory_space<vmem>>, vector<1x16xf32>,
      %get3A_784 = vector.shape_cast %get3A_783 : vector<1x16xf32> to vector<16xf32>
      %add3A_785 = arith.addf %add3A_778, %get3A_784 : vector<16xf32>
      %swap3A_786 = arith.index_cast %scan3A_678 : i32 to index
      %swap3A_787 = arith.constant 32 : index
      %swap3A_788 = tpu.vector_load %arg11[%swap3A_786, %swap3A_787] {strides = array<i32>} : memref<128x64xf32, #tpu.memory_space<vmem>>, vector<1x16xf32>,
      %swap3A_789 = vector.shape_cast %swap3A_788 : vector<1x16xf32> to vector<16xf32>
      %swap3A_790 = vector.shape_cast %add3A_785 : vector<16xf32> to vector<1x16xf32>
      tpu.vector_store %arg11[%swap3A_786, %swap3A_787], %swap3A_790 {strides = array<i32>} : memref<128x64xf32, #tpu.memory_space<vmem>>, vector<1x16xf32>,
      %get3A_791 = arith.index_cast %mul3A_681 : i32 to index
      %get3A_792 = arith.constant 48 : index
      %get3A_793 = tpu.vector_load %arg10[%get3A_791, %get3A_792] {strides = array<i32>} : memref<640x128xf32, #tpu.memory_space<vmem>>, vector<1x16xf32>,
      %get3A_794 = vector.shape_cast %get3A_793 : vector<1x16xf32> to vector<16xf32>
      %add3A_795 = arith.constant 1 : i32
      %add3A_796 = arith.addi %mul3A_681, %add3A_795 : i32
      %get3A_797 = arith.index_cast %add3A_796 : i32 to index
      %get3A_798 = arith.constant 48 : index
      %get3A_799 = tpu.vector_load %arg10[%get3A_797, %get3A_798] {strides = array<i32>} : memref<640x128xf32, #tpu.memory_space<vmem>>, vector<1x16xf32>,
      %get3A_800 = vector.shape_cast %get3A_799 : vector<1x16xf32> to vector<16xf32>
      %add3A_801 = arith.addf %get3A_794, %get3A_800 : vector<16xf32>
      %add3A_802 = arith.constant 2 : i32
      %add3A_803 = arith.addi %mul3A_681, %add3A_802 : i32
      %get3A_804 = arith.index_cast %add3A_803 : i32 to index
      %get3A_805 = arith.constant 48 : index
      %get3A_806 = tpu.vector_load %arg10[%get3A_804, %get3A_805] {strides = array<i32>} : memref<640x128xf32, #tpu.memory_space<vmem>>, vector<1x16xf32>,
      %get3A_807 = vector.shape_cast %get3A_806 : vector<1x16xf32> to vector<16xf32>
      %add3A_808 = arith.constant 3 : i32
      %add3A_809 = arith.addi %mul3A_681, %add3A_808 : i32
      %get3A_810 = arith.index_cast %add3A_809 : i32 to index
      %get3A_811 = arith.constant 48 : index
      %get3A_812 = tpu.vector_load %arg10[%get3A_810, %get3A_811] {strides = array<i32>} : memref<640x128xf32, #tpu.memory_space<vmem>>, vector<1x16xf32>,
      %get3A_813 = vector.shape_cast %get3A_812 : vector<1x16xf32> to vector<16xf32>
      %add3A_814 = arith.addf %get3A_807, %get3A_813 : vector<16xf32>
      %add3A_815 = arith.addf %add3A_801, %add3A_814 : vector<16xf32>
      %add3A_816 = arith.constant 4 : i32
      %add3A_817 = arith.addi %mul3A_681, %add3A_816 : i32
      %get3A_818 = arith.index_cast %add3A_817 : i32 to index
      %get3A_819 = arith.constant 48 : index
      %get3A_820 = tpu.vector_load %arg10[%get3A_818, %get3A_819] {strides = array<i32>} : memref<640x128xf32, #tpu.memory_space<vmem>>, vector<1x16xf32>,
      %get3A_821 = vector.shape_cast %get3A_820 : vector<1x16xf32> to vector<16xf32>
      %add3A_822 = arith.addf %add3A_815, %get3A_821 : vector<16xf32>
      %swap3A_823 = arith.index_cast %scan3A_678 : i32 to index
      %swap3A_824 = arith.constant 48 : index
      %swap3A_825 = tpu.vector_load %arg11[%swap3A_823, %swap3A_824] {strides = array<i32>} : memref<128x64xf32, #tpu.memory_space<vmem>>, vector<1x16xf32>,
      %swap3A_826 = vector.shape_cast %swap3A_825 : vector<1x16xf32> to vector<16xf32>
      %swap3A_827 = vector.shape_cast %add3A_822 : vector<16xf32> to vector<1x16xf32>
      tpu.vector_store %arg11[%swap3A_823, %swap3A_824], %swap3A_827 {strides = array<i32>} : memref<128x64xf32, #tpu.memory_space<vmem>>, vector<1x16xf32>,
      %scan3A_828 = arith.constant 0 : i32
      scf.yield %scan3A_828 : i32
    }
    %scan3A_422 = arith.constant 128 : i32
    "tpu.region"() ({
      %run_scoped3A = tpu.sem_alloc : memref<!tpu.dma_semaphore, #tpu.memory_space<semaphore_mem>>
      %dma_start3A_678 = arith.constant 0 : i32
      %dma_start3A_679 = tpu.memref_slice %arg4[%add3A_345, %dma_start3A_678] : memref<32768x64xf32, #tpu.memory_space<hbm>> -> memref<128x64xf32, #tpu.memory_space<hbm>>
      %dma_start3A_680 = arith.constant 0 : i32
      %dma_start3A_681 = tpu.memref_slice %arg4[%add3A_345, %dma_start3A_680] : memref<32768x64xf32, #tpu.memory_space<hbm>> -> memref<128x64xf32, #tpu.memory_space<hbm>>
      tpu.enqueue_dma source(%arg11 : memref<128x64xf32, #tpu.memory_space<vmem>>) target(%dma_start3A_681 : memref<128x64xf32, #tpu.memory_space<hbm>>) target_semaphore(%run_scoped3A : memref<!tpu.dma_semaphore, #tpu.memory_space<semaphore_mem>>)
      %dma_wait3A_682 = arith.constant 0 : i32
      %dma_wait3A_683 = tpu.memref_slice %arg4[%add3A_345, %dma_wait3A_682] : memref<32768x64xf32, #tpu.memory_space<hbm>> -> memref<128x64xf32, #tpu.memory_space<hbm>>
      %dma_wait3A_684 = arith.constant 0 : i32
      %dma_wait3A_685 = tpu.memref_slice %arg4[%add3A_345, %dma_wait3A_684] : memref<32768x64xf32, #tpu.memory_space<hbm>> -> memref<128x64xf32, #tpu.memory_space<hbm>>
      tpu.wait_dma2 semaphore(%run_scoped3A : memref<!tpu.dma_semaphore, #tpu.memory_space<semaphore_mem>>) src(%arg11 : memref<128x64xf32, #tpu.memory_space<vmem>>) dst(%dma_wait3A_685 : memref<128x64xf32, #tpu.memory_space<hbm>>)
      tpu.yield
    }) : () -> ()
    %mul3A_423 = arith.constant 40 : i32
    %mul3A_424 = arith.muli %add3A, %mul3A_423 : i32
    %add3A_425 = arith.constant 25 : i32
    %add3A_426 = arith.addi %mul3A_424, %add3A_425 : i32
    %mul3A_427 = arith.constant 1024 : i32
    %mul3A_428 = arith.muli %add3A, %mul3A_427 : i32
    %add3A_429 = arith.constant 640 : i32
    %add3A_430 = arith.addi %mul3A_428, %add3A_429 : i32
    %add3A_431 = arith.constant 0 : i32
    %add3A_432 = arith.addi %add3A_426, %add3A_431 : i32
    "tpu.region"() ({
      %run_scoped3A = tpu.sem_alloc : memref<!tpu.dma_semaphore, #tpu.memory_space<semaphore_mem>>
      %dma_start3A_678 = arith.constant 0 : i32
      %dma_start3A_679 = tpu.memref_slice %arg3[%add3A_432, %dma_start3A_678] : memref<1280x128xi32, #tpu.memory_space<hbm>> -> memref<1x128xi32, #tpu.memory_space<hbm>>
      %dma_start3A_680 = tpu.memref_squeeze %dma_start3A_679 : memref<1x128xi32, #tpu.memory_space<hbm>> -> memref<128xi32, #tpu.memory_space<hbm>>
      %dma_start3A_681 = arith.constant 0 : i32
      %dma_start3A_682 = tpu.memref_slice %arg3[%add3A_432, %dma_start3A_681] : memref<1280x128xi32, #tpu.memory_space<hbm>> -> memref<1x128xi32, #tpu.memory_space<hbm>>
      %dma_start3A_683 = tpu.memref_squeeze %dma_start3A_682 : memref<1x128xi32, #tpu.memory_space<hbm>> -> memref<128xi32, #tpu.memory_space<hbm>>
      tpu.enqueue_dma source(%dma_start3A_683 : memref<128xi32, #tpu.memory_space<hbm>>) target(%arg5 : memref<128xi32, #tpu.memory_space<vmem>>) target_semaphore(%run_scoped3A : memref<!tpu.dma_semaphore, #tpu.memory_space<semaphore_mem>>)
      %dma_wait3A_684 = arith.constant 0 : i32
      %dma_wait3A_685 = tpu.memref_slice %arg3[%add3A_432, %dma_wait3A_684] : memref<1280x128xi32, #tpu.memory_space<hbm>> -> memref<1x128xi32, #tpu.memory_space<hbm>>
      %dma_wait3A_686 = tpu.memref_squeeze %dma_wait3A_685 : memref<1x128xi32, #tpu.memory_space<hbm>> -> memref<128xi32, #tpu.memory_space<hbm>>
      %dma_wait3A_687 = arith.constant 0 : i32
      %dma_wait3A_688 = tpu.memref_slice %arg3[%add3A_432, %dma_wait3A_687] : memref<1280x128xi32, #tpu.memory_space<hbm>> -> memref<1x128xi32, #tpu.memory_space<hbm>>
      %dma_wait3A_689 = tpu.memref_squeeze %dma_wait3A_688 : memref<1x128xi32, #tpu.memory_space<hbm>> -> memref<128xi32, #tpu.memory_space<hbm>>
      tpu.wait_dma2 semaphore(%run_scoped3A : memref<!tpu.dma_semaphore, #tpu.memory_space<semaphore_mem>>) src(%dma_wait3A_689 : memref<128xi32, #tpu.memory_space<hbm>>) dst(%arg5 : memref<128xi32, #tpu.memory_space<vmem>>)
      tpu.yield
    }) : () -> ()
    %add3A_433 = arith.constant 1 : i32
    %add3A_434 = arith.addi %add3A_426, %add3A_433 : i32
    "tpu.region"() ({
      %run_scoped3A = tpu.sem_alloc : memref<!tpu.dma_semaphore, #tpu.memory_space<semaphore_mem>>
      %dma_start3A_678 = arith.constant 0 : i32
      %dma_start3A_679 = tpu.memref_slice %arg3[%add3A_434, %dma_start3A_678] : memref<1280x128xi32, #tpu.memory_space<hbm>> -> memref<1x128xi32, #tpu.memory_space<hbm>>
      %dma_start3A_680 = tpu.memref_squeeze %dma_start3A_679 : memref<1x128xi32, #tpu.memory_space<hbm>> -> memref<128xi32, #tpu.memory_space<hbm>>
      %dma_start3A_681 = arith.constant 0 : i32
      %dma_start3A_682 = tpu.memref_slice %arg3[%add3A_434, %dma_start3A_681] : memref<1280x128xi32, #tpu.memory_space<hbm>> -> memref<1x128xi32, #tpu.memory_space<hbm>>
      %dma_start3A_683 = tpu.memref_squeeze %dma_start3A_682 : memref<1x128xi32, #tpu.memory_space<hbm>> -> memref<128xi32, #tpu.memory_space<hbm>>
      tpu.enqueue_dma source(%dma_start3A_683 : memref<128xi32, #tpu.memory_space<hbm>>) target(%arg6 : memref<128xi32, #tpu.memory_space<vmem>>) target_semaphore(%run_scoped3A : memref<!tpu.dma_semaphore, #tpu.memory_space<semaphore_mem>>)
      %dma_wait3A_684 = arith.constant 0 : i32
      %dma_wait3A_685 = tpu.memref_slice %arg3[%add3A_434, %dma_wait3A_684] : memref<1280x128xi32, #tpu.memory_space<hbm>> -> memref<1x128xi32, #tpu.memory_space<hbm>>
      %dma_wait3A_686 = tpu.memref_squeeze %dma_wait3A_685 : memref<1x128xi32, #tpu.memory_space<hbm>> -> memref<128xi32, #tpu.memory_space<hbm>>
      %dma_wait3A_687 = arith.constant 0 : i32
      %dma_wait3A_688 = tpu.memref_slice %arg3[%add3A_434, %dma_wait3A_687] : memref<1280x128xi32, #tpu.memory_space<hbm>> -> memref<1x128xi32, #tpu.memory_space<hbm>>
      %dma_wait3A_689 = tpu.memref_squeeze %dma_wait3A_688 : memref<1x128xi32, #tpu.memory_space<hbm>> -> memref<128xi32, #tpu.memory_space<hbm>>
      tpu.wait_dma2 semaphore(%run_scoped3A : memref<!tpu.dma_semaphore, #tpu.memory_space<semaphore_mem>>) src(%dma_wait3A_689 : memref<128xi32, #tpu.memory_space<hbm>>) dst(%arg6 : memref<128xi32, #tpu.memory_space<vmem>>)
      tpu.yield
    }) : () -> ()
    %add3A_435 = arith.constant 2 : i32
    %add3A_436 = arith.addi %add3A_426, %add3A_435 : i32
    "tpu.region"() ({
      %run_scoped3A = tpu.sem_alloc : memref<!tpu.dma_semaphore, #tpu.memory_space<semaphore_mem>>
      %dma_start3A_678 = arith.constant 0 : i32
      %dma_start3A_679 = tpu.memref_slice %arg3[%add3A_436, %dma_start3A_678] : memref<1280x128xi32, #tpu.memory_space<hbm>> -> memref<1x128xi32, #tpu.memory_space<hbm>>
      %dma_start3A_680 = tpu.memref_squeeze %dma_start3A_679 : memref<1x128xi32, #tpu.memory_space<hbm>> -> memref<128xi32, #tpu.memory_space<hbm>>
      %dma_start3A_681 = arith.constant 0 : i32
      %dma_start3A_682 = tpu.memref_slice %arg3[%add3A_436, %dma_start3A_681] : memref<1280x128xi32, #tpu.memory_space<hbm>> -> memref<1x128xi32, #tpu.memory_space<hbm>>
      %dma_start3A_683 = tpu.memref_squeeze %dma_start3A_682 : memref<1x128xi32, #tpu.memory_space<hbm>> -> memref<128xi32, #tpu.memory_space<hbm>>
      tpu.enqueue_dma source(%dma_start3A_683 : memref<128xi32, #tpu.memory_space<hbm>>) target(%arg7 : memref<128xi32, #tpu.memory_space<vmem>>) target_semaphore(%run_scoped3A : memref<!tpu.dma_semaphore, #tpu.memory_space<semaphore_mem>>)
      %dma_wait3A_684 = arith.constant 0 : i32
      %dma_wait3A_685 = tpu.memref_slice %arg3[%add3A_436, %dma_wait3A_684] : memref<1280x128xi32, #tpu.memory_space<hbm>> -> memref<1x128xi32, #tpu.memory_space<hbm>>
      %dma_wait3A_686 = tpu.memref_squeeze %dma_wait3A_685 : memref<1x128xi32, #tpu.memory_space<hbm>> -> memref<128xi32, #tpu.memory_space<hbm>>
      %dma_wait3A_687 = arith.constant 0 : i32
      %dma_wait3A_688 = tpu.memref_slice %arg3[%add3A_436, %dma_wait3A_687] : memref<1280x128xi32, #tpu.memory_space<hbm>> -> memref<1x128xi32, #tpu.memory_space<hbm>>
      %dma_wait3A_689 = tpu.memref_squeeze %dma_wait3A_688 : memref<1x128xi32, #tpu.memory_space<hbm>> -> memref<128xi32, #tpu.memory_space<hbm>>
      tpu.wait_dma2 semaphore(%run_scoped3A : memref<!tpu.dma_semaphore, #tpu.memory_space<semaphore_mem>>) src(%dma_wait3A_689 : memref<128xi32, #tpu.memory_space<hbm>>) dst(%arg7 : memref<128xi32, #tpu.memory_space<vmem>>)
      tpu.yield
    }) : () -> ()
    %add3A_437 = arith.constant 3 : i32
    %add3A_438 = arith.addi %add3A_426, %add3A_437 : i32
    "tpu.region"() ({
      %run_scoped3A = tpu.sem_alloc : memref<!tpu.dma_semaphore, #tpu.memory_space<semaphore_mem>>
      %dma_start3A_678 = arith.constant 0 : i32
      %dma_start3A_679 = tpu.memref_slice %arg3[%add3A_438, %dma_start3A_678] : memref<1280x128xi32, #tpu.memory_space<hbm>> -> memref<1x128xi32, #tpu.memory_space<hbm>>
      %dma_start3A_680 = tpu.memref_squeeze %dma_start3A_679 : memref<1x128xi32, #tpu.memory_space<hbm>> -> memref<128xi32, #tpu.memory_space<hbm>>
      %dma_start3A_681 = arith.constant 0 : i32
      %dma_start3A_682 = tpu.memref_slice %arg3[%add3A_438, %dma_start3A_681] : memref<1280x128xi32, #tpu.memory_space<hbm>> -> memref<1x128xi32, #tpu.memory_space<hbm>>
      %dma_start3A_683 = tpu.memref_squeeze %dma_start3A_682 : memref<1x128xi32, #tpu.memory_space<hbm>> -> memref<128xi32, #tpu.memory_space<hbm>>
      tpu.enqueue_dma source(%dma_start3A_683 : memref<128xi32, #tpu.memory_space<hbm>>) target(%arg8 : memref<128xi32, #tpu.memory_space<vmem>>) target_semaphore(%run_scoped3A : memref<!tpu.dma_semaphore, #tpu.memory_space<semaphore_mem>>)
      %dma_wait3A_684 = arith.constant 0 : i32
      %dma_wait3A_685 = tpu.memref_slice %arg3[%add3A_438, %dma_wait3A_684] : memref<1280x128xi32, #tpu.memory_space<hbm>> -> memref<1x128xi32, #tpu.memory_space<hbm>>
      %dma_wait3A_686 = tpu.memref_squeeze %dma_wait3A_685 : memref<1x128xi32, #tpu.memory_space<hbm>> -> memref<128xi32, #tpu.memory_space<hbm>>
      %dma_wait3A_687 = arith.constant 0 : i32
      %dma_wait3A_688 = tpu.memref_slice %arg3[%add3A_438, %dma_wait3A_687] : memref<1280x128xi32, #tpu.memory_space<hbm>> -> memref<1x128xi32, #tpu.memory_space<hbm>>
      %dma_wait3A_689 = tpu.memref_squeeze %dma_wait3A_688 : memref<1x128xi32, #tpu.memory_space<hbm>> -> memref<128xi32, #tpu.memory_space<hbm>>
      tpu.wait_dma2 semaphore(%run_scoped3A : memref<!tpu.dma_semaphore, #tpu.memory_space<semaphore_mem>>) src(%dma_wait3A_689 : memref<128xi32, #tpu.memory_space<hbm>>) dst(%arg8 : memref<128xi32, #tpu.memory_space<vmem>>)
      tpu.yield
    }) : () -> ()
    %add3A_439 = arith.constant 4 : i32
    %add3A_440 = arith.addi %add3A_426, %add3A_439 : i32
    "tpu.region"() ({
      %run_scoped3A = tpu.sem_alloc : memref<!tpu.dma_semaphore, #tpu.memory_space<semaphore_mem>>
      %dma_start3A_678 = arith.constant 0 : i32
      %dma_start3A_679 = tpu.memref_slice %arg3[%add3A_440, %dma_start3A_678] : memref<1280x128xi32, #tpu.memory_space<hbm>> -> memref<1x128xi32, #tpu.memory_space<hbm>>
      %dma_start3A_680 = tpu.memref_squeeze %dma_start3A_679 : memref<1x128xi32, #tpu.memory_space<hbm>> -> memref<128xi32, #tpu.memory_space<hbm>>
      %dma_start3A_681 = arith.constant 0 : i32
      %dma_start3A_682 = tpu.memref_slice %arg3[%add3A_440, %dma_start3A_681] : memref<1280x128xi32, #tpu.memory_space<hbm>> -> memref<1x128xi32, #tpu.memory_space<hbm>>
      %dma_start3A_683 = tpu.memref_squeeze %dma_start3A_682 : memref<1x128xi32, #tpu.memory_space<hbm>> -> memref<128xi32, #tpu.memory_space<hbm>>
      tpu.enqueue_dma source(%dma_start3A_683 : memref<128xi32, #tpu.memory_space<hbm>>) target(%arg9 : memref<128xi32, #tpu.memory_space<vmem>>) target_semaphore(%run_scoped3A : memref<!tpu.dma_semaphore, #tpu.memory_space<semaphore_mem>>)
      %dma_wait3A_684 = arith.constant 0 : i32
      %dma_wait3A_685 = tpu.memref_slice %arg3[%add3A_440, %dma_wait3A_684] : memref<1280x128xi32, #tpu.memory_space<hbm>> -> memref<1x128xi32, #tpu.memory_space<hbm>>
      %dma_wait3A_686 = tpu.memref_squeeze %dma_wait3A_685 : memref<1x128xi32, #tpu.memory_space<hbm>> -> memref<128xi32, #tpu.memory_space<hbm>>
      %dma_wait3A_687 = arith.constant 0 : i32
      %dma_wait3A_688 = tpu.memref_slice %arg3[%add3A_440, %dma_wait3A_687] : memref<1280x128xi32, #tpu.memory_space<hbm>> -> memref<1x128xi32, #tpu.memory_space<hbm>>
      %dma_wait3A_689 = tpu.memref_squeeze %dma_wait3A_688 : memref<1x128xi32, #tpu.memory_space<hbm>> -> memref<128xi32, #tpu.memory_space<hbm>>
      tpu.wait_dma2 semaphore(%run_scoped3A : memref<!tpu.dma_semaphore, #tpu.memory_space<semaphore_mem>>) src(%dma_wait3A_689 : memref<128xi32, #tpu.memory_space<hbm>>) dst(%arg9 : memref<128xi32, #tpu.memory_space<vmem>>)
      tpu.yield
    }) : () -> ()
    %dma_start3A_441 = arith.constant 0 : i32
    %dma_start3A_442 = arith.constant 0 : i32
    %dma_start3A_443 = tpu.memref_slice %arg10[%dma_start3A_441, %dma_start3A_442] : memref<640x128xf32, #tpu.memory_space<vmem>> -> memref<128x128xf32, #tpu.memory_space<vmem>>
    %dma_start3A_444 = arith.constant 0 : i32
    %dma_start3A_445 = arith.constant 0 : i32
    %dma_start3A_446 = tpu.memref_slice %arg2[%dma_start3A_444, %dma_start3A_445] : memref<15872x128xf32, #tpu.memory_space<hbm>> -> memref<15872x128xf32, #tpu.memory_space<hbm>>
    tpu.enqueue_indirect_dma source(%dma_start3A_446 : memref<15872x128xf32, #tpu.memory_space<hbm>>) target(%dma_start3A_443 : memref<128x128xf32, #tpu.memory_space<vmem>>) offsets(%arg5 : memref<128xi32, #tpu.memory_space<vmem>>) semaphore(%arg12 : memref<!tpu.dma_semaphore, #tpu.memory_space<semaphore_mem>>)
    %dma_start3A_447 = arith.constant 128 : i32
    %dma_start3A_448 = arith.constant 0 : i32
    %dma_start3A_449 = tpu.memref_slice %arg10[%dma_start3A_447, %dma_start3A_448] : memref<640x128xf32, #tpu.memory_space<vmem>> -> memref<128x128xf32, #tpu.memory_space<vmem>>
    %dma_start3A_450 = arith.constant 0 : i32
    %dma_start3A_451 = arith.constant 0 : i32
    %dma_start3A_452 = tpu.memref_slice %arg2[%dma_start3A_450, %dma_start3A_451] : memref<15872x128xf32, #tpu.memory_space<hbm>> -> memref<15872x128xf32, #tpu.memory_space<hbm>>
    tpu.enqueue_indirect_dma source(%dma_start3A_452 : memref<15872x128xf32, #tpu.memory_space<hbm>>) target(%dma_start3A_449 : memref<128x128xf32, #tpu.memory_space<vmem>>) offsets(%arg6 : memref<128xi32, #tpu.memory_space<vmem>>) semaphore(%arg12 : memref<!tpu.dma_semaphore, #tpu.memory_space<semaphore_mem>>)
    %dma_start3A_453 = arith.constant 256 : i32
    %dma_start3A_454 = arith.constant 0 : i32
    %dma_start3A_455 = tpu.memref_slice %arg10[%dma_start3A_453, %dma_start3A_454] : memref<640x128xf32, #tpu.memory_space<vmem>> -> memref<128x128xf32, #tpu.memory_space<vmem>>
    %dma_start3A_456 = arith.constant 0 : i32
    %dma_start3A_457 = arith.constant 0 : i32
    %dma_start3A_458 = tpu.memref_slice %arg2[%dma_start3A_456, %dma_start3A_457] : memref<15872x128xf32, #tpu.memory_space<hbm>> -> memref<15872x128xf32, #tpu.memory_space<hbm>>
    tpu.enqueue_indirect_dma source(%dma_start3A_458 : memref<15872x128xf32, #tpu.memory_space<hbm>>) target(%dma_start3A_455 : memref<128x128xf32, #tpu.memory_space<vmem>>) offsets(%arg7 : memref<128xi32, #tpu.memory_space<vmem>>) semaphore(%arg12 : memref<!tpu.dma_semaphore, #tpu.memory_space<semaphore_mem>>)
    %dma_start3A_459 = arith.constant 384 : i32
    %dma_start3A_460 = arith.constant 0 : i32
    %dma_start3A_461 = tpu.memref_slice %arg10[%dma_start3A_459, %dma_start3A_460] : memref<640x128xf32, #tpu.memory_space<vmem>> -> memref<128x128xf32, #tpu.memory_space<vmem>>
    %dma_start3A_462 = arith.constant 0 : i32
    %dma_start3A_463 = arith.constant 0 : i32
    %dma_start3A_464 = tpu.memref_slice %arg2[%dma_start3A_462, %dma_start3A_463] : memref<15872x128xf32, #tpu.memory_space<hbm>> -> memref<15872x128xf32, #tpu.memory_space<hbm>>
    tpu.enqueue_indirect_dma source(%dma_start3A_464 : memref<15872x128xf32, #tpu.memory_space<hbm>>) target(%dma_start3A_461 : memref<128x128xf32, #tpu.memory_space<vmem>>) offsets(%arg8 : memref<128xi32, #tpu.memory_space<vmem>>) semaphore(%arg12 : memref<!tpu.dma_semaphore, #tpu.memory_space<semaphore_mem>>)
    %dma_start3A_465 = arith.constant 512 : i32
    %dma_start3A_466 = arith.constant 0 : i32
    %dma_start3A_467 = tpu.memref_slice %arg10[%dma_start3A_465, %dma_start3A_466] : memref<640x128xf32, #tpu.memory_space<vmem>> -> memref<128x128xf32, #tpu.memory_space<vmem>>
    %dma_start3A_468 = arith.constant 0 : i32
    %dma_start3A_469 = arith.constant 0 : i32
    %dma_start3A_470 = tpu.memref_slice %arg2[%dma_start3A_468, %dma_start3A_469] : memref<15872x128xf32, #tpu.memory_space<hbm>> -> memref<15872x128xf32, #tpu.memory_space<hbm>>
    tpu.enqueue_indirect_dma source(%dma_start3A_470 : memref<15872x128xf32, #tpu.memory_space<hbm>>) target(%dma_start3A_467 : memref<128x128xf32, #tpu.memory_space<vmem>>) offsets(%arg9 : memref<128xi32, #tpu.memory_space<vmem>>) semaphore(%arg12 : memref<!tpu.dma_semaphore, #tpu.memory_space<semaphore_mem>>)
    %dma_wait3A_471 = arith.constant 0 : i32
    %dma_wait3A_472 = arith.constant 0 : i32
    %dma_wait3A_473 = tpu.memref_slice %arg10[%dma_wait3A_471, %dma_wait3A_472] : memref<640x128xf32, #tpu.memory_space<vmem>> -> memref<128x128xf32, #tpu.memory_space<vmem>>
    %dma_wait3A_474 = arith.constant 0 : i32
    %dma_wait3A_475 = arith.constant 0 : i32
    %dma_wait3A_476 = tpu.memref_slice %arg2[%dma_wait3A_474, %dma_wait3A_475] : memref<15872x128xf32, #tpu.memory_space<hbm>> -> memref<15872x128xf32, #tpu.memory_space<hbm>>
    tpu.wait_indirect_dma semaphore(%arg12 : memref<!tpu.dma_semaphore, #tpu.memory_space<semaphore_mem>>) src(%dma_wait3A_476 : memref<15872x128xf32, #tpu.memory_space<hbm>>) dst(%dma_wait3A_473 : memref<128x128xf32, #tpu.memory_space<vmem>>)
    %dma_wait3A_477 = arith.constant 128 : i32
    %dma_wait3A_478 = arith.constant 0 : i32
    %dma_wait3A_479 = tpu.memref_slice %arg10[%dma_wait3A_477, %dma_wait3A_478] : memref<640x128xf32, #tpu.memory_space<vmem>> -> memref<128x128xf32, #tpu.memory_space<vmem>>
    %dma_wait3A_480 = arith.constant 0 : i32
    %dma_wait3A_481 = arith.constant 0 : i32
    %dma_wait3A_482 = tpu.memref_slice %arg2[%dma_wait3A_480, %dma_wait3A_481] : memref<15872x128xf32, #tpu.memory_space<hbm>> -> memref<15872x128xf32, #tpu.memory_space<hbm>>
    tpu.wait_indirect_dma semaphore(%arg12 : memref<!tpu.dma_semaphore, #tpu.memory_space<semaphore_mem>>) src(%dma_wait3A_482 : memref<15872x128xf32, #tpu.memory_space<hbm>>) dst(%dma_wait3A_479 : memref<128x128xf32, #tpu.memory_space<vmem>>)
    %dma_wait3A_483 = arith.constant 256 : i32
    %dma_wait3A_484 = arith.constant 0 : i32
    %dma_wait3A_485 = tpu.memref_slice %arg10[%dma_wait3A_483, %dma_wait3A_484] : memref<640x128xf32, #tpu.memory_space<vmem>> -> memref<128x128xf32, #tpu.memory_space<vmem>>
    %dma_wait3A_486 = arith.constant 0 : i32
    %dma_wait3A_487 = arith.constant 0 : i32
    %dma_wait3A_488 = tpu.memref_slice %arg2[%dma_wait3A_486, %dma_wait3A_487] : memref<15872x128xf32, #tpu.memory_space<hbm>> -> memref<15872x128xf32, #tpu.memory_space<hbm>>
    tpu.wait_indirect_dma semaphore(%arg12 : memref<!tpu.dma_semaphore, #tpu.memory_space<semaphore_mem>>) src(%dma_wait3A_488 : memref<15872x128xf32, #tpu.memory_space<hbm>>) dst(%dma_wait3A_485 : memref<128x128xf32, #tpu.memory_space<vmem>>)
    %dma_wait3A_489 = arith.constant 384 : i32
    %dma_wait3A_490 = arith.constant 0 : i32
    %dma_wait3A_491 = tpu.memref_slice %arg10[%dma_wait3A_489, %dma_wait3A_490] : memref<640x128xf32, #tpu.memory_space<vmem>> -> memref<128x128xf32, #tpu.memory_space<vmem>>
    %dma_wait3A_492 = arith.constant 0 : i32
    %dma_wait3A_493 = arith.constant 0 : i32
    %dma_wait3A_494 = tpu.memref_slice %arg2[%dma_wait3A_492, %dma_wait3A_493] : memref<15872x128xf32, #tpu.memory_space<hbm>> -> memref<15872x128xf32, #tpu.memory_space<hbm>>
    tpu.wait_indirect_dma semaphore(%arg12 : memref<!tpu.dma_semaphore, #tpu.memory_space<semaphore_mem>>) src(%dma_wait3A_494 : memref<15872x128xf32, #tpu.memory_space<hbm>>) dst(%dma_wait3A_491 : memref<128x128xf32, #tpu.memory_space<vmem>>)
    %dma_wait3A_495 = arith.constant 512 : i32
    %dma_wait3A_496 = arith.constant 0 : i32
    %dma_wait3A_497 = tpu.memref_slice %arg10[%dma_wait3A_495, %dma_wait3A_496] : memref<640x128xf32, #tpu.memory_space<vmem>> -> memref<128x128xf32, #tpu.memory_space<vmem>>
    %dma_wait3A_498 = arith.constant 0 : i32
    %dma_wait3A_499 = arith.constant 0 : i32
    %dma_wait3A_500 = tpu.memref_slice %arg2[%dma_wait3A_498, %dma_wait3A_499] : memref<15872x128xf32, #tpu.memory_space<hbm>> -> memref<15872x128xf32, #tpu.memory_space<hbm>>
    tpu.wait_indirect_dma semaphore(%arg12 : memref<!tpu.dma_semaphore, #tpu.memory_space<semaphore_mem>>) src(%dma_wait3A_500 : memref<15872x128xf32, #tpu.memory_space<hbm>>) dst(%dma_wait3A_497 : memref<128x128xf32, #tpu.memory_space<vmem>>)
    %scan3A_501 = arith.constant 0 : i32
    %scan3A_502 = arith.constant 0 : i32
    %scan3A_503 = arith.constant 128 : i32
    %scan3A_504 = arith.addi %scan3A_502, %scan3A_503 : i32
    %scan3A_505 = arith.constant 1 : i32
    %scan3A_506 = scf.for %scan3A_678 = %scan3A_502 to %scan3A_504 step %scan3A_505 iter_args(%scan3A_679 = %scan3A_501) -> (i32)  : i32 {
      %mul3A_680 = arith.constant 5 : i32
      %mul3A_681 = arith.muli %scan3A_678, %mul3A_680 : i32
      %get3A = arith.index_cast %mul3A_681 : i32 to index
      %get3A_682 = arith.constant 0 : index
      %get3A_683 = tpu.vector_load %arg10[%get3A, %get3A_682] {strides = array<i32>} : memref<640x128xf32, #tpu.memory_space<vmem>>, vector<1x16xf32>,
      %get3A_684 = vector.shape_cast %get3A_683 : vector<1x16xf32> to vector<16xf32>
      %add3A_685 = arith.constant 1 : i32
      %add3A_686 = arith.addi %mul3A_681, %add3A_685 : i32
      %get3A_687 = arith.index_cast %add3A_686 : i32 to index
      %get3A_688 = arith.constant 0 : index
      %get3A_689 = tpu.vector_load %arg10[%get3A_687, %get3A_688] {strides = array<i32>} : memref<640x128xf32, #tpu.memory_space<vmem>>, vector<1x16xf32>,
      %get3A_690 = vector.shape_cast %get3A_689 : vector<1x16xf32> to vector<16xf32>
      %add3A_691 = arith.addf %get3A_684, %get3A_690 : vector<16xf32>
      %add3A_692 = arith.constant 2 : i32
      %add3A_693 = arith.addi %mul3A_681, %add3A_692 : i32
      %get3A_694 = arith.index_cast %add3A_693 : i32 to index
      %get3A_695 = arith.constant 0 : index
      %get3A_696 = tpu.vector_load %arg10[%get3A_694, %get3A_695] {strides = array<i32>} : memref<640x128xf32, #tpu.memory_space<vmem>>, vector<1x16xf32>,
      %get3A_697 = vector.shape_cast %get3A_696 : vector<1x16xf32> to vector<16xf32>
      %add3A_698 = arith.constant 3 : i32
      %add3A_699 = arith.addi %mul3A_681, %add3A_698 : i32
      %get3A_700 = arith.index_cast %add3A_699 : i32 to index
      %get3A_701 = arith.constant 0 : index
      %get3A_702 = tpu.vector_load %arg10[%get3A_700, %get3A_701] {strides = array<i32>} : memref<640x128xf32, #tpu.memory_space<vmem>>, vector<1x16xf32>,
      %get3A_703 = vector.shape_cast %get3A_702 : vector<1x16xf32> to vector<16xf32>
      %add3A_704 = arith.addf %get3A_697, %get3A_703 : vector<16xf32>
      %add3A_705 = arith.addf %add3A_691, %add3A_704 : vector<16xf32>
      %add3A_706 = arith.constant 4 : i32
      %add3A_707 = arith.addi %mul3A_681, %add3A_706 : i32
      %get3A_708 = arith.index_cast %add3A_707 : i32 to index
      %get3A_709 = arith.constant 0 : index
      %get3A_710 = tpu.vector_load %arg10[%get3A_708, %get3A_709] {strides = array<i32>} : memref<640x128xf32, #tpu.memory_space<vmem>>, vector<1x16xf32>,
      %get3A_711 = vector.shape_cast %get3A_710 : vector<1x16xf32> to vector<16xf32>
      %add3A_712 = arith.addf %add3A_705, %get3A_711 : vector<16xf32>
      %swap3A = arith.index_cast %scan3A_678 : i32 to index
      %swap3A_713 = arith.constant 0 : index
      %swap3A_714 = tpu.vector_load %arg11[%swap3A, %swap3A_713] {strides = array<i32>} : memref<128x64xf32, #tpu.memory_space<vmem>>, vector<1x16xf32>,
      %swap3A_715 = vector.shape_cast %swap3A_714 : vector<1x16xf32> to vector<16xf32>
      %swap3A_716 = vector.shape_cast %add3A_712 : vector<16xf32> to vector<1x16xf32>
      tpu.vector_store %arg11[%swap3A, %swap3A_713], %swap3A_716 {strides = array<i32>} : memref<128x64xf32, #tpu.memory_space<vmem>>, vector<1x16xf32>,
      %get3A_717 = arith.index_cast %mul3A_681 : i32 to index
      %get3A_718 = arith.constant 16 : index
      %get3A_719 = tpu.vector_load %arg10[%get3A_717, %get3A_718] {strides = array<i32>} : memref<640x128xf32, #tpu.memory_space<vmem>>, vector<1x16xf32>,
      %get3A_720 = vector.shape_cast %get3A_719 : vector<1x16xf32> to vector<16xf32>
      %add3A_721 = arith.constant 1 : i32
      %add3A_722 = arith.addi %mul3A_681, %add3A_721 : i32
      %get3A_723 = arith.index_cast %add3A_722 : i32 to index
      %get3A_724 = arith.constant 16 : index
      %get3A_725 = tpu.vector_load %arg10[%get3A_723, %get3A_724] {strides = array<i32>} : memref<640x128xf32, #tpu.memory_space<vmem>>, vector<1x16xf32>,
      %get3A_726 = vector.shape_cast %get3A_725 : vector<1x16xf32> to vector<16xf32>
      %add3A_727 = arith.addf %get3A_720, %get3A_726 : vector<16xf32>
      %add3A_728 = arith.constant 2 : i32
      %add3A_729 = arith.addi %mul3A_681, %add3A_728 : i32
      %get3A_730 = arith.index_cast %add3A_729 : i32 to index
      %get3A_731 = arith.constant 16 : index
      %get3A_732 = tpu.vector_load %arg10[%get3A_730, %get3A_731] {strides = array<i32>} : memref<640x128xf32, #tpu.memory_space<vmem>>, vector<1x16xf32>,
      %get3A_733 = vector.shape_cast %get3A_732 : vector<1x16xf32> to vector<16xf32>
      %add3A_734 = arith.constant 3 : i32
      %add3A_735 = arith.addi %mul3A_681, %add3A_734 : i32
      %get3A_736 = arith.index_cast %add3A_735 : i32 to index
      %get3A_737 = arith.constant 16 : index
      %get3A_738 = tpu.vector_load %arg10[%get3A_736, %get3A_737] {strides = array<i32>} : memref<640x128xf32, #tpu.memory_space<vmem>>, vector<1x16xf32>,
      %get3A_739 = vector.shape_cast %get3A_738 : vector<1x16xf32> to vector<16xf32>
      %add3A_740 = arith.addf %get3A_733, %get3A_739 : vector<16xf32>
      %add3A_741 = arith.addf %add3A_727, %add3A_740 : vector<16xf32>
      %add3A_742 = arith.constant 4 : i32
      %add3A_743 = arith.addi %mul3A_681, %add3A_742 : i32
      %get3A_744 = arith.index_cast %add3A_743 : i32 to index
      %get3A_745 = arith.constant 16 : index
      %get3A_746 = tpu.vector_load %arg10[%get3A_744, %get3A_745] {strides = array<i32>} : memref<640x128xf32, #tpu.memory_space<vmem>>, vector<1x16xf32>,
      %get3A_747 = vector.shape_cast %get3A_746 : vector<1x16xf32> to vector<16xf32>
      %add3A_748 = arith.addf %add3A_741, %get3A_747 : vector<16xf32>
      %swap3A_749 = arith.index_cast %scan3A_678 : i32 to index
      %swap3A_750 = arith.constant 16 : index
      %swap3A_751 = tpu.vector_load %arg11[%swap3A_749, %swap3A_750] {strides = array<i32>} : memref<128x64xf32, #tpu.memory_space<vmem>>, vector<1x16xf32>,
      %swap3A_752 = vector.shape_cast %swap3A_751 : vector<1x16xf32> to vector<16xf32>
      %swap3A_753 = vector.shape_cast %add3A_748 : vector<16xf32> to vector<1x16xf32>
      tpu.vector_store %arg11[%swap3A_749, %swap3A_750], %swap3A_753 {strides = array<i32>} : memref<128x64xf32, #tpu.memory_space<vmem>>, vector<1x16xf32>,
      %get3A_754 = arith.index_cast %mul3A_681 : i32 to index
      %get3A_755 = arith.constant 32 : index
      %get3A_756 = tpu.vector_load %arg10[%get3A_754, %get3A_755] {strides = array<i32>} : memref<640x128xf32, #tpu.memory_space<vmem>>, vector<1x16xf32>,
      %get3A_757 = vector.shape_cast %get3A_756 : vector<1x16xf32> to vector<16xf32>
      %add3A_758 = arith.constant 1 : i32
      %add3A_759 = arith.addi %mul3A_681, %add3A_758 : i32
      %get3A_760 = arith.index_cast %add3A_759 : i32 to index
      %get3A_761 = arith.constant 32 : index
      %get3A_762 = tpu.vector_load %arg10[%get3A_760, %get3A_761] {strides = array<i32>} : memref<640x128xf32, #tpu.memory_space<vmem>>, vector<1x16xf32>,
      %get3A_763 = vector.shape_cast %get3A_762 : vector<1x16xf32> to vector<16xf32>
      %add3A_764 = arith.addf %get3A_757, %get3A_763 : vector<16xf32>
      %add3A_765 = arith.constant 2 : i32
      %add3A_766 = arith.addi %mul3A_681, %add3A_765 : i32
      %get3A_767 = arith.index_cast %add3A_766 : i32 to index
      %get3A_768 = arith.constant 32 : index
      %get3A_769 = tpu.vector_load %arg10[%get3A_767, %get3A_768] {strides = array<i32>} : memref<640x128xf32, #tpu.memory_space<vmem>>, vector<1x16xf32>,
      %get3A_770 = vector.shape_cast %get3A_769 : vector<1x16xf32> to vector<16xf32>
      %add3A_771 = arith.constant 3 : i32
      %add3A_772 = arith.addi %mul3A_681, %add3A_771 : i32
      %get3A_773 = arith.index_cast %add3A_772 : i32 to index
      %get3A_774 = arith.constant 32 : index
      %get3A_775 = tpu.vector_load %arg10[%get3A_773, %get3A_774] {strides = array<i32>} : memref<640x128xf32, #tpu.memory_space<vmem>>, vector<1x16xf32>,
      %get3A_776 = vector.shape_cast %get3A_775 : vector<1x16xf32> to vector<16xf32>
      %add3A_777 = arith.addf %get3A_770, %get3A_776 : vector<16xf32>
      %add3A_778 = arith.addf %add3A_764, %add3A_777 : vector<16xf32>
      %add3A_779 = arith.constant 4 : i32
      %add3A_780 = arith.addi %mul3A_681, %add3A_779 : i32
      %get3A_781 = arith.index_cast %add3A_780 : i32 to index
      %get3A_782 = arith.constant 32 : index
      %get3A_783 = tpu.vector_load %arg10[%get3A_781, %get3A_782] {strides = array<i32>} : memref<640x128xf32, #tpu.memory_space<vmem>>, vector<1x16xf32>,
      %get3A_784 = vector.shape_cast %get3A_783 : vector<1x16xf32> to vector<16xf32>
      %add3A_785 = arith.addf %add3A_778, %get3A_784 : vector<16xf32>
      %swap3A_786 = arith.index_cast %scan3A_678 : i32 to index
      %swap3A_787 = arith.constant 32 : index
      %swap3A_788 = tpu.vector_load %arg11[%swap3A_786, %swap3A_787] {strides = array<i32>} : memref<128x64xf32, #tpu.memory_space<vmem>>, vector<1x16xf32>,
      %swap3A_789 = vector.shape_cast %swap3A_788 : vector<1x16xf32> to vector<16xf32>
      %swap3A_790 = vector.shape_cast %add3A_785 : vector<16xf32> to vector<1x16xf32>
      tpu.vector_store %arg11[%swap3A_786, %swap3A_787], %swap3A_790 {strides = array<i32>} : memref<128x64xf32, #tpu.memory_space<vmem>>, vector<1x16xf32>,
      %get3A_791 = arith.index_cast %mul3A_681 : i32 to index
      %get3A_792 = arith.constant 48 : index
      %get3A_793 = tpu.vector_load %arg10[%get3A_791, %get3A_792] {strides = array<i32>} : memref<640x128xf32, #tpu.memory_space<vmem>>, vector<1x16xf32>,
      %get3A_794 = vector.shape_cast %get3A_793 : vector<1x16xf32> to vector<16xf32>
      %add3A_795 = arith.constant 1 : i32
      %add3A_796 = arith.addi %mul3A_681, %add3A_795 : i32
      %get3A_797 = arith.index_cast %add3A_796 : i32 to index
      %get3A_798 = arith.constant 48 : index
      %get3A_799 = tpu.vector_load %arg10[%get3A_797, %get3A_798] {strides = array<i32>} : memref<640x128xf32, #tpu.memory_space<vmem>>, vector<1x16xf32>,
      %get3A_800 = vector.shape_cast %get3A_799 : vector<1x16xf32> to vector<16xf32>
      %add3A_801 = arith.addf %get3A_794, %get3A_800 : vector<16xf32>
      %add3A_802 = arith.constant 2 : i32
      %add3A_803 = arith.addi %mul3A_681, %add3A_802 : i32
      %get3A_804 = arith.index_cast %add3A_803 : i32 to index
      %get3A_805 = arith.constant 48 : index
      %get3A_806 = tpu.vector_load %arg10[%get3A_804, %get3A_805] {strides = array<i32>} : memref<640x128xf32, #tpu.memory_space<vmem>>, vector<1x16xf32>,
      %get3A_807 = vector.shape_cast %get3A_806 : vector<1x16xf32> to vector<16xf32>
      %add3A_808 = arith.constant 3 : i32
      %add3A_809 = arith.addi %mul3A_681, %add3A_808 : i32
      %get3A_810 = arith.index_cast %add3A_809 : i32 to index
      %get3A_811 = arith.constant 48 : index
      %get3A_812 = tpu.vector_load %arg10[%get3A_810, %get3A_811] {strides = array<i32>} : memref<640x128xf32, #tpu.memory_space<vmem>>, vector<1x16xf32>,
      %get3A_813 = vector.shape_cast %get3A_812 : vector<1x16xf32> to vector<16xf32>
      %add3A_814 = arith.addf %get3A_807, %get3A_813 : vector<16xf32>
      %add3A_815 = arith.addf %add3A_801, %add3A_814 : vector<16xf32>
      %add3A_816 = arith.constant 4 : i32
      %add3A_817 = arith.addi %mul3A_681, %add3A_816 : i32
      %get3A_818 = arith.index_cast %add3A_817 : i32 to index
      %get3A_819 = arith.constant 48 : index
      %get3A_820 = tpu.vector_load %arg10[%get3A_818, %get3A_819] {strides = array<i32>} : memref<640x128xf32, #tpu.memory_space<vmem>>, vector<1x16xf32>,
      %get3A_821 = vector.shape_cast %get3A_820 : vector<1x16xf32> to vector<16xf32>
      %add3A_822 = arith.addf %add3A_815, %get3A_821 : vector<16xf32>
      %swap3A_823 = arith.index_cast %scan3A_678 : i32 to index
      %swap3A_824 = arith.constant 48 : index
      %swap3A_825 = tpu.vector_load %arg11[%swap3A_823, %swap3A_824] {strides = array<i32>} : memref<128x64xf32, #tpu.memory_space<vmem>>, vector<1x16xf32>,
      %swap3A_826 = vector.shape_cast %swap3A_825 : vector<1x16xf32> to vector<16xf32>
      %swap3A_827 = vector.shape_cast %add3A_822 : vector<16xf32> to vector<1x16xf32>
      tpu.vector_store %arg11[%swap3A_823, %swap3A_824], %swap3A_827 {strides = array<i32>} : memref<128x64xf32, #tpu.memory_space<vmem>>, vector<1x16xf32>,
      %scan3A_828 = arith.constant 0 : i32
      scf.yield %scan3A_828 : i32
    }
    %scan3A_507 = arith.constant 128 : i32
    "tpu.region"() ({
      %run_scoped3A = tpu.sem_alloc : memref<!tpu.dma_semaphore, #tpu.memory_space<semaphore_mem>>
      %dma_start3A_678 = arith.constant 0 : i32
      %dma_start3A_679 = tpu.memref_slice %arg4[%add3A_430, %dma_start3A_678] : memref<32768x64xf32, #tpu.memory_space<hbm>> -> memref<128x64xf32, #tpu.memory_space<hbm>>
      %dma_start3A_680 = arith.constant 0 : i32
      %dma_start3A_681 = tpu.memref_slice %arg4[%add3A_430, %dma_start3A_680] : memref<32768x64xf32, #tpu.memory_space<hbm>> -> memref<128x64xf32, #tpu.memory_space<hbm>>
      tpu.enqueue_dma source(%arg11 : memref<128x64xf32, #tpu.memory_space<vmem>>) target(%dma_start3A_681 : memref<128x64xf32, #tpu.memory_space<hbm>>) target_semaphore(%run_scoped3A : memref<!tpu.dma_semaphore, #tpu.memory_space<semaphore_mem>>)
      %dma_wait3A_682 = arith.constant 0 : i32
      %dma_wait3A_683 = tpu.memref_slice %arg4[%add3A_430, %dma_wait3A_682] : memref<32768x64xf32, #tpu.memory_space<hbm>> -> memref<128x64xf32, #tpu.memory_space<hbm>>
      %dma_wait3A_684 = arith.constant 0 : i32
      %dma_wait3A_685 = tpu.memref_slice %arg4[%add3A_430, %dma_wait3A_684] : memref<32768x64xf32, #tpu.memory_space<hbm>> -> memref<128x64xf32, #tpu.memory_space<hbm>>
      tpu.wait_dma2 semaphore(%run_scoped3A : memref<!tpu.dma_semaphore, #tpu.memory_space<semaphore_mem>>) src(%arg11 : memref<128x64xf32, #tpu.memory_space<vmem>>) dst(%dma_wait3A_685 : memref<128x64xf32, #tpu.memory_space<hbm>>)
      tpu.yield
    }) : () -> ()
    %mul3A_508 = arith.constant 40 : i32
    %mul3A_509 = arith.muli %add3A, %mul3A_508 : i32
    %add3A_510 = arith.constant 30 : i32
    %add3A_511 = arith.addi %mul3A_509, %add3A_510 : i32
    %mul3A_512 = arith.constant 1024 : i32
    %mul3A_513 = arith.muli %add3A, %mul3A_512 : i32
    %add3A_514 = arith.constant 768 : i32
    %add3A_515 = arith.addi %mul3A_513, %add3A_514 : i32
    %add3A_516 = arith.constant 0 : i32
    %add3A_517 = arith.addi %add3A_511, %add3A_516 : i32
    "tpu.region"() ({
      %run_scoped3A = tpu.sem_alloc : memref<!tpu.dma_semaphore, #tpu.memory_space<semaphore_mem>>
      %dma_start3A_678 = arith.constant 0 : i32
      %dma_start3A_679 = tpu.memref_slice %arg3[%add3A_517, %dma_start3A_678] : memref<1280x128xi32, #tpu.memory_space<hbm>> -> memref<1x128xi32, #tpu.memory_space<hbm>>
      %dma_start3A_680 = tpu.memref_squeeze %dma_start3A_679 : memref<1x128xi32, #tpu.memory_space<hbm>> -> memref<128xi32, #tpu.memory_space<hbm>>
      %dma_start3A_681 = arith.constant 0 : i32
      %dma_start3A_682 = tpu.memref_slice %arg3[%add3A_517, %dma_start3A_681] : memref<1280x128xi32, #tpu.memory_space<hbm>> -> memref<1x128xi32, #tpu.memory_space<hbm>>
      %dma_start3A_683 = tpu.memref_squeeze %dma_start3A_682 : memref<1x128xi32, #tpu.memory_space<hbm>> -> memref<128xi32, #tpu.memory_space<hbm>>
      tpu.enqueue_dma source(%dma_start3A_683 : memref<128xi32, #tpu.memory_space<hbm>>) target(%arg5 : memref<128xi32, #tpu.memory_space<vmem>>) target_semaphore(%run_scoped3A : memref<!tpu.dma_semaphore, #tpu.memory_space<semaphore_mem>>)
      %dma_wait3A_684 = arith.constant 0 : i32
      %dma_wait3A_685 = tpu.memref_slice %arg3[%add3A_517, %dma_wait3A_684] : memref<1280x128xi32, #tpu.memory_space<hbm>> -> memref<1x128xi32, #tpu.memory_space<hbm>>
      %dma_wait3A_686 = tpu.memref_squeeze %dma_wait3A_685 : memref<1x128xi32, #tpu.memory_space<hbm>> -> memref<128xi32, #tpu.memory_space<hbm>>
      %dma_wait3A_687 = arith.constant 0 : i32
      %dma_wait3A_688 = tpu.memref_slice %arg3[%add3A_517, %dma_wait3A_687] : memref<1280x128xi32, #tpu.memory_space<hbm>> -> memref<1x128xi32, #tpu.memory_space<hbm>>
      %dma_wait3A_689 = tpu.memref_squeeze %dma_wait3A_688 : memref<1x128xi32, #tpu.memory_space<hbm>> -> memref<128xi32, #tpu.memory_space<hbm>>
      tpu.wait_dma2 semaphore(%run_scoped3A : memref<!tpu.dma_semaphore, #tpu.memory_space<semaphore_mem>>) src(%dma_wait3A_689 : memref<128xi32, #tpu.memory_space<hbm>>) dst(%arg5 : memref<128xi32, #tpu.memory_space<vmem>>)
      tpu.yield
    }) : () -> ()
    %add3A_518 = arith.constant 1 : i32
    %add3A_519 = arith.addi %add3A_511, %add3A_518 : i32
    "tpu.region"() ({
      %run_scoped3A = tpu.sem_alloc : memref<!tpu.dma_semaphore, #tpu.memory_space<semaphore_mem>>
      %dma_start3A_678 = arith.constant 0 : i32
      %dma_start3A_679 = tpu.memref_slice %arg3[%add3A_519, %dma_start3A_678] : memref<1280x128xi32, #tpu.memory_space<hbm>> -> memref<1x128xi32, #tpu.memory_space<hbm>>
      %dma_start3A_680 = tpu.memref_squeeze %dma_start3A_679 : memref<1x128xi32, #tpu.memory_space<hbm>> -> memref<128xi32, #tpu.memory_space<hbm>>
      %dma_start3A_681 = arith.constant 0 : i32
      %dma_start3A_682 = tpu.memref_slice %arg3[%add3A_519, %dma_start3A_681] : memref<1280x128xi32, #tpu.memory_space<hbm>> -> memref<1x128xi32, #tpu.memory_space<hbm>>
      %dma_start3A_683 = tpu.memref_squeeze %dma_start3A_682 : memref<1x128xi32, #tpu.memory_space<hbm>> -> memref<128xi32, #tpu.memory_space<hbm>>
      tpu.enqueue_dma source(%dma_start3A_683 : memref<128xi32, #tpu.memory_space<hbm>>) target(%arg6 : memref<128xi32, #tpu.memory_space<vmem>>) target_semaphore(%run_scoped3A : memref<!tpu.dma_semaphore, #tpu.memory_space<semaphore_mem>>)
      %dma_wait3A_684 = arith.constant 0 : i32
      %dma_wait3A_685 = tpu.memref_slice %arg3[%add3A_519, %dma_wait3A_684] : memref<1280x128xi32, #tpu.memory_space<hbm>> -> memref<1x128xi32, #tpu.memory_space<hbm>>
      %dma_wait3A_686 = tpu.memref_squeeze %dma_wait3A_685 : memref<1x128xi32, #tpu.memory_space<hbm>> -> memref<128xi32, #tpu.memory_space<hbm>>
      %dma_wait3A_687 = arith.constant 0 : i32
      %dma_wait3A_688 = tpu.memref_slice %arg3[%add3A_519, %dma_wait3A_687] : memref<1280x128xi32, #tpu.memory_space<hbm>> -> memref<1x128xi32, #tpu.memory_space<hbm>>
      %dma_wait3A_689 = tpu.memref_squeeze %dma_wait3A_688 : memref<1x128xi32, #tpu.memory_space<hbm>> -> memref<128xi32, #tpu.memory_space<hbm>>
      tpu.wait_dma2 semaphore(%run_scoped3A : memref<!tpu.dma_semaphore, #tpu.memory_space<semaphore_mem>>) src(%dma_wait3A_689 : memref<128xi32, #tpu.memory_space<hbm>>) dst(%arg6 : memref<128xi32, #tpu.memory_space<vmem>>)
      tpu.yield
    }) : () -> ()
    %add3A_520 = arith.constant 2 : i32
    %add3A_521 = arith.addi %add3A_511, %add3A_520 : i32
    "tpu.region"() ({
      %run_scoped3A = tpu.sem_alloc : memref<!tpu.dma_semaphore, #tpu.memory_space<semaphore_mem>>
      %dma_start3A_678 = arith.constant 0 : i32
      %dma_start3A_679 = tpu.memref_slice %arg3[%add3A_521, %dma_start3A_678] : memref<1280x128xi32, #tpu.memory_space<hbm>> -> memref<1x128xi32, #tpu.memory_space<hbm>>
      %dma_start3A_680 = tpu.memref_squeeze %dma_start3A_679 : memref<1x128xi32, #tpu.memory_space<hbm>> -> memref<128xi32, #tpu.memory_space<hbm>>
      %dma_start3A_681 = arith.constant 0 : i32
      %dma_start3A_682 = tpu.memref_slice %arg3[%add3A_521, %dma_start3A_681] : memref<1280x128xi32, #tpu.memory_space<hbm>> -> memref<1x128xi32, #tpu.memory_space<hbm>>
      %dma_start3A_683 = tpu.memref_squeeze %dma_start3A_682 : memref<1x128xi32, #tpu.memory_space<hbm>> -> memref<128xi32, #tpu.memory_space<hbm>>
      tpu.enqueue_dma source(%dma_start3A_683 : memref<128xi32, #tpu.memory_space<hbm>>) target(%arg7 : memref<128xi32, #tpu.memory_space<vmem>>) target_semaphore(%run_scoped3A : memref<!tpu.dma_semaphore, #tpu.memory_space<semaphore_mem>>)
      %dma_wait3A_684 = arith.constant 0 : i32
      %dma_wait3A_685 = tpu.memref_slice %arg3[%add3A_521, %dma_wait3A_684] : memref<1280x128xi32, #tpu.memory_space<hbm>> -> memref<1x128xi32, #tpu.memory_space<hbm>>
      %dma_wait3A_686 = tpu.memref_squeeze %dma_wait3A_685 : memref<1x128xi32, #tpu.memory_space<hbm>> -> memref<128xi32, #tpu.memory_space<hbm>>
      %dma_wait3A_687 = arith.constant 0 : i32
      %dma_wait3A_688 = tpu.memref_slice %arg3[%add3A_521, %dma_wait3A_687] : memref<1280x128xi32, #tpu.memory_space<hbm>> -> memref<1x128xi32, #tpu.memory_space<hbm>>
      %dma_wait3A_689 = tpu.memref_squeeze %dma_wait3A_688 : memref<1x128xi32, #tpu.memory_space<hbm>> -> memref<128xi32, #tpu.memory_space<hbm>>
      tpu.wait_dma2 semaphore(%run_scoped3A : memref<!tpu.dma_semaphore, #tpu.memory_space<semaphore_mem>>) src(%dma_wait3A_689 : memref<128xi32, #tpu.memory_space<hbm>>) dst(%arg7 : memref<128xi32, #tpu.memory_space<vmem>>)
      tpu.yield
    }) : () -> ()
    %add3A_522 = arith.constant 3 : i32
    %add3A_523 = arith.addi %add3A_511, %add3A_522 : i32
    "tpu.region"() ({
      %run_scoped3A = tpu.sem_alloc : memref<!tpu.dma_semaphore, #tpu.memory_space<semaphore_mem>>
      %dma_start3A_678 = arith.constant 0 : i32
      %dma_start3A_679 = tpu.memref_slice %arg3[%add3A_523, %dma_start3A_678] : memref<1280x128xi32, #tpu.memory_space<hbm>> -> memref<1x128xi32, #tpu.memory_space<hbm>>
      %dma_start3A_680 = tpu.memref_squeeze %dma_start3A_679 : memref<1x128xi32, #tpu.memory_space<hbm>> -> memref<128xi32, #tpu.memory_space<hbm>>
      %dma_start3A_681 = arith.constant 0 : i32
      %dma_start3A_682 = tpu.memref_slice %arg3[%add3A_523, %dma_start3A_681] : memref<1280x128xi32, #tpu.memory_space<hbm>> -> memref<1x128xi32, #tpu.memory_space<hbm>>
      %dma_start3A_683 = tpu.memref_squeeze %dma_start3A_682 : memref<1x128xi32, #tpu.memory_space<hbm>> -> memref<128xi32, #tpu.memory_space<hbm>>
      tpu.enqueue_dma source(%dma_start3A_683 : memref<128xi32, #tpu.memory_space<hbm>>) target(%arg8 : memref<128xi32, #tpu.memory_space<vmem>>) target_semaphore(%run_scoped3A : memref<!tpu.dma_semaphore, #tpu.memory_space<semaphore_mem>>)
      %dma_wait3A_684 = arith.constant 0 : i32
      %dma_wait3A_685 = tpu.memref_slice %arg3[%add3A_523, %dma_wait3A_684] : memref<1280x128xi32, #tpu.memory_space<hbm>> -> memref<1x128xi32, #tpu.memory_space<hbm>>
      %dma_wait3A_686 = tpu.memref_squeeze %dma_wait3A_685 : memref<1x128xi32, #tpu.memory_space<hbm>> -> memref<128xi32, #tpu.memory_space<hbm>>
      %dma_wait3A_687 = arith.constant 0 : i32
      %dma_wait3A_688 = tpu.memref_slice %arg3[%add3A_523, %dma_wait3A_687] : memref<1280x128xi32, #tpu.memory_space<hbm>> -> memref<1x128xi32, #tpu.memory_space<hbm>>
      %dma_wait3A_689 = tpu.memref_squeeze %dma_wait3A_688 : memref<1x128xi32, #tpu.memory_space<hbm>> -> memref<128xi32, #tpu.memory_space<hbm>>
      tpu.wait_dma2 semaphore(%run_scoped3A : memref<!tpu.dma_semaphore, #tpu.memory_space<semaphore_mem>>) src(%dma_wait3A_689 : memref<128xi32, #tpu.memory_space<hbm>>) dst(%arg8 : memref<128xi32, #tpu.memory_space<vmem>>)
      tpu.yield
    }) : () -> ()
    %add3A_524 = arith.constant 4 : i32
    %add3A_525 = arith.addi %add3A_511, %add3A_524 : i32
    "tpu.region"() ({
      %run_scoped3A = tpu.sem_alloc : memref<!tpu.dma_semaphore, #tpu.memory_space<semaphore_mem>>
      %dma_start3A_678 = arith.constant 0 : i32
      %dma_start3A_679 = tpu.memref_slice %arg3[%add3A_525, %dma_start3A_678] : memref<1280x128xi32, #tpu.memory_space<hbm>> -> memref<1x128xi32, #tpu.memory_space<hbm>>
      %dma_start3A_680 = tpu.memref_squeeze %dma_start3A_679 : memref<1x128xi32, #tpu.memory_space<hbm>> -> memref<128xi32, #tpu.memory_space<hbm>>
      %dma_start3A_681 = arith.constant 0 : i32
      %dma_start3A_682 = tpu.memref_slice %arg3[%add3A_525, %dma_start3A_681] : memref<1280x128xi32, #tpu.memory_space<hbm>> -> memref<1x128xi32, #tpu.memory_space<hbm>>
      %dma_start3A_683 = tpu.memref_squeeze %dma_start3A_682 : memref<1x128xi32, #tpu.memory_space<hbm>> -> memref<128xi32, #tpu.memory_space<hbm>>
      tpu.enqueue_dma source(%dma_start3A_683 : memref<128xi32, #tpu.memory_space<hbm>>) target(%arg9 : memref<128xi32, #tpu.memory_space<vmem>>) target_semaphore(%run_scoped3A : memref<!tpu.dma_semaphore, #tpu.memory_space<semaphore_mem>>)
      %dma_wait3A_684 = arith.constant 0 : i32
      %dma_wait3A_685 = tpu.memref_slice %arg3[%add3A_525, %dma_wait3A_684] : memref<1280x128xi32, #tpu.memory_space<hbm>> -> memref<1x128xi32, #tpu.memory_space<hbm>>
      %dma_wait3A_686 = tpu.memref_squeeze %dma_wait3A_685 : memref<1x128xi32, #tpu.memory_space<hbm>> -> memref<128xi32, #tpu.memory_space<hbm>>
      %dma_wait3A_687 = arith.constant 0 : i32
      %dma_wait3A_688 = tpu.memref_slice %arg3[%add3A_525, %dma_wait3A_687] : memref<1280x128xi32, #tpu.memory_space<hbm>> -> memref<1x128xi32, #tpu.memory_space<hbm>>
      %dma_wait3A_689 = tpu.memref_squeeze %dma_wait3A_688 : memref<1x128xi32, #tpu.memory_space<hbm>> -> memref<128xi32, #tpu.memory_space<hbm>>
      tpu.wait_dma2 semaphore(%run_scoped3A : memref<!tpu.dma_semaphore, #tpu.memory_space<semaphore_mem>>) src(%dma_wait3A_689 : memref<128xi32, #tpu.memory_space<hbm>>) dst(%arg9 : memref<128xi32, #tpu.memory_space<vmem>>)
      tpu.yield
    }) : () -> ()
    %dma_start3A_526 = arith.constant 0 : i32
    %dma_start3A_527 = arith.constant 0 : i32
    %dma_start3A_528 = tpu.memref_slice %arg10[%dma_start3A_526, %dma_start3A_527] : memref<640x128xf32, #tpu.memory_space<vmem>> -> memref<128x128xf32, #tpu.memory_space<vmem>>
    %dma_start3A_529 = arith.constant 0 : i32
    %dma_start3A_530 = arith.constant 0 : i32
    %dma_start3A_531 = tpu.memref_slice %arg2[%dma_start3A_529, %dma_start3A_530] : memref<15872x128xf32, #tpu.memory_space<hbm>> -> memref<15872x128xf32, #tpu.memory_space<hbm>>
    tpu.enqueue_indirect_dma source(%dma_start3A_531 : memref<15872x128xf32, #tpu.memory_space<hbm>>) target(%dma_start3A_528 : memref<128x128xf32, #tpu.memory_space<vmem>>) offsets(%arg5 : memref<128xi32, #tpu.memory_space<vmem>>) semaphore(%arg12 : memref<!tpu.dma_semaphore, #tpu.memory_space<semaphore_mem>>)
    %dma_start3A_532 = arith.constant 128 : i32
    %dma_start3A_533 = arith.constant 0 : i32
    %dma_start3A_534 = tpu.memref_slice %arg10[%dma_start3A_532, %dma_start3A_533] : memref<640x128xf32, #tpu.memory_space<vmem>> -> memref<128x128xf32, #tpu.memory_space<vmem>>
    %dma_start3A_535 = arith.constant 0 : i32
    %dma_start3A_536 = arith.constant 0 : i32
    %dma_start3A_537 = tpu.memref_slice %arg2[%dma_start3A_535, %dma_start3A_536] : memref<15872x128xf32, #tpu.memory_space<hbm>> -> memref<15872x128xf32, #tpu.memory_space<hbm>>
    tpu.enqueue_indirect_dma source(%dma_start3A_537 : memref<15872x128xf32, #tpu.memory_space<hbm>>) target(%dma_start3A_534 : memref<128x128xf32, #tpu.memory_space<vmem>>) offsets(%arg6 : memref<128xi32, #tpu.memory_space<vmem>>) semaphore(%arg12 : memref<!tpu.dma_semaphore, #tpu.memory_space<semaphore_mem>>)
    %dma_start3A_538 = arith.constant 256 : i32
    %dma_start3A_539 = arith.constant 0 : i32
    %dma_start3A_540 = tpu.memref_slice %arg10[%dma_start3A_538, %dma_start3A_539] : memref<640x128xf32, #tpu.memory_space<vmem>> -> memref<128x128xf32, #tpu.memory_space<vmem>>
    %dma_start3A_541 = arith.constant 0 : i32
    %dma_start3A_542 = arith.constant 0 : i32
    %dma_start3A_543 = tpu.memref_slice %arg2[%dma_start3A_541, %dma_start3A_542] : memref<15872x128xf32, #tpu.memory_space<hbm>> -> memref<15872x128xf32, #tpu.memory_space<hbm>>
    tpu.enqueue_indirect_dma source(%dma_start3A_543 : memref<15872x128xf32, #tpu.memory_space<hbm>>) target(%dma_start3A_540 : memref<128x128xf32, #tpu.memory_space<vmem>>) offsets(%arg7 : memref<128xi32, #tpu.memory_space<vmem>>) semaphore(%arg12 : memref<!tpu.dma_semaphore, #tpu.memory_space<semaphore_mem>>)
    %dma_start3A_544 = arith.constant 384 : i32
    %dma_start3A_545 = arith.constant 0 : i32
    %dma_start3A_546 = tpu.memref_slice %arg10[%dma_start3A_544, %dma_start3A_545] : memref<640x128xf32, #tpu.memory_space<vmem>> -> memref<128x128xf32, #tpu.memory_space<vmem>>
    %dma_start3A_547 = arith.constant 0 : i32
    %dma_start3A_548 = arith.constant 0 : i32
    %dma_start3A_549 = tpu.memref_slice %arg2[%dma_start3A_547, %dma_start3A_548] : memref<15872x128xf32, #tpu.memory_space<hbm>> -> memref<15872x128xf32, #tpu.memory_space<hbm>>
    tpu.enqueue_indirect_dma source(%dma_start3A_549 : memref<15872x128xf32, #tpu.memory_space<hbm>>) target(%dma_start3A_546 : memref<128x128xf32, #tpu.memory_space<vmem>>) offsets(%arg8 : memref<128xi32, #tpu.memory_space<vmem>>) semaphore(%arg12 : memref<!tpu.dma_semaphore, #tpu.memory_space<semaphore_mem>>)
    %dma_start3A_550 = arith.constant 512 : i32
    %dma_start3A_551 = arith.constant 0 : i32
    %dma_start3A_552 = tpu.memref_slice %arg10[%dma_start3A_550, %dma_start3A_551] : memref<640x128xf32, #tpu.memory_space<vmem>> -> memref<128x128xf32, #tpu.memory_space<vmem>>
    %dma_start3A_553 = arith.constant 0 : i32
    %dma_start3A_554 = arith.constant 0 : i32
    %dma_start3A_555 = tpu.memref_slice %arg2[%dma_start3A_553, %dma_start3A_554] : memref<15872x128xf32, #tpu.memory_space<hbm>> -> memref<15872x128xf32, #tpu.memory_space<hbm>>
    tpu.enqueue_indirect_dma source(%dma_start3A_555 : memref<15872x128xf32, #tpu.memory_space<hbm>>) target(%dma_start3A_552 : memref<128x128xf32, #tpu.memory_space<vmem>>) offsets(%arg9 : memref<128xi32, #tpu.memory_space<vmem>>) semaphore(%arg12 : memref<!tpu.dma_semaphore, #tpu.memory_space<semaphore_mem>>)
    %dma_wait3A_556 = arith.constant 0 : i32
    %dma_wait3A_557 = arith.constant 0 : i32
    %dma_wait3A_558 = tpu.memref_slice %arg10[%dma_wait3A_556, %dma_wait3A_557] : memref<640x128xf32, #tpu.memory_space<vmem>> -> memref<128x128xf32, #tpu.memory_space<vmem>>
    %dma_wait3A_559 = arith.constant 0 : i32
    %dma_wait3A_560 = arith.constant 0 : i32
    %dma_wait3A_561 = tpu.memref_slice %arg2[%dma_wait3A_559, %dma_wait3A_560] : memref<15872x128xf32, #tpu.memory_space<hbm>> -> memref<15872x128xf32, #tpu.memory_space<hbm>>
    tpu.wait_indirect_dma semaphore(%arg12 : memref<!tpu.dma_semaphore, #tpu.memory_space<semaphore_mem>>) src(%dma_wait3A_561 : memref<15872x128xf32, #tpu.memory_space<hbm>>) dst(%dma_wait3A_558 : memref<128x128xf32, #tpu.memory_space<vmem>>)
    %dma_wait3A_562 = arith.constant 128 : i32
    %dma_wait3A_563 = arith.constant 0 : i32
    %dma_wait3A_564 = tpu.memref_slice %arg10[%dma_wait3A_562, %dma_wait3A_563] : memref<640x128xf32, #tpu.memory_space<vmem>> -> memref<128x128xf32, #tpu.memory_space<vmem>>
    %dma_wait3A_565 = arith.constant 0 : i32
    %dma_wait3A_566 = arith.constant 0 : i32
    %dma_wait3A_567 = tpu.memref_slice %arg2[%dma_wait3A_565, %dma_wait3A_566] : memref<15872x128xf32, #tpu.memory_space<hbm>> -> memref<15872x128xf32, #tpu.memory_space<hbm>>
    tpu.wait_indirect_dma semaphore(%arg12 : memref<!tpu.dma_semaphore, #tpu.memory_space<semaphore_mem>>) src(%dma_wait3A_567 : memref<15872x128xf32, #tpu.memory_space<hbm>>) dst(%dma_wait3A_564 : memref<128x128xf32, #tpu.memory_space<vmem>>)
    %dma_wait3A_568 = arith.constant 256 : i32
    %dma_wait3A_569 = arith.constant 0 : i32
    %dma_wait3A_570 = tpu.memref_slice %arg10[%dma_wait3A_568, %dma_wait3A_569] : memref<640x128xf32, #tpu.memory_space<vmem>> -> memref<128x128xf32, #tpu.memory_space<vmem>>
    %dma_wait3A_571 = arith.constant 0 : i32
    %dma_wait3A_572 = arith.constant 0 : i32
    %dma_wait3A_573 = tpu.memref_slice %arg2[%dma_wait3A_571, %dma_wait3A_572] : memref<15872x128xf32, #tpu.memory_space<hbm>> -> memref<15872x128xf32, #tpu.memory_space<hbm>>
    tpu.wait_indirect_dma semaphore(%arg12 : memref<!tpu.dma_semaphore, #tpu.memory_space<semaphore_mem>>) src(%dma_wait3A_573 : memref<15872x128xf32, #tpu.memory_space<hbm>>) dst(%dma_wait3A_570 : memref<128x128xf32, #tpu.memory_space<vmem>>)
    %dma_wait3A_574 = arith.constant 384 : i32
    %dma_wait3A_575 = arith.constant 0 : i32
    %dma_wait3A_576 = tpu.memref_slice %arg10[%dma_wait3A_574, %dma_wait3A_575] : memref<640x128xf32, #tpu.memory_space<vmem>> -> memref<128x128xf32, #tpu.memory_space<vmem>>
    %dma_wait3A_577 = arith.constant 0 : i32
    %dma_wait3A_578 = arith.constant 0 : i32
    %dma_wait3A_579 = tpu.memref_slice %arg2[%dma_wait3A_577, %dma_wait3A_578] : memref<15872x128xf32, #tpu.memory_space<hbm>> -> memref<15872x128xf32, #tpu.memory_space<hbm>>
    tpu.wait_indirect_dma semaphore(%arg12 : memref<!tpu.dma_semaphore, #tpu.memory_space<semaphore_mem>>) src(%dma_wait3A_579 : memref<15872x128xf32, #tpu.memory_space<hbm>>) dst(%dma_wait3A_576 : memref<128x128xf32, #tpu.memory_space<vmem>>)
    %dma_wait3A_580 = arith.constant 512 : i32
    %dma_wait3A_581 = arith.constant 0 : i32
    %dma_wait3A_582 = tpu.memref_slice %arg10[%dma_wait3A_580, %dma_wait3A_581] : memref<640x128xf32, #tpu.memory_space<vmem>> -> memref<128x128xf32, #tpu.memory_space<vmem>>
    %dma_wait3A_583 = arith.constant 0 : i32
    %dma_wait3A_584 = arith.constant 0 : i32
    %dma_wait3A_585 = tpu.memref_slice %arg2[%dma_wait3A_583, %dma_wait3A_584] : memref<15872x128xf32, #tpu.memory_space<hbm>> -> memref<15872x128xf32, #tpu.memory_space<hbm>>
    tpu.wait_indirect_dma semaphore(%arg12 : memref<!tpu.dma_semaphore, #tpu.memory_space<semaphore_mem>>) src(%dma_wait3A_585 : memref<15872x128xf32, #tpu.memory_space<hbm>>) dst(%dma_wait3A_582 : memref<128x128xf32, #tpu.memory_space<vmem>>)
    %scan3A_586 = arith.constant 0 : i32
    %scan3A_587 = arith.constant 0 : i32
    %scan3A_588 = arith.constant 128 : i32
    %scan3A_589 = arith.addi %scan3A_587, %scan3A_588 : i32
    %scan3A_590 = arith.constant 1 : i32
    %scan3A_591 = scf.for %scan3A_678 = %scan3A_587 to %scan3A_589 step %scan3A_590 iter_args(%scan3A_679 = %scan3A_586) -> (i32)  : i32 {
      %mul3A_680 = arith.constant 5 : i32
      %mul3A_681 = arith.muli %scan3A_678, %mul3A_680 : i32
      %get3A = arith.index_cast %mul3A_681 : i32 to index
      %get3A_682 = arith.constant 0 : index
      %get3A_683 = tpu.vector_load %arg10[%get3A, %get3A_682] {strides = array<i32>} : memref<640x128xf32, #tpu.memory_space<vmem>>, vector<1x16xf32>,
      %get3A_684 = vector.shape_cast %get3A_683 : vector<1x16xf32> to vector<16xf32>
      %add3A_685 = arith.constant 1 : i32
      %add3A_686 = arith.addi %mul3A_681, %add3A_685 : i32
      %get3A_687 = arith.index_cast %add3A_686 : i32 to index
      %get3A_688 = arith.constant 0 : index
      %get3A_689 = tpu.vector_load %arg10[%get3A_687, %get3A_688] {strides = array<i32>} : memref<640x128xf32, #tpu.memory_space<vmem>>, vector<1x16xf32>,
      %get3A_690 = vector.shape_cast %get3A_689 : vector<1x16xf32> to vector<16xf32>
      %add3A_691 = arith.addf %get3A_684, %get3A_690 : vector<16xf32>
      %add3A_692 = arith.constant 2 : i32
      %add3A_693 = arith.addi %mul3A_681, %add3A_692 : i32
      %get3A_694 = arith.index_cast %add3A_693 : i32 to index
      %get3A_695 = arith.constant 0 : index
      %get3A_696 = tpu.vector_load %arg10[%get3A_694, %get3A_695] {strides = array<i32>} : memref<640x128xf32, #tpu.memory_space<vmem>>, vector<1x16xf32>,
      %get3A_697 = vector.shape_cast %get3A_696 : vector<1x16xf32> to vector<16xf32>
      %add3A_698 = arith.constant 3 : i32
      %add3A_699 = arith.addi %mul3A_681, %add3A_698 : i32
      %get3A_700 = arith.index_cast %add3A_699 : i32 to index
      %get3A_701 = arith.constant 0 : index
      %get3A_702 = tpu.vector_load %arg10[%get3A_700, %get3A_701] {strides = array<i32>} : memref<640x128xf32, #tpu.memory_space<vmem>>, vector<1x16xf32>,
      %get3A_703 = vector.shape_cast %get3A_702 : vector<1x16xf32> to vector<16xf32>
      %add3A_704 = arith.addf %get3A_697, %get3A_703 : vector<16xf32>
      %add3A_705 = arith.addf %add3A_691, %add3A_704 : vector<16xf32>
      %add3A_706 = arith.constant 4 : i32
      %add3A_707 = arith.addi %mul3A_681, %add3A_706 : i32
      %get3A_708 = arith.index_cast %add3A_707 : i32 to index
      %get3A_709 = arith.constant 0 : index
      %get3A_710 = tpu.vector_load %arg10[%get3A_708, %get3A_709] {strides = array<i32>} : memref<640x128xf32, #tpu.memory_space<vmem>>, vector<1x16xf32>,
      %get3A_711 = vector.shape_cast %get3A_710 : vector<1x16xf32> to vector<16xf32>
      %add3A_712 = arith.addf %add3A_705, %get3A_711 : vector<16xf32>
      %swap3A = arith.index_cast %scan3A_678 : i32 to index
      %swap3A_713 = arith.constant 0 : index
      %swap3A_714 = tpu.vector_load %arg11[%swap3A, %swap3A_713] {strides = array<i32>} : memref<128x64xf32, #tpu.memory_space<vmem>>, vector<1x16xf32>,
      %swap3A_715 = vector.shape_cast %swap3A_714 : vector<1x16xf32> to vector<16xf32>
      %swap3A_716 = vector.shape_cast %add3A_712 : vector<16xf32> to vector<1x16xf32>
      tpu.vector_store %arg11[%swap3A, %swap3A_713], %swap3A_716 {strides = array<i32>} : memref<128x64xf32, #tpu.memory_space<vmem>>, vector<1x16xf32>,
      %get3A_717 = arith.index_cast %mul3A_681 : i32 to index
      %get3A_718 = arith.constant 16 : index
      %get3A_719 = tpu.vector_load %arg10[%get3A_717, %get3A_718] {strides = array<i32>} : memref<640x128xf32, #tpu.memory_space<vmem>>, vector<1x16xf32>,
      %get3A_720 = vector.shape_cast %get3A_719 : vector<1x16xf32> to vector<16xf32>
      %add3A_721 = arith.constant 1 : i32
      %add3A_722 = arith.addi %mul3A_681, %add3A_721 : i32
      %get3A_723 = arith.index_cast %add3A_722 : i32 to index
      %get3A_724 = arith.constant 16 : index
      %get3A_725 = tpu.vector_load %arg10[%get3A_723, %get3A_724] {strides = array<i32>} : memref<640x128xf32, #tpu.memory_space<vmem>>, vector<1x16xf32>,
      %get3A_726 = vector.shape_cast %get3A_725 : vector<1x16xf32> to vector<16xf32>
      %add3A_727 = arith.addf %get3A_720, %get3A_726 : vector<16xf32>
      %add3A_728 = arith.constant 2 : i32
      %add3A_729 = arith.addi %mul3A_681, %add3A_728 : i32
      %get3A_730 = arith.index_cast %add3A_729 : i32 to index
      %get3A_731 = arith.constant 16 : index
      %get3A_732 = tpu.vector_load %arg10[%get3A_730, %get3A_731] {strides = array<i32>} : memref<640x128xf32, #tpu.memory_space<vmem>>, vector<1x16xf32>,
      %get3A_733 = vector.shape_cast %get3A_732 : vector<1x16xf32> to vector<16xf32>
      %add3A_734 = arith.constant 3 : i32
      %add3A_735 = arith.addi %mul3A_681, %add3A_734 : i32
      %get3A_736 = arith.index_cast %add3A_735 : i32 to index
      %get3A_737 = arith.constant 16 : index
      %get3A_738 = tpu.vector_load %arg10[%get3A_736, %get3A_737] {strides = array<i32>} : memref<640x128xf32, #tpu.memory_space<vmem>>, vector<1x16xf32>,
      %get3A_739 = vector.shape_cast %get3A_738 : vector<1x16xf32> to vector<16xf32>
      %add3A_740 = arith.addf %get3A_733, %get3A_739 : vector<16xf32>
      %add3A_741 = arith.addf %add3A_727, %add3A_740 : vector<16xf32>
      %add3A_742 = arith.constant 4 : i32
      %add3A_743 = arith.addi %mul3A_681, %add3A_742 : i32
      %get3A_744 = arith.index_cast %add3A_743 : i32 to index
      %get3A_745 = arith.constant 16 : index
      %get3A_746 = tpu.vector_load %arg10[%get3A_744, %get3A_745] {strides = array<i32>} : memref<640x128xf32, #tpu.memory_space<vmem>>, vector<1x16xf32>,
      %get3A_747 = vector.shape_cast %get3A_746 : vector<1x16xf32> to vector<16xf32>
      %add3A_748 = arith.addf %add3A_741, %get3A_747 : vector<16xf32>
      %swap3A_749 = arith.index_cast %scan3A_678 : i32 to index
      %swap3A_750 = arith.constant 16 : index
      %swap3A_751 = tpu.vector_load %arg11[%swap3A_749, %swap3A_750] {strides = array<i32>} : memref<128x64xf32, #tpu.memory_space<vmem>>, vector<1x16xf32>,
      %swap3A_752 = vector.shape_cast %swap3A_751 : vector<1x16xf32> to vector<16xf32>
      %swap3A_753 = vector.shape_cast %add3A_748 : vector<16xf32> to vector<1x16xf32>
      tpu.vector_store %arg11[%swap3A_749, %swap3A_750], %swap3A_753 {strides = array<i32>} : memref<128x64xf32, #tpu.memory_space<vmem>>, vector<1x16xf32>,
      %get3A_754 = arith.index_cast %mul3A_681 : i32 to index
      %get3A_755 = arith.constant 32 : index
      %get3A_756 = tpu.vector_load %arg10[%get3A_754, %get3A_755] {strides = array<i32>} : memref<640x128xf32, #tpu.memory_space<vmem>>, vector<1x16xf32>,
      %get3A_757 = vector.shape_cast %get3A_756 : vector<1x16xf32> to vector<16xf32>
      %add3A_758 = arith.constant 1 : i32
      %add3A_759 = arith.addi %mul3A_681, %add3A_758 : i32
      %get3A_760 = arith.index_cast %add3A_759 : i32 to index
      %get3A_761 = arith.constant 32 : index
      %get3A_762 = tpu.vector_load %arg10[%get3A_760, %get3A_761] {strides = array<i32>} : memref<640x128xf32, #tpu.memory_space<vmem>>, vector<1x16xf32>,
      %get3A_763 = vector.shape_cast %get3A_762 : vector<1x16xf32> to vector<16xf32>
      %add3A_764 = arith.addf %get3A_757, %get3A_763 : vector<16xf32>
      %add3A_765 = arith.constant 2 : i32
      %add3A_766 = arith.addi %mul3A_681, %add3A_765 : i32
      %get3A_767 = arith.index_cast %add3A_766 : i32 to index
      %get3A_768 = arith.constant 32 : index
      %get3A_769 = tpu.vector_load %arg10[%get3A_767, %get3A_768] {strides = array<i32>} : memref<640x128xf32, #tpu.memory_space<vmem>>, vector<1x16xf32>,
      %get3A_770 = vector.shape_cast %get3A_769 : vector<1x16xf32> to vector<16xf32>
      %add3A_771 = arith.constant 3 : i32
      %add3A_772 = arith.addi %mul3A_681, %add3A_771 : i32
      %get3A_773 = arith.index_cast %add3A_772 : i32 to index
      %get3A_774 = arith.constant 32 : index
      %get3A_775 = tpu.vector_load %arg10[%get3A_773, %get3A_774] {strides = array<i32>} : memref<640x128xf32, #tpu.memory_space<vmem>>, vector<1x16xf32>,
      %get3A_776 = vector.shape_cast %get3A_775 : vector<1x16xf32> to vector<16xf32>
      %add3A_777 = arith.addf %get3A_770, %get3A_776 : vector<16xf32>
      %add3A_778 = arith.addf %add3A_764, %add3A_777 : vector<16xf32>
      %add3A_779 = arith.constant 4 : i32
      %add3A_780 = arith.addi %mul3A_681, %add3A_779 : i32
      %get3A_781 = arith.index_cast %add3A_780 : i32 to index
      %get3A_782 = arith.constant 32 : index
      %get3A_783 = tpu.vector_load %arg10[%get3A_781, %get3A_782] {strides = array<i32>} : memref<640x128xf32, #tpu.memory_space<vmem>>, vector<1x16xf32>,
      %get3A_784 = vector.shape_cast %get3A_783 : vector<1x16xf32> to vector<16xf32>
      %add3A_785 = arith.addf %add3A_778, %get3A_784 : vector<16xf32>
      %swap3A_786 = arith.index_cast %scan3A_678 : i32 to index
      %swap3A_787 = arith.constant 32 : index
      %swap3A_788 = tpu.vector_load %arg11[%swap3A_786, %swap3A_787] {strides = array<i32>} : memref<128x64xf32, #tpu.memory_space<vmem>>, vector<1x16xf32>,
      %swap3A_789 = vector.shape_cast %swap3A_788 : vector<1x16xf32> to vector<16xf32>
      %swap3A_790 = vector.shape_cast %add3A_785 : vector<16xf32> to vector<1x16xf32>
      tpu.vector_store %arg11[%swap3A_786, %swap3A_787], %swap3A_790 {strides = array<i32>} : memref<128x64xf32, #tpu.memory_space<vmem>>, vector<1x16xf32>,
      %get3A_791 = arith.index_cast %mul3A_681 : i32 to index
      %get3A_792 = arith.constant 48 : index
      %get3A_793 = tpu.vector_load %arg10[%get3A_791, %get3A_792] {strides = array<i32>} : memref<640x128xf32, #tpu.memory_space<vmem>>, vector<1x16xf32>,
      %get3A_794 = vector.shape_cast %get3A_793 : vector<1x16xf32> to vector<16xf32>
      %add3A_795 = arith.constant 1 : i32
      %add3A_796 = arith.addi %mul3A_681, %add3A_795 : i32
      %get3A_797 = arith.index_cast %add3A_796 : i32 to index
      %get3A_798 = arith.constant 48 : index
      %get3A_799 = tpu.vector_load %arg10[%get3A_797, %get3A_798] {strides = array<i32>} : memref<640x128xf32, #tpu.memory_space<vmem>>, vector<1x16xf32>,
      %get3A_800 = vector.shape_cast %get3A_799 : vector<1x16xf32> to vector<16xf32>
      %add3A_801 = arith.addf %get3A_794, %get3A_800 : vector<16xf32>
      %add3A_802 = arith.constant 2 : i32
      %add3A_803 = arith.addi %mul3A_681, %add3A_802 : i32
      %get3A_804 = arith.index_cast %add3A_803 : i32 to index
      %get3A_805 = arith.constant 48 : index
      %get3A_806 = tpu.vector_load %arg10[%get3A_804, %get3A_805] {strides = array<i32>} : memref<640x128xf32, #tpu.memory_space<vmem>>, vector<1x16xf32>,
      %get3A_807 = vector.shape_cast %get3A_806 : vector<1x16xf32> to vector<16xf32>
      %add3A_808 = arith.constant 3 : i32
      %add3A_809 = arith.addi %mul3A_681, %add3A_808 : i32
      %get3A_810 = arith.index_cast %add3A_809 : i32 to index
      %get3A_811 = arith.constant 48 : index
      %get3A_812 = tpu.vector_load %arg10[%get3A_810, %get3A_811] {strides = array<i32>} : memref<640x128xf32, #tpu.memory_space<vmem>>, vector<1x16xf32>,
      %get3A_813 = vector.shape_cast %get3A_812 : vector<1x16xf32> to vector<16xf32>
      %add3A_814 = arith.addf %get3A_807, %get3A_813 : vector<16xf32>
      %add3A_815 = arith.addf %add3A_801, %add3A_814 : vector<16xf32>
      %add3A_816 = arith.constant 4 : i32
      %add3A_817 = arith.addi %mul3A_681, %add3A_816 : i32
      %get3A_818 = arith.index_cast %add3A_817 : i32 to index
      %get3A_819 = arith.constant 48 : index
      %get3A_820 = tpu.vector_load %arg10[%get3A_818, %get3A_819] {strides = array<i32>} : memref<640x128xf32, #tpu.memory_space<vmem>>, vector<1x16xf32>,
      %get3A_821 = vector.shape_cast %get3A_820 : vector<1x16xf32> to vector<16xf32>
      %add3A_822 = arith.addf %add3A_815, %get3A_821 : vector<16xf32>
      %swap3A_823 = arith.index_cast %scan3A_678 : i32 to index
      %swap3A_824 = arith.constant 48 : index
      %swap3A_825 = tpu.vector_load %arg11[%swap3A_823, %swap3A_824] {strides = array<i32>} : memref<128x64xf32, #tpu.memory_space<vmem>>, vector<1x16xf32>,
      %swap3A_826 = vector.shape_cast %swap3A_825 : vector<1x16xf32> to vector<16xf32>
      %swap3A_827 = vector.shape_cast %add3A_822 : vector<16xf32> to vector<1x16xf32>
      tpu.vector_store %arg11[%swap3A_823, %swap3A_824], %swap3A_827 {strides = array<i32>} : memref<128x64xf32, #tpu.memory_space<vmem>>, vector<1x16xf32>,
      %scan3A_828 = arith.constant 0 : i32
      scf.yield %scan3A_828 : i32
    }
    %scan3A_592 = arith.constant 128 : i32
    "tpu.region"() ({
      %run_scoped3A = tpu.sem_alloc : memref<!tpu.dma_semaphore, #tpu.memory_space<semaphore_mem>>
      %dma_start3A_678 = arith.constant 0 : i32
      %dma_start3A_679 = tpu.memref_slice %arg4[%add3A_515, %dma_start3A_678] : memref<32768x64xf32, #tpu.memory_space<hbm>> -> memref<128x64xf32, #tpu.memory_space<hbm>>
      %dma_start3A_680 = arith.constant 0 : i32
      %dma_start3A_681 = tpu.memref_slice %arg4[%add3A_515, %dma_start3A_680] : memref<32768x64xf32, #tpu.memory_space<hbm>> -> memref<128x64xf32, #tpu.memory_space<hbm>>
      tpu.enqueue_dma source(%arg11 : memref<128x64xf32, #tpu.memory_space<vmem>>) target(%dma_start3A_681 : memref<128x64xf32, #tpu.memory_space<hbm>>) target_semaphore(%run_scoped3A : memref<!tpu.dma_semaphore, #tpu.memory_space<semaphore_mem>>)
      %dma_wait3A_682 = arith.constant 0 : i32
      %dma_wait3A_683 = tpu.memref_slice %arg4[%add3A_515, %dma_wait3A_682] : memref<32768x64xf32, #tpu.memory_space<hbm>> -> memref<128x64xf32, #tpu.memory_space<hbm>>
      %dma_wait3A_684 = arith.constant 0 : i32
      %dma_wait3A_685 = tpu.memref_slice %arg4[%add3A_515, %dma_wait3A_684] : memref<32768x64xf32, #tpu.memory_space<hbm>> -> memref<128x64xf32, #tpu.memory_space<hbm>>
      tpu.wait_dma2 semaphore(%run_scoped3A : memref<!tpu.dma_semaphore, #tpu.memory_space<semaphore_mem>>) src(%arg11 : memref<128x64xf32, #tpu.memory_space<vmem>>) dst(%dma_wait3A_685 : memref<128x64xf32, #tpu.memory_space<hbm>>)
      tpu.yield
    }) : () -> ()
    %mul3A_593 = arith.constant 40 : i32
    %mul3A_594 = arith.muli %add3A, %mul3A_593 : i32
    %add3A_595 = arith.constant 35 : i32
    %add3A_596 = arith.addi %mul3A_594, %add3A_595 : i32
    %mul3A_597 = arith.constant 1024 : i32
    %mul3A_598 = arith.muli %add3A, %mul3A_597 : i32
    %add3A_599 = arith.constant 896 : i32
    %add3A_600 = arith.addi %mul3A_598, %add3A_599 : i32
    %add3A_601 = arith.constant 0 : i32
    %add3A_602 = arith.addi %add3A_596, %add3A_601 : i32
    "tpu.region"() ({
      %run_scoped3A = tpu.sem_alloc : memref<!tpu.dma_semaphore, #tpu.memory_space<semaphore_mem>>
      %dma_start3A_678 = arith.constant 0 : i32
      %dma_start3A_679 = tpu.memref_slice %arg3[%add3A_602, %dma_start3A_678] : memref<1280x128xi32, #tpu.memory_space<hbm>> -> memref<1x128xi32, #tpu.memory_space<hbm>>
      %dma_start3A_680 = tpu.memref_squeeze %dma_start3A_679 : memref<1x128xi32, #tpu.memory_space<hbm>> -> memref<128xi32, #tpu.memory_space<hbm>>
      %dma_start3A_681 = arith.constant 0 : i32
      %dma_start3A_682 = tpu.memref_slice %arg3[%add3A_602, %dma_start3A_681] : memref<1280x128xi32, #tpu.memory_space<hbm>> -> memref<1x128xi32, #tpu.memory_space<hbm>>
      %dma_start3A_683 = tpu.memref_squeeze %dma_start3A_682 : memref<1x128xi32, #tpu.memory_space<hbm>> -> memref<128xi32, #tpu.memory_space<hbm>>
      tpu.enqueue_dma source(%dma_start3A_683 : memref<128xi32, #tpu.memory_space<hbm>>) target(%arg5 : memref<128xi32, #tpu.memory_space<vmem>>) target_semaphore(%run_scoped3A : memref<!tpu.dma_semaphore, #tpu.memory_space<semaphore_mem>>)
      %dma_wait3A_684 = arith.constant 0 : i32
      %dma_wait3A_685 = tpu.memref_slice %arg3[%add3A_602, %dma_wait3A_684] : memref<1280x128xi32, #tpu.memory_space<hbm>> -> memref<1x128xi32, #tpu.memory_space<hbm>>
      %dma_wait3A_686 = tpu.memref_squeeze %dma_wait3A_685 : memref<1x128xi32, #tpu.memory_space<hbm>> -> memref<128xi32, #tpu.memory_space<hbm>>
      %dma_wait3A_687 = arith.constant 0 : i32
      %dma_wait3A_688 = tpu.memref_slice %arg3[%add3A_602, %dma_wait3A_687] : memref<1280x128xi32, #tpu.memory_space<hbm>> -> memref<1x128xi32, #tpu.memory_space<hbm>>
      %dma_wait3A_689 = tpu.memref_squeeze %dma_wait3A_688 : memref<1x128xi32, #tpu.memory_space<hbm>> -> memref<128xi32, #tpu.memory_space<hbm>>
      tpu.wait_dma2 semaphore(%run_scoped3A : memref<!tpu.dma_semaphore, #tpu.memory_space<semaphore_mem>>) src(%dma_wait3A_689 : memref<128xi32, #tpu.memory_space<hbm>>) dst(%arg5 : memref<128xi32, #tpu.memory_space<vmem>>)
      tpu.yield
    }) : () -> ()
    %add3A_603 = arith.constant 1 : i32
    %add3A_604 = arith.addi %add3A_596, %add3A_603 : i32
    "tpu.region"() ({
      %run_scoped3A = tpu.sem_alloc : memref<!tpu.dma_semaphore, #tpu.memory_space<semaphore_mem>>
      %dma_start3A_678 = arith.constant 0 : i32
      %dma_start3A_679 = tpu.memref_slice %arg3[%add3A_604, %dma_start3A_678] : memref<1280x128xi32, #tpu.memory_space<hbm>> -> memref<1x128xi32, #tpu.memory_space<hbm>>
      %dma_start3A_680 = tpu.memref_squeeze %dma_start3A_679 : memref<1x128xi32, #tpu.memory_space<hbm>> -> memref<128xi32, #tpu.memory_space<hbm>>
      %dma_start3A_681 = arith.constant 0 : i32
      %dma_start3A_682 = tpu.memref_slice %arg3[%add3A_604, %dma_start3A_681] : memref<1280x128xi32, #tpu.memory_space<hbm>> -> memref<1x128xi32, #tpu.memory_space<hbm>>
      %dma_start3A_683 = tpu.memref_squeeze %dma_start3A_682 : memref<1x128xi32, #tpu.memory_space<hbm>> -> memref<128xi32, #tpu.memory_space<hbm>>
      tpu.enqueue_dma source(%dma_start3A_683 : memref<128xi32, #tpu.memory_space<hbm>>) target(%arg6 : memref<128xi32, #tpu.memory_space<vmem>>) target_semaphore(%run_scoped3A : memref<!tpu.dma_semaphore, #tpu.memory_space<semaphore_mem>>)
      %dma_wait3A_684 = arith.constant 0 : i32
      %dma_wait3A_685 = tpu.memref_slice %arg3[%add3A_604, %dma_wait3A_684] : memref<1280x128xi32, #tpu.memory_space<hbm>> -> memref<1x128xi32, #tpu.memory_space<hbm>>
      %dma_wait3A_686 = tpu.memref_squeeze %dma_wait3A_685 : memref<1x128xi32, #tpu.memory_space<hbm>> -> memref<128xi32, #tpu.memory_space<hbm>>
      %dma_wait3A_687 = arith.constant 0 : i32
      %dma_wait3A_688 = tpu.memref_slice %arg3[%add3A_604, %dma_wait3A_687] : memref<1280x128xi32, #tpu.memory_space<hbm>> -> memref<1x128xi32, #tpu.memory_space<hbm>>
      %dma_wait3A_689 = tpu.memref_squeeze %dma_wait3A_688 : memref<1x128xi32, #tpu.memory_space<hbm>> -> memref<128xi32, #tpu.memory_space<hbm>>
      tpu.wait_dma2 semaphore(%run_scoped3A : memref<!tpu.dma_semaphore, #tpu.memory_space<semaphore_mem>>) src(%dma_wait3A_689 : memref<128xi32, #tpu.memory_space<hbm>>) dst(%arg6 : memref<128xi32, #tpu.memory_space<vmem>>)
      tpu.yield
    }) : () -> ()
    %add3A_605 = arith.constant 2 : i32
    %add3A_606 = arith.addi %add3A_596, %add3A_605 : i32
    "tpu.region"() ({
      %run_scoped3A = tpu.sem_alloc : memref<!tpu.dma_semaphore, #tpu.memory_space<semaphore_mem>>
      %dma_start3A_678 = arith.constant 0 : i32
      %dma_start3A_679 = tpu.memref_slice %arg3[%add3A_606, %dma_start3A_678] : memref<1280x128xi32, #tpu.memory_space<hbm>> -> memref<1x128xi32, #tpu.memory_space<hbm>>
      %dma_start3A_680 = tpu.memref_squeeze %dma_start3A_679 : memref<1x128xi32, #tpu.memory_space<hbm>> -> memref<128xi32, #tpu.memory_space<hbm>>
      %dma_start3A_681 = arith.constant 0 : i32
      %dma_start3A_682 = tpu.memref_slice %arg3[%add3A_606, %dma_start3A_681] : memref<1280x128xi32, #tpu.memory_space<hbm>> -> memref<1x128xi32, #tpu.memory_space<hbm>>
      %dma_start3A_683 = tpu.memref_squeeze %dma_start3A_682 : memref<1x128xi32, #tpu.memory_space<hbm>> -> memref<128xi32, #tpu.memory_space<hbm>>
      tpu.enqueue_dma source(%dma_start3A_683 : memref<128xi32, #tpu.memory_space<hbm>>) target(%arg7 : memref<128xi32, #tpu.memory_space<vmem>>) target_semaphore(%run_scoped3A : memref<!tpu.dma_semaphore, #tpu.memory_space<semaphore_mem>>)
      %dma_wait3A_684 = arith.constant 0 : i32
      %dma_wait3A_685 = tpu.memref_slice %arg3[%add3A_606, %dma_wait3A_684] : memref<1280x128xi32, #tpu.memory_space<hbm>> -> memref<1x128xi32, #tpu.memory_space<hbm>>
      %dma_wait3A_686 = tpu.memref_squeeze %dma_wait3A_685 : memref<1x128xi32, #tpu.memory_space<hbm>> -> memref<128xi32, #tpu.memory_space<hbm>>
      %dma_wait3A_687 = arith.constant 0 : i32
      %dma_wait3A_688 = tpu.memref_slice %arg3[%add3A_606, %dma_wait3A_687] : memref<1280x128xi32, #tpu.memory_space<hbm>> -> memref<1x128xi32, #tpu.memory_space<hbm>>
      %dma_wait3A_689 = tpu.memref_squeeze %dma_wait3A_688 : memref<1x128xi32, #tpu.memory_space<hbm>> -> memref<128xi32, #tpu.memory_space<hbm>>
      tpu.wait_dma2 semaphore(%run_scoped3A : memref<!tpu.dma_semaphore, #tpu.memory_space<semaphore_mem>>) src(%dma_wait3A_689 : memref<128xi32, #tpu.memory_space<hbm>>) dst(%arg7 : memref<128xi32, #tpu.memory_space<vmem>>)
      tpu.yield
    }) : () -> ()
    %add3A_607 = arith.constant 3 : i32
    %add3A_608 = arith.addi %add3A_596, %add3A_607 : i32
    "tpu.region"() ({
      %run_scoped3A = tpu.sem_alloc : memref<!tpu.dma_semaphore, #tpu.memory_space<semaphore_mem>>
      %dma_start3A_678 = arith.constant 0 : i32
      %dma_start3A_679 = tpu.memref_slice %arg3[%add3A_608, %dma_start3A_678] : memref<1280x128xi32, #tpu.memory_space<hbm>> -> memref<1x128xi32, #tpu.memory_space<hbm>>
      %dma_start3A_680 = tpu.memref_squeeze %dma_start3A_679 : memref<1x128xi32, #tpu.memory_space<hbm>> -> memref<128xi32, #tpu.memory_space<hbm>>
      %dma_start3A_681 = arith.constant 0 : i32
      %dma_start3A_682 = tpu.memref_slice %arg3[%add3A_608, %dma_start3A_681] : memref<1280x128xi32, #tpu.memory_space<hbm>> -> memref<1x128xi32, #tpu.memory_space<hbm>>
      %dma_start3A_683 = tpu.memref_squeeze %dma_start3A_682 : memref<1x128xi32, #tpu.memory_space<hbm>> -> memref<128xi32, #tpu.memory_space<hbm>>
      tpu.enqueue_dma source(%dma_start3A_683 : memref<128xi32, #tpu.memory_space<hbm>>) target(%arg8 : memref<128xi32, #tpu.memory_space<vmem>>) target_semaphore(%run_scoped3A : memref<!tpu.dma_semaphore, #tpu.memory_space<semaphore_mem>>)
      %dma_wait3A_684 = arith.constant 0 : i32
      %dma_wait3A_685 = tpu.memref_slice %arg3[%add3A_608, %dma_wait3A_684] : memref<1280x128xi32, #tpu.memory_space<hbm>> -> memref<1x128xi32, #tpu.memory_space<hbm>>
      %dma_wait3A_686 = tpu.memref_squeeze %dma_wait3A_685 : memref<1x128xi32, #tpu.memory_space<hbm>> -> memref<128xi32, #tpu.memory_space<hbm>>
      %dma_wait3A_687 = arith.constant 0 : i32
      %dma_wait3A_688 = tpu.memref_slice %arg3[%add3A_608, %dma_wait3A_687] : memref<1280x128xi32, #tpu.memory_space<hbm>> -> memref<1x128xi32, #tpu.memory_space<hbm>>
      %dma_wait3A_689 = tpu.memref_squeeze %dma_wait3A_688 : memref<1x128xi32, #tpu.memory_space<hbm>> -> memref<128xi32, #tpu.memory_space<hbm>>
      tpu.wait_dma2 semaphore(%run_scoped3A : memref<!tpu.dma_semaphore, #tpu.memory_space<semaphore_mem>>) src(%dma_wait3A_689 : memref<128xi32, #tpu.memory_space<hbm>>) dst(%arg8 : memref<128xi32, #tpu.memory_space<vmem>>)
      tpu.yield
    }) : () -> ()
    %add3A_609 = arith.constant 4 : i32
    %add3A_610 = arith.addi %add3A_596, %add3A_609 : i32
    "tpu.region"() ({
      %run_scoped3A = tpu.sem_alloc : memref<!tpu.dma_semaphore, #tpu.memory_space<semaphore_mem>>
      %dma_start3A_678 = arith.constant 0 : i32
      %dma_start3A_679 = tpu.memref_slice %arg3[%add3A_610, %dma_start3A_678] : memref<1280x128xi32, #tpu.memory_space<hbm>> -> memref<1x128xi32, #tpu.memory_space<hbm>>
      %dma_start3A_680 = tpu.memref_squeeze %dma_start3A_679 : memref<1x128xi32, #tpu.memory_space<hbm>> -> memref<128xi32, #tpu.memory_space<hbm>>
      %dma_start3A_681 = arith.constant 0 : i32
      %dma_start3A_682 = tpu.memref_slice %arg3[%add3A_610, %dma_start3A_681] : memref<1280x128xi32, #tpu.memory_space<hbm>> -> memref<1x128xi32, #tpu.memory_space<hbm>>
      %dma_start3A_683 = tpu.memref_squeeze %dma_start3A_682 : memref<1x128xi32, #tpu.memory_space<hbm>> -> memref<128xi32, #tpu.memory_space<hbm>>
      tpu.enqueue_dma source(%dma_start3A_683 : memref<128xi32, #tpu.memory_space<hbm>>) target(%arg9 : memref<128xi32, #tpu.memory_space<vmem>>) target_semaphore(%run_scoped3A : memref<!tpu.dma_semaphore, #tpu.memory_space<semaphore_mem>>)
      %dma_wait3A_684 = arith.constant 0 : i32
      %dma_wait3A_685 = tpu.memref_slice %arg3[%add3A_610, %dma_wait3A_684] : memref<1280x128xi32, #tpu.memory_space<hbm>> -> memref<1x128xi32, #tpu.memory_space<hbm>>
      %dma_wait3A_686 = tpu.memref_squeeze %dma_wait3A_685 : memref<1x128xi32, #tpu.memory_space<hbm>> -> memref<128xi32, #tpu.memory_space<hbm>>
      %dma_wait3A_687 = arith.constant 0 : i32
      %dma_wait3A_688 = tpu.memref_slice %arg3[%add3A_610, %dma_wait3A_687] : memref<1280x128xi32, #tpu.memory_space<hbm>> -> memref<1x128xi32, #tpu.memory_space<hbm>>
      %dma_wait3A_689 = tpu.memref_squeeze %dma_wait3A_688 : memref<1x128xi32, #tpu.memory_space<hbm>> -> memref<128xi32, #tpu.memory_space<hbm>>
      tpu.wait_dma2 semaphore(%run_scoped3A : memref<!tpu.dma_semaphore, #tpu.memory_space<semaphore_mem>>) src(%dma_wait3A_689 : memref<128xi32, #tpu.memory_space<hbm>>) dst(%arg9 : memref<128xi32, #tpu.memory_space<vmem>>)
      tpu.yield
    }) : () -> ()
    %dma_start3A_611 = arith.constant 0 : i32
    %dma_start3A_612 = arith.constant 0 : i32
    %dma_start3A_613 = tpu.memref_slice %arg10[%dma_start3A_611, %dma_start3A_612] : memref<640x128xf32, #tpu.memory_space<vmem>> -> memref<128x128xf32, #tpu.memory_space<vmem>>
    %dma_start3A_614 = arith.constant 0 : i32
    %dma_start3A_615 = arith.constant 0 : i32
    %dma_start3A_616 = tpu.memref_slice %arg2[%dma_start3A_614, %dma_start3A_615] : memref<15872x128xf32, #tpu.memory_space<hbm>> -> memref<15872x128xf32, #tpu.memory_space<hbm>>
    tpu.enqueue_indirect_dma source(%dma_start3A_616 : memref<15872x128xf32, #tpu.memory_space<hbm>>) target(%dma_start3A_613 : memref<128x128xf32, #tpu.memory_space<vmem>>) offsets(%arg5 : memref<128xi32, #tpu.memory_space<vmem>>) semaphore(%arg12 : memref<!tpu.dma_semaphore, #tpu.memory_space<semaphore_mem>>)
    %dma_start3A_617 = arith.constant 128 : i32
    %dma_start3A_618 = arith.constant 0 : i32
    %dma_start3A_619 = tpu.memref_slice %arg10[%dma_start3A_617, %dma_start3A_618] : memref<640x128xf32, #tpu.memory_space<vmem>> -> memref<128x128xf32, #tpu.memory_space<vmem>>
    %dma_start3A_620 = arith.constant 0 : i32
    %dma_start3A_621 = arith.constant 0 : i32
    %dma_start3A_622 = tpu.memref_slice %arg2[%dma_start3A_620, %dma_start3A_621] : memref<15872x128xf32, #tpu.memory_space<hbm>> -> memref<15872x128xf32, #tpu.memory_space<hbm>>
    tpu.enqueue_indirect_dma source(%dma_start3A_622 : memref<15872x128xf32, #tpu.memory_space<hbm>>) target(%dma_start3A_619 : memref<128x128xf32, #tpu.memory_space<vmem>>) offsets(%arg6 : memref<128xi32, #tpu.memory_space<vmem>>) semaphore(%arg12 : memref<!tpu.dma_semaphore, #tpu.memory_space<semaphore_mem>>)
    %dma_start3A_623 = arith.constant 256 : i32
    %dma_start3A_624 = arith.constant 0 : i32
    %dma_start3A_625 = tpu.memref_slice %arg10[%dma_start3A_623, %dma_start3A_624] : memref<640x128xf32, #tpu.memory_space<vmem>> -> memref<128x128xf32, #tpu.memory_space<vmem>>
    %dma_start3A_626 = arith.constant 0 : i32
    %dma_start3A_627 = arith.constant 0 : i32
    %dma_start3A_628 = tpu.memref_slice %arg2[%dma_start3A_626, %dma_start3A_627] : memref<15872x128xf32, #tpu.memory_space<hbm>> -> memref<15872x128xf32, #tpu.memory_space<hbm>>
    tpu.enqueue_indirect_dma source(%dma_start3A_628 : memref<15872x128xf32, #tpu.memory_space<hbm>>) target(%dma_start3A_625 : memref<128x128xf32, #tpu.memory_space<vmem>>) offsets(%arg7 : memref<128xi32, #tpu.memory_space<vmem>>) semaphore(%arg12 : memref<!tpu.dma_semaphore, #tpu.memory_space<semaphore_mem>>)
    %dma_start3A_629 = arith.constant 384 : i32
    %dma_start3A_630 = arith.constant 0 : i32
    %dma_start3A_631 = tpu.memref_slice %arg10[%dma_start3A_629, %dma_start3A_630] : memref<640x128xf32, #tpu.memory_space<vmem>> -> memref<128x128xf32, #tpu.memory_space<vmem>>
    %dma_start3A_632 = arith.constant 0 : i32
    %dma_start3A_633 = arith.constant 0 : i32
    %dma_start3A_634 = tpu.memref_slice %arg2[%dma_start3A_632, %dma_start3A_633] : memref<15872x128xf32, #tpu.memory_space<hbm>> -> memref<15872x128xf32, #tpu.memory_space<hbm>>
    tpu.enqueue_indirect_dma source(%dma_start3A_634 : memref<15872x128xf32, #tpu.memory_space<hbm>>) target(%dma_start3A_631 : memref<128x128xf32, #tpu.memory_space<vmem>>) offsets(%arg8 : memref<128xi32, #tpu.memory_space<vmem>>) semaphore(%arg12 : memref<!tpu.dma_semaphore, #tpu.memory_space<semaphore_mem>>)
    %dma_start3A_635 = arith.constant 512 : i32
    %dma_start3A_636 = arith.constant 0 : i32
    %dma_start3A_637 = tpu.memref_slice %arg10[%dma_start3A_635, %dma_start3A_636] : memref<640x128xf32, #tpu.memory_space<vmem>> -> memref<128x128xf32, #tpu.memory_space<vmem>>
    %dma_start3A_638 = arith.constant 0 : i32
    %dma_start3A_639 = arith.constant 0 : i32
    %dma_start3A_640 = tpu.memref_slice %arg2[%dma_start3A_638, %dma_start3A_639] : memref<15872x128xf32, #tpu.memory_space<hbm>> -> memref<15872x128xf32, #tpu.memory_space<hbm>>
    tpu.enqueue_indirect_dma source(%dma_start3A_640 : memref<15872x128xf32, #tpu.memory_space<hbm>>) target(%dma_start3A_637 : memref<128x128xf32, #tpu.memory_space<vmem>>) offsets(%arg9 : memref<128xi32, #tpu.memory_space<vmem>>) semaphore(%arg12 : memref<!tpu.dma_semaphore, #tpu.memory_space<semaphore_mem>>)
    %dma_wait3A_641 = arith.constant 0 : i32
    %dma_wait3A_642 = arith.constant 0 : i32
    %dma_wait3A_643 = tpu.memref_slice %arg10[%dma_wait3A_641, %dma_wait3A_642] : memref<640x128xf32, #tpu.memory_space<vmem>> -> memref<128x128xf32, #tpu.memory_space<vmem>>
    %dma_wait3A_644 = arith.constant 0 : i32
    %dma_wait3A_645 = arith.constant 0 : i32
    %dma_wait3A_646 = tpu.memref_slice %arg2[%dma_wait3A_644, %dma_wait3A_645] : memref<15872x128xf32, #tpu.memory_space<hbm>> -> memref<15872x128xf32, #tpu.memory_space<hbm>>
    tpu.wait_indirect_dma semaphore(%arg12 : memref<!tpu.dma_semaphore, #tpu.memory_space<semaphore_mem>>) src(%dma_wait3A_646 : memref<15872x128xf32, #tpu.memory_space<hbm>>) dst(%dma_wait3A_643 : memref<128x128xf32, #tpu.memory_space<vmem>>)
    %dma_wait3A_647 = arith.constant 128 : i32
    %dma_wait3A_648 = arith.constant 0 : i32
    %dma_wait3A_649 = tpu.memref_slice %arg10[%dma_wait3A_647, %dma_wait3A_648] : memref<640x128xf32, #tpu.memory_space<vmem>> -> memref<128x128xf32, #tpu.memory_space<vmem>>
    %dma_wait3A_650 = arith.constant 0 : i32
    %dma_wait3A_651 = arith.constant 0 : i32
    %dma_wait3A_652 = tpu.memref_slice %arg2[%dma_wait3A_650, %dma_wait3A_651] : memref<15872x128xf32, #tpu.memory_space<hbm>> -> memref<15872x128xf32, #tpu.memory_space<hbm>>
    tpu.wait_indirect_dma semaphore(%arg12 : memref<!tpu.dma_semaphore, #tpu.memory_space<semaphore_mem>>) src(%dma_wait3A_652 : memref<15872x128xf32, #tpu.memory_space<hbm>>) dst(%dma_wait3A_649 : memref<128x128xf32, #tpu.memory_space<vmem>>)
    %dma_wait3A_653 = arith.constant 256 : i32
    %dma_wait3A_654 = arith.constant 0 : i32
    %dma_wait3A_655 = tpu.memref_slice %arg10[%dma_wait3A_653, %dma_wait3A_654] : memref<640x128xf32, #tpu.memory_space<vmem>> -> memref<128x128xf32, #tpu.memory_space<vmem>>
    %dma_wait3A_656 = arith.constant 0 : i32
    %dma_wait3A_657 = arith.constant 0 : i32
    %dma_wait3A_658 = tpu.memref_slice %arg2[%dma_wait3A_656, %dma_wait3A_657] : memref<15872x128xf32, #tpu.memory_space<hbm>> -> memref<15872x128xf32, #tpu.memory_space<hbm>>
    tpu.wait_indirect_dma semaphore(%arg12 : memref<!tpu.dma_semaphore, #tpu.memory_space<semaphore_mem>>) src(%dma_wait3A_658 : memref<15872x128xf32, #tpu.memory_space<hbm>>) dst(%dma_wait3A_655 : memref<128x128xf32, #tpu.memory_space<vmem>>)
    %dma_wait3A_659 = arith.constant 384 : i32
    %dma_wait3A_660 = arith.constant 0 : i32
    %dma_wait3A_661 = tpu.memref_slice %arg10[%dma_wait3A_659, %dma_wait3A_660] : memref<640x128xf32, #tpu.memory_space<vmem>> -> memref<128x128xf32, #tpu.memory_space<vmem>>
    %dma_wait3A_662 = arith.constant 0 : i32
    %dma_wait3A_663 = arith.constant 0 : i32
    %dma_wait3A_664 = tpu.memref_slice %arg2[%dma_wait3A_662, %dma_wait3A_663] : memref<15872x128xf32, #tpu.memory_space<hbm>> -> memref<15872x128xf32, #tpu.memory_space<hbm>>
    tpu.wait_indirect_dma semaphore(%arg12 : memref<!tpu.dma_semaphore, #tpu.memory_space<semaphore_mem>>) src(%dma_wait3A_664 : memref<15872x128xf32, #tpu.memory_space<hbm>>) dst(%dma_wait3A_661 : memref<128x128xf32, #tpu.memory_space<vmem>>)
    %dma_wait3A_665 = arith.constant 512 : i32
    %dma_wait3A_666 = arith.constant 0 : i32
    %dma_wait3A_667 = tpu.memref_slice %arg10[%dma_wait3A_665, %dma_wait3A_666] : memref<640x128xf32, #tpu.memory_space<vmem>> -> memref<128x128xf32, #tpu.memory_space<vmem>>
    %dma_wait3A_668 = arith.constant 0 : i32
    %dma_wait3A_669 = arith.constant 0 : i32
    %dma_wait3A_670 = tpu.memref_slice %arg2[%dma_wait3A_668, %dma_wait3A_669] : memref<15872x128xf32, #tpu.memory_space<hbm>> -> memref<15872x128xf32, #tpu.memory_space<hbm>>
    tpu.wait_indirect_dma semaphore(%arg12 : memref<!tpu.dma_semaphore, #tpu.memory_space<semaphore_mem>>) src(%dma_wait3A_670 : memref<15872x128xf32, #tpu.memory_space<hbm>>) dst(%dma_wait3A_667 : memref<128x128xf32, #tpu.memory_space<vmem>>)
    %scan3A_671 = arith.constant 0 : i32
    %scan3A_672 = arith.constant 0 : i32
    %scan3A_673 = arith.constant 128 : i32
    %scan3A_674 = arith.addi %scan3A_672, %scan3A_673 : i32
    %scan3A_675 = arith.constant 1 : i32
    %scan3A_676 = scf.for %scan3A_678 = %scan3A_672 to %scan3A_674 step %scan3A_675 iter_args(%scan3A_679 = %scan3A_671) -> (i32)  : i32 {
      %mul3A_680 = arith.constant 5 : i32
      %mul3A_681 = arith.muli %scan3A_678, %mul3A_680 : i32
      %get3A = arith.index_cast %mul3A_681 : i32 to index
      %get3A_682 = arith.constant 0 : index
      %get3A_683 = tpu.vector_load %arg10[%get3A, %get3A_682] {strides = array<i32>} : memref<640x128xf32, #tpu.memory_space<vmem>>, vector<1x16xf32>,
      %get3A_684 = vector.shape_cast %get3A_683 : vector<1x16xf32> to vector<16xf32>
      %add3A_685 = arith.constant 1 : i32
      %add3A_686 = arith.addi %mul3A_681, %add3A_685 : i32
      %get3A_687 = arith.index_cast %add3A_686 : i32 to index
      %get3A_688 = arith.constant 0 : index
      %get3A_689 = tpu.vector_load %arg10[%get3A_687, %get3A_688] {strides = array<i32>} : memref<640x128xf32, #tpu.memory_space<vmem>>, vector<1x16xf32>,
      %get3A_690 = vector.shape_cast %get3A_689 : vector<1x16xf32> to vector<16xf32>
      %add3A_691 = arith.addf %get3A_684, %get3A_690 : vector<16xf32>
      %add3A_692 = arith.constant 2 : i32
      %add3A_693 = arith.addi %mul3A_681, %add3A_692 : i32
      %get3A_694 = arith.index_cast %add3A_693 : i32 to index
      %get3A_695 = arith.constant 0 : index
      %get3A_696 = tpu.vector_load %arg10[%get3A_694, %get3A_695] {strides = array<i32>} : memref<640x128xf32, #tpu.memory_space<vmem>>, vector<1x16xf32>,
      %get3A_697 = vector.shape_cast %get3A_696 : vector<1x16xf32> to vector<16xf32>
      %add3A_698 = arith.constant 3 : i32
      %add3A_699 = arith.addi %mul3A_681, %add3A_698 : i32
      %get3A_700 = arith.index_cast %add3A_699 : i32 to index
      %get3A_701 = arith.constant 0 : index
      %get3A_702 = tpu.vector_load %arg10[%get3A_700, %get3A_701] {strides = array<i32>} : memref<640x128xf32, #tpu.memory_space<vmem>>, vector<1x16xf32>,
      %get3A_703 = vector.shape_cast %get3A_702 : vector<1x16xf32> to vector<16xf32>
      %add3A_704 = arith.addf %get3A_697, %get3A_703 : vector<16xf32>
      %add3A_705 = arith.addf %add3A_691, %add3A_704 : vector<16xf32>
      %add3A_706 = arith.constant 4 : i32
      %add3A_707 = arith.addi %mul3A_681, %add3A_706 : i32
      %get3A_708 = arith.index_cast %add3A_707 : i32 to index
      %get3A_709 = arith.constant 0 : index
      %get3A_710 = tpu.vector_load %arg10[%get3A_708, %get3A_709] {strides = array<i32>} : memref<640x128xf32, #tpu.memory_space<vmem>>, vector<1x16xf32>,
      %get3A_711 = vector.shape_cast %get3A_710 : vector<1x16xf32> to vector<16xf32>
      %add3A_712 = arith.addf %add3A_705, %get3A_711 : vector<16xf32>
      %swap3A = arith.index_cast %scan3A_678 : i32 to index
      %swap3A_713 = arith.constant 0 : index
      %swap3A_714 = tpu.vector_load %arg11[%swap3A, %swap3A_713] {strides = array<i32>} : memref<128x64xf32, #tpu.memory_space<vmem>>, vector<1x16xf32>,
      %swap3A_715 = vector.shape_cast %swap3A_714 : vector<1x16xf32> to vector<16xf32>
      %swap3A_716 = vector.shape_cast %add3A_712 : vector<16xf32> to vector<1x16xf32>
      tpu.vector_store %arg11[%swap3A, %swap3A_713], %swap3A_716 {strides = array<i32>} : memref<128x64xf32, #tpu.memory_space<vmem>>, vector<1x16xf32>,
      %get3A_717 = arith.index_cast %mul3A_681 : i32 to index
      %get3A_718 = arith.constant 16 : index
      %get3A_719 = tpu.vector_load %arg10[%get3A_717, %get3A_718] {strides = array<i32>} : memref<640x128xf32, #tpu.memory_space<vmem>>, vector<1x16xf32>,
      %get3A_720 = vector.shape_cast %get3A_719 : vector<1x16xf32> to vector<16xf32>
      %add3A_721 = arith.constant 1 : i32
      %add3A_722 = arith.addi %mul3A_681, %add3A_721 : i32
      %get3A_723 = arith.index_cast %add3A_722 : i32 to index
      %get3A_724 = arith.constant 16 : index
      %get3A_725 = tpu.vector_load %arg10[%get3A_723, %get3A_724] {strides = array<i32>} : memref<640x128xf32, #tpu.memory_space<vmem>>, vector<1x16xf32>,
      %get3A_726 = vector.shape_cast %get3A_725 : vector<1x16xf32> to vector<16xf32>
      %add3A_727 = arith.addf %get3A_720, %get3A_726 : vector<16xf32>
      %add3A_728 = arith.constant 2 : i32
      %add3A_729 = arith.addi %mul3A_681, %add3A_728 : i32
      %get3A_730 = arith.index_cast %add3A_729 : i32 to index
      %get3A_731 = arith.constant 16 : index
      %get3A_732 = tpu.vector_load %arg10[%get3A_730, %get3A_731] {strides = array<i32>} : memref<640x128xf32, #tpu.memory_space<vmem>>, vector<1x16xf32>,
      %get3A_733 = vector.shape_cast %get3A_732 : vector<1x16xf32> to vector<16xf32>
      %add3A_734 = arith.constant 3 : i32
      %add3A_735 = arith.addi %mul3A_681, %add3A_734 : i32
      %get3A_736 = arith.index_cast %add3A_735 : i32 to index
      %get3A_737 = arith.constant 16 : index
      %get3A_738 = tpu.vector_load %arg10[%get3A_736, %get3A_737] {strides = array<i32>} : memref<640x128xf32, #tpu.memory_space<vmem>>, vector<1x16xf32>,
      %get3A_739 = vector.shape_cast %get3A_738 : vector<1x16xf32> to vector<16xf32>
      %add3A_740 = arith.addf %get3A_733, %get3A_739 : vector<16xf32>
      %add3A_741 = arith.addf %add3A_727, %add3A_740 : vector<16xf32>
      %add3A_742 = arith.constant 4 : i32
      %add3A_743 = arith.addi %mul3A_681, %add3A_742 : i32
      %get3A_744 = arith.index_cast %add3A_743 : i32 to index
      %get3A_745 = arith.constant 16 : index
      %get3A_746 = tpu.vector_load %arg10[%get3A_744, %get3A_745] {strides = array<i32>} : memref<640x128xf32, #tpu.memory_space<vmem>>, vector<1x16xf32>,
      %get3A_747 = vector.shape_cast %get3A_746 : vector<1x16xf32> to vector<16xf32>
      %add3A_748 = arith.addf %add3A_741, %get3A_747 : vector<16xf32>
      %swap3A_749 = arith.index_cast %scan3A_678 : i32 to index
      %swap3A_750 = arith.constant 16 : index
      %swap3A_751 = tpu.vector_load %arg11[%swap3A_749, %swap3A_750] {strides = array<i32>} : memref<128x64xf32, #tpu.memory_space<vmem>>, vector<1x16xf32>,
      %swap3A_752 = vector.shape_cast %swap3A_751 : vector<1x16xf32> to vector<16xf32>
      %swap3A_753 = vector.shape_cast %add3A_748 : vector<16xf32> to vector<1x16xf32>
      tpu.vector_store %arg11[%swap3A_749, %swap3A_750], %swap3A_753 {strides = array<i32>} : memref<128x64xf32, #tpu.memory_space<vmem>>, vector<1x16xf32>,
      %get3A_754 = arith.index_cast %mul3A_681 : i32 to index
      %get3A_755 = arith.constant 32 : index
      %get3A_756 = tpu.vector_load %arg10[%get3A_754, %get3A_755] {strides = array<i32>} : memref<640x128xf32, #tpu.memory_space<vmem>>, vector<1x16xf32>,
      %get3A_757 = vector.shape_cast %get3A_756 : vector<1x16xf32> to vector<16xf32>
      %add3A_758 = arith.constant 1 : i32
      %add3A_759 = arith.addi %mul3A_681, %add3A_758 : i32
      %get3A_760 = arith.index_cast %add3A_759 : i32 to index
      %get3A_761 = arith.constant 32 : index
      %get3A_762 = tpu.vector_load %arg10[%get3A_760, %get3A_761] {strides = array<i32>} : memref<640x128xf32, #tpu.memory_space<vmem>>, vector<1x16xf32>,
      %get3A_763 = vector.shape_cast %get3A_762 : vector<1x16xf32> to vector<16xf32>
      %add3A_764 = arith.addf %get3A_757, %get3A_763 : vector<16xf32>
      %add3A_765 = arith.constant 2 : i32
      %add3A_766 = arith.addi %mul3A_681, %add3A_765 : i32
      %get3A_767 = arith.index_cast %add3A_766 : i32 to index
      %get3A_768 = arith.constant 32 : index
      %get3A_769 = tpu.vector_load %arg10[%get3A_767, %get3A_768] {strides = array<i32>} : memref<640x128xf32, #tpu.memory_space<vmem>>, vector<1x16xf32>,
      %get3A_770 = vector.shape_cast %get3A_769 : vector<1x16xf32> to vector<16xf32>
      %add3A_771 = arith.constant 3 : i32
      %add3A_772 = arith.addi %mul3A_681, %add3A_771 : i32
      %get3A_773 = arith.index_cast %add3A_772 : i32 to index
      %get3A_774 = arith.constant 32 : index
      %get3A_775 = tpu.vector_load %arg10[%get3A_773, %get3A_774] {strides = array<i32>} : memref<640x128xf32, #tpu.memory_space<vmem>>, vector<1x16xf32>,
      %get3A_776 = vector.shape_cast %get3A_775 : vector<1x16xf32> to vector<16xf32>
      %add3A_777 = arith.addf %get3A_770, %get3A_776 : vector<16xf32>
      %add3A_778 = arith.addf %add3A_764, %add3A_777 : vector<16xf32>
      %add3A_779 = arith.constant 4 : i32
      %add3A_780 = arith.addi %mul3A_681, %add3A_779 : i32
      %get3A_781 = arith.index_cast %add3A_780 : i32 to index
      %get3A_782 = arith.constant 32 : index
      %get3A_783 = tpu.vector_load %arg10[%get3A_781, %get3A_782] {strides = array<i32>} : memref<640x128xf32, #tpu.memory_space<vmem>>, vector<1x16xf32>,
      %get3A_784 = vector.shape_cast %get3A_783 : vector<1x16xf32> to vector<16xf32>
      %add3A_785 = arith.addf %add3A_778, %get3A_784 : vector<16xf32>
      %swap3A_786 = arith.index_cast %scan3A_678 : i32 to index
      %swap3A_787 = arith.constant 32 : index
      %swap3A_788 = tpu.vector_load %arg11[%swap3A_786, %swap3A_787] {strides = array<i32>} : memref<128x64xf32, #tpu.memory_space<vmem>>, vector<1x16xf32>,
      %swap3A_789 = vector.shape_cast %swap3A_788 : vector<1x16xf32> to vector<16xf32>
      %swap3A_790 = vector.shape_cast %add3A_785 : vector<16xf32> to vector<1x16xf32>
      tpu.vector_store %arg11[%swap3A_786, %swap3A_787], %swap3A_790 {strides = array<i32>} : memref<128x64xf32, #tpu.memory_space<vmem>>, vector<1x16xf32>,
      %get3A_791 = arith.index_cast %mul3A_681 : i32 to index
      %get3A_792 = arith.constant 48 : index
      %get3A_793 = tpu.vector_load %arg10[%get3A_791, %get3A_792] {strides = array<i32>} : memref<640x128xf32, #tpu.memory_space<vmem>>, vector<1x16xf32>,
      %get3A_794 = vector.shape_cast %get3A_793 : vector<1x16xf32> to vector<16xf32>
      %add3A_795 = arith.constant 1 : i32
      %add3A_796 = arith.addi %mul3A_681, %add3A_795 : i32
      %get3A_797 = arith.index_cast %add3A_796 : i32 to index
      %get3A_798 = arith.constant 48 : index
      %get3A_799 = tpu.vector_load %arg10[%get3A_797, %get3A_798] {strides = array<i32>} : memref<640x128xf32, #tpu.memory_space<vmem>>, vector<1x16xf32>,
      %get3A_800 = vector.shape_cast %get3A_799 : vector<1x16xf32> to vector<16xf32>
      %add3A_801 = arith.addf %get3A_794, %get3A_800 : vector<16xf32>
      %add3A_802 = arith.constant 2 : i32
      %add3A_803 = arith.addi %mul3A_681, %add3A_802 : i32
      %get3A_804 = arith.index_cast %add3A_803 : i32 to index
      %get3A_805 = arith.constant 48 : index
      %get3A_806 = tpu.vector_load %arg10[%get3A_804, %get3A_805] {strides = array<i32>} : memref<640x128xf32, #tpu.memory_space<vmem>>, vector<1x16xf32>,
      %get3A_807 = vector.shape_cast %get3A_806 : vector<1x16xf32> to vector<16xf32>
      %add3A_808 = arith.constant 3 : i32
      %add3A_809 = arith.addi %mul3A_681, %add3A_808 : i32
      %get3A_810 = arith.index_cast %add3A_809 : i32 to index
      %get3A_811 = arith.constant 48 : index
      %get3A_812 = tpu.vector_load %arg10[%get3A_810, %get3A_811] {strides = array<i32>} : memref<640x128xf32, #tpu.memory_space<vmem>>, vector<1x16xf32>,
      %get3A_813 = vector.shape_cast %get3A_812 : vector<1x16xf32> to vector<16xf32>
      %add3A_814 = arith.addf %get3A_807, %get3A_813 : vector<16xf32>
      %add3A_815 = arith.addf %add3A_801, %add3A_814 : vector<16xf32>
      %add3A_816 = arith.constant 4 : i32
      %add3A_817 = arith.addi %mul3A_681, %add3A_816 : i32
      %get3A_818 = arith.index_cast %add3A_817 : i32 to index
      %get3A_819 = arith.constant 48 : index
      %get3A_820 = tpu.vector_load %arg10[%get3A_818, %get3A_819] {strides = array<i32>} : memref<640x128xf32, #tpu.memory_space<vmem>>, vector<1x16xf32>,
      %get3A_821 = vector.shape_cast %get3A_820 : vector<1x16xf32> to vector<16xf32>
      %add3A_822 = arith.addf %add3A_815, %get3A_821 : vector<16xf32>
      %swap3A_823 = arith.index_cast %scan3A_678 : i32 to index
      %swap3A_824 = arith.constant 48 : index
      %swap3A_825 = tpu.vector_load %arg11[%swap3A_823, %swap3A_824] {strides = array<i32>} : memref<128x64xf32, #tpu.memory_space<vmem>>, vector<1x16xf32>,
      %swap3A_826 = vector.shape_cast %swap3A_825 : vector<1x16xf32> to vector<16xf32>
      %swap3A_827 = vector.shape_cast %add3A_822 : vector<16xf32> to vector<1x16xf32>
      tpu.vector_store %arg11[%swap3A_823, %swap3A_824], %swap3A_827 {strides = array<i32>} : memref<128x64xf32, #tpu.memory_space<vmem>>, vector<1x16xf32>,
      %scan3A_828 = arith.constant 0 : i32
      scf.yield %scan3A_828 : i32
    }
    %scan3A_677 = arith.constant 128 : i32
    "tpu.region"() ({
      %run_scoped3A = tpu.sem_alloc : memref<!tpu.dma_semaphore, #tpu.memory_space<semaphore_mem>>
      %dma_start3A_678 = arith.constant 0 : i32
      %dma_start3A_679 = tpu.memref_slice %arg4[%add3A_600, %dma_start3A_678] : memref<32768x64xf32, #tpu.memory_space<hbm>> -> memref<128x64xf32, #tpu.memory_space<hbm>>
      %dma_start3A_680 = arith.constant 0 : i32
      %dma_start3A_681 = tpu.memref_slice %arg4[%add3A_600, %dma_start3A_680] : memref<32768x64xf32, #tpu.memory_space<hbm>> -> memref<128x64xf32, #tpu.memory_space<hbm>>
      tpu.enqueue_dma source(%arg11 : memref<128x64xf32, #tpu.memory_space<vmem>>) target(%dma_start3A_681 : memref<128x64xf32, #tpu.memory_space<hbm>>) target_semaphore(%run_scoped3A : memref<!tpu.dma_semaphore, #tpu.memory_space<semaphore_mem>>)
      %dma_wait3A_682 = arith.constant 0 : i32
      %dma_wait3A_683 = tpu.memref_slice %arg4[%add3A_600, %dma_wait3A_682] : memref<32768x64xf32, #tpu.memory_space<hbm>> -> memref<128x64xf32, #tpu.memory_space<hbm>>
      %dma_wait3A_684 = arith.constant 0 : i32
      %dma_wait3A_685 = tpu.memref_slice %arg4[%add3A_600, %dma_wait3A_684] : memref<32768x64xf32, #tpu.memory_space<hbm>> -> memref<128x64xf32, #tpu.memory_space<hbm>>
      tpu.wait_dma2 semaphore(%run_scoped3A : memref<!tpu.dma_semaphore, #tpu.memory_space<semaphore_mem>>) src(%arg11 : memref<128x64xf32, #tpu.memory_space<vmem>>) dst(%dma_wait3A_685 : memref<128x64xf32, #tpu.memory_space<hbm>>)
      tpu.yield
    }) : () -> ()
    return
  }
}

module attributes {stable_mosaic.version = 14 : i64} {
  func.func @_argmin_body(%arg0: i32, %arg1: memref<256x64xf32, #tpu.memory_space<vmem>>, %arg2: memref<64x15872xbf16, #tpu.memory_space<vmem>>, %arg3: memref<1x15872xf32, #tpu.memory_space<vmem>>, %arg4: memref<256x5xi32, #tpu.memory_space<vmem>>) attributes {dimension_semantics = [#tpu.dimension_semantics<arbitrary>], iteration_bounds = array<i64: 128>, scalar_prefetch = 0 : i64, scratch_operands = 0 : i64, tpu.core_type = #tpu.core_type<tc>, window_params = [{transform_indices = @transform_0, window_bounds = array<i64: 256, 64>}, {pipeline_mode = #tpu.pipeline_mode<synchronous>, transform_indices = @transform_1, window_bounds = array<i64: 64, 15872>}, {pipeline_mode = #tpu.pipeline_mode<synchronous>, transform_indices = @transform_2, window_bounds = array<i64: 1, 15872>}, {transform_indices = @transform_3, window_bounds = array<i64: 256, 5>}]} {
    %get3A = arith.constant 0 : index
    %get3A_0 = arith.constant 0 : index
    %get3A_1 = vector.load %arg1[%get3A, %get3A_0] : memref<256x64xf32, #tpu.memory_space<vmem>>, vector<256x64xf32>
    %mul3A = arith.mulf %get3A_1, %get3A_1 : vector<256x64xf32>
    %reduce_sum3A = arith.constant dense<0.000000e+00> : vector<256xf32>
    %reduce_sum3A_2 = vector.multi_reduction <add>, %mul3A, %reduce_sum3A [1] : vector<256x64xf32> to vector<256xf32>
    %broadcast_in_dim3A = vector.shape_cast %reduce_sum3A_2 : vector<256xf32> to vector<256x1xf32>
    %convert_element_type3A = arith.truncf %get3A_1 : vector<256x64xf32> to vector<256x64xbf16>
    %get3A_3 = arith.constant 0 : index
    %get3A_4 = arith.constant 0 : index
    %get3A_5 = vector.load %arg2[%get3A_3, %get3A_4] : memref<64x15872xbf16, #tpu.memory_space<vmem>>, vector<64x512xbf16>
    %dot_general3A = arith.constant dense<0.000000e+00> : vector<256x512xf32>
    %dot_general3A_6 = tpu.matmul %convert_element_type3A, %get3A_5, %dot_general3A {dimension_numbers = #tpu.dot_dimension_numbers<[1], [0], [0], [1], [0, 0, 1, 1], [], []>, transpose_lhs_hint = false} : vector<256x64xbf16>, vector<64x512xbf16>, vector<256x512xf32> -> vector<256x512xf32>
    %get3A_7 = arith.constant 0 : index
    %get3A_8 = arith.constant 0 : index
    %get3A_9 = vector.load %arg3[%get3A_7, %get3A_8] : memref<1x15872xf32, #tpu.memory_space<vmem>>, vector<1x512xf32>
    %add3A = vector.broadcast %broadcast_in_dim3A : vector<256x1xf32> to vector<256x512xf32>
    %add3A_10 = vector.broadcast %get3A_9 : vector<1x512xf32> to vector<256x512xf32>
    %add3A_11 = arith.addf %add3A, %add3A_10 : vector<256x512xf32>
    %mul3A_12 = arith.constant 2.000000e+00 : f32
    %mul3A_13 = vector.broadcast %mul3A_12 : f32 to vector<256x512xf32>
    %mul3A_14 = arith.mulf %mul3A_13, %dot_general3A_6 : vector<256x512xf32>
    %sub3A = arith.subf %add3A_11, %mul3A_14 : vector<256x512xf32>
    %reduce_min3A = arith.constant dense<0x7F800000> : vector<256xf32>
    %reduce_min3A_15 = vector.multi_reduction <minimumf>, %sub3A, %reduce_min3A [1] : vector<256x512xf32> to vector<256xf32>
    %broadcast_in_dim3A_16 = vector.shape_cast %reduce_min3A_15 : vector<256xf32> to vector<256x1xf32>
    %iota3A = tpu.iota {dimensions = array<i32: 1>} : vector<256x512xi32>
    %add3A_17 = arith.constant 0 : i32
    %add3A_18 = vector.broadcast %add3A_17 : i32 to vector<256x512xi32>
    %add3A_19 = arith.addi %iota3A, %add3A_18 : vector<256x512xi32>
    %eq3A = vector.broadcast %broadcast_in_dim3A_16 : vector<256x1xf32> to vector<256x512xf32>
    %eq3A_20 = arith.cmpf oeq, %sub3A, %eq3A : vector<256x512xf32>
    %jit3A = arith.constant 1073741824 : i32
    %broadcast_in_dim3A_21 = vector.broadcast %jit3A : i32 to vector<256x512xi32>
    %select_n3A = arith.select %eq3A_20, %add3A_19, %broadcast_in_dim3A_21 : vector<256x512xi1>, vector<256x512xi32>
    %reduce_min3A_22 = arith.constant dense<2147483647> : vector<256xi32>
    %reduce_min3A_23 = vector.multi_reduction <minsi>, %select_n3A, %reduce_min3A_22 [1] : vector<256x512xi32> to vector<256xi32>
    %broadcast_in_dim3A_24 = vector.shape_cast %reduce_min3A_23 : vector<256xi32> to vector<256x1xi32>
    %get3A_25 = arith.constant 0 : index
    %get3A_26 = arith.constant 512 : index
    %get3A_27 = vector.load %arg2[%get3A_25, %get3A_26] : memref<64x15872xbf16, #tpu.memory_space<vmem>>, vector<64x512xbf16>
    %dot_general3A_28 = arith.constant dense<0.000000e+00> : vector<256x512xf32>
    %dot_general3A_29 = tpu.matmul %convert_element_type3A, %get3A_27, %dot_general3A_28 {dimension_numbers = #tpu.dot_dimension_numbers<[1], [0], [0], [1], [0, 0, 1, 1], [], []>, transpose_lhs_hint = false} : vector<256x64xbf16>, vector<64x512xbf16>, vector<256x512xf32> -> vector<256x512xf32>
    %get3A_30 = arith.constant 0 : index
    %get3A_31 = arith.constant 512 : index
    %get3A_32 = vector.load %arg3[%get3A_30, %get3A_31] : memref<1x15872xf32, #tpu.memory_space<vmem>>, vector<1x512xf32>
    %add3A_33 = vector.broadcast %broadcast_in_dim3A : vector<256x1xf32> to vector<256x512xf32>
    %add3A_34 = vector.broadcast %get3A_32 : vector<1x512xf32> to vector<256x512xf32>
    %add3A_35 = arith.addf %add3A_33, %add3A_34 : vector<256x512xf32>
    %mul3A_36 = arith.constant 2.000000e+00 : f32
    %mul3A_37 = vector.broadcast %mul3A_36 : f32 to vector<256x512xf32>
    %mul3A_38 = arith.mulf %mul3A_37, %dot_general3A_29 : vector<256x512xf32>
    %sub3A_39 = arith.subf %add3A_35, %mul3A_38 : vector<256x512xf32>
    %reduce_min3A_40 = arith.constant dense<0x7F800000> : vector<256xf32>
    %reduce_min3A_41 = vector.multi_reduction <minimumf>, %sub3A_39, %reduce_min3A_40 [1] : vector<256x512xf32> to vector<256xf32>
    %broadcast_in_dim3A_42 = vector.shape_cast %reduce_min3A_41 : vector<256xf32> to vector<256x1xf32>
    %iota3A_43 = tpu.iota {dimensions = array<i32: 1>} : vector<256x512xi32>
    %add3A_44 = arith.constant 512 : i32
    %add3A_45 = vector.broadcast %add3A_44 : i32 to vector<256x512xi32>
    %add3A_46 = arith.addi %iota3A_43, %add3A_45 : vector<256x512xi32>
    %eq3A_47 = vector.broadcast %broadcast_in_dim3A_42 : vector<256x1xf32> to vector<256x512xf32>
    %eq3A_48 = arith.cmpf oeq, %sub3A_39, %eq3A_47 : vector<256x512xf32>
    %jit3A_49 = arith.constant 1073741824 : i32
    %broadcast_in_dim3A_50 = vector.broadcast %jit3A_49 : i32 to vector<256x512xi32>
    %select_n3A_51 = arith.select %eq3A_48, %add3A_46, %broadcast_in_dim3A_50 : vector<256x512xi1>, vector<256x512xi32>
    %reduce_min3A_52 = arith.constant dense<2147483647> : vector<256xi32>
    %reduce_min3A_53 = vector.multi_reduction <minsi>, %select_n3A_51, %reduce_min3A_52 [1] : vector<256x512xi32> to vector<256xi32>
    %broadcast_in_dim3A_54 = vector.shape_cast %reduce_min3A_53 : vector<256xi32> to vector<256x1xi32>
    %get3A_55 = arith.constant 0 : index
    %get3A_56 = arith.constant 1024 : index
    %get3A_57 = vector.load %arg2[%get3A_55, %get3A_56] : memref<64x15872xbf16, #tpu.memory_space<vmem>>, vector<64x512xbf16>
    %dot_general3A_58 = arith.constant dense<0.000000e+00> : vector<256x512xf32>
    %dot_general3A_59 = tpu.matmul %convert_element_type3A, %get3A_57, %dot_general3A_58 {dimension_numbers = #tpu.dot_dimension_numbers<[1], [0], [0], [1], [0, 0, 1, 1], [], []>, transpose_lhs_hint = false} : vector<256x64xbf16>, vector<64x512xbf16>, vector<256x512xf32> -> vector<256x512xf32>
    %get3A_60 = arith.constant 0 : index
    %get3A_61 = arith.constant 1024 : index
    %get3A_62 = vector.load %arg3[%get3A_60, %get3A_61] : memref<1x15872xf32, #tpu.memory_space<vmem>>, vector<1x512xf32>
    %add3A_63 = vector.broadcast %broadcast_in_dim3A : vector<256x1xf32> to vector<256x512xf32>
    %add3A_64 = vector.broadcast %get3A_62 : vector<1x512xf32> to vector<256x512xf32>
    %add3A_65 = arith.addf %add3A_63, %add3A_64 : vector<256x512xf32>
    %mul3A_66 = arith.constant 2.000000e+00 : f32
    %mul3A_67 = vector.broadcast %mul3A_66 : f32 to vector<256x512xf32>
    %mul3A_68 = arith.mulf %mul3A_67, %dot_general3A_59 : vector<256x512xf32>
    %sub3A_69 = arith.subf %add3A_65, %mul3A_68 : vector<256x512xf32>
    %reduce_min3A_70 = arith.constant dense<0x7F800000> : vector<256xf32>
    %reduce_min3A_71 = vector.multi_reduction <minimumf>, %sub3A_69, %reduce_min3A_70 [1] : vector<256x512xf32> to vector<256xf32>
    %broadcast_in_dim3A_72 = vector.shape_cast %reduce_min3A_71 : vector<256xf32> to vector<256x1xf32>
    %iota3A_73 = tpu.iota {dimensions = array<i32: 1>} : vector<256x512xi32>
    %add3A_74 = arith.constant 1024 : i32
    %add3A_75 = vector.broadcast %add3A_74 : i32 to vector<256x512xi32>
    %add3A_76 = arith.addi %iota3A_73, %add3A_75 : vector<256x512xi32>
    %eq3A_77 = vector.broadcast %broadcast_in_dim3A_72 : vector<256x1xf32> to vector<256x512xf32>
    %eq3A_78 = arith.cmpf oeq, %sub3A_69, %eq3A_77 : vector<256x512xf32>
    %jit3A_79 = arith.constant 1073741824 : i32
    %broadcast_in_dim3A_80 = vector.broadcast %jit3A_79 : i32 to vector<256x512xi32>
    %select_n3A_81 = arith.select %eq3A_78, %add3A_76, %broadcast_in_dim3A_80 : vector<256x512xi1>, vector<256x512xi32>
    %reduce_min3A_82 = arith.constant dense<2147483647> : vector<256xi32>
    %reduce_min3A_83 = vector.multi_reduction <minsi>, %select_n3A_81, %reduce_min3A_82 [1] : vector<256x512xi32> to vector<256xi32>
    %broadcast_in_dim3A_84 = vector.shape_cast %reduce_min3A_83 : vector<256xi32> to vector<256x1xi32>
    %lt3A = arith.cmpf olt, %broadcast_in_dim3A_72, %broadcast_in_dim3A_42 : vector<256x1xf32>
    %select_n3A_85 = arith.select %lt3A, %broadcast_in_dim3A_84, %broadcast_in_dim3A_54 : vector<256x1xi1>, vector<256x1xi32>
    %get3A_86 = arith.constant 0 : index
    %get3A_87 = arith.constant 1536 : index
    %get3A_88 = vector.load %arg2[%get3A_86, %get3A_87] : memref<64x15872xbf16, #tpu.memory_space<vmem>>, vector<64x512xbf16>
    %dot_general3A_89 = arith.constant dense<0.000000e+00> : vector<256x512xf32>
    %dot_general3A_90 = tpu.matmul %convert_element_type3A, %get3A_88, %dot_general3A_89 {dimension_numbers = #tpu.dot_dimension_numbers<[1], [0], [0], [1], [0, 0, 1, 1], [], []>, transpose_lhs_hint = false} : vector<256x64xbf16>, vector<64x512xbf16>, vector<256x512xf32> -> vector<256x512xf32>
    %get3A_91 = arith.constant 0 : index
    %get3A_92 = arith.constant 1536 : index
    %get3A_93 = vector.load %arg3[%get3A_91, %get3A_92] : memref<1x15872xf32, #tpu.memory_space<vmem>>, vector<1x512xf32>
    %add3A_94 = vector.broadcast %broadcast_in_dim3A : vector<256x1xf32> to vector<256x512xf32>
    %add3A_95 = vector.broadcast %get3A_93 : vector<1x512xf32> to vector<256x512xf32>
    %add3A_96 = arith.addf %add3A_94, %add3A_95 : vector<256x512xf32>
    %mul3A_97 = arith.constant 2.000000e+00 : f32
    %mul3A_98 = vector.broadcast %mul3A_97 : f32 to vector<256x512xf32>
    %mul3A_99 = arith.mulf %mul3A_98, %dot_general3A_90 : vector<256x512xf32>
    %sub3A_100 = arith.subf %add3A_96, %mul3A_99 : vector<256x512xf32>
    %reduce_min3A_101 = arith.constant dense<0x7F800000> : vector<256xf32>
    %reduce_min3A_102 = vector.multi_reduction <minimumf>, %sub3A_100, %reduce_min3A_101 [1] : vector<256x512xf32> to vector<256xf32>
    %broadcast_in_dim3A_103 = vector.shape_cast %reduce_min3A_102 : vector<256xf32> to vector<256x1xf32>
    %iota3A_104 = tpu.iota {dimensions = array<i32: 1>} : vector<256x512xi32>
    %add3A_105 = arith.constant 1536 : i32
    %add3A_106 = vector.broadcast %add3A_105 : i32 to vector<256x512xi32>
    %add3A_107 = arith.addi %iota3A_104, %add3A_106 : vector<256x512xi32>
    %eq3A_108 = vector.broadcast %broadcast_in_dim3A_103 : vector<256x1xf32> to vector<256x512xf32>
    %eq3A_109 = arith.cmpf oeq, %sub3A_100, %eq3A_108 : vector<256x512xf32>
    %jit3A_110 = arith.constant 1073741824 : i32
    %broadcast_in_dim3A_111 = vector.broadcast %jit3A_110 : i32 to vector<256x512xi32>
    %select_n3A_112 = arith.select %eq3A_109, %add3A_107, %broadcast_in_dim3A_111 : vector<256x512xi1>, vector<256x512xi32>
    %reduce_min3A_113 = arith.constant dense<2147483647> : vector<256xi32>
    %reduce_min3A_114 = vector.multi_reduction <minsi>, %select_n3A_112, %reduce_min3A_113 [1] : vector<256x512xi32> to vector<256xi32>
    %broadcast_in_dim3A_115 = vector.shape_cast %reduce_min3A_114 : vector<256xi32> to vector<256x1xi32>
    %get3A_116 = arith.constant 0 : index
    %get3A_117 = arith.constant 2048 : index
    %get3A_118 = vector.load %arg2[%get3A_116, %get3A_117] : memref<64x15872xbf16, #tpu.memory_space<vmem>>, vector<64x512xbf16>
    %dot_general3A_119 = arith.constant dense<0.000000e+00> : vector<256x512xf32>
    %dot_general3A_120 = tpu.matmul %convert_element_type3A, %get3A_118, %dot_general3A_119 {dimension_numbers = #tpu.dot_dimension_numbers<[1], [0], [0], [1], [0, 0, 1, 1], [], []>, transpose_lhs_hint = false} : vector<256x64xbf16>, vector<64x512xbf16>, vector<256x512xf32> -> vector<256x512xf32>
    %get3A_121 = arith.constant 0 : index
    %get3A_122 = arith.constant 2048 : index
    %get3A_123 = vector.load %arg3[%get3A_121, %get3A_122] : memref<1x15872xf32, #tpu.memory_space<vmem>>, vector<1x512xf32>
    %add3A_124 = vector.broadcast %broadcast_in_dim3A : vector<256x1xf32> to vector<256x512xf32>
    %add3A_125 = vector.broadcast %get3A_123 : vector<1x512xf32> to vector<256x512xf32>
    %add3A_126 = arith.addf %add3A_124, %add3A_125 : vector<256x512xf32>
    %mul3A_127 = arith.constant 2.000000e+00 : f32
    %mul3A_128 = vector.broadcast %mul3A_127 : f32 to vector<256x512xf32>
    %mul3A_129 = arith.mulf %mul3A_128, %dot_general3A_120 : vector<256x512xf32>
    %sub3A_130 = arith.subf %add3A_126, %mul3A_129 : vector<256x512xf32>
    %reduce_min3A_131 = arith.constant dense<0x7F800000> : vector<256xf32>
    %reduce_min3A_132 = vector.multi_reduction <minimumf>, %sub3A_130, %reduce_min3A_131 [1] : vector<256x512xf32> to vector<256xf32>
    %broadcast_in_dim3A_133 = vector.shape_cast %reduce_min3A_132 : vector<256xf32> to vector<256x1xf32>
    %iota3A_134 = tpu.iota {dimensions = array<i32: 1>} : vector<256x512xi32>
    %add3A_135 = arith.constant 2048 : i32
    %add3A_136 = vector.broadcast %add3A_135 : i32 to vector<256x512xi32>
    %add3A_137 = arith.addi %iota3A_134, %add3A_136 : vector<256x512xi32>
    %eq3A_138 = vector.broadcast %broadcast_in_dim3A_133 : vector<256x1xf32> to vector<256x512xf32>
    %eq3A_139 = arith.cmpf oeq, %sub3A_130, %eq3A_138 : vector<256x512xf32>
    %jit3A_140 = arith.constant 1073741824 : i32
    %broadcast_in_dim3A_141 = vector.broadcast %jit3A_140 : i32 to vector<256x512xi32>
    %select_n3A_142 = arith.select %eq3A_139, %add3A_137, %broadcast_in_dim3A_141 : vector<256x512xi1>, vector<256x512xi32>
    %reduce_min3A_143 = arith.constant dense<2147483647> : vector<256xi32>
    %reduce_min3A_144 = vector.multi_reduction <minsi>, %select_n3A_142, %reduce_min3A_143 [1] : vector<256x512xi32> to vector<256xi32>
    %broadcast_in_dim3A_145 = vector.shape_cast %reduce_min3A_144 : vector<256xi32> to vector<256x1xi32>
    %lt3A_146 = arith.cmpf olt, %broadcast_in_dim3A_133, %broadcast_in_dim3A_103 : vector<256x1xf32>
    %select_n3A_147 = arith.select %lt3A_146, %broadcast_in_dim3A_145, %broadcast_in_dim3A_115 : vector<256x1xi1>, vector<256x1xi32>
    %select_n3A_148 = arith.select %lt3A_146, %broadcast_in_dim3A_133, %broadcast_in_dim3A_103 : vector<256x1xi1>, vector<256x1xf32>
    %get3A_149 = arith.constant 0 : index
    %get3A_150 = arith.constant 2560 : index
    %get3A_151 = vector.load %arg2[%get3A_149, %get3A_150] : memref<64x15872xbf16, #tpu.memory_space<vmem>>, vector<64x512xbf16>
    %dot_general3A_152 = arith.constant dense<0.000000e+00> : vector<256x512xf32>
    %dot_general3A_153 = tpu.matmul %convert_element_type3A, %get3A_151, %dot_general3A_152 {dimension_numbers = #tpu.dot_dimension_numbers<[1], [0], [0], [1], [0, 0, 1, 1], [], []>, transpose_lhs_hint = false} : vector<256x64xbf16>, vector<64x512xbf16>, vector<256x512xf32> -> vector<256x512xf32>
    %get3A_154 = arith.constant 0 : index
    %get3A_155 = arith.constant 2560 : index
    %get3A_156 = vector.load %arg3[%get3A_154, %get3A_155] : memref<1x15872xf32, #tpu.memory_space<vmem>>, vector<1x512xf32>
    %add3A_157 = vector.broadcast %broadcast_in_dim3A : vector<256x1xf32> to vector<256x512xf32>
    %add3A_158 = vector.broadcast %get3A_156 : vector<1x512xf32> to vector<256x512xf32>
    %add3A_159 = arith.addf %add3A_157, %add3A_158 : vector<256x512xf32>
    %mul3A_160 = arith.constant 2.000000e+00 : f32
    %mul3A_161 = vector.broadcast %mul3A_160 : f32 to vector<256x512xf32>
    %mul3A_162 = arith.mulf %mul3A_161, %dot_general3A_153 : vector<256x512xf32>
    %sub3A_163 = arith.subf %add3A_159, %mul3A_162 : vector<256x512xf32>
    %reduce_min3A_164 = arith.constant dense<0x7F800000> : vector<256xf32>
    %reduce_min3A_165 = vector.multi_reduction <minimumf>, %sub3A_163, %reduce_min3A_164 [1] : vector<256x512xf32> to vector<256xf32>
    %broadcast_in_dim3A_166 = vector.shape_cast %reduce_min3A_165 : vector<256xf32> to vector<256x1xf32>
    %iota3A_167 = tpu.iota {dimensions = array<i32: 1>} : vector<256x512xi32>
    %add3A_168 = arith.constant 2560 : i32
    %add3A_169 = vector.broadcast %add3A_168 : i32 to vector<256x512xi32>
    %add3A_170 = arith.addi %iota3A_167, %add3A_169 : vector<256x512xi32>
    %eq3A_171 = vector.broadcast %broadcast_in_dim3A_166 : vector<256x1xf32> to vector<256x512xf32>
    %eq3A_172 = arith.cmpf oeq, %sub3A_163, %eq3A_171 : vector<256x512xf32>
    %jit3A_173 = arith.constant 1073741824 : i32
    %broadcast_in_dim3A_174 = vector.broadcast %jit3A_173 : i32 to vector<256x512xi32>
    %select_n3A_175 = arith.select %eq3A_172, %add3A_170, %broadcast_in_dim3A_174 : vector<256x512xi1>, vector<256x512xi32>
    %reduce_min3A_176 = arith.constant dense<2147483647> : vector<256xi32>
    %reduce_min3A_177 = vector.multi_reduction <minsi>, %select_n3A_175, %reduce_min3A_176 [1] : vector<256x512xi32> to vector<256xi32>
    %broadcast_in_dim3A_178 = vector.shape_cast %reduce_min3A_177 : vector<256xi32> to vector<256x1xi32>
    %lt3A_179 = arith.cmpf olt, %broadcast_in_dim3A_166, %select_n3A_148 : vector<256x1xf32>
    %select_n3A_180 = arith.select %lt3A_179, %broadcast_in_dim3A_178, %select_n3A_147 : vector<256x1xi1>, vector<256x1xi32>
    %select_n3A_181 = arith.select %lt3A_179, %broadcast_in_dim3A_166, %select_n3A_148 : vector<256x1xi1>, vector<256x1xf32>
    %get3A_182 = arith.constant 0 : index
    %get3A_183 = arith.constant 3072 : index
    %get3A_184 = vector.load %arg2[%get3A_182, %get3A_183] : memref<64x15872xbf16, #tpu.memory_space<vmem>>, vector<64x512xbf16>
    %dot_general3A_185 = arith.constant dense<0.000000e+00> : vector<256x512xf32>
    %dot_general3A_186 = tpu.matmul %convert_element_type3A, %get3A_184, %dot_general3A_185 {dimension_numbers = #tpu.dot_dimension_numbers<[1], [0], [0], [1], [0, 0, 1, 1], [], []>, transpose_lhs_hint = false} : vector<256x64xbf16>, vector<64x512xbf16>, vector<256x512xf32> -> vector<256x512xf32>
    %get3A_187 = arith.constant 0 : index
    %get3A_188 = arith.constant 3072 : index
    %get3A_189 = vector.load %arg3[%get3A_187, %get3A_188] : memref<1x15872xf32, #tpu.memory_space<vmem>>, vector<1x512xf32>
    %add3A_190 = vector.broadcast %broadcast_in_dim3A : vector<256x1xf32> to vector<256x512xf32>
    %add3A_191 = vector.broadcast %get3A_189 : vector<1x512xf32> to vector<256x512xf32>
    %add3A_192 = arith.addf %add3A_190, %add3A_191 : vector<256x512xf32>
    %mul3A_193 = arith.constant 2.000000e+00 : f32
    %mul3A_194 = vector.broadcast %mul3A_193 : f32 to vector<256x512xf32>
    %mul3A_195 = arith.mulf %mul3A_194, %dot_general3A_186 : vector<256x512xf32>
    %sub3A_196 = arith.subf %add3A_192, %mul3A_195 : vector<256x512xf32>
    %reduce_min3A_197 = arith.constant dense<0x7F800000> : vector<256xf32>
    %reduce_min3A_198 = vector.multi_reduction <minimumf>, %sub3A_196, %reduce_min3A_197 [1] : vector<256x512xf32> to vector<256xf32>
    %broadcast_in_dim3A_199 = vector.shape_cast %reduce_min3A_198 : vector<256xf32> to vector<256x1xf32>
    %iota3A_200 = tpu.iota {dimensions = array<i32: 1>} : vector<256x512xi32>
    %add3A_201 = arith.constant 3072 : i32
    %add3A_202 = vector.broadcast %add3A_201 : i32 to vector<256x512xi32>
    %add3A_203 = arith.addi %iota3A_200, %add3A_202 : vector<256x512xi32>
    %eq3A_204 = vector.broadcast %broadcast_in_dim3A_199 : vector<256x1xf32> to vector<256x512xf32>
    %eq3A_205 = arith.cmpf oeq, %sub3A_196, %eq3A_204 : vector<256x512xf32>
    %jit3A_206 = arith.constant 1073741824 : i32
    %broadcast_in_dim3A_207 = vector.broadcast %jit3A_206 : i32 to vector<256x512xi32>
    %select_n3A_208 = arith.select %eq3A_205, %add3A_203, %broadcast_in_dim3A_207 : vector<256x512xi1>, vector<256x512xi32>
    %reduce_min3A_209 = arith.constant dense<2147483647> : vector<256xi32>
    %reduce_min3A_210 = vector.multi_reduction <minsi>, %select_n3A_208, %reduce_min3A_209 [1] : vector<256x512xi32> to vector<256xi32>
    %broadcast_in_dim3A_211 = vector.shape_cast %reduce_min3A_210 : vector<256xi32> to vector<256x1xi32>
    %lt3A_212 = arith.cmpf olt, %broadcast_in_dim3A_199, %select_n3A_181 : vector<256x1xf32>
    %select_n3A_213 = arith.select %lt3A_212, %broadcast_in_dim3A_211, %select_n3A_180 : vector<256x1xi1>, vector<256x1xi32>
    %get3A_214 = arith.constant 0 : index
    %get3A_215 = arith.constant 3584 : index
    %get3A_216 = vector.load %arg2[%get3A_214, %get3A_215] : memref<64x15872xbf16, #tpu.memory_space<vmem>>, vector<64x512xbf16>
    %dot_general3A_217 = arith.constant dense<0.000000e+00> : vector<256x512xf32>
    %dot_general3A_218 = tpu.matmul %convert_element_type3A, %get3A_216, %dot_general3A_217 {dimension_numbers = #tpu.dot_dimension_numbers<[1], [0], [0], [1], [0, 0, 1, 1], [], []>, transpose_lhs_hint = false} : vector<256x64xbf16>, vector<64x512xbf16>, vector<256x512xf32> -> vector<256x512xf32>
    %get3A_219 = arith.constant 0 : index
    %get3A_220 = arith.constant 3584 : index
    %get3A_221 = vector.load %arg3[%get3A_219, %get3A_220] : memref<1x15872xf32, #tpu.memory_space<vmem>>, vector<1x512xf32>
    %add3A_222 = vector.broadcast %broadcast_in_dim3A : vector<256x1xf32> to vector<256x512xf32>
    %add3A_223 = vector.broadcast %get3A_221 : vector<1x512xf32> to vector<256x512xf32>
    %add3A_224 = arith.addf %add3A_222, %add3A_223 : vector<256x512xf32>
    %mul3A_225 = arith.constant 2.000000e+00 : f32
    %mul3A_226 = vector.broadcast %mul3A_225 : f32 to vector<256x512xf32>
    %mul3A_227 = arith.mulf %mul3A_226, %dot_general3A_218 : vector<256x512xf32>
    %sub3A_228 = arith.subf %add3A_224, %mul3A_227 : vector<256x512xf32>
    %reduce_min3A_229 = arith.constant dense<0x7F800000> : vector<256xf32>
    %reduce_min3A_230 = vector.multi_reduction <minimumf>, %sub3A_228, %reduce_min3A_229 [1] : vector<256x512xf32> to vector<256xf32>
    %broadcast_in_dim3A_231 = vector.shape_cast %reduce_min3A_230 : vector<256xf32> to vector<256x1xf32>
    %iota3A_232 = tpu.iota {dimensions = array<i32: 1>} : vector<256x512xi32>
    %add3A_233 = arith.constant 3584 : i32
    %add3A_234 = vector.broadcast %add3A_233 : i32 to vector<256x512xi32>
    %add3A_235 = arith.addi %iota3A_232, %add3A_234 : vector<256x512xi32>
    %eq3A_236 = vector.broadcast %broadcast_in_dim3A_231 : vector<256x1xf32> to vector<256x512xf32>
    %eq3A_237 = arith.cmpf oeq, %sub3A_228, %eq3A_236 : vector<256x512xf32>
    %jit3A_238 = arith.constant 1073741824 : i32
    %broadcast_in_dim3A_239 = vector.broadcast %jit3A_238 : i32 to vector<256x512xi32>
    %select_n3A_240 = arith.select %eq3A_237, %add3A_235, %broadcast_in_dim3A_239 : vector<256x512xi1>, vector<256x512xi32>
    %reduce_min3A_241 = arith.constant dense<2147483647> : vector<256xi32>
    %reduce_min3A_242 = vector.multi_reduction <minsi>, %select_n3A_240, %reduce_min3A_241 [1] : vector<256x512xi32> to vector<256xi32>
    %broadcast_in_dim3A_243 = vector.shape_cast %reduce_min3A_242 : vector<256xi32> to vector<256x1xi32>
    %get3A_244 = arith.constant 0 : index
    %get3A_245 = arith.constant 4096 : index
    %get3A_246 = vector.load %arg2[%get3A_244, %get3A_245] : memref<64x15872xbf16, #tpu.memory_space<vmem>>, vector<64x512xbf16>
    %dot_general3A_247 = arith.constant dense<0.000000e+00> : vector<256x512xf32>
    %dot_general3A_248 = tpu.matmul %convert_element_type3A, %get3A_246, %dot_general3A_247 {dimension_numbers = #tpu.dot_dimension_numbers<[1], [0], [0], [1], [0, 0, 1, 1], [], []>, transpose_lhs_hint = false} : vector<256x64xbf16>, vector<64x512xbf16>, vector<256x512xf32> -> vector<256x512xf32>
    %get3A_249 = arith.constant 0 : index
    %get3A_250 = arith.constant 4096 : index
    %get3A_251 = vector.load %arg3[%get3A_249, %get3A_250] : memref<1x15872xf32, #tpu.memory_space<vmem>>, vector<1x512xf32>
    %add3A_252 = vector.broadcast %broadcast_in_dim3A : vector<256x1xf32> to vector<256x512xf32>
    %add3A_253 = vector.broadcast %get3A_251 : vector<1x512xf32> to vector<256x512xf32>
    %add3A_254 = arith.addf %add3A_252, %add3A_253 : vector<256x512xf32>
    %mul3A_255 = arith.constant 2.000000e+00 : f32
    %mul3A_256 = vector.broadcast %mul3A_255 : f32 to vector<256x512xf32>
    %mul3A_257 = arith.mulf %mul3A_256, %dot_general3A_248 : vector<256x512xf32>
    %sub3A_258 = arith.subf %add3A_254, %mul3A_257 : vector<256x512xf32>
    %reduce_min3A_259 = arith.constant dense<0x7F800000> : vector<256xf32>
    %reduce_min3A_260 = vector.multi_reduction <minimumf>, %sub3A_258, %reduce_min3A_259 [1] : vector<256x512xf32> to vector<256xf32>
    %broadcast_in_dim3A_261 = vector.shape_cast %reduce_min3A_260 : vector<256xf32> to vector<256x1xf32>
    %iota3A_262 = tpu.iota {dimensions = array<i32: 1>} : vector<256x512xi32>
    %add3A_263 = arith.constant 4096 : i32
    %add3A_264 = vector.broadcast %add3A_263 : i32 to vector<256x512xi32>
    %add3A_265 = arith.addi %iota3A_262, %add3A_264 : vector<256x512xi32>
    %eq3A_266 = vector.broadcast %broadcast_in_dim3A_261 : vector<256x1xf32> to vector<256x512xf32>
    %eq3A_267 = arith.cmpf oeq, %sub3A_258, %eq3A_266 : vector<256x512xf32>
    %jit3A_268 = arith.constant 1073741824 : i32
    %broadcast_in_dim3A_269 = vector.broadcast %jit3A_268 : i32 to vector<256x512xi32>
    %select_n3A_270 = arith.select %eq3A_267, %add3A_265, %broadcast_in_dim3A_269 : vector<256x512xi1>, vector<256x512xi32>
    %reduce_min3A_271 = arith.constant dense<2147483647> : vector<256xi32>
    %reduce_min3A_272 = vector.multi_reduction <minsi>, %select_n3A_270, %reduce_min3A_271 [1] : vector<256x512xi32> to vector<256xi32>
    %broadcast_in_dim3A_273 = vector.shape_cast %reduce_min3A_272 : vector<256xi32> to vector<256x1xi32>
    %lt3A_274 = arith.cmpf olt, %broadcast_in_dim3A_261, %broadcast_in_dim3A_231 : vector<256x1xf32>
    %select_n3A_275 = arith.select %lt3A_274, %broadcast_in_dim3A_273, %broadcast_in_dim3A_243 : vector<256x1xi1>, vector<256x1xi32>
    %select_n3A_276 = arith.select %lt3A_274, %broadcast_in_dim3A_261, %broadcast_in_dim3A_231 : vector<256x1xi1>, vector<256x1xf32>
    %get3A_277 = arith.constant 0 : index
    %get3A_278 = arith.constant 4608 : index
    %get3A_279 = vector.load %arg2[%get3A_277, %get3A_278] : memref<64x15872xbf16, #tpu.memory_space<vmem>>, vector<64x512xbf16>
    %dot_general3A_280 = arith.constant dense<0.000000e+00> : vector<256x512xf32>
    %dot_general3A_281 = tpu.matmul %convert_element_type3A, %get3A_279, %dot_general3A_280 {dimension_numbers = #tpu.dot_dimension_numbers<[1], [0], [0], [1], [0, 0, 1, 1], [], []>, transpose_lhs_hint = false} : vector<256x64xbf16>, vector<64x512xbf16>, vector<256x512xf32> -> vector<256x512xf32>
    %get3A_282 = arith.constant 0 : index
    %get3A_283 = arith.constant 4608 : index
    %get3A_284 = vector.load %arg3[%get3A_282, %get3A_283] : memref<1x15872xf32, #tpu.memory_space<vmem>>, vector<1x512xf32>
    %add3A_285 = vector.broadcast %broadcast_in_dim3A : vector<256x1xf32> to vector<256x512xf32>
    %add3A_286 = vector.broadcast %get3A_284 : vector<1x512xf32> to vector<256x512xf32>
    %add3A_287 = arith.addf %add3A_285, %add3A_286 : vector<256x512xf32>
    %mul3A_288 = arith.constant 2.000000e+00 : f32
    %mul3A_289 = vector.broadcast %mul3A_288 : f32 to vector<256x512xf32>
    %mul3A_290 = arith.mulf %mul3A_289, %dot_general3A_281 : vector<256x512xf32>
    %sub3A_291 = arith.subf %add3A_287, %mul3A_290 : vector<256x512xf32>
    %reduce_min3A_292 = arith.constant dense<0x7F800000> : vector<256xf32>
    %reduce_min3A_293 = vector.multi_reduction <minimumf>, %sub3A_291, %reduce_min3A_292 [1] : vector<256x512xf32> to vector<256xf32>
    %broadcast_in_dim3A_294 = vector.shape_cast %reduce_min3A_293 : vector<256xf32> to vector<256x1xf32>
    %iota3A_295 = tpu.iota {dimensions = array<i32: 1>} : vector<256x512xi32>
    %add3A_296 = arith.constant 4608 : i32
    %add3A_297 = vector.broadcast %add3A_296 : i32 to vector<256x512xi32>
    %add3A_298 = arith.addi %iota3A_295, %add3A_297 : vector<256x512xi32>
    %eq3A_299 = vector.broadcast %broadcast_in_dim3A_294 : vector<256x1xf32> to vector<256x512xf32>
    %eq3A_300 = arith.cmpf oeq, %sub3A_291, %eq3A_299 : vector<256x512xf32>
    %jit3A_301 = arith.constant 1073741824 : i32
    %broadcast_in_dim3A_302 = vector.broadcast %jit3A_301 : i32 to vector<256x512xi32>
    %select_n3A_303 = arith.select %eq3A_300, %add3A_298, %broadcast_in_dim3A_302 : vector<256x512xi1>, vector<256x512xi32>
    %reduce_min3A_304 = arith.constant dense<2147483647> : vector<256xi32>
    %reduce_min3A_305 = vector.multi_reduction <minsi>, %select_n3A_303, %reduce_min3A_304 [1] : vector<256x512xi32> to vector<256xi32>
    %broadcast_in_dim3A_306 = vector.shape_cast %reduce_min3A_305 : vector<256xi32> to vector<256x1xi32>
    %lt3A_307 = arith.cmpf olt, %broadcast_in_dim3A_294, %select_n3A_276 : vector<256x1xf32>
    %select_n3A_308 = arith.select %lt3A_307, %broadcast_in_dim3A_306, %select_n3A_275 : vector<256x1xi1>, vector<256x1xi32>
    %select_n3A_309 = arith.select %lt3A_307, %broadcast_in_dim3A_294, %select_n3A_276 : vector<256x1xi1>, vector<256x1xf32>
    %get3A_310 = arith.constant 0 : index
    %get3A_311 = arith.constant 5120 : index
    %get3A_312 = vector.load %arg2[%get3A_310, %get3A_311] : memref<64x15872xbf16, #tpu.memory_space<vmem>>, vector<64x512xbf16>
    %dot_general3A_313 = arith.constant dense<0.000000e+00> : vector<256x512xf32>
    %dot_general3A_314 = tpu.matmul %convert_element_type3A, %get3A_312, %dot_general3A_313 {dimension_numbers = #tpu.dot_dimension_numbers<[1], [0], [0], [1], [0, 0, 1, 1], [], []>, transpose_lhs_hint = false} : vector<256x64xbf16>, vector<64x512xbf16>, vector<256x512xf32> -> vector<256x512xf32>
    %get3A_315 = arith.constant 0 : index
    %get3A_316 = arith.constant 5120 : index
    %get3A_317 = vector.load %arg3[%get3A_315, %get3A_316] : memref<1x15872xf32, #tpu.memory_space<vmem>>, vector<1x512xf32>
    %add3A_318 = vector.broadcast %broadcast_in_dim3A : vector<256x1xf32> to vector<256x512xf32>
    %add3A_319 = vector.broadcast %get3A_317 : vector<1x512xf32> to vector<256x512xf32>
    %add3A_320 = arith.addf %add3A_318, %add3A_319 : vector<256x512xf32>
    %mul3A_321 = arith.constant 2.000000e+00 : f32
    %mul3A_322 = vector.broadcast %mul3A_321 : f32 to vector<256x512xf32>
    %mul3A_323 = arith.mulf %mul3A_322, %dot_general3A_314 : vector<256x512xf32>
    %sub3A_324 = arith.subf %add3A_320, %mul3A_323 : vector<256x512xf32>
    %reduce_min3A_325 = arith.constant dense<0x7F800000> : vector<256xf32>
    %reduce_min3A_326 = vector.multi_reduction <minimumf>, %sub3A_324, %reduce_min3A_325 [1] : vector<256x512xf32> to vector<256xf32>
    %broadcast_in_dim3A_327 = vector.shape_cast %reduce_min3A_326 : vector<256xf32> to vector<256x1xf32>
    %iota3A_328 = tpu.iota {dimensions = array<i32: 1>} : vector<256x512xi32>
    %add3A_329 = arith.constant 5120 : i32
    %add3A_330 = vector.broadcast %add3A_329 : i32 to vector<256x512xi32>
    %add3A_331 = arith.addi %iota3A_328, %add3A_330 : vector<256x512xi32>
    %eq3A_332 = vector.broadcast %broadcast_in_dim3A_327 : vector<256x1xf32> to vector<256x512xf32>
    %eq3A_333 = arith.cmpf oeq, %sub3A_324, %eq3A_332 : vector<256x512xf32>
    %jit3A_334 = arith.constant 1073741824 : i32
    %broadcast_in_dim3A_335 = vector.broadcast %jit3A_334 : i32 to vector<256x512xi32>
    %select_n3A_336 = arith.select %eq3A_333, %add3A_331, %broadcast_in_dim3A_335 : vector<256x512xi1>, vector<256x512xi32>
    %reduce_min3A_337 = arith.constant dense<2147483647> : vector<256xi32>
    %reduce_min3A_338 = vector.multi_reduction <minsi>, %select_n3A_336, %reduce_min3A_337 [1] : vector<256x512xi32> to vector<256xi32>
    %broadcast_in_dim3A_339 = vector.shape_cast %reduce_min3A_338 : vector<256xi32> to vector<256x1xi32>
    %lt3A_340 = arith.cmpf olt, %broadcast_in_dim3A_327, %select_n3A_309 : vector<256x1xf32>
    %select_n3A_341 = arith.select %lt3A_340, %broadcast_in_dim3A_339, %select_n3A_308 : vector<256x1xi1>, vector<256x1xi32>
    %select_n3A_342 = arith.select %lt3A_340, %broadcast_in_dim3A_327, %select_n3A_309 : vector<256x1xi1>, vector<256x1xf32>
    %convert_element_type3A_343 = arith.truncf %select_n3A_342 : vector<256x1xf32> to vector<256x1xbf16>
    %convert_element_type3A_344 = arith.extf %convert_element_type3A_343 : vector<256x1xbf16> to vector<256x1xf32>
    %get3A_345 = arith.constant 0 : index
    %get3A_346 = arith.constant 5632 : index
    %get3A_347 = vector.load %arg2[%get3A_345, %get3A_346] : memref<64x15872xbf16, #tpu.memory_space<vmem>>, vector<64x512xbf16>
    %dot_general3A_348 = arith.constant dense<0.000000e+00> : vector<256x512xf32>
    %dot_general3A_349 = tpu.matmul %convert_element_type3A, %get3A_347, %dot_general3A_348 {dimension_numbers = #tpu.dot_dimension_numbers<[1], [0], [0], [1], [0, 0, 1, 1], [], []>, transpose_lhs_hint = false} : vector<256x64xbf16>, vector<64x512xbf16>, vector<256x512xf32> -> vector<256x512xf32>
    %get3A_350 = arith.constant 0 : index
    %get3A_351 = arith.constant 5632 : index
    %get3A_352 = vector.load %arg3[%get3A_350, %get3A_351] : memref<1x15872xf32, #tpu.memory_space<vmem>>, vector<1x512xf32>
    %add3A_353 = vector.broadcast %broadcast_in_dim3A : vector<256x1xf32> to vector<256x512xf32>
    %add3A_354 = vector.broadcast %get3A_352 : vector<1x512xf32> to vector<256x512xf32>
    %add3A_355 = arith.addf %add3A_353, %add3A_354 : vector<256x512xf32>
    %mul3A_356 = arith.constant 2.000000e+00 : f32
    %mul3A_357 = vector.broadcast %mul3A_356 : f32 to vector<256x512xf32>
    %mul3A_358 = arith.mulf %mul3A_357, %dot_general3A_349 : vector<256x512xf32>
    %sub3A_359 = arith.subf %add3A_355, %mul3A_358 : vector<256x512xf32>
    %reduce_min3A_360 = arith.constant dense<0x7F800000> : vector<256xf32>
    %reduce_min3A_361 = vector.multi_reduction <minimumf>, %sub3A_359, %reduce_min3A_360 [1] : vector<256x512xf32> to vector<256xf32>
    %broadcast_in_dim3A_362 = vector.shape_cast %reduce_min3A_361 : vector<256xf32> to vector<256x1xf32>
    %iota3A_363 = tpu.iota {dimensions = array<i32: 1>} : vector<256x512xi32>
    %add3A_364 = arith.constant 5632 : i32
    %add3A_365 = vector.broadcast %add3A_364 : i32 to vector<256x512xi32>
    %add3A_366 = arith.addi %iota3A_363, %add3A_365 : vector<256x512xi32>
    %eq3A_367 = vector.broadcast %broadcast_in_dim3A_362 : vector<256x1xf32> to vector<256x512xf32>
    %eq3A_368 = arith.cmpf oeq, %sub3A_359, %eq3A_367 : vector<256x512xf32>
    %jit3A_369 = arith.constant 1073741824 : i32
    %broadcast_in_dim3A_370 = vector.broadcast %jit3A_369 : i32 to vector<256x512xi32>
    %select_n3A_371 = arith.select %eq3A_368, %add3A_366, %broadcast_in_dim3A_370 : vector<256x512xi1>, vector<256x512xi32>
    %reduce_min3A_372 = arith.constant dense<2147483647> : vector<256xi32>
    %reduce_min3A_373 = vector.multi_reduction <minsi>, %select_n3A_371, %reduce_min3A_372 [1] : vector<256x512xi32> to vector<256xi32>
    %broadcast_in_dim3A_374 = vector.shape_cast %reduce_min3A_373 : vector<256xi32> to vector<256x1xi32>
    %get3A_375 = arith.constant 0 : index
    %get3A_376 = arith.constant 6144 : index
    %get3A_377 = vector.load %arg2[%get3A_375, %get3A_376] : memref<64x15872xbf16, #tpu.memory_space<vmem>>, vector<64x512xbf16>
    %dot_general3A_378 = arith.constant dense<0.000000e+00> : vector<256x512xf32>
    %dot_general3A_379 = tpu.matmul %convert_element_type3A, %get3A_377, %dot_general3A_378 {dimension_numbers = #tpu.dot_dimension_numbers<[1], [0], [0], [1], [0, 0, 1, 1], [], []>, transpose_lhs_hint = false} : vector<256x64xbf16>, vector<64x512xbf16>, vector<256x512xf32> -> vector<256x512xf32>
    %get3A_380 = arith.constant 0 : index
    %get3A_381 = arith.constant 6144 : index
    %get3A_382 = vector.load %arg3[%get3A_380, %get3A_381] : memref<1x15872xf32, #tpu.memory_space<vmem>>, vector<1x512xf32>
    %add3A_383 = vector.broadcast %broadcast_in_dim3A : vector<256x1xf32> to vector<256x512xf32>
    %add3A_384 = vector.broadcast %get3A_382 : vector<1x512xf32> to vector<256x512xf32>
    %add3A_385 = arith.addf %add3A_383, %add3A_384 : vector<256x512xf32>
    %mul3A_386 = arith.constant 2.000000e+00 : f32
    %mul3A_387 = vector.broadcast %mul3A_386 : f32 to vector<256x512xf32>
    %mul3A_388 = arith.mulf %mul3A_387, %dot_general3A_379 : vector<256x512xf32>
    %sub3A_389 = arith.subf %add3A_385, %mul3A_388 : vector<256x512xf32>
    %reduce_min3A_390 = arith.constant dense<0x7F800000> : vector<256xf32>
    %reduce_min3A_391 = vector.multi_reduction <minimumf>, %sub3A_389, %reduce_min3A_390 [1] : vector<256x512xf32> to vector<256xf32>
    %broadcast_in_dim3A_392 = vector.shape_cast %reduce_min3A_391 : vector<256xf32> to vector<256x1xf32>
    %iota3A_393 = tpu.iota {dimensions = array<i32: 1>} : vector<256x512xi32>
    %add3A_394 = arith.constant 6144 : i32
    %add3A_395 = vector.broadcast %add3A_394 : i32 to vector<256x512xi32>
    %add3A_396 = arith.addi %iota3A_393, %add3A_395 : vector<256x512xi32>
    %eq3A_397 = vector.broadcast %broadcast_in_dim3A_392 : vector<256x1xf32> to vector<256x512xf32>
    %eq3A_398 = arith.cmpf oeq, %sub3A_389, %eq3A_397 : vector<256x512xf32>
    %jit3A_399 = arith.constant 1073741824 : i32
    %broadcast_in_dim3A_400 = vector.broadcast %jit3A_399 : i32 to vector<256x512xi32>
    %select_n3A_401 = arith.select %eq3A_398, %add3A_396, %broadcast_in_dim3A_400 : vector<256x512xi1>, vector<256x512xi32>
    %reduce_min3A_402 = arith.constant dense<2147483647> : vector<256xi32>
    %reduce_min3A_403 = vector.multi_reduction <minsi>, %select_n3A_401, %reduce_min3A_402 [1] : vector<256x512xi32> to vector<256xi32>
    %broadcast_in_dim3A_404 = vector.shape_cast %reduce_min3A_403 : vector<256xi32> to vector<256x1xi32>
    %lt3A_405 = arith.cmpf olt, %broadcast_in_dim3A_392, %broadcast_in_dim3A_362 : vector<256x1xf32>
    %select_n3A_406 = arith.select %lt3A_405, %broadcast_in_dim3A_404, %broadcast_in_dim3A_374 : vector<256x1xi1>, vector<256x1xi32>
    %select_n3A_407 = arith.select %lt3A_405, %broadcast_in_dim3A_392, %broadcast_in_dim3A_362 : vector<256x1xi1>, vector<256x1xf32>
    %get3A_408 = arith.constant 0 : index
    %get3A_409 = arith.constant 6656 : index
    %get3A_410 = vector.load %arg2[%get3A_408, %get3A_409] : memref<64x15872xbf16, #tpu.memory_space<vmem>>, vector<64x512xbf16>
    %dot_general3A_411 = arith.constant dense<0.000000e+00> : vector<256x512xf32>
    %dot_general3A_412 = tpu.matmul %convert_element_type3A, %get3A_410, %dot_general3A_411 {dimension_numbers = #tpu.dot_dimension_numbers<[1], [0], [0], [1], [0, 0, 1, 1], [], []>, transpose_lhs_hint = false} : vector<256x64xbf16>, vector<64x512xbf16>, vector<256x512xf32> -> vector<256x512xf32>
    %get3A_413 = arith.constant 0 : index
    %get3A_414 = arith.constant 6656 : index
    %get3A_415 = vector.load %arg3[%get3A_413, %get3A_414] : memref<1x15872xf32, #tpu.memory_space<vmem>>, vector<1x512xf32>
    %add3A_416 = vector.broadcast %broadcast_in_dim3A : vector<256x1xf32> to vector<256x512xf32>
    %add3A_417 = vector.broadcast %get3A_415 : vector<1x512xf32> to vector<256x512xf32>
    %add3A_418 = arith.addf %add3A_416, %add3A_417 : vector<256x512xf32>
    %mul3A_419 = arith.constant 2.000000e+00 : f32
    %mul3A_420 = vector.broadcast %mul3A_419 : f32 to vector<256x512xf32>
    %mul3A_421 = arith.mulf %mul3A_420, %dot_general3A_412 : vector<256x512xf32>
    %sub3A_422 = arith.subf %add3A_418, %mul3A_421 : vector<256x512xf32>
    %reduce_min3A_423 = arith.constant dense<0x7F800000> : vector<256xf32>
    %reduce_min3A_424 = vector.multi_reduction <minimumf>, %sub3A_422, %reduce_min3A_423 [1] : vector<256x512xf32> to vector<256xf32>
    %broadcast_in_dim3A_425 = vector.shape_cast %reduce_min3A_424 : vector<256xf32> to vector<256x1xf32>
    %iota3A_426 = tpu.iota {dimensions = array<i32: 1>} : vector<256x512xi32>
    %add3A_427 = arith.constant 6656 : i32
    %add3A_428 = vector.broadcast %add3A_427 : i32 to vector<256x512xi32>
    %add3A_429 = arith.addi %iota3A_426, %add3A_428 : vector<256x512xi32>
    %eq3A_430 = vector.broadcast %broadcast_in_dim3A_425 : vector<256x1xf32> to vector<256x512xf32>
    %eq3A_431 = arith.cmpf oeq, %sub3A_422, %eq3A_430 : vector<256x512xf32>
    %jit3A_432 = arith.constant 1073741824 : i32
    %broadcast_in_dim3A_433 = vector.broadcast %jit3A_432 : i32 to vector<256x512xi32>
    %select_n3A_434 = arith.select %eq3A_431, %add3A_429, %broadcast_in_dim3A_433 : vector<256x512xi1>, vector<256x512xi32>
    %reduce_min3A_435 = arith.constant dense<2147483647> : vector<256xi32>
    %reduce_min3A_436 = vector.multi_reduction <minsi>, %select_n3A_434, %reduce_min3A_435 [1] : vector<256x512xi32> to vector<256xi32>
    %broadcast_in_dim3A_437 = vector.shape_cast %reduce_min3A_436 : vector<256xi32> to vector<256x1xi32>
    %lt3A_438 = arith.cmpf olt, %broadcast_in_dim3A_425, %select_n3A_407 : vector<256x1xf32>
    %select_n3A_439 = arith.select %lt3A_438, %broadcast_in_dim3A_437, %select_n3A_406 : vector<256x1xi1>, vector<256x1xi32>
    %select_n3A_440 = arith.select %lt3A_438, %broadcast_in_dim3A_425, %select_n3A_407 : vector<256x1xi1>, vector<256x1xf32>
    %get3A_441 = arith.constant 0 : index
    %get3A_442 = arith.constant 7168 : index
    %get3A_443 = vector.load %arg2[%get3A_441, %get3A_442] : memref<64x15872xbf16, #tpu.memory_space<vmem>>, vector<64x512xbf16>
    %dot_general3A_444 = arith.constant dense<0.000000e+00> : vector<256x512xf32>
    %dot_general3A_445 = tpu.matmul %convert_element_type3A, %get3A_443, %dot_general3A_444 {dimension_numbers = #tpu.dot_dimension_numbers<[1], [0], [0], [1], [0, 0, 1, 1], [], []>, transpose_lhs_hint = false} : vector<256x64xbf16>, vector<64x512xbf16>, vector<256x512xf32> -> vector<256x512xf32>
    %get3A_446 = arith.constant 0 : index
    %get3A_447 = arith.constant 7168 : index
    %get3A_448 = vector.load %arg3[%get3A_446, %get3A_447] : memref<1x15872xf32, #tpu.memory_space<vmem>>, vector<1x512xf32>
    %add3A_449 = vector.broadcast %broadcast_in_dim3A : vector<256x1xf32> to vector<256x512xf32>
    %add3A_450 = vector.broadcast %get3A_448 : vector<1x512xf32> to vector<256x512xf32>
    %add3A_451 = arith.addf %add3A_449, %add3A_450 : vector<256x512xf32>
    %mul3A_452 = arith.constant 2.000000e+00 : f32
    %mul3A_453 = vector.broadcast %mul3A_452 : f32 to vector<256x512xf32>
    %mul3A_454 = arith.mulf %mul3A_453, %dot_general3A_445 : vector<256x512xf32>
    %sub3A_455 = arith.subf %add3A_451, %mul3A_454 : vector<256x512xf32>
    %reduce_min3A_456 = arith.constant dense<0x7F800000> : vector<256xf32>
    %reduce_min3A_457 = vector.multi_reduction <minimumf>, %sub3A_455, %reduce_min3A_456 [1] : vector<256x512xf32> to vector<256xf32>
    %broadcast_in_dim3A_458 = vector.shape_cast %reduce_min3A_457 : vector<256xf32> to vector<256x1xf32>
    %iota3A_459 = tpu.iota {dimensions = array<i32: 1>} : vector<256x512xi32>
    %add3A_460 = arith.constant 7168 : i32
    %add3A_461 = vector.broadcast %add3A_460 : i32 to vector<256x512xi32>
    %add3A_462 = arith.addi %iota3A_459, %add3A_461 : vector<256x512xi32>
    %eq3A_463 = vector.broadcast %broadcast_in_dim3A_458 : vector<256x1xf32> to vector<256x512xf32>
    %eq3A_464 = arith.cmpf oeq, %sub3A_455, %eq3A_463 : vector<256x512xf32>
    %jit3A_465 = arith.constant 1073741824 : i32
    %broadcast_in_dim3A_466 = vector.broadcast %jit3A_465 : i32 to vector<256x512xi32>
    %select_n3A_467 = arith.select %eq3A_464, %add3A_462, %broadcast_in_dim3A_466 : vector<256x512xi1>, vector<256x512xi32>
    %reduce_min3A_468 = arith.constant dense<2147483647> : vector<256xi32>
    %reduce_min3A_469 = vector.multi_reduction <minsi>, %select_n3A_467, %reduce_min3A_468 [1] : vector<256x512xi32> to vector<256xi32>
    %broadcast_in_dim3A_470 = vector.shape_cast %reduce_min3A_469 : vector<256xi32> to vector<256x1xi32>
    %lt3A_471 = arith.cmpf olt, %broadcast_in_dim3A_458, %select_n3A_440 : vector<256x1xf32>
    %select_n3A_472 = arith.select %lt3A_471, %broadcast_in_dim3A_470, %select_n3A_439 : vector<256x1xi1>, vector<256x1xi32>
    %select_n3A_473 = arith.select %lt3A_471, %broadcast_in_dim3A_458, %select_n3A_440 : vector<256x1xi1>, vector<256x1xf32>
    %lt3A_474 = arith.cmpf olt, %select_n3A_473, %convert_element_type3A_344 : vector<256x1xf32>
    %select_n3A_475 = arith.select %lt3A_474, %select_n3A_472, %select_n3A_341 : vector<256x1xi1>, vector<256x1xi32>
    %get3A_476 = arith.constant 0 : index
    %get3A_477 = arith.constant 7680 : index
    %get3A_478 = vector.load %arg2[%get3A_476, %get3A_477] : memref<64x15872xbf16, #tpu.memory_space<vmem>>, vector<64x512xbf16>
    %dot_general3A_479 = arith.constant dense<0.000000e+00> : vector<256x512xf32>
    %dot_general3A_480 = tpu.matmul %convert_element_type3A, %get3A_478, %dot_general3A_479 {dimension_numbers = #tpu.dot_dimension_numbers<[1], [0], [0], [1], [0, 0, 1, 1], [], []>, transpose_lhs_hint = false} : vector<256x64xbf16>, vector<64x512xbf16>, vector<256x512xf32> -> vector<256x512xf32>
    %get3A_481 = arith.constant 0 : index
    %get3A_482 = arith.constant 7680 : index
    %get3A_483 = vector.load %arg3[%get3A_481, %get3A_482] : memref<1x15872xf32, #tpu.memory_space<vmem>>, vector<1x512xf32>
    %add3A_484 = vector.broadcast %broadcast_in_dim3A : vector<256x1xf32> to vector<256x512xf32>
    %add3A_485 = vector.broadcast %get3A_483 : vector<1x512xf32> to vector<256x512xf32>
    %add3A_486 = arith.addf %add3A_484, %add3A_485 : vector<256x512xf32>
    %mul3A_487 = arith.constant 2.000000e+00 : f32
    %mul3A_488 = vector.broadcast %mul3A_487 : f32 to vector<256x512xf32>
    %mul3A_489 = arith.mulf %mul3A_488, %dot_general3A_480 : vector<256x512xf32>
    %sub3A_490 = arith.subf %add3A_486, %mul3A_489 : vector<256x512xf32>
    %reduce_min3A_491 = arith.constant dense<0x7F800000> : vector<256xf32>
    %reduce_min3A_492 = vector.multi_reduction <minimumf>, %sub3A_490, %reduce_min3A_491 [1] : vector<256x512xf32> to vector<256xf32>
    %broadcast_in_dim3A_493 = vector.shape_cast %reduce_min3A_492 : vector<256xf32> to vector<256x1xf32>
    %iota3A_494 = tpu.iota {dimensions = array<i32: 1>} : vector<256x512xi32>
    %add3A_495 = arith.constant 7680 : i32
    %add3A_496 = vector.broadcast %add3A_495 : i32 to vector<256x512xi32>
    %add3A_497 = arith.addi %iota3A_494, %add3A_496 : vector<256x512xi32>
    %eq3A_498 = vector.broadcast %broadcast_in_dim3A_493 : vector<256x1xf32> to vector<256x512xf32>
    %eq3A_499 = arith.cmpf oeq, %sub3A_490, %eq3A_498 : vector<256x512xf32>
    %jit3A_500 = arith.constant 1073741824 : i32
    %broadcast_in_dim3A_501 = vector.broadcast %jit3A_500 : i32 to vector<256x512xi32>
    %select_n3A_502 = arith.select %eq3A_499, %add3A_497, %broadcast_in_dim3A_501 : vector<256x512xi1>, vector<256x512xi32>
    %reduce_min3A_503 = arith.constant dense<2147483647> : vector<256xi32>
    %reduce_min3A_504 = vector.multi_reduction <minsi>, %select_n3A_502, %reduce_min3A_503 [1] : vector<256x512xi32> to vector<256xi32>
    %broadcast_in_dim3A_505 = vector.shape_cast %reduce_min3A_504 : vector<256xi32> to vector<256x1xi32>
    %get3A_506 = arith.constant 0 : index
    %get3A_507 = arith.constant 8192 : index
    %get3A_508 = vector.load %arg2[%get3A_506, %get3A_507] : memref<64x15872xbf16, #tpu.memory_space<vmem>>, vector<64x512xbf16>
    %dot_general3A_509 = arith.constant dense<0.000000e+00> : vector<256x512xf32>
    %dot_general3A_510 = tpu.matmul %convert_element_type3A, %get3A_508, %dot_general3A_509 {dimension_numbers = #tpu.dot_dimension_numbers<[1], [0], [0], [1], [0, 0, 1, 1], [], []>, transpose_lhs_hint = false} : vector<256x64xbf16>, vector<64x512xbf16>, vector<256x512xf32> -> vector<256x512xf32>
    %get3A_511 = arith.constant 0 : index
    %get3A_512 = arith.constant 8192 : index
    %get3A_513 = vector.load %arg3[%get3A_511, %get3A_512] : memref<1x15872xf32, #tpu.memory_space<vmem>>, vector<1x512xf32>
    %add3A_514 = vector.broadcast %broadcast_in_dim3A : vector<256x1xf32> to vector<256x512xf32>
    %add3A_515 = vector.broadcast %get3A_513 : vector<1x512xf32> to vector<256x512xf32>
    %add3A_516 = arith.addf %add3A_514, %add3A_515 : vector<256x512xf32>
    %mul3A_517 = arith.constant 2.000000e+00 : f32
    %mul3A_518 = vector.broadcast %mul3A_517 : f32 to vector<256x512xf32>
    %mul3A_519 = arith.mulf %mul3A_518, %dot_general3A_510 : vector<256x512xf32>
    %sub3A_520 = arith.subf %add3A_516, %mul3A_519 : vector<256x512xf32>
    %reduce_min3A_521 = arith.constant dense<0x7F800000> : vector<256xf32>
    %reduce_min3A_522 = vector.multi_reduction <minimumf>, %sub3A_520, %reduce_min3A_521 [1] : vector<256x512xf32> to vector<256xf32>
    %broadcast_in_dim3A_523 = vector.shape_cast %reduce_min3A_522 : vector<256xf32> to vector<256x1xf32>
    %iota3A_524 = tpu.iota {dimensions = array<i32: 1>} : vector<256x512xi32>
    %add3A_525 = arith.constant 8192 : i32
    %add3A_526 = vector.broadcast %add3A_525 : i32 to vector<256x512xi32>
    %add3A_527 = arith.addi %iota3A_524, %add3A_526 : vector<256x512xi32>
    %eq3A_528 = vector.broadcast %broadcast_in_dim3A_523 : vector<256x1xf32> to vector<256x512xf32>
    %eq3A_529 = arith.cmpf oeq, %sub3A_520, %eq3A_528 : vector<256x512xf32>
    %jit3A_530 = arith.constant 1073741824 : i32
    %broadcast_in_dim3A_531 = vector.broadcast %jit3A_530 : i32 to vector<256x512xi32>
    %select_n3A_532 = arith.select %eq3A_529, %add3A_527, %broadcast_in_dim3A_531 : vector<256x512xi1>, vector<256x512xi32>
    %reduce_min3A_533 = arith.constant dense<2147483647> : vector<256xi32>
    %reduce_min3A_534 = vector.multi_reduction <minsi>, %select_n3A_532, %reduce_min3A_533 [1] : vector<256x512xi32> to vector<256xi32>
    %broadcast_in_dim3A_535 = vector.shape_cast %reduce_min3A_534 : vector<256xi32> to vector<256x1xi32>
    %lt3A_536 = arith.cmpf olt, %broadcast_in_dim3A_523, %broadcast_in_dim3A_493 : vector<256x1xf32>
    %select_n3A_537 = arith.select %lt3A_536, %broadcast_in_dim3A_535, %broadcast_in_dim3A_505 : vector<256x1xi1>, vector<256x1xi32>
    %select_n3A_538 = arith.select %lt3A_536, %broadcast_in_dim3A_523, %broadcast_in_dim3A_493 : vector<256x1xi1>, vector<256x1xf32>
    %get3A_539 = arith.constant 0 : index
    %get3A_540 = arith.constant 8704 : index
    %get3A_541 = vector.load %arg2[%get3A_539, %get3A_540] : memref<64x15872xbf16, #tpu.memory_space<vmem>>, vector<64x512xbf16>
    %dot_general3A_542 = arith.constant dense<0.000000e+00> : vector<256x512xf32>
    %dot_general3A_543 = tpu.matmul %convert_element_type3A, %get3A_541, %dot_general3A_542 {dimension_numbers = #tpu.dot_dimension_numbers<[1], [0], [0], [1], [0, 0, 1, 1], [], []>, transpose_lhs_hint = false} : vector<256x64xbf16>, vector<64x512xbf16>, vector<256x512xf32> -> vector<256x512xf32>
    %get3A_544 = arith.constant 0 : index
    %get3A_545 = arith.constant 8704 : index
    %get3A_546 = vector.load %arg3[%get3A_544, %get3A_545] : memref<1x15872xf32, #tpu.memory_space<vmem>>, vector<1x512xf32>
    %add3A_547 = vector.broadcast %broadcast_in_dim3A : vector<256x1xf32> to vector<256x512xf32>
    %add3A_548 = vector.broadcast %get3A_546 : vector<1x512xf32> to vector<256x512xf32>
    %add3A_549 = arith.addf %add3A_547, %add3A_548 : vector<256x512xf32>
    %mul3A_550 = arith.constant 2.000000e+00 : f32
    %mul3A_551 = vector.broadcast %mul3A_550 : f32 to vector<256x512xf32>
    %mul3A_552 = arith.mulf %mul3A_551, %dot_general3A_543 : vector<256x512xf32>
    %sub3A_553 = arith.subf %add3A_549, %mul3A_552 : vector<256x512xf32>
    %reduce_min3A_554 = arith.constant dense<0x7F800000> : vector<256xf32>
    %reduce_min3A_555 = vector.multi_reduction <minimumf>, %sub3A_553, %reduce_min3A_554 [1] : vector<256x512xf32> to vector<256xf32>
    %broadcast_in_dim3A_556 = vector.shape_cast %reduce_min3A_555 : vector<256xf32> to vector<256x1xf32>
    %iota3A_557 = tpu.iota {dimensions = array<i32: 1>} : vector<256x512xi32>
    %add3A_558 = arith.constant 8704 : i32
    %add3A_559 = vector.broadcast %add3A_558 : i32 to vector<256x512xi32>
    %add3A_560 = arith.addi %iota3A_557, %add3A_559 : vector<256x512xi32>
    %eq3A_561 = vector.broadcast %broadcast_in_dim3A_556 : vector<256x1xf32> to vector<256x512xf32>
    %eq3A_562 = arith.cmpf oeq, %sub3A_553, %eq3A_561 : vector<256x512xf32>
    %jit3A_563 = arith.constant 1073741824 : i32
    %broadcast_in_dim3A_564 = vector.broadcast %jit3A_563 : i32 to vector<256x512xi32>
    %select_n3A_565 = arith.select %eq3A_562, %add3A_560, %broadcast_in_dim3A_564 : vector<256x512xi1>, vector<256x512xi32>
    %reduce_min3A_566 = arith.constant dense<2147483647> : vector<256xi32>
    %reduce_min3A_567 = vector.multi_reduction <minsi>, %select_n3A_565, %reduce_min3A_566 [1] : vector<256x512xi32> to vector<256xi32>
    %broadcast_in_dim3A_568 = vector.shape_cast %reduce_min3A_567 : vector<256xi32> to vector<256x1xi32>
    %lt3A_569 = arith.cmpf olt, %broadcast_in_dim3A_556, %select_n3A_538 : vector<256x1xf32>
    %select_n3A_570 = arith.select %lt3A_569, %broadcast_in_dim3A_568, %select_n3A_537 : vector<256x1xi1>, vector<256x1xi32>
    %select_n3A_571 = arith.select %lt3A_569, %broadcast_in_dim3A_556, %select_n3A_538 : vector<256x1xi1>, vector<256x1xf32>
    %get3A_572 = arith.constant 0 : index
    %get3A_573 = arith.constant 9216 : index
    %get3A_574 = vector.load %arg2[%get3A_572, %get3A_573] : memref<64x15872xbf16, #tpu.memory_space<vmem>>, vector<64x512xbf16>
    %dot_general3A_575 = arith.constant dense<0.000000e+00> : vector<256x512xf32>
    %dot_general3A_576 = tpu.matmul %convert_element_type3A, %get3A_574, %dot_general3A_575 {dimension_numbers = #tpu.dot_dimension_numbers<[1], [0], [0], [1], [0, 0, 1, 1], [], []>, transpose_lhs_hint = false} : vector<256x64xbf16>, vector<64x512xbf16>, vector<256x512xf32> -> vector<256x512xf32>
    %get3A_577 = arith.constant 0 : index
    %get3A_578 = arith.constant 9216 : index
    %get3A_579 = vector.load %arg3[%get3A_577, %get3A_578] : memref<1x15872xf32, #tpu.memory_space<vmem>>, vector<1x512xf32>
    %add3A_580 = vector.broadcast %broadcast_in_dim3A : vector<256x1xf32> to vector<256x512xf32>
    %add3A_581 = vector.broadcast %get3A_579 : vector<1x512xf32> to vector<256x512xf32>
    %add3A_582 = arith.addf %add3A_580, %add3A_581 : vector<256x512xf32>
    %mul3A_583 = arith.constant 2.000000e+00 : f32
    %mul3A_584 = vector.broadcast %mul3A_583 : f32 to vector<256x512xf32>
    %mul3A_585 = arith.mulf %mul3A_584, %dot_general3A_576 : vector<256x512xf32>
    %sub3A_586 = arith.subf %add3A_582, %mul3A_585 : vector<256x512xf32>
    %reduce_min3A_587 = arith.constant dense<0x7F800000> : vector<256xf32>
    %reduce_min3A_588 = vector.multi_reduction <minimumf>, %sub3A_586, %reduce_min3A_587 [1] : vector<256x512xf32> to vector<256xf32>
    %broadcast_in_dim3A_589 = vector.shape_cast %reduce_min3A_588 : vector<256xf32> to vector<256x1xf32>
    %iota3A_590 = tpu.iota {dimensions = array<i32: 1>} : vector<256x512xi32>
    %add3A_591 = arith.constant 9216 : i32
    %add3A_592 = vector.broadcast %add3A_591 : i32 to vector<256x512xi32>
    %add3A_593 = arith.addi %iota3A_590, %add3A_592 : vector<256x512xi32>
    %eq3A_594 = vector.broadcast %broadcast_in_dim3A_589 : vector<256x1xf32> to vector<256x512xf32>
    %eq3A_595 = arith.cmpf oeq, %sub3A_586, %eq3A_594 : vector<256x512xf32>
    %jit3A_596 = arith.constant 1073741824 : i32
    %broadcast_in_dim3A_597 = vector.broadcast %jit3A_596 : i32 to vector<256x512xi32>
    %select_n3A_598 = arith.select %eq3A_595, %add3A_593, %broadcast_in_dim3A_597 : vector<256x512xi1>, vector<256x512xi32>
    %reduce_min3A_599 = arith.constant dense<2147483647> : vector<256xi32>
    %reduce_min3A_600 = vector.multi_reduction <minsi>, %select_n3A_598, %reduce_min3A_599 [1] : vector<256x512xi32> to vector<256xi32>
    %broadcast_in_dim3A_601 = vector.shape_cast %reduce_min3A_600 : vector<256xi32> to vector<256x1xi32>
    %lt3A_602 = arith.cmpf olt, %broadcast_in_dim3A_589, %select_n3A_571 : vector<256x1xf32>
    %select_n3A_603 = arith.select %lt3A_602, %broadcast_in_dim3A_601, %select_n3A_570 : vector<256x1xi1>, vector<256x1xi32>
    %select_n3A_604 = arith.select %lt3A_602, %broadcast_in_dim3A_589, %select_n3A_571 : vector<256x1xi1>, vector<256x1xf32>
    %get3A_605 = arith.constant 0 : index
    %get3A_606 = arith.constant 9728 : index
    %get3A_607 = vector.load %arg2[%get3A_605, %get3A_606] : memref<64x15872xbf16, #tpu.memory_space<vmem>>, vector<64x512xbf16>
    %dot_general3A_608 = arith.constant dense<0.000000e+00> : vector<256x512xf32>
    %dot_general3A_609 = tpu.matmul %convert_element_type3A, %get3A_607, %dot_general3A_608 {dimension_numbers = #tpu.dot_dimension_numbers<[1], [0], [0], [1], [0, 0, 1, 1], [], []>, transpose_lhs_hint = false} : vector<256x64xbf16>, vector<64x512xbf16>, vector<256x512xf32> -> vector<256x512xf32>
    %get3A_610 = arith.constant 0 : index
    %get3A_611 = arith.constant 9728 : index
    %get3A_612 = vector.load %arg3[%get3A_610, %get3A_611] : memref<1x15872xf32, #tpu.memory_space<vmem>>, vector<1x512xf32>
    %add3A_613 = vector.broadcast %broadcast_in_dim3A : vector<256x1xf32> to vector<256x512xf32>
    %add3A_614 = vector.broadcast %get3A_612 : vector<1x512xf32> to vector<256x512xf32>
    %add3A_615 = arith.addf %add3A_613, %add3A_614 : vector<256x512xf32>
    %mul3A_616 = arith.constant 2.000000e+00 : f32
    %mul3A_617 = vector.broadcast %mul3A_616 : f32 to vector<256x512xf32>
    %mul3A_618 = arith.mulf %mul3A_617, %dot_general3A_609 : vector<256x512xf32>
    %sub3A_619 = arith.subf %add3A_615, %mul3A_618 : vector<256x512xf32>
    %reduce_min3A_620 = arith.constant dense<0x7F800000> : vector<256xf32>
    %reduce_min3A_621 = vector.multi_reduction <minimumf>, %sub3A_619, %reduce_min3A_620 [1] : vector<256x512xf32> to vector<256xf32>
    %broadcast_in_dim3A_622 = vector.shape_cast %reduce_min3A_621 : vector<256xf32> to vector<256x1xf32>
    %iota3A_623 = tpu.iota {dimensions = array<i32: 1>} : vector<256x512xi32>
    %add3A_624 = arith.constant 9728 : i32
    %add3A_625 = vector.broadcast %add3A_624 : i32 to vector<256x512xi32>
    %add3A_626 = arith.addi %iota3A_623, %add3A_625 : vector<256x512xi32>
    %eq3A_627 = vector.broadcast %broadcast_in_dim3A_622 : vector<256x1xf32> to vector<256x512xf32>
    %eq3A_628 = arith.cmpf oeq, %sub3A_619, %eq3A_627 : vector<256x512xf32>
    %jit3A_629 = arith.constant 1073741824 : i32
    %broadcast_in_dim3A_630 = vector.broadcast %jit3A_629 : i32 to vector<256x512xi32>
    %select_n3A_631 = arith.select %eq3A_628, %add3A_626, %broadcast_in_dim3A_630 : vector<256x512xi1>, vector<256x512xi32>
    %reduce_min3A_632 = arith.constant dense<2147483647> : vector<256xi32>
    %reduce_min3A_633 = vector.multi_reduction <minsi>, %select_n3A_631, %reduce_min3A_632 [1] : vector<256x512xi32> to vector<256xi32>
    %broadcast_in_dim3A_634 = vector.shape_cast %reduce_min3A_633 : vector<256xi32> to vector<256x1xi32>
    %lt3A_635 = arith.cmpf olt, %broadcast_in_dim3A_622, %select_n3A_604 : vector<256x1xf32>
    %select_n3A_636 = arith.select %lt3A_635, %broadcast_in_dim3A_634, %select_n3A_603 : vector<256x1xi1>, vector<256x1xi32>
    %select_n3A_637 = arith.select %lt3A_635, %broadcast_in_dim3A_622, %select_n3A_604 : vector<256x1xi1>, vector<256x1xf32>
    %get3A_638 = arith.constant 0 : index
    %get3A_639 = arith.constant 10240 : index
    %get3A_640 = vector.load %arg2[%get3A_638, %get3A_639] : memref<64x15872xbf16, #tpu.memory_space<vmem>>, vector<64x512xbf16>
    %dot_general3A_641 = arith.constant dense<0.000000e+00> : vector<256x512xf32>
    %dot_general3A_642 = tpu.matmul %convert_element_type3A, %get3A_640, %dot_general3A_641 {dimension_numbers = #tpu.dot_dimension_numbers<[1], [0], [0], [1], [0, 0, 1, 1], [], []>, transpose_lhs_hint = false} : vector<256x64xbf16>, vector<64x512xbf16>, vector<256x512xf32> -> vector<256x512xf32>
    %get3A_643 = arith.constant 0 : index
    %get3A_644 = arith.constant 10240 : index
    %get3A_645 = vector.load %arg3[%get3A_643, %get3A_644] : memref<1x15872xf32, #tpu.memory_space<vmem>>, vector<1x512xf32>
    %add3A_646 = vector.broadcast %broadcast_in_dim3A : vector<256x1xf32> to vector<256x512xf32>
    %add3A_647 = vector.broadcast %get3A_645 : vector<1x512xf32> to vector<256x512xf32>
    %add3A_648 = arith.addf %add3A_646, %add3A_647 : vector<256x512xf32>
    %mul3A_649 = arith.constant 2.000000e+00 : f32
    %mul3A_650 = vector.broadcast %mul3A_649 : f32 to vector<256x512xf32>
    %mul3A_651 = arith.mulf %mul3A_650, %dot_general3A_642 : vector<256x512xf32>
    %sub3A_652 = arith.subf %add3A_648, %mul3A_651 : vector<256x512xf32>
    %reduce_min3A_653 = arith.constant dense<0x7F800000> : vector<256xf32>
    %reduce_min3A_654 = vector.multi_reduction <minimumf>, %sub3A_652, %reduce_min3A_653 [1] : vector<256x512xf32> to vector<256xf32>
    %broadcast_in_dim3A_655 = vector.shape_cast %reduce_min3A_654 : vector<256xf32> to vector<256x1xf32>
    %iota3A_656 = tpu.iota {dimensions = array<i32: 1>} : vector<256x512xi32>
    %add3A_657 = arith.constant 10240 : i32
    %add3A_658 = vector.broadcast %add3A_657 : i32 to vector<256x512xi32>
    %add3A_659 = arith.addi %iota3A_656, %add3A_658 : vector<256x512xi32>
    %eq3A_660 = vector.broadcast %broadcast_in_dim3A_655 : vector<256x1xf32> to vector<256x512xf32>
    %eq3A_661 = arith.cmpf oeq, %sub3A_652, %eq3A_660 : vector<256x512xf32>
    %jit3A_662 = arith.constant 1073741824 : i32
    %broadcast_in_dim3A_663 = vector.broadcast %jit3A_662 : i32 to vector<256x512xi32>
    %select_n3A_664 = arith.select %eq3A_661, %add3A_659, %broadcast_in_dim3A_663 : vector<256x512xi1>, vector<256x512xi32>
    %reduce_min3A_665 = arith.constant dense<2147483647> : vector<256xi32>
    %reduce_min3A_666 = vector.multi_reduction <minsi>, %select_n3A_664, %reduce_min3A_665 [1] : vector<256x512xi32> to vector<256xi32>
    %broadcast_in_dim3A_667 = vector.shape_cast %reduce_min3A_666 : vector<256xi32> to vector<256x1xi32>
    %lt3A_668 = arith.cmpf olt, %broadcast_in_dim3A_655, %select_n3A_637 : vector<256x1xf32>
    %select_n3A_669 = arith.select %lt3A_668, %broadcast_in_dim3A_667, %select_n3A_636 : vector<256x1xi1>, vector<256x1xi32>
    %select_n3A_670 = arith.select %lt3A_668, %broadcast_in_dim3A_655, %select_n3A_637 : vector<256x1xi1>, vector<256x1xf32>
    %get3A_671 = arith.constant 0 : index
    %get3A_672 = arith.constant 10752 : index
    %get3A_673 = vector.load %arg2[%get3A_671, %get3A_672] : memref<64x15872xbf16, #tpu.memory_space<vmem>>, vector<64x512xbf16>
    %dot_general3A_674 = arith.constant dense<0.000000e+00> : vector<256x512xf32>
    %dot_general3A_675 = tpu.matmul %convert_element_type3A, %get3A_673, %dot_general3A_674 {dimension_numbers = #tpu.dot_dimension_numbers<[1], [0], [0], [1], [0, 0, 1, 1], [], []>, transpose_lhs_hint = false} : vector<256x64xbf16>, vector<64x512xbf16>, vector<256x512xf32> -> vector<256x512xf32>
    %get3A_676 = arith.constant 0 : index
    %get3A_677 = arith.constant 10752 : index
    %get3A_678 = vector.load %arg3[%get3A_676, %get3A_677] : memref<1x15872xf32, #tpu.memory_space<vmem>>, vector<1x512xf32>
    %add3A_679 = vector.broadcast %broadcast_in_dim3A : vector<256x1xf32> to vector<256x512xf32>
    %add3A_680 = vector.broadcast %get3A_678 : vector<1x512xf32> to vector<256x512xf32>
    %add3A_681 = arith.addf %add3A_679, %add3A_680 : vector<256x512xf32>
    %mul3A_682 = arith.constant 2.000000e+00 : f32
    %mul3A_683 = vector.broadcast %mul3A_682 : f32 to vector<256x512xf32>
    %mul3A_684 = arith.mulf %mul3A_683, %dot_general3A_675 : vector<256x512xf32>
    %sub3A_685 = arith.subf %add3A_681, %mul3A_684 : vector<256x512xf32>
    %reduce_min3A_686 = arith.constant dense<0x7F800000> : vector<256xf32>
    %reduce_min3A_687 = vector.multi_reduction <minimumf>, %sub3A_685, %reduce_min3A_686 [1] : vector<256x512xf32> to vector<256xf32>
    %broadcast_in_dim3A_688 = vector.shape_cast %reduce_min3A_687 : vector<256xf32> to vector<256x1xf32>
    %iota3A_689 = tpu.iota {dimensions = array<i32: 1>} : vector<256x512xi32>
    %add3A_690 = arith.constant 10752 : i32
    %add3A_691 = vector.broadcast %add3A_690 : i32 to vector<256x512xi32>
    %add3A_692 = arith.addi %iota3A_689, %add3A_691 : vector<256x512xi32>
    %eq3A_693 = vector.broadcast %broadcast_in_dim3A_688 : vector<256x1xf32> to vector<256x512xf32>
    %eq3A_694 = arith.cmpf oeq, %sub3A_685, %eq3A_693 : vector<256x512xf32>
    %jit3A_695 = arith.constant 1073741824 : i32
    %broadcast_in_dim3A_696 = vector.broadcast %jit3A_695 : i32 to vector<256x512xi32>
    %select_n3A_697 = arith.select %eq3A_694, %add3A_692, %broadcast_in_dim3A_696 : vector<256x512xi1>, vector<256x512xi32>
    %reduce_min3A_698 = arith.constant dense<2147483647> : vector<256xi32>
    %reduce_min3A_699 = vector.multi_reduction <minsi>, %select_n3A_697, %reduce_min3A_698 [1] : vector<256x512xi32> to vector<256xi32>
    %broadcast_in_dim3A_700 = vector.shape_cast %reduce_min3A_699 : vector<256xi32> to vector<256x1xi32>
    %lt3A_701 = arith.cmpf olt, %broadcast_in_dim3A_688, %select_n3A_670 : vector<256x1xf32>
    %select_n3A_702 = arith.select %lt3A_701, %broadcast_in_dim3A_700, %select_n3A_669 : vector<256x1xi1>, vector<256x1xi32>
    %select_n3A_703 = arith.select %lt3A_701, %broadcast_in_dim3A_688, %select_n3A_670 : vector<256x1xi1>, vector<256x1xf32>
    %get3A_704 = arith.constant 0 : index
    %get3A_705 = arith.constant 11264 : index
    %get3A_706 = vector.load %arg2[%get3A_704, %get3A_705] : memref<64x15872xbf16, #tpu.memory_space<vmem>>, vector<64x512xbf16>
    %dot_general3A_707 = arith.constant dense<0.000000e+00> : vector<256x512xf32>
    %dot_general3A_708 = tpu.matmul %convert_element_type3A, %get3A_706, %dot_general3A_707 {dimension_numbers = #tpu.dot_dimension_numbers<[1], [0], [0], [1], [0, 0, 1, 1], [], []>, transpose_lhs_hint = false} : vector<256x64xbf16>, vector<64x512xbf16>, vector<256x512xf32> -> vector<256x512xf32>
    %get3A_709 = arith.constant 0 : index
    %get3A_710 = arith.constant 11264 : index
    %get3A_711 = vector.load %arg3[%get3A_709, %get3A_710] : memref<1x15872xf32, #tpu.memory_space<vmem>>, vector<1x512xf32>
    %add3A_712 = vector.broadcast %broadcast_in_dim3A : vector<256x1xf32> to vector<256x512xf32>
    %add3A_713 = vector.broadcast %get3A_711 : vector<1x512xf32> to vector<256x512xf32>
    %add3A_714 = arith.addf %add3A_712, %add3A_713 : vector<256x512xf32>
    %mul3A_715 = arith.constant 2.000000e+00 : f32
    %mul3A_716 = vector.broadcast %mul3A_715 : f32 to vector<256x512xf32>
    %mul3A_717 = arith.mulf %mul3A_716, %dot_general3A_708 : vector<256x512xf32>
    %sub3A_718 = arith.subf %add3A_714, %mul3A_717 : vector<256x512xf32>
    %reduce_min3A_719 = arith.constant dense<0x7F800000> : vector<256xf32>
    %reduce_min3A_720 = vector.multi_reduction <minimumf>, %sub3A_718, %reduce_min3A_719 [1] : vector<256x512xf32> to vector<256xf32>
    %broadcast_in_dim3A_721 = vector.shape_cast %reduce_min3A_720 : vector<256xf32> to vector<256x1xf32>
    %iota3A_722 = tpu.iota {dimensions = array<i32: 1>} : vector<256x512xi32>
    %add3A_723 = arith.constant 11264 : i32
    %add3A_724 = vector.broadcast %add3A_723 : i32 to vector<256x512xi32>
    %add3A_725 = arith.addi %iota3A_722, %add3A_724 : vector<256x512xi32>
    %eq3A_726 = vector.broadcast %broadcast_in_dim3A_721 : vector<256x1xf32> to vector<256x512xf32>
    %eq3A_727 = arith.cmpf oeq, %sub3A_718, %eq3A_726 : vector<256x512xf32>
    %jit3A_728 = arith.constant 1073741824 : i32
    %broadcast_in_dim3A_729 = vector.broadcast %jit3A_728 : i32 to vector<256x512xi32>
    %select_n3A_730 = arith.select %eq3A_727, %add3A_725, %broadcast_in_dim3A_729 : vector<256x512xi1>, vector<256x512xi32>
    %reduce_min3A_731 = arith.constant dense<2147483647> : vector<256xi32>
    %reduce_min3A_732 = vector.multi_reduction <minsi>, %select_n3A_730, %reduce_min3A_731 [1] : vector<256x512xi32> to vector<256xi32>
    %broadcast_in_dim3A_733 = vector.shape_cast %reduce_min3A_732 : vector<256xi32> to vector<256x1xi32>
    %lt3A_734 = arith.cmpf olt, %broadcast_in_dim3A_721, %select_n3A_703 : vector<256x1xf32>
    %select_n3A_735 = arith.select %lt3A_734, %broadcast_in_dim3A_733, %select_n3A_702 : vector<256x1xi1>, vector<256x1xi32>
    %select_n3A_736 = arith.select %lt3A_734, %broadcast_in_dim3A_721, %select_n3A_703 : vector<256x1xi1>, vector<256x1xf32>
    %convert_element_type3A_737 = arith.truncf %select_n3A_736 : vector<256x1xf32> to vector<256x1xbf16>
    %convert_element_type3A_738 = arith.extf %convert_element_type3A_737 : vector<256x1xbf16> to vector<256x1xf32>
    %get3A_739 = arith.constant 0 : index
    %get3A_740 = arith.constant 11776 : index
    %get3A_741 = vector.load %arg2[%get3A_739, %get3A_740] : memref<64x15872xbf16, #tpu.memory_space<vmem>>, vector<64x512xbf16>
    %dot_general3A_742 = arith.constant dense<0.000000e+00> : vector<256x512xf32>
    %dot_general3A_743 = tpu.matmul %convert_element_type3A, %get3A_741, %dot_general3A_742 {dimension_numbers = #tpu.dot_dimension_numbers<[1], [0], [0], [1], [0, 0, 1, 1], [], []>, transpose_lhs_hint = false} : vector<256x64xbf16>, vector<64x512xbf16>, vector<256x512xf32> -> vector<256x512xf32>
    %get3A_744 = arith.constant 0 : index
    %get3A_745 = arith.constant 11776 : index
    %get3A_746 = vector.load %arg3[%get3A_744, %get3A_745] : memref<1x15872xf32, #tpu.memory_space<vmem>>, vector<1x512xf32>
    %add3A_747 = vector.broadcast %broadcast_in_dim3A : vector<256x1xf32> to vector<256x512xf32>
    %add3A_748 = vector.broadcast %get3A_746 : vector<1x512xf32> to vector<256x512xf32>
    %add3A_749 = arith.addf %add3A_747, %add3A_748 : vector<256x512xf32>
    %mul3A_750 = arith.constant 2.000000e+00 : f32
    %mul3A_751 = vector.broadcast %mul3A_750 : f32 to vector<256x512xf32>
    %mul3A_752 = arith.mulf %mul3A_751, %dot_general3A_743 : vector<256x512xf32>
    %sub3A_753 = arith.subf %add3A_749, %mul3A_752 : vector<256x512xf32>
    %reduce_min3A_754 = arith.constant dense<0x7F800000> : vector<256xf32>
    %reduce_min3A_755 = vector.multi_reduction <minimumf>, %sub3A_753, %reduce_min3A_754 [1] : vector<256x512xf32> to vector<256xf32>
    %broadcast_in_dim3A_756 = vector.shape_cast %reduce_min3A_755 : vector<256xf32> to vector<256x1xf32>
    %iota3A_757 = tpu.iota {dimensions = array<i32: 1>} : vector<256x512xi32>
    %add3A_758 = arith.constant 11776 : i32
    %add3A_759 = vector.broadcast %add3A_758 : i32 to vector<256x512xi32>
    %add3A_760 = arith.addi %iota3A_757, %add3A_759 : vector<256x512xi32>
    %eq3A_761 = vector.broadcast %broadcast_in_dim3A_756 : vector<256x1xf32> to vector<256x512xf32>
    %eq3A_762 = arith.cmpf oeq, %sub3A_753, %eq3A_761 : vector<256x512xf32>
    %jit3A_763 = arith.constant 1073741824 : i32
    %broadcast_in_dim3A_764 = vector.broadcast %jit3A_763 : i32 to vector<256x512xi32>
    %select_n3A_765 = arith.select %eq3A_762, %add3A_760, %broadcast_in_dim3A_764 : vector<256x512xi1>, vector<256x512xi32>
    %reduce_min3A_766 = arith.constant dense<2147483647> : vector<256xi32>
    %reduce_min3A_767 = vector.multi_reduction <minsi>, %select_n3A_765, %reduce_min3A_766 [1] : vector<256x512xi32> to vector<256xi32>
    %broadcast_in_dim3A_768 = vector.shape_cast %reduce_min3A_767 : vector<256xi32> to vector<256x1xi32>
    %get3A_769 = arith.constant 0 : index
    %get3A_770 = arith.constant 12288 : index
    %get3A_771 = vector.load %arg2[%get3A_769, %get3A_770] : memref<64x15872xbf16, #tpu.memory_space<vmem>>, vector<64x512xbf16>
    %dot_general3A_772 = arith.constant dense<0.000000e+00> : vector<256x512xf32>
    %dot_general3A_773 = tpu.matmul %convert_element_type3A, %get3A_771, %dot_general3A_772 {dimension_numbers = #tpu.dot_dimension_numbers<[1], [0], [0], [1], [0, 0, 1, 1], [], []>, transpose_lhs_hint = false} : vector<256x64xbf16>, vector<64x512xbf16>, vector<256x512xf32> -> vector<256x512xf32>
    %get3A_774 = arith.constant 0 : index
    %get3A_775 = arith.constant 12288 : index
    %get3A_776 = vector.load %arg3[%get3A_774, %get3A_775] : memref<1x15872xf32, #tpu.memory_space<vmem>>, vector<1x512xf32>
    %add3A_777 = vector.broadcast %broadcast_in_dim3A : vector<256x1xf32> to vector<256x512xf32>
    %add3A_778 = vector.broadcast %get3A_776 : vector<1x512xf32> to vector<256x512xf32>
    %add3A_779 = arith.addf %add3A_777, %add3A_778 : vector<256x512xf32>
    %mul3A_780 = arith.constant 2.000000e+00 : f32
    %mul3A_781 = vector.broadcast %mul3A_780 : f32 to vector<256x512xf32>
    %mul3A_782 = arith.mulf %mul3A_781, %dot_general3A_773 : vector<256x512xf32>
    %sub3A_783 = arith.subf %add3A_779, %mul3A_782 : vector<256x512xf32>
    %reduce_min3A_784 = arith.constant dense<0x7F800000> : vector<256xf32>
    %reduce_min3A_785 = vector.multi_reduction <minimumf>, %sub3A_783, %reduce_min3A_784 [1] : vector<256x512xf32> to vector<256xf32>
    %broadcast_in_dim3A_786 = vector.shape_cast %reduce_min3A_785 : vector<256xf32> to vector<256x1xf32>
    %iota3A_787 = tpu.iota {dimensions = array<i32: 1>} : vector<256x512xi32>
    %add3A_788 = arith.constant 12288 : i32
    %add3A_789 = vector.broadcast %add3A_788 : i32 to vector<256x512xi32>
    %add3A_790 = arith.addi %iota3A_787, %add3A_789 : vector<256x512xi32>
    %eq3A_791 = vector.broadcast %broadcast_in_dim3A_786 : vector<256x1xf32> to vector<256x512xf32>
    %eq3A_792 = arith.cmpf oeq, %sub3A_783, %eq3A_791 : vector<256x512xf32>
    %jit3A_793 = arith.constant 1073741824 : i32
    %broadcast_in_dim3A_794 = vector.broadcast %jit3A_793 : i32 to vector<256x512xi32>
    %select_n3A_795 = arith.select %eq3A_792, %add3A_790, %broadcast_in_dim3A_794 : vector<256x512xi1>, vector<256x512xi32>
    %reduce_min3A_796 = arith.constant dense<2147483647> : vector<256xi32>
    %reduce_min3A_797 = vector.multi_reduction <minsi>, %select_n3A_795, %reduce_min3A_796 [1] : vector<256x512xi32> to vector<256xi32>
    %broadcast_in_dim3A_798 = vector.shape_cast %reduce_min3A_797 : vector<256xi32> to vector<256x1xi32>
    %lt3A_799 = arith.cmpf olt, %broadcast_in_dim3A_786, %broadcast_in_dim3A_756 : vector<256x1xf32>
    %select_n3A_800 = arith.select %lt3A_799, %broadcast_in_dim3A_798, %broadcast_in_dim3A_768 : vector<256x1xi1>, vector<256x1xi32>
    %select_n3A_801 = arith.select %lt3A_799, %broadcast_in_dim3A_786, %broadcast_in_dim3A_756 : vector<256x1xi1>, vector<256x1xf32>
    %get3A_802 = arith.constant 0 : index
    %get3A_803 = arith.constant 12800 : index
    %get3A_804 = vector.load %arg2[%get3A_802, %get3A_803] : memref<64x15872xbf16, #tpu.memory_space<vmem>>, vector<64x512xbf16>
    %dot_general3A_805 = arith.constant dense<0.000000e+00> : vector<256x512xf32>
    %dot_general3A_806 = tpu.matmul %convert_element_type3A, %get3A_804, %dot_general3A_805 {dimension_numbers = #tpu.dot_dimension_numbers<[1], [0], [0], [1], [0, 0, 1, 1], [], []>, transpose_lhs_hint = false} : vector<256x64xbf16>, vector<64x512xbf16>, vector<256x512xf32> -> vector<256x512xf32>
    %get3A_807 = arith.constant 0 : index
    %get3A_808 = arith.constant 12800 : index
    %get3A_809 = vector.load %arg3[%get3A_807, %get3A_808] : memref<1x15872xf32, #tpu.memory_space<vmem>>, vector<1x512xf32>
    %add3A_810 = vector.broadcast %broadcast_in_dim3A : vector<256x1xf32> to vector<256x512xf32>
    %add3A_811 = vector.broadcast %get3A_809 : vector<1x512xf32> to vector<256x512xf32>
    %add3A_812 = arith.addf %add3A_810, %add3A_811 : vector<256x512xf32>
    %mul3A_813 = arith.constant 2.000000e+00 : f32
    %mul3A_814 = vector.broadcast %mul3A_813 : f32 to vector<256x512xf32>
    %mul3A_815 = arith.mulf %mul3A_814, %dot_general3A_806 : vector<256x512xf32>
    %sub3A_816 = arith.subf %add3A_812, %mul3A_815 : vector<256x512xf32>
    %reduce_min3A_817 = arith.constant dense<0x7F800000> : vector<256xf32>
    %reduce_min3A_818 = vector.multi_reduction <minimumf>, %sub3A_816, %reduce_min3A_817 [1] : vector<256x512xf32> to vector<256xf32>
    %broadcast_in_dim3A_819 = vector.shape_cast %reduce_min3A_818 : vector<256xf32> to vector<256x1xf32>
    %iota3A_820 = tpu.iota {dimensions = array<i32: 1>} : vector<256x512xi32>
    %add3A_821 = arith.constant 12800 : i32
    %add3A_822 = vector.broadcast %add3A_821 : i32 to vector<256x512xi32>
    %add3A_823 = arith.addi %iota3A_820, %add3A_822 : vector<256x512xi32>
    %eq3A_824 = vector.broadcast %broadcast_in_dim3A_819 : vector<256x1xf32> to vector<256x512xf32>
    %eq3A_825 = arith.cmpf oeq, %sub3A_816, %eq3A_824 : vector<256x512xf32>
    %jit3A_826 = arith.constant 1073741824 : i32
    %broadcast_in_dim3A_827 = vector.broadcast %jit3A_826 : i32 to vector<256x512xi32>
    %select_n3A_828 = arith.select %eq3A_825, %add3A_823, %broadcast_in_dim3A_827 : vector<256x512xi1>, vector<256x512xi32>
    %reduce_min3A_829 = arith.constant dense<2147483647> : vector<256xi32>
    %reduce_min3A_830 = vector.multi_reduction <minsi>, %select_n3A_828, %reduce_min3A_829 [1] : vector<256x512xi32> to vector<256xi32>
    %broadcast_in_dim3A_831 = vector.shape_cast %reduce_min3A_830 : vector<256xi32> to vector<256x1xi32>
    %lt3A_832 = arith.cmpf olt, %broadcast_in_dim3A_819, %select_n3A_801 : vector<256x1xf32>
    %select_n3A_833 = arith.select %lt3A_832, %broadcast_in_dim3A_831, %select_n3A_800 : vector<256x1xi1>, vector<256x1xi32>
    %select_n3A_834 = arith.select %lt3A_832, %broadcast_in_dim3A_819, %select_n3A_801 : vector<256x1xi1>, vector<256x1xf32>
    %get3A_835 = arith.constant 0 : index
    %get3A_836 = arith.constant 13312 : index
    %get3A_837 = vector.load %arg2[%get3A_835, %get3A_836] : memref<64x15872xbf16, #tpu.memory_space<vmem>>, vector<64x512xbf16>
    %dot_general3A_838 = arith.constant dense<0.000000e+00> : vector<256x512xf32>
    %dot_general3A_839 = tpu.matmul %convert_element_type3A, %get3A_837, %dot_general3A_838 {dimension_numbers = #tpu.dot_dimension_numbers<[1], [0], [0], [1], [0, 0, 1, 1], [], []>, transpose_lhs_hint = false} : vector<256x64xbf16>, vector<64x512xbf16>, vector<256x512xf32> -> vector<256x512xf32>
    %get3A_840 = arith.constant 0 : index
    %get3A_841 = arith.constant 13312 : index
    %get3A_842 = vector.load %arg3[%get3A_840, %get3A_841] : memref<1x15872xf32, #tpu.memory_space<vmem>>, vector<1x512xf32>
    %add3A_843 = vector.broadcast %broadcast_in_dim3A : vector<256x1xf32> to vector<256x512xf32>
    %add3A_844 = vector.broadcast %get3A_842 : vector<1x512xf32> to vector<256x512xf32>
    %add3A_845 = arith.addf %add3A_843, %add3A_844 : vector<256x512xf32>
    %mul3A_846 = arith.constant 2.000000e+00 : f32
    %mul3A_847 = vector.broadcast %mul3A_846 : f32 to vector<256x512xf32>
    %mul3A_848 = arith.mulf %mul3A_847, %dot_general3A_839 : vector<256x512xf32>
    %sub3A_849 = arith.subf %add3A_845, %mul3A_848 : vector<256x512xf32>
    %reduce_min3A_850 = arith.constant dense<0x7F800000> : vector<256xf32>
    %reduce_min3A_851 = vector.multi_reduction <minimumf>, %sub3A_849, %reduce_min3A_850 [1] : vector<256x512xf32> to vector<256xf32>
    %broadcast_in_dim3A_852 = vector.shape_cast %reduce_min3A_851 : vector<256xf32> to vector<256x1xf32>
    %iota3A_853 = tpu.iota {dimensions = array<i32: 1>} : vector<256x512xi32>
    %add3A_854 = arith.constant 13312 : i32
    %add3A_855 = vector.broadcast %add3A_854 : i32 to vector<256x512xi32>
    %add3A_856 = arith.addi %iota3A_853, %add3A_855 : vector<256x512xi32>
    %eq3A_857 = vector.broadcast %broadcast_in_dim3A_852 : vector<256x1xf32> to vector<256x512xf32>
    %eq3A_858 = arith.cmpf oeq, %sub3A_849, %eq3A_857 : vector<256x512xf32>
    %jit3A_859 = arith.constant 1073741824 : i32
    %broadcast_in_dim3A_860 = vector.broadcast %jit3A_859 : i32 to vector<256x512xi32>
    %select_n3A_861 = arith.select %eq3A_858, %add3A_856, %broadcast_in_dim3A_860 : vector<256x512xi1>, vector<256x512xi32>
    %reduce_min3A_862 = arith.constant dense<2147483647> : vector<256xi32>
    %reduce_min3A_863 = vector.multi_reduction <minsi>, %select_n3A_861, %reduce_min3A_862 [1] : vector<256x512xi32> to vector<256xi32>
    %broadcast_in_dim3A_864 = vector.shape_cast %reduce_min3A_863 : vector<256xi32> to vector<256x1xi32>
    %lt3A_865 = arith.cmpf olt, %broadcast_in_dim3A_852, %select_n3A_834 : vector<256x1xf32>
    %select_n3A_866 = arith.select %lt3A_865, %broadcast_in_dim3A_864, %select_n3A_833 : vector<256x1xi1>, vector<256x1xi32>
    %select_n3A_867 = arith.select %lt3A_865, %broadcast_in_dim3A_852, %select_n3A_834 : vector<256x1xi1>, vector<256x1xf32>
    %get3A_868 = arith.constant 0 : index
    %get3A_869 = arith.constant 13824 : index
    %get3A_870 = vector.load %arg2[%get3A_868, %get3A_869] : memref<64x15872xbf16, #tpu.memory_space<vmem>>, vector<64x512xbf16>
    %dot_general3A_871 = arith.constant dense<0.000000e+00> : vector<256x512xf32>
    %dot_general3A_872 = tpu.matmul %convert_element_type3A, %get3A_870, %dot_general3A_871 {dimension_numbers = #tpu.dot_dimension_numbers<[1], [0], [0], [1], [0, 0, 1, 1], [], []>, transpose_lhs_hint = false} : vector<256x64xbf16>, vector<64x512xbf16>, vector<256x512xf32> -> vector<256x512xf32>
    %get3A_873 = arith.constant 0 : index
    %get3A_874 = arith.constant 13824 : index
    %get3A_875 = vector.load %arg3[%get3A_873, %get3A_874] : memref<1x15872xf32, #tpu.memory_space<vmem>>, vector<1x512xf32>
    %add3A_876 = vector.broadcast %broadcast_in_dim3A : vector<256x1xf32> to vector<256x512xf32>
    %add3A_877 = vector.broadcast %get3A_875 : vector<1x512xf32> to vector<256x512xf32>
    %add3A_878 = arith.addf %add3A_876, %add3A_877 : vector<256x512xf32>
    %mul3A_879 = arith.constant 2.000000e+00 : f32
    %mul3A_880 = vector.broadcast %mul3A_879 : f32 to vector<256x512xf32>
    %mul3A_881 = arith.mulf %mul3A_880, %dot_general3A_872 : vector<256x512xf32>
    %sub3A_882 = arith.subf %add3A_878, %mul3A_881 : vector<256x512xf32>
    %reduce_min3A_883 = arith.constant dense<0x7F800000> : vector<256xf32>
    %reduce_min3A_884 = vector.multi_reduction <minimumf>, %sub3A_882, %reduce_min3A_883 [1] : vector<256x512xf32> to vector<256xf32>
    %broadcast_in_dim3A_885 = vector.shape_cast %reduce_min3A_884 : vector<256xf32> to vector<256x1xf32>
    %iota3A_886 = tpu.iota {dimensions = array<i32: 1>} : vector<256x512xi32>
    %add3A_887 = arith.constant 13824 : i32
    %add3A_888 = vector.broadcast %add3A_887 : i32 to vector<256x512xi32>
    %add3A_889 = arith.addi %iota3A_886, %add3A_888 : vector<256x512xi32>
    %eq3A_890 = vector.broadcast %broadcast_in_dim3A_885 : vector<256x1xf32> to vector<256x512xf32>
    %eq3A_891 = arith.cmpf oeq, %sub3A_882, %eq3A_890 : vector<256x512xf32>
    %jit3A_892 = arith.constant 1073741824 : i32
    %broadcast_in_dim3A_893 = vector.broadcast %jit3A_892 : i32 to vector<256x512xi32>
    %select_n3A_894 = arith.select %eq3A_891, %add3A_889, %broadcast_in_dim3A_893 : vector<256x512xi1>, vector<256x512xi32>
    %reduce_min3A_895 = arith.constant dense<2147483647> : vector<256xi32>
    %reduce_min3A_896 = vector.multi_reduction <minsi>, %select_n3A_894, %reduce_min3A_895 [1] : vector<256x512xi32> to vector<256xi32>
    %broadcast_in_dim3A_897 = vector.shape_cast %reduce_min3A_896 : vector<256xi32> to vector<256x1xi32>
    %lt3A_898 = arith.cmpf olt, %broadcast_in_dim3A_885, %select_n3A_867 : vector<256x1xf32>
    %select_n3A_899 = arith.select %lt3A_898, %broadcast_in_dim3A_897, %select_n3A_866 : vector<256x1xi1>, vector<256x1xi32>
    %select_n3A_900 = arith.select %lt3A_898, %broadcast_in_dim3A_885, %select_n3A_867 : vector<256x1xi1>, vector<256x1xf32>
    %get3A_901 = arith.constant 0 : index
    %get3A_902 = arith.constant 14336 : index
    %get3A_903 = vector.load %arg2[%get3A_901, %get3A_902] : memref<64x15872xbf16, #tpu.memory_space<vmem>>, vector<64x512xbf16>
    %dot_general3A_904 = arith.constant dense<0.000000e+00> : vector<256x512xf32>
    %dot_general3A_905 = tpu.matmul %convert_element_type3A, %get3A_903, %dot_general3A_904 {dimension_numbers = #tpu.dot_dimension_numbers<[1], [0], [0], [1], [0, 0, 1, 1], [], []>, transpose_lhs_hint = false} : vector<256x64xbf16>, vector<64x512xbf16>, vector<256x512xf32> -> vector<256x512xf32>
    %get3A_906 = arith.constant 0 : index
    %get3A_907 = arith.constant 14336 : index
    %get3A_908 = vector.load %arg3[%get3A_906, %get3A_907] : memref<1x15872xf32, #tpu.memory_space<vmem>>, vector<1x512xf32>
    %add3A_909 = vector.broadcast %broadcast_in_dim3A : vector<256x1xf32> to vector<256x512xf32>
    %add3A_910 = vector.broadcast %get3A_908 : vector<1x512xf32> to vector<256x512xf32>
    %add3A_911 = arith.addf %add3A_909, %add3A_910 : vector<256x512xf32>
    %mul3A_912 = arith.constant 2.000000e+00 : f32
    %mul3A_913 = vector.broadcast %mul3A_912 : f32 to vector<256x512xf32>
    %mul3A_914 = arith.mulf %mul3A_913, %dot_general3A_905 : vector<256x512xf32>
    %sub3A_915 = arith.subf %add3A_911, %mul3A_914 : vector<256x512xf32>
    %reduce_min3A_916 = arith.constant dense<0x7F800000> : vector<256xf32>
    %reduce_min3A_917 = vector.multi_reduction <minimumf>, %sub3A_915, %reduce_min3A_916 [1] : vector<256x512xf32> to vector<256xf32>
    %broadcast_in_dim3A_918 = vector.shape_cast %reduce_min3A_917 : vector<256xf32> to vector<256x1xf32>
    %iota3A_919 = tpu.iota {dimensions = array<i32: 1>} : vector<256x512xi32>
    %add3A_920 = arith.constant 14336 : i32
    %add3A_921 = vector.broadcast %add3A_920 : i32 to vector<256x512xi32>
    %add3A_922 = arith.addi %iota3A_919, %add3A_921 : vector<256x512xi32>
    %eq3A_923 = vector.broadcast %broadcast_in_dim3A_918 : vector<256x1xf32> to vector<256x512xf32>
    %eq3A_924 = arith.cmpf oeq, %sub3A_915, %eq3A_923 : vector<256x512xf32>
    %jit3A_925 = arith.constant 1073741824 : i32
    %broadcast_in_dim3A_926 = vector.broadcast %jit3A_925 : i32 to vector<256x512xi32>
    %select_n3A_927 = arith.select %eq3A_924, %add3A_922, %broadcast_in_dim3A_926 : vector<256x512xi1>, vector<256x512xi32>
    %reduce_min3A_928 = arith.constant dense<2147483647> : vector<256xi32>
    %reduce_min3A_929 = vector.multi_reduction <minsi>, %select_n3A_927, %reduce_min3A_928 [1] : vector<256x512xi32> to vector<256xi32>
    %broadcast_in_dim3A_930 = vector.shape_cast %reduce_min3A_929 : vector<256xi32> to vector<256x1xi32>
    %lt3A_931 = arith.cmpf olt, %broadcast_in_dim3A_918, %select_n3A_900 : vector<256x1xf32>
    %select_n3A_932 = arith.select %lt3A_931, %broadcast_in_dim3A_930, %select_n3A_899 : vector<256x1xi1>, vector<256x1xi32>
    %select_n3A_933 = arith.select %lt3A_931, %broadcast_in_dim3A_918, %select_n3A_900 : vector<256x1xi1>, vector<256x1xf32>
    %get3A_934 = arith.constant 0 : index
    %get3A_935 = arith.constant 14848 : index
    %get3A_936 = vector.load %arg2[%get3A_934, %get3A_935] : memref<64x15872xbf16, #tpu.memory_space<vmem>>, vector<64x512xbf16>
    %dot_general3A_937 = arith.constant dense<0.000000e+00> : vector<256x512xf32>
    %dot_general3A_938 = tpu.matmul %convert_element_type3A, %get3A_936, %dot_general3A_937 {dimension_numbers = #tpu.dot_dimension_numbers<[1], [0], [0], [1], [0, 0, 1, 1], [], []>, transpose_lhs_hint = false} : vector<256x64xbf16>, vector<64x512xbf16>, vector<256x512xf32> -> vector<256x512xf32>
    %get3A_939 = arith.constant 0 : index
    %get3A_940 = arith.constant 14848 : index
    %get3A_941 = vector.load %arg3[%get3A_939, %get3A_940] : memref<1x15872xf32, #tpu.memory_space<vmem>>, vector<1x512xf32>
    %add3A_942 = vector.broadcast %broadcast_in_dim3A : vector<256x1xf32> to vector<256x512xf32>
    %add3A_943 = vector.broadcast %get3A_941 : vector<1x512xf32> to vector<256x512xf32>
    %add3A_944 = arith.addf %add3A_942, %add3A_943 : vector<256x512xf32>
    %mul3A_945 = arith.constant 2.000000e+00 : f32
    %mul3A_946 = vector.broadcast %mul3A_945 : f32 to vector<256x512xf32>
    %mul3A_947 = arith.mulf %mul3A_946, %dot_general3A_938 : vector<256x512xf32>
    %sub3A_948 = arith.subf %add3A_944, %mul3A_947 : vector<256x512xf32>
    %reduce_min3A_949 = arith.constant dense<0x7F800000> : vector<256xf32>
    %reduce_min3A_950 = vector.multi_reduction <minimumf>, %sub3A_948, %reduce_min3A_949 [1] : vector<256x512xf32> to vector<256xf32>
    %broadcast_in_dim3A_951 = vector.shape_cast %reduce_min3A_950 : vector<256xf32> to vector<256x1xf32>
    %iota3A_952 = tpu.iota {dimensions = array<i32: 1>} : vector<256x512xi32>
    %add3A_953 = arith.constant 14848 : i32
    %add3A_954 = vector.broadcast %add3A_953 : i32 to vector<256x512xi32>
    %add3A_955 = arith.addi %iota3A_952, %add3A_954 : vector<256x512xi32>
    %eq3A_956 = vector.broadcast %broadcast_in_dim3A_951 : vector<256x1xf32> to vector<256x512xf32>
    %eq3A_957 = arith.cmpf oeq, %sub3A_948, %eq3A_956 : vector<256x512xf32>
    %jit3A_958 = arith.constant 1073741824 : i32
    %broadcast_in_dim3A_959 = vector.broadcast %jit3A_958 : i32 to vector<256x512xi32>
    %select_n3A_960 = arith.select %eq3A_957, %add3A_955, %broadcast_in_dim3A_959 : vector<256x512xi1>, vector<256x512xi32>
    %reduce_min3A_961 = arith.constant dense<2147483647> : vector<256xi32>
    %reduce_min3A_962 = vector.multi_reduction <minsi>, %select_n3A_960, %reduce_min3A_961 [1] : vector<256x512xi32> to vector<256xi32>
    %broadcast_in_dim3A_963 = vector.shape_cast %reduce_min3A_962 : vector<256xi32> to vector<256x1xi32>
    %lt3A_964 = arith.cmpf olt, %broadcast_in_dim3A_951, %select_n3A_933 : vector<256x1xf32>
    %select_n3A_965 = arith.select %lt3A_964, %broadcast_in_dim3A_963, %select_n3A_932 : vector<256x1xi1>, vector<256x1xi32>
    %select_n3A_966 = arith.select %lt3A_964, %broadcast_in_dim3A_951, %select_n3A_933 : vector<256x1xi1>, vector<256x1xf32>
    %get3A_967 = arith.constant 0 : index
    %get3A_968 = arith.constant 15360 : index
    %get3A_969 = vector.load %arg2[%get3A_967, %get3A_968] : memref<64x15872xbf16, #tpu.memory_space<vmem>>, vector<64x512xbf16>
    %dot_general3A_970 = arith.constant dense<0.000000e+00> : vector<256x512xf32>
    %dot_general3A_971 = tpu.matmul %convert_element_type3A, %get3A_969, %dot_general3A_970 {dimension_numbers = #tpu.dot_dimension_numbers<[1], [0], [0], [1], [0, 0, 1, 1], [], []>, transpose_lhs_hint = false} : vector<256x64xbf16>, vector<64x512xbf16>, vector<256x512xf32> -> vector<256x512xf32>
    %get3A_972 = arith.constant 0 : index
    %get3A_973 = arith.constant 15360 : index
    %get3A_974 = vector.load %arg3[%get3A_972, %get3A_973] : memref<1x15872xf32, #tpu.memory_space<vmem>>, vector<1x512xf32>
    %add3A_975 = vector.broadcast %broadcast_in_dim3A : vector<256x1xf32> to vector<256x512xf32>
    %add3A_976 = vector.broadcast %get3A_974 : vector<1x512xf32> to vector<256x512xf32>
    %add3A_977 = arith.addf %add3A_975, %add3A_976 : vector<256x512xf32>
    %mul3A_978 = arith.constant 2.000000e+00 : f32
    %mul3A_979 = vector.broadcast %mul3A_978 : f32 to vector<256x512xf32>
    %mul3A_980 = arith.mulf %mul3A_979, %dot_general3A_971 : vector<256x512xf32>
    %sub3A_981 = arith.subf %add3A_977, %mul3A_980 : vector<256x512xf32>
    %reduce_min3A_982 = arith.constant dense<0x7F800000> : vector<256xf32>
    %reduce_min3A_983 = vector.multi_reduction <minimumf>, %sub3A_981, %reduce_min3A_982 [1] : vector<256x512xf32> to vector<256xf32>
    %broadcast_in_dim3A_984 = vector.shape_cast %reduce_min3A_983 : vector<256xf32> to vector<256x1xf32>
    %iota3A_985 = tpu.iota {dimensions = array<i32: 1>} : vector<256x512xi32>
    %add3A_986 = arith.constant 15360 : i32
    %add3A_987 = vector.broadcast %add3A_986 : i32 to vector<256x512xi32>
    %add3A_988 = arith.addi %iota3A_985, %add3A_987 : vector<256x512xi32>
    %eq3A_989 = vector.broadcast %broadcast_in_dim3A_984 : vector<256x1xf32> to vector<256x512xf32>
    %eq3A_990 = arith.cmpf oeq, %sub3A_981, %eq3A_989 : vector<256x512xf32>
    %jit3A_991 = arith.constant 1073741824 : i32
    %broadcast_in_dim3A_992 = vector.broadcast %jit3A_991 : i32 to vector<256x512xi32>
    %select_n3A_993 = arith.select %eq3A_990, %add3A_988, %broadcast_in_dim3A_992 : vector<256x512xi1>, vector<256x512xi32>
    %reduce_min3A_994 = arith.constant dense<2147483647> : vector<256xi32>
    %reduce_min3A_995 = vector.multi_reduction <minsi>, %select_n3A_993, %reduce_min3A_994 [1] : vector<256x512xi32> to vector<256xi32>
    %broadcast_in_dim3A_996 = vector.shape_cast %reduce_min3A_995 : vector<256xi32> to vector<256x1xi32>
    %lt3A_997 = arith.cmpf olt, %broadcast_in_dim3A_984, %select_n3A_966 : vector<256x1xf32>
    %select_n3A_998 = arith.select %lt3A_997, %broadcast_in_dim3A_996, %select_n3A_965 : vector<256x1xi1>, vector<256x1xi32>
    %select_n3A_999 = arith.select %lt3A_997, %broadcast_in_dim3A_984, %select_n3A_966 : vector<256x1xi1>, vector<256x1xf32>
    %lt3A_1000 = arith.cmpf olt, %select_n3A_999, %convert_element_type3A_738 : vector<256x1xf32>
    %select_n3A_1001 = arith.select %lt3A_1000, %select_n3A_998, %select_n3A_735 : vector<256x1xi1>, vector<256x1xi32>
    %concatenate3A = tpu.concatenate %broadcast_in_dim3A_24, %select_n3A_85, %select_n3A_213, %select_n3A_475, %select_n3A_1001 in 1 : vector<256x1xi32>, vector<256x1xi32>, vector<256x1xi32>, vector<256x1xi32>, vector<256x1xi32> -> vector<256x5xi32>
    %swap3A = arith.constant 0 : index
    %swap3A_1002 = arith.constant 0 : index
    %swap3A_1003 = vector.load %arg4[%swap3A, %swap3A_1002] : memref<256x5xi32, #tpu.memory_space<vmem>>, vector<256x5xi32>
    tpu.vector_store %arg4[%swap3A, %swap3A_1002], %concatenate3A {strides = array<i32>} : memref<256x5xi32, #tpu.memory_space<vmem>>, vector<256x5xi32>,
    return
  }
  func.func @transform_0(%arg0: i32) -> (i32, i32) {
    %c0_i32 = arith.constant 0 : i32
    %c0_i32_0 = arith.constant 0 : i32
    return %arg0, %c0_i32 : i32, i32
  }
  func.func @transform_1(%arg0: i32) -> (i32, i32) {
    %c0_i32 = arith.constant 0 : i32
    %c0_i32_0 = arith.constant 0 : i32
    %c0_i32_1 = arith.constant 0 : i32
    return %c0_i32, %c0_i32_0 : i32, i32
  }
  func.func @transform_2(%arg0: i32) -> (i32, i32) {
    %c0_i32 = arith.constant 0 : i32
    %c0_i32_0 = arith.constant 0 : i32
    %c0_i32_1 = arith.constant 0 : i32
    return %c0_i32, %c0_i32_0 : i32, i32
  }
  func.func @transform_3(%arg0: i32) -> (i32, i32) {
    %c0_i32 = arith.constant 0 : i32
    %c0_i32_0 = arith.constant 0 : i32
    return %arg0, %c0_i32 : i32, i32
  }
}

</mosaic_0001>

<sc_bundles>
// kernel: kernel.4.cloned.1.call-start
scs
__scs_entry_jumppad:
0x0: {  	(pc) =	sbr.rel $0x88, $3  }
0x1: {  	(tag) =	ssettag $0x0;
	lr =	simm.s32 $0x1  }
0x2: {  	[smem:$0x3F9A] =	sst lr;
	_ =	strace $0xD0000000  }
0x3: {  	_ = 	snop  }
0x4: {  	_ = 	snop  }
0x5: {  	_ = 	snop  }
0x6: {  	_ = 	snop  }
0x7: {  	_ = 	snop  }
__scs_overlays_trampoline_lowered:
0x8: {  	[smem:$0x3FA9] =	sst s0  }
0x9: {  	[smem:$0x3FAA] =	sst s1  }
0xa: {  	[smem:$0x3FAB] =	sst s2  }
0xb: {  	[smem:$0x3FAC] =	sst s3  }
0xc: {  	[smem:$0x3FAD] =	sst s4  }
0xd: {  	[smem:$0x3FAE] =	sst s5  }
0xe: {  	[smem:$0x3FAF] =	sst s6  }
0xf: {  	[smem:$0x3FB0] =	sst s7  }
0x10: {  	[smem:$0x3FB1] =	sst s8  }
0x11: {  	[smem:$0x3FB2] =	sst s9;
	s0 =	simm.s32 @!p0 $0x0  }
0x12: {  	s1 =	sld [smem:$0x3F98];
	s0 =	simm.s32 @p0 $0x1  }
0x13: {  	[smem:$0x3FB3] =	sst s0;
	s0 =	simm.s32 @!p1 $0x0  }
0x14: {  	s2 =	sld [smem:$0x3F97];
	s0 =	simm.s32 @p1 $0x1  }
0x15: {  	[smem:$0x3FB4] =	sst s0;
	s0 =	simm.s32 @!p2 $0x0  }
0x16: {  	s3 =	sld [smem:$0x3FDB];
	s0 =	simm.s32 @p2 $0x1  }
0x17: {  	s4 =	simm.s32 $0x1BF5;
	[smem:$0x3FB6] =	sst s0  }
0x18: {  	s0 =	sld [smem:$0x3F99];
	_ =	swait.ge [sflag:s4], $0x0  }
0x19: {  	s7 =	sld [smem:$0x3F9A]  }
0x1a: {  	s8 =	sadd.s32 $0xFFFFE003, lr  }
0x1b: {  	s9 =	sadd.s32 $0xFFFFFEF7, lr;
	s5 =	simm.s32 $0xFFFFFFFF;
	p2 =	slt.u32 s8, $0xFFFFF086  }
0x1c: {  	p1 =	slt.u32 s9, $0xF7A;
	s5 =	simm.s32 @!p2 $0x0  }
0x1d: {  	s5 =	simm.s32 @p1 $0x1;
	p0 =	seq.s32 s7, s2  }
0x1e: {  	s7 =	smul.u32 @!p0 $0xF7A, s2;
	p2 =	seq.s32 @!p0 s5, $0x0  }
0x1f: {  	s9 =	smul.u32 $0xF7A, s1;
	s8 =	simm.s32 @!p0 $0x1BF5;
	p2 =	por !p2, p0  }
0x20: {  	[sflag:s8] =	ssyncset.s32 @!p0 $0xFFFFF086;
	s6 =	sadd.s32 @!p0 s3, s7;
	s7 =	simm.s32 @!p0 $0x108  }
0x21: {  	s3 =	sadd.s32 s3, s9;
	s6 =	sadd.s32 @!p0 $0x88, s6;
	s7 =	simm.s32 @p2 $0x1082  }
0x22: {  	[simem:s7], [sflag:s8] =	dma.local @!p0 [hbm:s6], $0xF7A  }
0x23: {  	s9 =	sor.u32 $0xD0000000, s2;
	s6 =	simm.s32 $0x108;
	_ =	swait.ge @!p0 [sflag:s8], $0x0  }
0x24: {  	s3 =	sadd.s32 $0x88, s3;
	s6 =	simm.s32 @!p1 $0x1082;
	[sflag:s4] =	ssyncset.s32 $0xFFFFF086  }
0x25: {  	[simem:s6], [sflag:s4] =	dma.local [hbm:s3], $0xF7A  }
0x26: {  	[smem:$0x3F9A] =	sst s1;
	(tag) =	ssettag s2;
	_ =	strace s9  }
0x27: {  	s1 =	sld [smem:$0x3FAA]  }
0x28: {  	s2 =	sld [smem:$0x3FAB]  }
0x29: {  	s4 =	sld [smem:$0x3FAD]  }
0x2a: {  	p0 =	seq.s32 s5, $0x0;
	s5 =	sld [smem:$0x3FAE]  }
0x2b: {  	s6 =	sld [smem:$0x3FAF]  }
0x2c: {  	s7 =	sld [smem:$0x3FB0]  }
0x2d: {  	s3 =	simm.s32 $0x108;
	s8 =	sld [smem:$0x3FB1]  }
0x2e: {  	s3 =	simm.s32 @!p0 $0x1082;
	s9 =	sld [smem:$0x3FB2]  }
0x2f: {  	lr =	sadd.s32 s0, s3;
	s0 =	sld [smem:$0x3FA9]  }
0x30: {  	s3 =	sld [smem:$0x3FAC]  }
0x31: {  	[smem:$0x3FB5] =	sst s10  }
0x32: {  	s10 =	sld [smem:$0x3FB3];
	_ =	sdelay $0x3  }
0x33: {  	p0 =	seq.s32 s10, $0x1;
	s10 =	sld [smem:$0x3FB5];
	_ =	sdelay $0x3  }
0x34: {  	[smem:$0x3FB5] =	sst s10  }
0x35: {  	s10 =	sld [smem:$0x3FB4];
	_ =	sdelay $0x3  }
0x36: {  	p1 =	seq.s32 s10, $0x1;
	s10 =	sld [smem:$0x3FB5];
	_ =	sdelay $0x3  }
0x37: {  	[smem:$0x3FB5] =	sst s10  }
0x38: {  	s10 =	sld [smem:$0x3FB6]  }
0x39: {  	_ = 	snop;
	(pc) =	sbr.ind lr, $3  }
0x3a: {  	_ = 	snop  }
0x3b: {  	_ = 	snop  }
0x3c: {  	p2 =	seq.s32 s10, $0x1;
	s10 =	sld [smem:$0x3FB5]  }
0x3d: {  	_ =	shalt  }
0x3e: {  	_ =	shalt  }
0x3f: {  	_ =	shalt  }
0x40: {  	_ =	shalt  }
0x41: {  	_ =	shalt  }
0x42: {  	_ =	shalt  }
0x43: {  	_ =	shalt  }
0x44: {  	_ =	shalt  }
0x45: {  	_ =	shalt  }
0x46: {  	_ =	shalt  }
0x47: {  	_ =	shalt  }
0x48: {  	_ =	shalt  }
0x49: {  	_ =	shalt  }
0x4a: {  	_ =	shalt  }
0x4b: {  	_ =	shalt  }
0x4c: {  	_ =	shalt  }
0x4d: {  	_ =	shalt  }
0x4e: {  	_ =	shalt  }
0x4f: {  	_ =	shalt  }
0x50: {  	_ =	shalt  }
0x51: {  	_ =	shalt  }
0x52: {  	_ =	shalt  }
0x53: {  	_ =	shalt  }
0x54: {  	_ =	shalt  }
0x55: {  	_ =	shalt  }
0x56: {  	_ =	shalt  }
0x57: {  	_ =	shalt  }
0x58: {  	_ =	shalt  }
0x59: {  	_ =	shalt  }
0x5a: {  	_ =	shalt  }
0x5b: {  	_ =	shalt  }
0x5c: {  	_ =	shalt  }
0x5d: {  	_ =	shalt  }
0x5e: {  	_ =	shalt  }
0x5f: {  	_ =	shalt  }
0x60: {  	_ =	shalt  }
0x61: {  	_ =	shalt  }
0x62: {  	_ =	shalt  }
0x63: {  	_ =	shalt  }
0x64: {  	_ =	shalt  }
0x65: {  	_ =	shalt  }
0x66: {  	_ =	shalt  }
0x67: {  	_ =	shalt  }
0x68: {  	_ =	shalt  }
0x69: {  	_ =	shalt  }
0x6a: {  	_ =	shalt  }
0x6b: {  	_ =	shalt  }
0x6c: {  	_ =	shalt  }
0x6d: {  	_ =	shalt  }
0x6e: {  	_ =	shalt  }
0x6f: {  	_ =	shalt  }
0x70: {  	_ =	shalt  }
0x71: {  	_ =	shalt  }
0x72: {  	_ =	shalt  }
0x73: {  	_ =	shalt  }
0x74: {  	_ =	shalt  }
0x75: {  	_ =	shalt  }
0x76: {  	_ =	shalt  }
0x77: {  	_ =	shalt  }
0x78: {  	_ =	shalt  }
0x79: {  	_ =	shalt  }
0x7a: {  	_ =	shalt  }
0x7b: {  	_ =	shalt  }
0x7c: {  	_ =	shalt  }
0x7d: {  	_ =	shalt  }
0x7e: {  	_ =	shalt  }
0x7f: {  	_ =	shalt  }
0x80: {  	_ =	shalt  }
0x81: {  	_ =	shalt  }
0x82: {  	_ =	shalt  }
0x83: {  	_ =	shalt  }
0x84: {  	_ =	shalt  }
0x85: {  	_ =	shalt  }
0x86: {  	_ =	shalt  }
0x87: {  	_ =	shalt  }
.Lfunc_end0:
.L_simem_size_0:
called_computation_lowered:
.L_overlay_start_0:
0x88: {  	s2 =	sld [smem:$0x3FD9]  }
0x89: {  	s3 =	sld [smem:$0x3FFE];
	_ =	sdelay $0x1  }
0x8a: {  	s1 =	srdreg.scid  }
0x8b: {  	s0 =	sand.u32 $0x1, s1  }
0x8c: {  	s17 =	sshll.u32 s0, $0xA;
	s2 =	sadd.s32 s3, s2  }
0x8d: {  	s2 =	sadd.s32 s2, s17  }
0x8e: {  	[smem:$0x3FC1] =	sst s2  }
0x8f: {  	_ = 	snop  }
0x90: {  	s2 =	sld [smem:$0x3FD0];
	(tm) =	ssettm $0x1  }
0x91: {  	s18 =	sld [smem:$0x3FFB];
	_ =	sdelay $0x3  }
0x92: {  	_ =	strace s18  }
0x93: {  	s3 =	sld [smem:$0x3FFC];
	_ =	sdelay $0x3  }
0x94: {  	_ =	strace s3  }
0x95: {  	s3 =	sld [smem:$0x3FFD];
	_ =	sdelay $0x3  }
0x96: {  	_ =	strace s3  }
0x97: {  	_ =	strace $0x8FFFFFFF  }
0x98: {  	s19 =	sld [smem:$0x3FDB];
	_ =	sdelay $0x1  }
0x99: {  	s4 =	simm.s32 $_scs_section_size  }
0x9a: {  	s5 =	simm.s32 $_size__tile_overlayer_lowered;
	s6 =	simm.s32 $_tile_overlayer_lowered  }
0x9b: {  	s22 =	simm.s32 $0x1BFF;
	s21 =	sshll.u32 s6, $0x1;
	s3 =	sadd.s32 s4, s19  }
0x9c: {  	s7 =	simm.s32 $0x0;
	s20 =	sshll.u32 s5, $0x1;
	s5 =	sadd.s32 s21, s3  }
0x9d: {  	[timem:s7], [sflag:s22] =	dma.local [hbm:s5], s20  }
0x9e: {  	_ =	swait.ge [sflag:s22], s20  }
0x9f: {  	s4 =	ssub.s32 $0x0, s20;
	[sflag:s22] =	ssyncset.done $0x0  }
0xa0: {  	[sflag:s22] =	ssyncadd.s32 s4;
	_ =	sdelay $0x1  }
0xa1: {  	s23 =	simm.s32 $0x1B8B  }
0xa2: {  	_ =	swait.ge [sflag:s23], $0x1  }
0xa3: {  	[sflag:s23] =	ssyncset.done $0x0  }
0xa4: {  	s25 =	simm.s32 $0x1B8E;
	s24 =	sld [smem:$0x3FFE];
	[sflag:s23] =	ssyncadd.s32 $0xFFFFFFFF  }
0xa5: {  	s26 =	simm.s32 $execute0_lowered;
	[smem:$0x3FD2] =	sst s25  }
0xa6: {  	s5 =	sshll.u32 s26, $0x1;
	_ =	strace $0x80000046;
	[dreg:$0x1] =	wrdreg $0xFFFFFFFF  }
0xa7: {  	s28 =	simm.s32 $_size_execute0_lowered;
	s3 =	sadd.s32 s3, s5;
	[dreg:$0x0] =	wrdreg $0x0  }
0xa8: {  	s5 =	sshll.u32 s28, $0x1;
	[dreg:$0x2] =	wrdreg s3  }
0xa9: {  	[dreg:$0x3] =	wrdreg s5  }
0xaa: {  	[dreg:$0x4] =	wrdreg $0xC0  }
0xab: {  	_ =	task [dreg:s7], $0x5FFFF  }
0xac: {  	[dreg:$0x1] =	wrdreg $0xFFFFFFFF  }
0xad: {  	[dreg:$0x0] =	wrdreg $0x60  }
0xae: {  	[dreg:$0x2] =	wrdreg s2  }
0xaf: {  	[dreg:$0x3] =	wrdreg s24  }
0xb0: {  	[dreg:$0x4] =	wrdreg $0x9  }
0xb1: {  	_ =	task.clear_ibuf [dreg:s7], $0x5FFFF;
	_ =	strace $0x90000046  }
0xb2: {  	s29 =	simm.s32 $0x9;
	_ =	strace $0x80000048  }
0xb3: {  	_ =	swait.ge [sflag:s29], $0x1  }
0xb4: {  	[sflag:s29] =	ssyncadd.s32 $0xFFFFFFFF  }
0xb5: {  	_ =	strace $0x90000048  }
0xb6: {  	_ =	sfence  }
0xb7: {  	s30 =	sld [smem:$0x0];
	_ =	sdelay $0x2  }
0xb8: {  	s31 =	sshll.u32 s1, $0xD;
	s1 =	sshrl.u32 s1, $0x2  }
0xb9: {  	s3 =	sand.u32 $0x4000, s31;
	s1 =	sadd.s32 s1, s30  }
0xba: {  	s0 =	sor.u32 s3, s0;
	s1 =	sshll.u32 s1, $0x11  }
0xbb: {  	s0 =	sor.u32 s1, s0  }
0xbc: {  	s0 =	sadd.s32 $0x8F2B, s0  }
0xbd: {  	[sflag:s0] =	ssyncadd.remote.s32 $0x1  }
0xbe: {  	_ =	sfence.sel $0xFFFF  }
0xbf: {  	[dreg:$0x0] =	wrdreg $0xFFFFFFFF;
	(pc) =	sbr.abs _section_cstart, $3  }
0xc0: {  	[dreg:$0x1] =	wrdreg $0xFFFFFFFF  }
0xc1: {  	_ =	task.clear_ibuf [dreg:s7], $0x2FFFF;
	_ =	strace $0x9FFFFFFF  }
0xc2: {  	(tm) =	ssettm $0x7FFFFFFF  }
0xc3: {  	_ =	shalt  }
tec
execute0_lowered:
.L_overlay_start_1:
0x0: {  	(tag) =	ssettag $0x1  }
0x1: {  	s0 =	srdreg.scid;
	s3 =	stileid.u32  }
0x2: {  	s0 =	sand.u32 $0x1, s0;
	s4 =	sshll.u32 s3, $0x1  }
0x3: {  	s4 =	sor.u32 s0, s4  }
0x4: {  	s5 =	smul.u32 $0x1400, s4  }
0x5: {  	s1 =	rddreg [dreg:$0x1]  }
0x6: {  	s6 =	sadd.s32 $0x800, s1;
	s5 =	sshrl.u32 s5, $0x3  }
0x7: {  	s2 =	rddreg [dreg:$0x0];
	s3 =	simm.s32 $0x0;
	s5 =	sadd.s32 s6, s5  }
0x8: {  	[smem:$0x7FF] =	sst s3;
	s11 =	sadd.s32 $0x80, s5  }
0x9: {  	_ =	strace $0x80000047;
	s12 =	sadd.s32 $0x90, s5;
	[dreg:$0x3] =	wrdreg s11  }
0xa: {  	s13 =	sadd.s32 $0xA0, s5;
	[dreg:$0x4] =	wrdreg s12  }
0xb: {  	s14 =	sadd.s32 $0xB0, s5;
	[dreg:$0x5] =	wrdreg s13  }
0xc: {  	s15 =	sadd.s32 $0xC0, s5;
	[dreg:$0x6] =	wrdreg s14  }
0xd: {  	s16 =	sadd.s32 $0xD0, s5;
	[dreg:$0x7] =	wrdreg s15  }
0xe: {  	s17 =	sadd.s32 $0xE0, s5;
	[dreg:$0x8] =	wrdreg s16  }
0xf: {  	s18 =	sadd.s32 $0xF0, s5;
	[dreg:$0x9] =	wrdreg s17  }
0x10: {  	s19 =	sadd.s32 $0x100, s5;
	[dreg:$0xa] =	wrdreg s18  }
0x11: {  	s20 =	sadd.s32 $0x110, s5;
	[dreg:$0xb] =	wrdreg s19  }
0x12: {  	s21 =	sadd.s32 $0x120, s5;
	[dreg:$0xc] =	wrdreg s20  }
0x13: {  	s22 =	sadd.s32 $0x130, s5;
	[dreg:$0xd] =	wrdreg s21  }
0x14: {  	s23 =	sadd.s32 $0x140, s5;
	[dreg:$0xe] =	wrdreg s22  }
0x15: {  	s24 =	sadd.s32 $0x150, s5;
	[dreg:$0xf] =	wrdreg s23  }
0x16: {  	s25 =	sadd.s32 $0x160, s5;
	[dreg:$0x10] =	wrdreg s24  }
0x17: {  	s7 =	sshll.u32 s4, $0xE;
	s26 =	sadd.s32 $0x170, s5;
	[dreg:$0x11] =	wrdreg s25  }
0x18: {  	s1 =	sadd.s32 s7, s1;
	s7 =	sadd.s32 $0x180, s5;
	[dreg:$0x12] =	wrdreg s26  }
0x19: {  	s0 =	ssub.s32 $0x2, s0;
	s8 =	sadd.s32 $0x190, s5;
	[dreg:$0x13] =	wrdreg s7  }
0x1a: {  	s10 =	sshrl.u32 s0, $0x1;
	s9 =	sadd.s32 $0x1A0, s5;
	[dreg:$0x14] =	wrdreg s8  }
0x1b: {  	s0 =	ssub.s32 s0, s10;
	s10 =	sadd.s32 $0x1B0, s5;
	[dreg:$0x15] =	wrdreg s9  }
0x1c: {  	[dreg:$0x16] =	wrdreg s10;
	s11 =	sadd.s32 $0x1C0, s5  }
0x1d: {  	s12 =	sadd.s32 $0x1D0, s5;
	[dreg:$0x17] =	wrdreg s11  }
0x1e: {  	s13 =	sadd.s32 $0x1E0, s5;
	[dreg:$0x18] =	wrdreg s12  }
0x1f: {  	s14 =	sadd.s32 $0x1F0, s5;
	[dreg:$0x19] =	wrdreg s13  }
0x20: {  	s15 =	sadd.s32 $0x200, s5;
	[dreg:$0x1a] =	wrdreg s14  }
0x21: {  	s16 =	sadd.s32 $0x210, s5;
	[dreg:$0x1b] =	wrdreg s15  }
0x22: {  	s17 =	sadd.s32 $0x220, s5;
	[dreg:$0x1c] =	wrdreg s16  }
0x23: {  	s18 =	sadd.s32 $0x230, s5;
	[dreg:$0x1d] =	wrdreg s17  }
0x24: {  	s28 =	simm.s32 $0x100;
	s19 =	sadd.s32 $0x240, s5;
	[dreg:$0x1e] =	wrdreg s18  }
0x25: {  	s29 =	simm.s32 $0x180;
	s20 =	sadd.s32 $0x250, s5;
	[dreg:$0x1f] =	wrdreg s19  }
0x26: {  	s30 =	simm.s32 $0x200;
	s21 =	sadd.s32 $0x260, s5;
	[smem:$0x7F6] =	sst s20  }
0x27: {  	s4 =	smul.u32 $0x280, s4;
	s5 =	sadd.s32 $0x270, s5;
	[smem:$0x7F7] =	sst s21  }
0x28: {  	s31 =	simm.s32 $0x280;
	s22 =	sadd.s32 $0x5800, s1;
	[smem:$0x7F8] =	sst s5  }
0x29: {  	s4 =	sadd.s32 s6, s4;
	s23 =	sadd.s32 $0x6000, s1;
	[smem:$0x7F9] =	sst s22  }
0x2a: {  	s6 =	simm.s32 $0x10280;
	s24 =	sadd.s32 $0x6800, s1;
	[smem:$0x7FA] =	sst s23  }
0x2b: {  	s25 =	sadd.s32 $0x7000, s1;
	s26 =	sadd.s32 $0x7800, s1;
	[smem:$0x7FB] =	sst s24  }
0x2c: {  	s7 =	simm.s32 $0x1;
	s8 =	simm.s32 $0x14280;
	[smem:$0x7FC] =	sst s25  }
0x2d: {  	s9 =	simm.s32 $0x0;
	[smem:$0x7FD] =	sst s26;
	s14 =	sadd.s32 $0x8000, s1  }
0x2e: {  	s15 =	sadd.s32 $0x8800, s1;
	s16 =	sadd.s32 $0x9000, s1;
	s17 =	smax.u32 s0, $0x1  }
0x2f: {  	s18 =	sadd.s32 $0x10, s4;
	s19 =	sadd.s32 $0x20, s4;
	s20 =	sadd.s32 $0x30, s4  }
0x30: {  	s21 =	sadd.s32 $0x40, s4;
	s22 =	sadd.s32 $0x50, s4;
	s23 =	sadd.s32 $0x60, s4  }
0x31: {  	s24 =	sadd.s32 $0x70, s4;
	s25 =	simm.s32 $0x2;
	s26 =	simm.s32 $0x80  }
0x32: {  	s1 =	simm.s32 $0x4280;
	s0 =	simm.s32 $0x8280;
	s5 =	simm.s32 $0xC280  }
.LBB2_1:
0x33: {  	[tilespmem:s3], [sflag:$0x2] =	stream.linear.gather [hbm4b:s4+s3], $0x80, $0x38;
	[tilespmem:$0x18280] =	vst v63  }
0x34: {  	_ =	swait.ge [sflag:s25], $0x80  }
0x35: {  	[sflag:s25] =	ssyncset.done $0x0  }
0x36: {  	[sflag:s25] =	ssyncadd.s32 $0xFFFFFF80  }
0x37: {  	[tilespmem:s26], [sflag:$0x2] =	stream.linear.gather [hbm4b:s18+s3], $0x80, $0x38;
	[tilespmem:$0x18280] =	vst v63  }
0x38: {  	_ =	swait.ge [sflag:s25], $0x80  }
0x39: {  	[sflag:s25] =	ssyncset.done $0x0  }
0x3a: {  	[sflag:s25] =	ssyncadd.s32 $0xFFFFFF80  }
0x3b: {  	[tilespmem:s28], [sflag:$0x2] =	stream.linear.gather [hbm4b:s19+s3], $0x80, $0x38;
	[tilespmem:$0x18280] =	vst v63  }
0x3c: {  	_ =	swait.ge [sflag:s25], $0x80  }
0x3d: {  	[sflag:s25] =	ssyncset.done $0x0  }
0x3e: {  	[sflag:s25] =	ssyncadd.s32 $0xFFFFFF80  }
0x3f: {  	[tilespmem:s29], [sflag:$0x2] =	stream.linear.gather [hbm4b:s20+s3], $0x80, $0x38;
	[tilespmem:$0x18280] =	vst v63  }
0x40: {  	_ =	swait.ge [sflag:s25], $0x80  }
0x41: {  	[sflag:s25] =	ssyncset.done $0x0  }
0x42: {  	[sflag:s25] =	ssyncadd.s32 $0xFFFFFF80  }
0x43: {  	[tilespmem:s30], [sflag:$0x2] =	stream.linear.gather [hbm4b:s21+s3], $0x80, $0x38;
	[tilespmem:$0x18280] =	vst v63  }
0x44: {  	_ =	swait.ge [sflag:s25], $0x80  }
0x45: {  	[sflag:s25] =	ssyncset.done $0x0  }
0x46: {  	[sflag:s25] =	ssyncadd.s32 $0xFFFFFF80  }
0x47: {  	[tilespmem:s31], [sflag:$0x1] =	stream.indirect.gather [hbm4b:s2+s26], $0x80, s3, s26, $0xb8;
	[tilespmem:$0x18280] =	vst v63  }
0x48: {  	_ = 	snop  }
0x49: {  	[tilespmem:s1], [sflag:$0x1] =	stream.indirect.gather [hbm4b:s2+s26], $0x80, s26, s26, $0xb8;
	[tilespmem:$0x18280] =	vst v63  }
0x4a: {  	_ = 	snop  }
0x4b: {  	[tilespmem:s0], [sflag:$0x1] =	stream.indirect.gather [hbm4b:s2+s26], $0x80, s28, s26, $0xb8;
	[tilespmem:$0x18280] =	vst v63  }
0x4c: {  	_ = 	snop  }
0x4d: {  	[tilespmem:s5], [sflag:$0x1] =	stream.indirect.gather [hbm4b:s2+s26], $0x80, s29, s26, $0xb8;
	[tilespmem:$0x18280] =	vst v63  }
0x4e: {  	_ = 	snop  }
0x4f: {  	[tilespmem:s6], [sflag:$0x1] =	stream.indirect.gather [hbm4b:s2+s26], $0x80, s30, s26, $0xb8;
	[tilespmem:$0x18280] =	vst v63  }
0x50: {  	_ =	swait.ge [sflag:s7], $0x4000  }
0x51: {  	[sflag:s7] =	ssyncset.done $0x0  }
0x52: {  	[sflag:s7] =	ssyncadd.s32 $0xFFFFC000  }
0x53: {  	_ =	swait.ge [sflag:s7], $0x4000  }
0x54: {  	[sflag:s7] =	ssyncset.done $0x0  }
0x55: {  	[sflag:s7] =	ssyncadd.s32 $0xFFFFC000  }
0x56: {  	_ =	swait.ge [sflag:s7], $0x4000  }
0x57: {  	[sflag:s7] =	ssyncset.done $0x0  }
0x58: {  	[sflag:s7] =	ssyncadd.s32 $0xFFFFC000  }
0x59: {  	_ =	swait.ge [sflag:s7], $0x4000  }
0x5a: {  	[sflag:s7] =	ssyncset.done $0x0  }
0x5b: {  	[sflag:s7] =	ssyncadd.s32 $0xFFFFC000  }
0x5c: {  	_ =	swait.ge [sflag:s7], $0x4000  }
0x5d: {  	[sflag:s7] =	ssyncset.done $0x0  }
0x5e: {  	s10 =	simm.s32 $0x3A0;
	[sflag:s7] =	ssyncadd.s32 $0xFFFFC000  }
0x5f: {  	v0 =	vld [tilespmem:s10+$0xFFFFFEE0]  }
0x60: {  	v1 =	vld [tilespmem:s10+$0x60]  }
0x61: {  	v2 =	vld [tilespmem:s10+$0xFFFFFFE0]  }
0x62: {  	v3 =	vld [tilespmem:s10+$0xFFFFFF60];
	_ =	sdelay $0x3  }
0x63: {  	v4 =	vld [tilespmem:s10+$0xE0]  }
0x64: {  	v1 =	vadd.f32 v1, v2;
	v0 =	vadd.f32 v3, v0;
	_ =	sdelay $0x1  }
0x65: {  	v0 =	vadd.f32 v1, v0;
	_ =	sdelay $0x1  }
0x66: {  	v0 =	vadd.f32 v0, v4  }
0x67: {  	s11 =	simm.s32 $0x0  }
0x68: {  	[tilespmem:s11+$0x14280] =	vst v0  }
0x69: {  	v0 =	vld [tilespmem:s10+$0x70]  }
0x6a: {  	v1 =	vld [tilespmem:s10+$0xFFFFFF70]  }
0x6b: {  	v2 =	vld [tilespmem:s10+$0xFFFFFFF0]  }
0x6c: {  	v3 =	vld [tilespmem:s10+$0xFFFFFEF0];
	_ =	sdelay $0x3  }
0x6d: {  	v4 =	vld [tilespmem:s10+$0xF0]  }
0x6e: {  	v0 =	vadd.f32 v0, v2;
	v1 =	vadd.f32 v1, v3;
	_ =	sdelay $0x1  }
0x6f: {  	v0 =	vadd.f32 v0, v1;
	_ =	sdelay $0x1  }
0x70: {  	v0 =	vadd.f32 v0, v4;
	_ =	sdelay $0x1  }
0x71: {  	[tilespmem:s11+$0x14290] =	vst v0  }
0x72: {  	v0 =	vld [tilespmem:s10+$0xFFFFFF00]  }
0x73: {  	v1 =	vld [tilespmem:s10+$0xFFFFFF80]  }
0x74: {  	v2 =	vld [tilespmem:s10+$0x80]  }
0x75: {  	v3 =	vld [tilespmem:s10+$0x0];
	_ =	sdelay $0x3  }
0x76: {  	v4 =	vld [tilespmem:s10+$0x100]  }
0x77: {  	v0 =	vadd.f32 v1, v0;
	v1 =	vadd.f32 v2, v3;
	_ =	sdelay $0x1  }
0x78: {  	v0 =	vadd.f32 v1, v0;
	_ =	sdelay $0x1  }
0x79: {  	v0 =	vadd.f32 v0, v4;
	_ =	sdelay $0x1  }
0x7a: {  	[tilespmem:s11+$0x142A0] =	vst v0  }
0x7b: {  	v0 =	vld [tilespmem:s10+$0xFFFFFF10]  }
0x7c: {  	v1 =	vld [tilespmem:s10+$0x90]  }
0x7d: {  	v3 =	vld [tilespmem:s10+$0xFFFFFF90]  }
0x7e: {  	v4 =	vld [tilespmem:s10+$0x10]  }
0x7f: {  	s12 =	simm.s32 $0x200;
	v2 =	vld [tilespmem:s10+$0x110]  }
.LBB2_2:
0x80: {  	p0 =	sne.s32 s12, $0xFE00  }
0x81: {  	s10 =	sadd.s32 $0x280, s10;
	s13 =	smov.u32 s12;
	s12 =	sadd.s32 $0x200, s12  }
0x82: {  	_ = 	snop  }
0x83: {  	v0 =	vadd.f32 v3, v0  }
0x84: {  	v1 =	vadd.f32 v1, v4;
	_ =	sdelay $0x1  }
0x85: {  	v0 =	vadd.f32 v1, v0;
	_ =	sdelay $0x1  }
0x86: {  	v0 =	vadd.f32 v0, v2;
	_ =	sdelay $0x1  }
0x87: {  	[tilespmem:s11+$0x142B0] =	vst v0  }
0x88: {  	v0 =	vld [tilespmem:s10+$0xFFFFFEE0]  }
0x89: {  	v1 =	vld [tilespmem:s10+$0x60]  }
0x8a: {  	v2 =	vld [tilespmem:s10+$0xFFFFFFE0]  }
0x8b: {  	v3 =	vld [tilespmem:s10+$0xFFFFFF60];
	_ =	sdelay $0x3  }
0x8c: {  	v1 =	vadd.f32 v1, v2;
	v2 =	vld [tilespmem:s10+$0xE0]  }
0x8d: {  	v0 =	vadd.f32 v3, v0;
	_ =	sdelay $0x1  }
0x8e: {  	v0 =	vadd.f32 v1, v0;
	_ =	sdelay $0x1  }
0x8f: {  	v0 =	vadd.f32 v0, v2  }
0x90: {  	s11 =	sshra.s32 s13, $0x2  }
0x91: {  	[tilespmem:s11+$0x14280] =	vst v0  }
0x92: {  	v0 =	vld [tilespmem:s10+$0x70]  }
0x93: {  	v1 =	vld [tilespmem:s10+$0xFFFFFF70]  }
0x94: {  	v2 =	vld [tilespmem:s10+$0xFFFFFFF0]  }
0x95: {  	v3 =	vld [tilespmem:s10+$0xFFFFFEF0];
	_ =	sdelay $0x3  }
0x96: {  	v0 =	vadd.f32 v0, v2;
	v2 =	vld [tilespmem:s10+$0xF0]  }
0x97: {  	v1 =	vadd.f32 v1, v3;
	_ =	sdelay $0x1  }
0x98: {  	v0 =	vadd.f32 v0, v1;
	_ =	sdelay $0x1  }
0x99: {  	v0 =	vadd.f32 v0, v2;
	_ =	sdelay $0x1  }
0x9a: {  	[tilespmem:s11+$0x14290] =	vst v0  }
0x9b: {  	v0 =	vld [tilespmem:s10+$0xFFFFFF00]  }
0x9c: {  	v1 =	vld [tilespmem:s10+$0xFFFFFF80]  }
0x9d: {  	v2 =	vld [tilespmem:s10+$0x80]  }
0x9e: {  	v3 =	vld [tilespmem:s10+$0x0];
	_ =	sdelay $0x2  }
0x9f: {  	v0 =	vadd.f32 v1, v0  }
0xa0: {  	v1 =	vld [tilespmem:s10+$0x100]  }
0xa1: {  	v2 =	vadd.f32 v2, v3;
	_ =	sdelay $0x1  }
0xa2: {  	v0 =	vadd.f32 v2, v0;
	_ =	sdelay $0x1  }
0xa3: {  	v0 =	vadd.f32 v0, v1;
	_ =	sdelay $0x1  }
0xa4: {  	[tilespmem:s11+$0x142A0] =	vst v0  }
.Ltmp0:
0xa5: {  	v0 =	vld [tilespmem:s10+$0xFFFFFF10];
	(pc) =	sbr.rel @p0 .LBB2_2-.Ltmp0, $4  }
0xa6: {  	v1 =	vld [tilespmem:s10+$0x90]  }
0xa7: {  	v3 =	vld [tilespmem:s10+$0xFFFFFF90]  }
0xa8: {  	v4 =	vld [tilespmem:s10+$0x10]  }
0xa9: {  	v2 =	vld [tilespmem:s10+$0x110]  }
0xaa: {  	_ =	sdelay $0x2  }
0xab: {  	v0 =	vadd.f32 v3, v0;
	v1 =	vadd.f32 v1, v4;
	_ =	sdelay $0x1  }
0xac: {  	v0 =	vadd.f32 v1, v0;
	_ =	sdelay $0x1  }
0xad: {  	s13 =	sld [smem:$0x7F9];
	v0 =	vadd.f32 v0, v2;
	_ =	sdelay $0x1  }
0xae: {  	s10 =	simm.s32 $0x0;
	[tilespmem:s11+$0x142B0] =	vst v0  }
0xaf: {  	[hbm4b:s13+s10] =	stream.linear.scatter [tilespmem:s8], [sflag:$0x2], $0x4000, $0x38;
	[tilespmem:$0x18280] =	vst v63  }
0xb0: {  	_ =	swait.ge [sflag:s25], $0x4000  }
0xb1: {  	[sflag:s25] =	ssyncset.done $0x0  }
0xb2: {  	[sflag:s25] =	ssyncadd.s32 $0xFFFFC000  }
0xb3: {  	[tilespmem:s10], [sflag:$0x2] =	stream.linear.gather [hbm4b:s22+s10], $0x80, $0x38;
	[tilespmem:$0x18280] =	vst v63  }
0xb4: {  	_ =	swait.ge [sflag:s25], $0x80  }
0xb5: {  	[sflag:s25] =	ssyncset.done $0x0  }
0xb6: {  	[sflag:s25] =	ssyncadd.s32 $0xFFFFFF80  }
0xb7: {  	[tilespmem:s26], [sflag:$0x2] =	stream.linear.gather [hbm4b:s23+s10], $0x80, $0x38;
	[tilespmem:$0x18280] =	vst v63  }
0xb8: {  	_ =	swait.ge [sflag:s25], $0x80  }
0xb9: {  	[sflag:s25] =	ssyncset.done $0x0  }
0xba: {  	[sflag:s25] =	ssyncadd.s32 $0xFFFFFF80  }
0xbb: {  	[tilespmem:s28], [sflag:$0x2] =	stream.linear.gather [hbm4b:s24+s10], $0x80, $0x38;
	[tilespmem:$0x18280] =	vst v63  }
0xbc: {  	_ =	swait.ge [sflag:s25], $0x80  }
0xbd: {  	[sflag:s25] =	ssyncset.done $0x0  }
0xbe: {  	s12 =	rddreg [dreg:$0x3];
	[sflag:s25] =	ssyncadd.s32 $0xFFFFFF80  }
0xbf: {  	[tilespmem:s29], [sflag:$0x2] =	stream.linear.gather [hbm4b:s12+s10], $0x80, $0x38;
	[tilespmem:$0x18280] =	vst v63  }
0xc0: {  	_ =	swait.ge [sflag:s25], $0x80  }
0xc1: {  	[sflag:s25] =	ssyncset.done $0x0  }
0xc2: {  	s13 =	rddreg [dreg:$0x4];
	[sflag:s25] =	ssyncadd.s32 $0xFFFFFF80  }
0xc3: {  	[tilespmem:s30], [sflag:$0x2] =	stream.linear.gather [hbm4b:s13+s10], $0x80, $0x38;
	[tilespmem:$0x18280] =	vst v63  }
0xc4: {  	_ =	swait.ge [sflag:s25], $0x80  }
0xc5: {  	[sflag:s25] =	ssyncset.done $0x0  }
0xc6: {  	[sflag:s25] =	ssyncadd.s32 $0xFFFFFF80  }
0xc7: {  	[tilespmem:s31], [sflag:$0x1] =	stream.indirect.gather [hbm4b:s2+s26], $0x80, s10, s26, $0xb8;
	[tilespmem:$0x18280] =	vst v63  }
0xc8: {  	_ = 	snop  }
0xc9: {  	[tilespmem:s1], [sflag:$0x1] =	stream.indirect.gather [hbm4b:s2+s26], $0x80, s26, s26, $0xb8;
	[tilespmem:$0x18280] =	vst v63  }
0xca: {  	_ = 	snop  }
0xcb: {  	[tilespmem:s0], [sflag:$0x1] =	stream.indirect.gather [hbm4b:s2+s26], $0x80, s28, s26, $0xb8;
	[tilespmem:$0x18280] =	vst v63  }
0xcc: {  	_ = 	snop  }
0xcd: {  	[tilespmem:s5], [sflag:$0x1] =	stream.indirect.gather [hbm4b:s2+s26], $0x80, s29, s26, $0xb8;
	[tilespmem:$0x18280] =	vst v63  }
0xce: {  	_ = 	snop  }
0xcf: {  	[tilespmem:s6], [sflag:$0x1] =	stream.indirect.gather [hbm4b:s2+s26], $0x80, s30, s26, $0xb8;
	[tilespmem:$0x18280] =	vst v63  }
0xd0: {  	_ =	swait.ge [sflag:s7], $0x4000  }
0xd1: {  	[sflag:s7] =	ssyncset.done $0x0  }
0xd2: {  	[sflag:s7] =	ssyncadd.s32 $0xFFFFC000  }
0xd3: {  	_ =	swait.ge [sflag:s7], $0x4000  }
0xd4: {  	[sflag:s7] =	ssyncset.done $0x0  }
0xd5: {  	[sflag:s7] =	ssyncadd.s32 $0xFFFFC000  }
0xd6: {  	_ =	swait.ge [sflag:s7], $0x4000  }
0xd7: {  	[sflag:s7] =	ssyncset.done $0x0  }
0xd8: {  	[sflag:s7] =	ssyncadd.s32 $0xFFFFC000  }
0xd9: {  	_ =	swait.ge [sflag:s7], $0x4000  }
0xda: {  	[sflag:s7] =	ssyncset.done $0x0  }
0xdb: {  	[sflag:s7] =	ssyncadd.s32 $0xFFFFC000  }
0xdc: {  	_ =	swait.ge [sflag:s7], $0x4000  }
0xdd: {  	[sflag:s7] =	ssyncset.done $0x0  }
0xde: {  	s10 =	simm.s32 $0x3A0;
	[sflag:s7] =	ssyncadd.s32 $0xFFFFC000  }
0xdf: {  	v0 =	vld [tilespmem:s10+$0xFFFFFEE0]  }
0xe0: {  	v1 =	vld [tilespmem:s10+$0x60]  }
0xe1: {  	v2 =	vld [tilespmem:s10+$0xFFFFFFE0]  }
0xe2: {  	v3 =	vld [tilespmem:s10+$0xFFFFFF60];
	_ =	sdelay $0x3  }
0xe3: {  	v4 =	vld [tilespmem:s10+$0xE0]  }
0xe4: {  	v1 =	vadd.f32 v1, v2;
	v0 =	vadd.f32 v3, v0;
	_ =	sdelay $0x1  }
0xe5: {  	v0 =	vadd.f32 v1, v0;
	_ =	sdelay $0x1  }
0xe6: {  	v0 =	vadd.f32 v0, v4  }
0xe7: {  	s11 =	simm.s32 $0x0  }
0xe8: {  	[tilespmem:s11+$0x14280] =	vst v0  }
0xe9: {  	v0 =	vld [tilespmem:s10+$0x70]  }
0xea: {  	v1 =	vld [tilespmem:s10+$0xFFFFFF70]  }
0xeb: {  	v2 =	vld [tilespmem:s10+$0xFFFFFFF0]  }
0xec: {  	v3 =	vld [tilespmem:s10+$0xFFFFFEF0];
	_ =	sdelay $0x3  }
0xed: {  	v4 =	vld [tilespmem:s10+$0xF0]  }
0xee: {  	v0 =	vadd.f32 v0, v2;
	v1 =	vadd.f32 v1, v3;
	_ =	sdelay $0x1  }
0xef: {  	v0 =	vadd.f32 v0, v1;
	_ =	sdelay $0x1  }
0xf0: {  	v0 =	vadd.f32 v0, v4;
	_ =	sdelay $0x1  }
0xf1: {  	[tilespmem:s11+$0x14290] =	vst v0  }
0xf2: {  	v0 =	vld [tilespmem:s10+$0xFFFFFF00]  }
0xf3: {  	v1 =	vld [tilespmem:s10+$0xFFFFFF80]  }
0xf4: {  	v2 =	vld [tilespmem:s10+$0x80]  }
0xf5: {  	v3 =	vld [tilespmem:s10+$0x0];
	_ =	sdelay $0x3  }
0xf6: {  	v4 =	vld [tilespmem:s10+$0x100]  }
0xf7: {  	v0 =	vadd.f32 v1, v0;
	v1 =	vadd.f32 v2, v3;
	_ =	sdelay $0x1  }
0xf8: {  	v0 =	vadd.f32 v1, v0;
	_ =	sdelay $0x1  }
0xf9: {  	v0 =	vadd.f32 v0, v4;
	_ =	sdelay $0x1  }
0xfa: {  	[tilespmem:s11+$0x142A0] =	vst v0  }
0xfb: {  	v0 =	vld [tilespmem:s10+$0xFFFFFF10]  }
0xfc: {  	v1 =	vld [tilespmem:s10+$0x90]  }
0xfd: {  	v3 =	vld [tilespmem:s10+$0xFFFFFF90]  }
0xfe: {  	v4 =	vld [tilespmem:s10+$0x10]  }
0xff: {  	s12 =	simm.s32 $0x200;
	v2 =	vld [tilespmem:s10+$0x110]  }
.LBB2_4:
0x100: {  	p0 =	sne.s32 s12, $0xFE00  }
0x101: {  	s10 =	sadd.s32 $0x280, s10;
	s13 =	smov.u32 s12;
	s12 =	sadd.s32 $0x200, s12  }
0x102: {  	_ = 	snop  }
0x103: {  	v0 =	vadd.f32 v3, v0  }
0x104: {  	v1 =	vadd.f32 v1, v4;
	_ =	sdelay $0x1  }
0x105: {  	v0 =	vadd.f32 v1, v0;
	_ =	sdelay $0x1  }
0x106: {  	v0 =	vadd.f32 v0, v2;
	_ =	sdelay $0x1  }
0x107: {  	[tilespmem:s11+$0x142B0] =	vst v0  }
0x108: {  	v0 =	vld [tilespmem:s10+$0xFFFFFEE0]  }
0x109: {  	v1 =	vld [tilespmem:s10+$0x60]  }
0x10a: {  	v2 =	vld [tilespmem:s10+$0xFFFFFFE0]  }
0x10b: {  	v3 =	vld [tilespmem:s10+$0xFFFFFF60];
	_ =	sdelay $0x3  }
0x10c: {  	v1 =	vadd.f32 v1, v2;
	v2 =	vld [tilespmem:s10+$0xE0]  }
0x10d: {  	v0 =	vadd.f32 v3, v0;
	_ =	sdelay $0x1  }
0x10e: {  	v0 =	vadd.f32 v1, v0;
	_ =	sdelay $0x1  }
0x10f: {  	v0 =	vadd.f32 v0, v2  }
0x110: {  	s11 =	sshra.s32 s13, $0x2  }
0x111: {  	[tilespmem:s11+$0x14280] =	vst v0  }
0x112: {  	v0 =	vld [tilespmem:s10+$0x70]  }
0x113: {  	v1 =	vld [tilespmem:s10+$0xFFFFFF70]  }
0x114: {  	v2 =	vld [tilespmem:s10+$0xFFFFFFF0]  }
0x115: {  	v3 =	vld [tilespmem:s10+$0xFFFFFEF0];
	_ =	sdelay $0x3  }
0x116: {  	v0 =	vadd.f32 v0, v2;
	v2 =	vld [tilespmem:s10+$0xF0]  }
0x117: {  	v1 =	vadd.f32 v1, v3;
	_ =	sdelay $0x1  }
0x118: {  	v0 =	vadd.f32 v0, v1;
	_ =	sdelay $0x1  }
0x119: {  	v0 =	vadd.f32 v0, v2;
	_ =	sdelay $0x1  }
0x11a: {  	[tilespmem:s11+$0x14290] =	vst v0  }
0x11b: {  	v0 =	vld [tilespmem:s10+$0xFFFFFF00]  }
0x11c: {  	v1 =	vld [tilespmem:s10+$0xFFFFFF80]  }
0x11d: {  	v2 =	vld [tilespmem:s10+$0x80]  }
0x11e: {  	v3 =	vld [tilespmem:s10+$0x0];
	_ =	sdelay $0x2  }
0x11f: {  	v0 =	vadd.f32 v1, v0  }
0x120: {  	v1 =	vld [tilespmem:s10+$0x100]  }
0x121: {  	v2 =	vadd.f32 v2, v3;
	_ =	sdelay $0x1  }
0x122: {  	v0 =	vadd.f32 v2, v0;
	_ =	sdelay $0x1  }
0x123: {  	v0 =	vadd.f32 v0, v1;
	_ =	sdelay $0x1  }
0x124: {  	[tilespmem:s11+$0x142A0] =	vst v0  }
.Ltmp1:
0x125: {  	v0 =	vld [tilespmem:s10+$0xFFFFFF10];
	(pc) =	sbr.rel @p0 .LBB2_4-.Ltmp1, $4  }
0x126: {  	v1 =	vld [tilespmem:s10+$0x90]  }
0x127: {  	v3 =	vld [tilespmem:s10+$0xFFFFFF90]  }
0x128: {  	v4 =	vld [tilespmem:s10+$0x10]  }
0x129: {  	v2 =	vld [tilespmem:s10+$0x110]  }
0x12a: {  	_ =	sdelay $0x2  }
0x12b: {  	v0 =	vadd.f32 v3, v0;
	v1 =	vadd.f32 v1, v4;
	_ =	sdelay $0x1  }
0x12c: {  	v0 =	vadd.f32 v1, v0;
	_ =	sdelay $0x1  }
0x12d: {  	s12 =	sld [smem:$0x7FA];
	v0 =	vadd.f32 v0, v2;
	_ =	sdelay $0x1  }
0x12e: {  	s10 =	simm.s32 $0x0;
	[tilespmem:s11+$0x142B0] =	vst v0  }
0x12f: {  	[hbm4b:s12+s10] =	stream.linear.scatter [tilespmem:s8], [sflag:$0x2], $0x4000, $0x38;
	[tilespmem:$0x18280] =	vst v63  }
0x130: {  	_ =	swait.ge [sflag:s25], $0x4000  }
0x131: {  	[sflag:s25] =	ssyncset.done $0x0  }
0x132: {  	s13 =	rddreg [dreg:$0x5];
	[sflag:s25] =	ssyncadd.s32 $0xFFFFC000  }
0x133: {  	[tilespmem:s10], [sflag:$0x2] =	stream.linear.gather [hbm4b:s13+s10], $0x80, $0x38;
	[tilespmem:$0x18280] =	vst v63  }
0x134: {  	_ =	swait.ge [sflag:s25], $0x80  }
0x135: {  	[sflag:s25] =	ssyncset.done $0x0  }
0x136: {  	s12 =	rddreg [dreg:$0x6];
	[sflag:s25] =	ssyncadd.s32 $0xFFFFFF80  }
0x137: {  	[tilespmem:s26], [sflag:$0x2] =	stream.linear.gather [hbm4b:s12+s10], $0x80, $0x38;
	[tilespmem:$0x18280] =	vst v63  }
0x138: {  	_ =	swait.ge [sflag:s25], $0x80  }
0x139: {  	[sflag:s25] =	ssyncset.done $0x0  }
0x13a: {  	s13 =	rddreg [dreg:$0x7];
	[sflag:s25] =	ssyncadd.s32 $0xFFFFFF80  }
0x13b: {  	[tilespmem:s28], [sflag:$0x2] =	stream.linear.gather [hbm4b:s13+s10], $0x80, $0x38;
	[tilespmem:$0x18280] =	vst v63  }
0x13c: {  	_ =	swait.ge [sflag:s25], $0x80  }
0x13d: {  	[sflag:s25] =	ssyncset.done $0x0  }
0x13e: {  	s12 =	rddreg [dreg:$0x8];
	[sflag:s25] =	ssyncadd.s32 $0xFFFFFF80  }
0x13f: {  	[tilespmem:s29], [sflag:$0x2] =	stream.linear.gather [hbm4b:s12+s10], $0x80, $0x38;
	[tilespmem:$0x18280] =	vst v63  }
0x140: {  	_ =	swait.ge [sflag:s25], $0x80  }
0x141: {  	[sflag:s25] =	ssyncset.done $0x0  }
0x142: {  	s13 =	rddreg [dreg:$0x9];
	[sflag:s25] =	ssyncadd.s32 $0xFFFFFF80  }
0x143: {  	[tilespmem:s30], [sflag:$0x2] =	stream.linear.gather [hbm4b:s13+s10], $0x80, $0x38;
	[tilespmem:$0x18280] =	vst v63  }
0x144: {  	_ =	swait.ge [sflag:s25], $0x80  }
0x145: {  	[sflag:s25] =	ssyncset.done $0x0  }
0x146: {  	[sflag:s25] =	ssyncadd.s32 $0xFFFFFF80  }
0x147: {  	[tilespmem:s31], [sflag:$0x1] =	stream.indirect.gather [hbm4b:s2+s26], $0x80, s10, s26, $0xb8;
	[tilespmem:$0x18280] =	vst v63  }
0x148: {  	_ = 	snop  }
0x149: {  	[tilespmem:s1], [sflag:$0x1] =	stream.indirect.gather [hbm4b:s2+s26], $0x80, s26, s26, $0xb8;
	[tilespmem:$0x18280] =	vst v63  }
0x14a: {  	_ = 	snop  }
0x14b: {  	[tilespmem:s0], [sflag:$0x1] =	stream.indirect.gather [hbm4b:s2+s26], $0x80, s28, s26, $0xb8;
	[tilespmem:$0x18280] =	vst v63  }
0x14c: {  	_ = 	snop  }
0x14d: {  	[tilespmem:s5], [sflag:$0x1] =	stream.indirect.gather [hbm4b:s2+s26], $0x80, s29, s26, $0xb8;
	[tilespmem:$0x18280] =	vst v63  }
0x14e: {  	_ = 	snop  }
0x14f: {  	[tilespmem:s6], [sflag:$0x1] =	stream.indirect.gather [hbm4b:s2+s26], $0x80, s30, s26, $0xb8;
	[tilespmem:$0x18280] =	vst v63  }
0x150: {  	_ =	swait.ge [sflag:s7], $0x4000  }
0x151: {  	[sflag:s7] =	ssyncset.done $0x0  }
0x152: {  	[sflag:s7] =	ssyncadd.s32 $0xFFFFC000  }
0x153: {  	_ =	swait.ge [sflag:s7], $0x4000  }
0x154: {  	[sflag:s7] =	ssyncset.done $0x0  }
0x155: {  	[sflag:s7] =	ssyncadd.s32 $0xFFFFC000  }
0x156: {  	_ =	swait.ge [sflag:s7], $0x4000  }
0x157: {  	[sflag:s7] =	ssyncset.done $0x0  }
0x158: {  	[sflag:s7] =	ssyncadd.s32 $0xFFFFC000  }
0x159: {  	_ =	swait.ge [sflag:s7], $0x4000  }
0x15a: {  	[sflag:s7] =	ssyncset.done $0x0  }
0x15b: {  	[sflag:s7] =	ssyncadd.s32 $0xFFFFC000  }
0x15c: {  	_ =	swait.ge [sflag:s7], $0x4000  }
0x15d: {  	[sflag:s7] =	ssyncset.done $0x0  }
0x15e: {  	s10 =	simm.s32 $0x3A0;
	[sflag:s7] =	ssyncadd.s32 $0xFFFFC000  }
0x15f: {  	v0 =	vld [tilespmem:s10+$0xFFFFFEE0]  }
0x160: {  	v1 =	vld [tilespmem:s10+$0x60]  }
0x161: {  	v2 =	vld [tilespmem:s10+$0xFFFFFFE0]  }
0x162: {  	v3 =	vld [tilespmem:s10+$0xFFFFFF60];
	_ =	sdelay $0x3  }
0x163: {  	v4 =	vld [tilespmem:s10+$0xE0]  }
0x164: {  	v1 =	vadd.f32 v1, v2;
	v0 =	vadd.f32 v3, v0;
	_ =	sdelay $0x1  }
0x165: {  	v0 =	vadd.f32 v1, v0;
	_ =	sdelay $0x1  }
0x166: {  	v0 =	vadd.f32 v0, v4  }
0x167: {  	s11 =	simm.s32 $0x0  }
0x168: {  	[tilespmem:s11+$0x14280] =	vst v0  }
0x169: {  	v0 =	vld [tilespmem:s10+$0x70]  }
0x16a: {  	v1 =	vld [tilespmem:s10+$0xFFFFFF70]  }
0x16b: {  	v2 =	vld [tilespmem:s10+$0xFFFFFFF0]  }
0x16c: {  	v3 =	vld [tilespmem:s10+$0xFFFFFEF0];
	_ =	sdelay $0x3  }
0x16d: {  	v4 =	vld [tilespmem:s10+$0xF0]  }
0x16e: {  	v0 =	vadd.f32 v0, v2;
	v1 =	vadd.f32 v1, v3;
	_ =	sdelay $0x1  }
0x16f: {  	v0 =	vadd.f32 v0, v1;
	_ =	sdelay $0x1  }
0x170: {  	v0 =	vadd.f32 v0, v4;
	_ =	sdelay $0x1  }
0x171: {  	[tilespmem:s11+$0x14290] =	vst v0  }
0x172: {  	v0 =	vld [tilespmem:s10+$0xFFFFFF00]  }
0x173: {  	v1 =	vld [tilespmem:s10+$0xFFFFFF80]  }
0x174: {  	v2 =	vld [tilespmem:s10+$0x80]  }
0x175: {  	v3 =	vld [tilespmem:s10+$0x0];
	_ =	sdelay $0x3  }
0x176: {  	v4 =	vld [tilespmem:s10+$0x100]  }
0x177: {  	v0 =	vadd.f32 v1, v0;
	v1 =	vadd.f32 v2, v3;
	_ =	sdelay $0x1  }
0x178: {  	v0 =	vadd.f32 v1, v0;
	_ =	sdelay $0x1  }
0x179: {  	v0 =	vadd.f32 v0, v4;
	_ =	sdelay $0x1  }
0x17a: {  	[tilespmem:s11+$0x142A0] =	vst v0  }
0x17b: {  	v0 =	vld [tilespmem:s10+$0xFFFFFF10]  }
0x17c: {  	v1 =	vld [tilespmem:s10+$0x90]  }
0x17d: {  	v3 =	vld [tilespmem:s10+$0xFFFFFF90]  }
0x17e: {  	v4 =	vld [tilespmem:s10+$0x10]  }
0x17f: {  	s12 =	simm.s32 $0x200;
	v2 =	vld [tilespmem:s10+$0x110]  }
.LBB2_6:
0x180: {  	p0 =	sne.s32 s12, $0xFE00  }
0x181: {  	s10 =	sadd.s32 $0x280, s10;
	s13 =	smov.u32 s12;
	s12 =	sadd.s32 $0x200, s12  }
0x182: {  	_ = 	snop  }
0x183: {  	v0 =	vadd.f32 v3, v0  }
0x184: {  	v1 =	vadd.f32 v1, v4;
	_ =	sdelay $0x1  }
0x185: {  	v0 =	vadd.f32 v1, v0;
	_ =	sdelay $0x1  }
0x186: {  	v0 =	vadd.f32 v0, v2;
	_ =	sdelay $0x1  }
0x187: {  	[tilespmem:s11+$0x142B0] =	vst v0  }
0x188: {  	v0 =	vld [tilespmem:s10+$0xFFFFFEE0]  }
0x189: {  	v1 =	vld [tilespmem:s10+$0x60]  }
0x18a: {  	v2 =	vld [tilespmem:s10+$0xFFFFFFE0]  }
0x18b: {  	v3 =	vld [tilespmem:s10+$0xFFFFFF60];
	_ =	sdelay $0x3  }
0x18c: {  	v1 =	vadd.f32 v1, v2;
	v2 =	vld [tilespmem:s10+$0xE0]  }
0x18d: {  	v0 =	vadd.f32 v3, v0;
	_ =	sdelay $0x1  }
0x18e: {  	v0 =	vadd.f32 v1, v0;
	_ =	sdelay $0x1  }
0x18f: {  	v0 =	vadd.f32 v0, v2  }
0x190: {  	s11 =	sshra.s32 s13, $0x2  }
0x191: {  	[tilespmem:s11+$0x14280] =	vst v0  }
0x192: {  	v0 =	vld [tilespmem:s10+$0x70]  }
0x193: {  	v1 =	vld [tilespmem:s10+$0xFFFFFF70]  }
0x194: {  	v2 =	vld [tilespmem:s10+$0xFFFFFFF0]  }
0x195: {  	v3 =	vld [tilespmem:s10+$0xFFFFFEF0];
	_ =	sdelay $0x3  }
0x196: {  	v0 =	vadd.f32 v0, v2;
	v2 =	vld [tilespmem:s10+$0xF0]  }
0x197: {  	v1 =	vadd.f32 v1, v3;
	_ =	sdelay $0x1  }
0x198: {  	v0 =	vadd.f32 v0, v1;
	_ =	sdelay $0x1  }
0x199: {  	v0 =	vadd.f32 v0, v2;
	_ =	sdelay $0x1  }
0x19a: {  	[tilespmem:s11+$0x14290] =	vst v0  }
0x19b: {  	v0 =	vld [tilespmem:s10+$0xFFFFFF00]  }
0x19c: {  	v1 =	vld [tilespmem:s10+$0xFFFFFF80]  }
0x19d: {  	v2 =	vld [tilespmem:s10+$0x80]  }
0x19e: {  	v3 =	vld [tilespmem:s10+$0x0];
	_ =	sdelay $0x2  }
0x19f: {  	v0 =	vadd.f32 v1, v0  }
0x1a0: {  	v1 =	vld [tilespmem:s10+$0x100]  }
0x1a1: {  	v2 =	vadd.f32 v2, v3;
	_ =	sdelay $0x1  }
0x1a2: {  	v0 =	vadd.f32 v2, v0;
	_ =	sdelay $0x1  }
0x1a3: {  	v0 =	vadd.f32 v0, v1;
	_ =	sdelay $0x1  }
0x1a4: {  	[tilespmem:s11+$0x142A0] =	vst v0  }
.Ltmp2:
0x1a5: {  	v0 =	vld [tilespmem:s10+$0xFFFFFF10];
	(pc) =	sbr.rel @p0 .LBB2_6-.Ltmp2, $4  }
0x1a6: {  	v1 =	vld [tilespmem:s10+$0x90]  }
0x1a7: {  	v3 =	vld [tilespmem:s10+$0xFFFFFF90]  }
0x1a8: {  	v4 =	vld [tilespmem:s10+$0x10]  }
0x1a9: {  	v2 =	vld [tilespmem:s10+$0x110]  }
0x1aa: {  	_ =	sdelay $0x2  }
0x1ab: {  	v0 =	vadd.f32 v3, v0;
	v1 =	vadd.f32 v1, v4;
	_ =	sdelay $0x1  }
0x1ac: {  	v0 =	vadd.f32 v1, v0;
	_ =	sdelay $0x1  }
0x1ad: {  	s12 =	sld [smem:$0x7FB];
	v0 =	vadd.f32 v0, v2;
	_ =	sdelay $0x1  }
0x1ae: {  	s10 =	simm.s32 $0x0;
	[tilespmem:s11+$0x142B0] =	vst v0  }
0x1af: {  	[hbm4b:s12+s10] =	stream.linear.scatter [tilespmem:s8], [sflag:$0x2], $0x4000, $0x38;
	[tilespmem:$0x18280] =	vst v63  }
0x1b0: {  	_ =	swait.ge [sflag:s25], $0x4000  }
0x1b1: {  	[sflag:s25] =	ssyncset.done $0x0  }
0x1b2: {  	s13 =	rddreg [dreg:$0xa];
	[sflag:s25] =	ssyncadd.s32 $0xFFFFC000  }
0x1b3: {  	[tilespmem:s10], [sflag:$0x2] =	stream.linear.gather [hbm4b:s13+s10], $0x80, $0x38;
	[tilespmem:$0x18280] =	vst v63  }
0x1b4: {  	_ =	swait.ge [sflag:s25], $0x80  }
0x1b5: {  	[sflag:s25] =	ssyncset.done $0x0  }
0x1b6: {  	s12 =	rddreg [dreg:$0xb];
	[sflag:s25] =	ssyncadd.s32 $0xFFFFFF80  }
0x1b7: {  	[tilespmem:s26], [sflag:$0x2] =	stream.linear.gather [hbm4b:s12+s10], $0x80, $0x38;
	[tilespmem:$0x18280] =	vst v63  }
0x1b8: {  	_ =	swait.ge [sflag:s25], $0x80  }
0x1b9: {  	[sflag:s25] =	ssyncset.done $0x0  }
0x1ba: {  	s13 =	rddreg [dreg:$0xc];
	[sflag:s25] =	ssyncadd.s32 $0xFFFFFF80  }
0x1bb: {  	[tilespmem:s28], [sflag:$0x2] =	stream.linear.gather [hbm4b:s13+s10], $0x80, $0x38;
	[tilespmem:$0x18280] =	vst v63  }
0x1bc: {  	_ =	swait.ge [sflag:s25], $0x80  }
0x1bd: {  	[sflag:s25] =	ssyncset.done $0x0  }
0x1be: {  	s12 =	rddreg [dreg:$0xd];
	[sflag:s25] =	ssyncadd.s32 $0xFFFFFF80  }
0x1bf: {  	[tilespmem:s29], [sflag:$0x2] =	stream.linear.gather [hbm4b:s12+s10], $0x80, $0x38;
	[tilespmem:$0x18280] =	vst v63  }
0x1c0: {  	_ =	swait.ge [sflag:s25], $0x80  }
0x1c1: {  	[sflag:s25] =	ssyncset.done $0x0  }
0x1c2: {  	s13 =	rddreg [dreg:$0xe];
	[sflag:s25] =	ssyncadd.s32 $0xFFFFFF80  }
0x1c3: {  	[tilespmem:s30], [sflag:$0x2] =	stream.linear.gather [hbm4b:s13+s10], $0x80, $0x38;
	[tilespmem:$0x18280] =	vst v63  }
0x1c4: {  	_ =	swait.ge [sflag:s25], $0x80  }
0x1c5: {  	[sflag:s25] =	ssyncset.done $0x0  }
0x1c6: {  	[sflag:s25] =	ssyncadd.s32 $0xFFFFFF80  }
0x1c7: {  	[tilespmem:s31], [sflag:$0x1] =	stream.indirect.gather [hbm4b:s2+s26], $0x80, s10, s26, $0xb8;
	[tilespmem:$0x18280] =	vst v63  }
0x1c8: {  	_ = 	snop  }
0x1c9: {  	[tilespmem:s1], [sflag:$0x1] =	stream.indirect.gather [hbm4b:s2+s26], $0x80, s26, s26, $0xb8;
	[tilespmem:$0x18280] =	vst v63  }
0x1ca: {  	_ = 	snop  }
0x1cb: {  	[tilespmem:s0], [sflag:$0x1] =	stream.indirect.gather [hbm4b:s2+s26], $0x80, s28, s26, $0xb8;
	[tilespmem:$0x18280] =	vst v63  }
0x1cc: {  	_ = 	snop  }
0x1cd: {  	[tilespmem:s5], [sflag:$0x1] =	stream.indirect.gather [hbm4b:s2+s26], $0x80, s29, s26, $0xb8;
	[tilespmem:$0x18280] =	vst v63  }
0x1ce: {  	_ = 	snop  }
0x1cf: {  	[tilespmem:s6], [sflag:$0x1] =	stream.indirect.gather [hbm4b:s2+s26], $0x80, s30, s26, $0xb8;
	[tilespmem:$0x18280] =	vst v63  }
0x1d0: {  	_ =	swait.ge [sflag:s7], $0x4000  }
0x1d1: {  	[sflag:s7] =	ssyncset.done $0x0  }
0x1d2: {  	[sflag:s7] =	ssyncadd.s32 $0xFFFFC000  }
0x1d3: {  	_ =	swait.ge [sflag:s7], $0x4000  }
0x1d4: {  	[sflag:s7] =	ssyncset.done $0x0  }
0x1d5: {  	[sflag:s7] =	ssyncadd.s32 $0xFFFFC000  }
0x1d6: {  	_ =	swait.ge [sflag:s7], $0x4000  }
0x1d7: {  	[sflag:s7] =	ssyncset.done $0x0  }
0x1d8: {  	[sflag:s7] =	ssyncadd.s32 $0xFFFFC000  }
0x1d9: {  	_ =	swait.ge [sflag:s7], $0x4000  }
0x1da: {  	[sflag:s7] =	ssyncset.done $0x0  }
0x1db: {  	[sflag:s7] =	ssyncadd.s32 $0xFFFFC000  }
0x1dc: {  	_ =	swait.ge [sflag:s7], $0x4000  }
0x1dd: {  	[sflag:s7] =	ssyncset.done $0x0  }
0x1de: {  	s10 =	simm.s32 $0x3A0;
	[sflag:s7] =	ssyncadd.s32 $0xFFFFC000  }
0x1df: {  	v0 =	vld [tilespmem:s10+$0xFFFFFEE0]  }
0x1e0: {  	v1 =	vld [tilespmem:s10+$0x60]  }
0x1e1: {  	v2 =	vld [tilespmem:s10+$0xFFFFFFE0]  }
0x1e2: {  	v3 =	vld [tilespmem:s10+$0xFFFFFF60];
	_ =	sdelay $0x3  }
0x1e3: {  	v4 =	vld [tilespmem:s10+$0xE0]  }
0x1e4: {  	v1 =	vadd.f32 v1, v2;
	v0 =	vadd.f32 v3, v0;
	_ =	sdelay $0x1  }
0x1e5: {  	v0 =	vadd.f32 v1, v0;
	_ =	sdelay $0x1  }
0x1e6: {  	v0 =	vadd.f32 v0, v4  }
0x1e7: {  	s11 =	simm.s32 $0x0  }
0x1e8: {  	[tilespmem:s11+$0x14280] =	vst v0  }
0x1e9: {  	v0 =	vld [tilespmem:s10+$0x70]  }
0x1ea: {  	v1 =	vld [tilespmem:s10+$0xFFFFFF70]  }
0x1eb: {  	v2 =	vld [tilespmem:s10+$0xFFFFFFF0]  }
0x1ec: {  	v3 =	vld [tilespmem:s10+$0xFFFFFEF0];
	_ =	sdelay $0x3  }
0x1ed: {  	v4 =	vld [tilespmem:s10+$0xF0]  }
0x1ee: {  	v0 =	vadd.f32 v0, v2;
	v1 =	vadd.f32 v1, v3;
	_ =	sdelay $0x1  }
0x1ef: {  	v0 =	vadd.f32 v0, v1;
	_ =	sdelay $0x1  }
0x1f0: {  	v0 =	vadd.f32 v0, v4;
	_ =	sdelay $0x1  }
0x1f1: {  	[tilespmem:s11+$0x14290] =	vst v0  }
0x1f2: {  	v0 =	vld [tilespmem:s10+$0xFFFFFF00]  }
0x1f3: {  	v1 =	vld [tilespmem:s10+$0xFFFFFF80]  }
0x1f4: {  	v2 =	vld [tilespmem:s10+$0x80]  }
0x1f5: {  	v3 =	vld [tilespmem:s10+$0x0];
	_ =	sdelay $0x3  }
0x1f6: {  	v4 =	vld [tilespmem:s10+$0x100]  }
0x1f7: {  	v0 =	vadd.f32 v1, v0;
	v1 =	vadd.f32 v2, v3;
	_ =	sdelay $0x1  }
0x1f8: {  	v0 =	vadd.f32 v1, v0;
	_ =	sdelay $0x1  }
0x1f9: {  	v0 =	vadd.f32 v0, v4;
	_ =	sdelay $0x1  }
0x1fa: {  	[tilespmem:s11+$0x142A0] =	vst v0  }
0x1fb: {  	v0 =	vld [tilespmem:s10+$0xFFFFFF10]  }
0x1fc: {  	v1 =	vld [tilespmem:s10+$0x90]  }
0x1fd: {  	v3 =	vld [tilespmem:s10+$0xFFFFFF90]  }
0x1fe: {  	v4 =	vld [tilespmem:s10+$0x10]  }
0x1ff: {  	s12 =	simm.s32 $0x200;
	v2 =	vld [tilespmem:s10+$0x110]  }
.LBB2_8:
0x200: {  	p0 =	sne.s32 s12, $0xFE00  }
0x201: {  	s10 =	sadd.s32 $0x280, s10;
	s13 =	smov.u32 s12;
	s12 =	sadd.s32 $0x200, s12  }
0x202: {  	_ = 	snop  }
0x203: {  	v0 =	vadd.f32 v3, v0  }
0x204: {  	v1 =	vadd.f32 v1, v4;
	_ =	sdelay $0x1  }
0x205: {  	v0 =	vadd.f32 v1, v0;
	_ =	sdelay $0x1  }
0x206: {  	v0 =	vadd.f32 v0, v2;
	_ =	sdelay $0x1  }
0x207: {  	[tilespmem:s11+$0x142B0] =	vst v0  }
0x208: {  	v0 =	vld [tilespmem:s10+$0xFFFFFEE0]  }
0x209: {  	v1 =	vld [tilespmem:s10+$0x60]  }
0x20a: {  	v2 =	vld [tilespmem:s10+$0xFFFFFFE0]  }
0x20b: {  	v3 =	vld [tilespmem:s10+$0xFFFFFF60];
	_ =	sdelay $0x3  }
0x20c: {  	v1 =	vadd.f32 v1, v2;
	v2 =	vld [tilespmem:s10+$0xE0]  }
0x20d: {  	v0 =	vadd.f32 v3, v0;
	_ =	sdelay $0x1  }
0x20e: {  	v0 =	vadd.f32 v1, v0;
	_ =	sdelay $0x1  }
0x20f: {  	v0 =	vadd.f32 v0, v2  }
0x210: {  	s11 =	sshra.s32 s13, $0x2  }
0x211: {  	[tilespmem:s11+$0x14280] =	vst v0  }
0x212: {  	v0 =	vld [tilespmem:s10+$0x70]  }
0x213: {  	v1 =	vld [tilespmem:s10+$0xFFFFFF70]  }
0x214: {  	v2 =	vld [tilespmem:s10+$0xFFFFFFF0]  }
0x215: {  	v3 =	vld [tilespmem:s10+$0xFFFFFEF0];
	_ =	sdelay $0x3  }
0x216: {  	v0 =	vadd.f32 v0, v2;
	v2 =	vld [tilespmem:s10+$0xF0]  }
0x217: {  	v1 =	vadd.f32 v1, v3;
	_ =	sdelay $0x1  }
0x218: {  	v0 =	vadd.f32 v0, v1;
	_ =	sdelay $0x1  }
0x219: {  	v0 =	vadd.f32 v0, v2;
	_ =	sdelay $0x1  }
0x21a: {  	[tilespmem:s11+$0x14290] =	vst v0  }
0x21b: {  	v0 =	vld [tilespmem:s10+$0xFFFFFF00]  }
0x21c: {  	v1 =	vld [tilespmem:s10+$0xFFFFFF80]  }
0x21d: {  	v2 =	vld [tilespmem:s10+$0x80]  }
0x21e: {  	v3 =	vld [tilespmem:s10+$0x0];
	_ =	sdelay $0x2  }
0x21f: {  	v0 =	vadd.f32 v1, v0  }
0x220: {  	v1 =	vld [tilespmem:s10+$0x100]  }
0x221: {  	v2 =	vadd.f32 v2, v3;
	_ =	sdelay $0x1  }
0x222: {  	v0 =	vadd.f32 v2, v0;
	_ =	sdelay $0x1  }
0x223: {  	v0 =	vadd.f32 v0, v1;
	_ =	sdelay $0x1  }
0x224: {  	[tilespmem:s11+$0x142A0] =	vst v0  }
.Ltmp3:
0x225: {  	v0 =	vld [tilespmem:s10+$0xFFFFFF10];
	(pc) =	sbr.rel @p0 .LBB2_8-.Ltmp3, $4  }
0x226: {  	v1 =	vld [tilespmem:s10+$0x90]  }
0x227: {  	v3 =	vld [tilespmem:s10+$0xFFFFFF90]  }
0x228: {  	v4 =	vld [tilespmem:s10+$0x10]  }
0x229: {  	v2 =	vld [tilespmem:s10+$0x110]  }
0x22a: {  	_ =	sdelay $0x2  }
0x22b: {  	v0 =	vadd.f32 v3, v0;
	v1 =	vadd.f32 v1, v4;
	_ =	sdelay $0x1  }
0x22c: {  	v0 =	vadd.f32 v1, v0;
	_ =	sdelay $0x1  }
0x22d: {  	s12 =	sld [smem:$0x7FC];
	v0 =	vadd.f32 v0, v2;
	_ =	sdelay $0x1  }
0x22e: {  	s10 =	simm.s32 $0x0;
	[tilespmem:s11+$0x142B0] =	vst v0  }
0x22f: {  	[hbm4b:s12+s10] =	stream.linear.scatter [tilespmem:s8], [sflag:$0x2], $0x4000, $0x38;
	[tilespmem:$0x18280] =	vst v63  }
0x230: {  	_ =	swait.ge [sflag:s25], $0x4000  }
0x231: {  	[sflag:s25] =	ssyncset.done $0x0  }
0x232: {  	s13 =	rddreg [dreg:$0xf];
	[sflag:s25] =	ssyncadd.s32 $0xFFFFC000  }
0x233: {  	[tilespmem:s10], [sflag:$0x2] =	stream.linear.gather [hbm4b:s13+s10], $0x80, $0x38;
	[tilespmem:$0x18280] =	vst v63  }
0x234: {  	_ =	swait.ge [sflag:s25], $0x80  }
0x235: {  	[sflag:s25] =	ssyncset.done $0x0  }
0x236: {  	s12 =	rddreg [dreg:$0x10];
	[sflag:s25] =	ssyncadd.s32 $0xFFFFFF80  }
0x237: {  	[tilespmem:s26], [sflag:$0x2] =	stream.linear.gather [hbm4b:s12+s10], $0x80, $0x38;
	[tilespmem:$0x18280] =	vst v63  }
0x238: {  	_ =	swait.ge [sflag:s25], $0x80  }
0x239: {  	[sflag:s25] =	ssyncset.done $0x0  }
0x23a: {  	s13 =	rddreg [dreg:$0x11];
	[sflag:s25] =	ssyncadd.s32 $0xFFFFFF80  }
0x23b: {  	[tilespmem:s28], [sflag:$0x2] =	stream.linear.gather [hbm4b:s13+s10], $0x80, $0x38;
	[tilespmem:$0x18280] =	vst v63  }
0x23c: {  	_ =	swait.ge [sflag:s25], $0x80  }
0x23d: {  	[sflag:s25] =	ssyncset.done $0x0  }
0x23e: {  	s12 =	rddreg [dreg:$0x12];
	[sflag:s25] =	ssyncadd.s32 $0xFFFFFF80  }
0x23f: {  	[tilespmem:s29], [sflag:$0x2] =	stream.linear.gather [hbm4b:s12+s10], $0x80, $0x38;
	[tilespmem:$0x18280] =	vst v63  }
0x240: {  	_ =	swait.ge [sflag:s25], $0x80  }
0x241: {  	[sflag:s25] =	ssyncset.done $0x0  }
0x242: {  	s13 =	rddreg [dreg:$0x13];
	[sflag:s25] =	ssyncadd.s32 $0xFFFFFF80  }
0x243: {  	[tilespmem:s30], [sflag:$0x2] =	stream.linear.gather [hbm4b:s13+s10], $0x80, $0x38;
	[tilespmem:$0x18280] =	vst v63  }
0x244: {  	_ =	swait.ge [sflag:s25], $0x80  }
0x245: {  	[sflag:s25] =	ssyncset.done $0x0  }
0x246: {  	[sflag:s25] =	ssyncadd.s32 $0xFFFFFF80  }
0x247: {  	[tilespmem:s31], [sflag:$0x1] =	stream.indirect.gather [hbm4b:s2+s26], $0x80, s10, s26, $0xb8;
	[tilespmem:$0x18280] =	vst v63  }
0x248: {  	_ = 	snop  }
0x249: {  	[tilespmem:s1], [sflag:$0x1] =	stream.indirect.gather [hbm4b:s2+s26], $0x80, s26, s26, $0xb8;
	[tilespmem:$0x18280] =	vst v63  }
0x24a: {  	_ = 	snop  }
0x24b: {  	[tilespmem:s0], [sflag:$0x1] =	stream.indirect.gather [hbm4b:s2+s26], $0x80, s28, s26, $0xb8;
	[tilespmem:$0x18280] =	vst v63  }
0x24c: {  	_ = 	snop  }
0x24d: {  	[tilespmem:s5], [sflag:$0x1] =	stream.indirect.gather [hbm4b:s2+s26], $0x80, s29, s26, $0xb8;
	[tilespmem:$0x18280] =	vst v63  }
0x24e: {  	_ = 	snop  }
0x24f: {  	[tilespmem:s6], [sflag:$0x1] =	stream.indirect.gather [hbm4b:s2+s26], $0x80, s30, s26, $0xb8;
	[tilespmem:$0x18280] =	vst v63  }
0x250: {  	_ =	swait.ge [sflag:s7], $0x4000  }
0x251: {  	[sflag:s7] =	ssyncset.done $0x0  }
0x252: {  	[sflag:s7] =	ssyncadd.s32 $0xFFFFC000  }
0x253: {  	_ =	swait.ge [sflag:s7], $0x4000  }
0x254: {  	[sflag:s7] =	ssyncset.done $0x0  }
0x255: {  	[sflag:s7] =	ssyncadd.s32 $0xFFFFC000  }
0x256: {  	_ =	swait.ge [sflag:s7], $0x4000  }
0x257: {  	[sflag:s7] =	ssyncset.done $0x0  }
0x258: {  	[sflag:s7] =	ssyncadd.s32 $0xFFFFC000  }
0x259: {  	_ =	swait.ge [sflag:s7], $0x4000  }
0x25a: {  	[sflag:s7] =	ssyncset.done $0x0  }
0x25b: {  	[sflag:s7] =	ssyncadd.s32 $0xFFFFC000  }
0x25c: {  	_ =	swait.ge [sflag:s7], $0x4000  }
0x25d: {  	[sflag:s7] =	ssyncset.done $0x0  }
0x25e: {  	s10 =	simm.s32 $0x3A0;
	[sflag:s7] =	ssyncadd.s32 $0xFFFFC000  }
0x25f: {  	v0 =	vld [tilespmem:s10+$0xFFFFFEE0]  }
0x260: {  	v1 =	vld [tilespmem:s10+$0x60]  }
0x261: {  	v2 =	vld [tilespmem:s10+$0xFFFFFFE0]  }
0x262: {  	v3 =	vld [tilespmem:s10+$0xFFFFFF60];
	_ =	sdelay $0x3  }
0x263: {  	v4 =	vld [tilespmem:s10+$0xE0]  }
0x264: {  	v1 =	vadd.f32 v1, v2;
	v0 =	vadd.f32 v3, v0;
	_ =	sdelay $0x1  }
0x265: {  	v0 =	vadd.f32 v1, v0;
	_ =	sdelay $0x1  }
0x266: {  	v0 =	vadd.f32 v0, v4  }
0x267: {  	s11 =	simm.s32 $0x0  }
0x268: {  	[tilespmem:s11+$0x14280] =	vst v0  }
0x269: {  	v0 =	vld [tilespmem:s10+$0x70]  }
0x26a: {  	v1 =	vld [tilespmem:s10+$0xFFFFFF70]  }
0x26b: {  	v2 =	vld [tilespmem:s10+$0xFFFFFFF0]  }
0x26c: {  	v3 =	vld [tilespmem:s10+$0xFFFFFEF0];
	_ =	sdelay $0x3  }
0x26d: {  	v4 =	vld [tilespmem:s10+$0xF0]  }
0x26e: {  	v0 =	vadd.f32 v0, v2;
	v1 =	vadd.f32 v1, v3;
	_ =	sdelay $0x1  }
0x26f: {  	v0 =	vadd.f32 v0, v1;
	_ =	sdelay $0x1  }
0x270: {  	v0 =	vadd.f32 v0, v4;
	_ =	sdelay $0x1  }
0x271: {  	[tilespmem:s11+$0x14290] =	vst v0  }
0x272: {  	v0 =	vld [tilespmem:s10+$0xFFFFFF00]  }
0x273: {  	v1 =	vld [tilespmem:s10+$0xFFFFFF80]  }
0x274: {  	v2 =	vld [tilespmem:s10+$0x80]  }
0x275: {  	v3 =	vld [tilespmem:s10+$0x0];
	_ =	sdelay $0x3  }
0x276: {  	v4 =	vld [tilespmem:s10+$0x100]  }
0x277: {  	v0 =	vadd.f32 v1, v0;
	v1 =	vadd.f32 v2, v3;
	_ =	sdelay $0x1  }
0x278: {  	v0 =	vadd.f32 v1, v0;
	_ =	sdelay $0x1  }
0x279: {  	v0 =	vadd.f32 v0, v4;
	_ =	sdelay $0x1  }
0x27a: {  	[tilespmem:s11+$0x142A0] =	vst v0  }
0x27b: {  	v0 =	vld [tilespmem:s10+$0xFFFFFF10]  }
0x27c: {  	v1 =	vld [tilespmem:s10+$0x90]  }
0x27d: {  	v3 =	vld [tilespmem:s10+$0xFFFFFF90]  }
0x27e: {  	v4 =	vld [tilespmem:s10+$0x10]  }
0x27f: {  	s12 =	simm.s32 $0x200;
	v2 =	vld [tilespmem:s10+$0x110]  }
.LBB2_10:
0x280: {  	p0 =	sne.s32 s12, $0xFE00  }
0x281: {  	s10 =	sadd.s32 $0x280, s10;
	s13 =	smov.u32 s12;
	s12 =	sadd.s32 $0x200, s12  }
0x282: {  	_ = 	snop  }
0x283: {  	v0 =	vadd.f32 v3, v0  }
0x284: {  	v1 =	vadd.f32 v1, v4;
	_ =	sdelay $0x1  }
0x285: {  	v0 =	vadd.f32 v1, v0;
	_ =	sdelay $0x1  }
0x286: {  	v0 =	vadd.f32 v0, v2;
	_ =	sdelay $0x1  }
0x287: {  	[tilespmem:s11+$0x142B0] =	vst v0  }
0x288: {  	v0 =	vld [tilespmem:s10+$0xFFFFFEE0]  }
0x289: {  	v1 =	vld [tilespmem:s10+$0x60]  }
0x28a: {  	v2 =	vld [tilespmem:s10+$0xFFFFFFE0]  }
0x28b: {  	v3 =	vld [tilespmem:s10+$0xFFFFFF60];
	_ =	sdelay $0x3  }
0x28c: {  	v1 =	vadd.f32 v1, v2;
	v2 =	vld [tilespmem:s10+$0xE0]  }
0x28d: {  	v0 =	vadd.f32 v3, v0;
	_ =	sdelay $0x1  }
0x28e: {  	v0 =	vadd.f32 v1, v0;
	_ =	sdelay $0x1  }
0x28f: {  	v0 =	vadd.f32 v0, v2  }
0x290: {  	s11 =	sshra.s32 s13, $0x2  }
0x291: {  	[tilespmem:s11+$0x14280] =	vst v0  }
0x292: {  	v0 =	vld [tilespmem:s10+$0x70]  }
0x293: {  	v1 =	vld [tilespmem:s10+$0xFFFFFF70]  }
0x294: {  	v2 =	vld [tilespmem:s10+$0xFFFFFFF0]  }
0x295: {  	v3 =	vld [tilespmem:s10+$0xFFFFFEF0];
	_ =	sdelay $0x3  }
0x296: {  	v0 =	vadd.f32 v0, v2;
	v2 =	vld [tilespmem:s10+$0xF0]  }
0x297: {  	v1 =	vadd.f32 v1, v3;
	_ =	sdelay $0x1  }
0x298: {  	v0 =	vadd.f32 v0, v1;
	_ =	sdelay $0x1  }
0x299: {  	v0 =	vadd.f32 v0, v2;
	_ =	sdelay $0x1  }
0x29a: {  	[tilespmem:s11+$0x14290] =	vst v0  }
0x29b: {  	v0 =	vld [tilespmem:s10+$0xFFFFFF00]  }
0x29c: {  	v1 =	vld [tilespmem:s10+$0xFFFFFF80]  }
0x29d: {  	v2 =	vld [tilespmem:s10+$0x80]  }
0x29e: {  	v3 =	vld [tilespmem:s10+$0x0];
	_ =	sdelay $0x2  }
0x29f: {  	v0 =	vadd.f32 v1, v0  }
0x2a0: {  	v1 =	vld [tilespmem:s10+$0x100]  }
0x2a1: {  	v2 =	vadd.f32 v2, v3;
	_ =	sdelay $0x1  }
0x2a2: {  	v0 =	vadd.f32 v2, v0;
	_ =	sdelay $0x1  }
0x2a3: {  	v0 =	vadd.f32 v0, v1;
	_ =	sdelay $0x1  }
0x2a4: {  	[tilespmem:s11+$0x142A0] =	vst v0  }
.Ltmp4:
0x2a5: {  	v0 =	vld [tilespmem:s10+$0xFFFFFF10];
	(pc) =	sbr.rel @p0 .LBB2_10-.Ltmp4, $4  }
0x2a6: {  	v1 =	vld [tilespmem:s10+$0x90]  }
0x2a7: {  	v3 =	vld [tilespmem:s10+$0xFFFFFF90]  }
0x2a8: {  	v4 =	vld [tilespmem:s10+$0x10]  }
0x2a9: {  	v2 =	vld [tilespmem:s10+$0x110]  }
0x2aa: {  	_ =	sdelay $0x2  }
0x2ab: {  	v0 =	vadd.f32 v3, v0;
	v1 =	vadd.f32 v1, v4;
	_ =	sdelay $0x1  }
0x2ac: {  	v0 =	vadd.f32 v1, v0;
	_ =	sdelay $0x1  }
0x2ad: {  	s12 =	sld [smem:$0x7FD];
	v0 =	vadd.f32 v0, v2;
	_ =	sdelay $0x1  }
0x2ae: {  	s10 =	simm.s32 $0x0;
	[tilespmem:s11+$0x142B0] =	vst v0  }
0x2af: {  	[hbm4b:s12+s10] =	stream.linear.scatter [tilespmem:s8], [sflag:$0x2], $0x4000, $0x38;
	[tilespmem:$0x18280] =	vst v63  }
0x2b0: {  	_ =	swait.ge [sflag:s25], $0x4000  }
0x2b1: {  	[sflag:s25] =	ssyncset.done $0x0  }
0x2b2: {  	s13 =	rddreg [dreg:$0x14];
	[sflag:s25] =	ssyncadd.s32 $0xFFFFC000  }
0x2b3: {  	[tilespmem:s10], [sflag:$0x2] =	stream.linear.gather [hbm4b:s13+s10], $0x80, $0x38;
	[tilespmem:$0x18280] =	vst v63  }
0x2b4: {  	_ =	swait.ge [sflag:s25], $0x80  }
0x2b5: {  	[sflag:s25] =	ssyncset.done $0x0  }
0x2b6: {  	s12 =	rddreg [dreg:$0x15];
	[sflag:s25] =	ssyncadd.s32 $0xFFFFFF80  }
0x2b7: {  	[tilespmem:s26], [sflag:$0x2] =	stream.linear.gather [hbm4b:s12+s10], $0x80, $0x38;
	[tilespmem:$0x18280] =	vst v63  }
0x2b8: {  	_ =	swait.ge [sflag:s25], $0x80  }
0x2b9: {  	[sflag:s25] =	ssyncset.done $0x0  }
0x2ba: {  	s13 =	rddreg [dreg:$0x16];
	[sflag:s25] =	ssyncadd.s32 $0xFFFFFF80  }
0x2bb: {  	[tilespmem:s28], [sflag:$0x2] =	stream.linear.gather [hbm4b:s13+s10], $0x80, $0x38;
	[tilespmem:$0x18280] =	vst v63  }
0x2bc: {  	_ =	swait.ge [sflag:s25], $0x80  }
0x2bd: {  	[sflag:s25] =	ssyncset.done $0x0  }
0x2be: {  	s12 =	rddreg [dreg:$0x17];
	[sflag:s25] =	ssyncadd.s32 $0xFFFFFF80  }
0x2bf: {  	[tilespmem:s29], [sflag:$0x2] =	stream.linear.gather [hbm4b:s12+s10], $0x80, $0x38;
	[tilespmem:$0x18280] =	vst v63  }
0x2c0: {  	_ =	swait.ge [sflag:s25], $0x80  }
0x2c1: {  	[sflag:s25] =	ssyncset.done $0x0  }
0x2c2: {  	s13 =	rddreg [dreg:$0x18];
	[sflag:s25] =	ssyncadd.s32 $0xFFFFFF80  }
0x2c3: {  	[tilespmem:s30], [sflag:$0x2] =	stream.linear.gather [hbm4b:s13+s10], $0x80, $0x38;
	[tilespmem:$0x18280] =	vst v63  }
0x2c4: {  	_ =	swait.ge [sflag:s25], $0x80  }
0x2c5: {  	[sflag:s25] =	ssyncset.done $0x0  }
0x2c6: {  	[sflag:s25] =	ssyncadd.s32 $0xFFFFFF80  }
0x2c7: {  	[tilespmem:s31], [sflag:$0x1] =	stream.indirect.gather [hbm4b:s2+s26], $0x80, s10, s26, $0xb8;
	[tilespmem:$0x18280] =	vst v63  }
0x2c8: {  	_ = 	snop  }
0x2c9: {  	[tilespmem:s1], [sflag:$0x1] =	stream.indirect.gather [hbm4b:s2+s26], $0x80, s26, s26, $0xb8;
	[tilespmem:$0x18280] =	vst v63  }
0x2ca: {  	_ = 	snop  }
0x2cb: {  	[tilespmem:s0], [sflag:$0x1] =	stream.indirect.gather [hbm4b:s2+s26], $0x80, s28, s26, $0xb8;
	[tilespmem:$0x18280] =	vst v63  }
0x2cc: {  	_ = 	snop  }
0x2cd: {  	[tilespmem:s5], [sflag:$0x1] =	stream.indirect.gather [hbm4b:s2+s26], $0x80, s29, s26, $0xb8;
	[tilespmem:$0x18280] =	vst v63  }
0x2ce: {  	_ = 	snop  }
0x2cf: {  	[tilespmem:s6], [sflag:$0x1] =	stream.indirect.gather [hbm4b:s2+s26], $0x80, s30, s26, $0xb8;
	[tilespmem:$0x18280] =	vst v63  }
0x2d0: {  	_ =	swait.ge [sflag:s7], $0x4000  }
0x2d1: {  	[sflag:s7] =	ssyncset.done $0x0  }
0x2d2: {  	[sflag:s7] =	ssyncadd.s32 $0xFFFFC000  }
0x2d3: {  	_ =	swait.ge [sflag:s7], $0x4000  }
0x2d4: {  	[sflag:s7] =	ssyncset.done $0x0  }
0x2d5: {  	[sflag:s7] =	ssyncadd.s32 $0xFFFFC000  }
0x2d6: {  	_ =	swait.ge [sflag:s7], $0x4000  }
0x2d7: {  	[sflag:s7] =	ssyncset.done $0x0  }
0x2d8: {  	[sflag:s7] =	ssyncadd.s32 $0xFFFFC000  }
0x2d9: {  	_ =	swait.ge [sflag:s7], $0x4000  }
0x2da: {  	[sflag:s7] =	ssyncset.done $0x0  }
0x2db: {  	[sflag:s7] =	ssyncadd.s32 $0xFFFFC000  }
0x2dc: {  	_ =	swait.ge [sflag:s7], $0x4000  }
0x2dd: {  	[sflag:s7] =	ssyncset.done $0x0  }
0x2de: {  	s10 =	simm.s32 $0x3A0;
	[sflag:s7] =	ssyncadd.s32 $0xFFFFC000  }
0x2df: {  	v0 =	vld [tilespmem:s10+$0xFFFFFEE0]  }
0x2e0: {  	v1 =	vld [tilespmem:s10+$0x60]  }
0x2e1: {  	v2 =	vld [tilespmem:s10+$0xFFFFFFE0]  }
0x2e2: {  	v3 =	vld [tilespmem:s10+$0xFFFFFF60];
	_ =	sdelay $0x3  }
0x2e3: {  	v4 =	vld [tilespmem:s10+$0xE0]  }
0x2e4: {  	v1 =	vadd.f32 v1, v2;
	v0 =	vadd.f32 v3, v0;
	_ =	sdelay $0x1  }
0x2e5: {  	v0 =	vadd.f32 v1, v0;
	_ =	sdelay $0x1  }
0x2e6: {  	v0 =	vadd.f32 v0, v4  }
0x2e7: {  	s11 =	simm.s32 $0x0  }
0x2e8: {  	[tilespmem:s11+$0x14280] =	vst v0  }
0x2e9: {  	v0 =	vld [tilespmem:s10+$0x70]  }
0x2ea: {  	v1 =	vld [tilespmem:s10+$0xFFFFFF70]  }
0x2eb: {  	v2 =	vld [tilespmem:s10+$0xFFFFFFF0]  }
0x2ec: {  	v3 =	vld [tilespmem:s10+$0xFFFFFEF0];
	_ =	sdelay $0x3  }
0x2ed: {  	v4 =	vld [tilespmem:s10+$0xF0]  }
0x2ee: {  	v0 =	vadd.f32 v0, v2;
	v1 =	vadd.f32 v1, v3;
	_ =	sdelay $0x1  }
0x2ef: {  	v0 =	vadd.f32 v0, v1;
	_ =	sdelay $0x1  }
0x2f0: {  	v0 =	vadd.f32 v0, v4;
	_ =	sdelay $0x1  }
0x2f1: {  	[tilespmem:s11+$0x14290] =	vst v0  }
0x2f2: {  	v0 =	vld [tilespmem:s10+$0xFFFFFF00]  }
0x2f3: {  	v1 =	vld [tilespmem:s10+$0xFFFFFF80]  }
0x2f4: {  	v2 =	vld [tilespmem:s10+$0x80]  }
0x2f5: {  	v3 =	vld [tilespmem:s10+$0x0];
	_ =	sdelay $0x3  }
0x2f6: {  	v4 =	vld [tilespmem:s10+$0x100]  }
0x2f7: {  	v0 =	vadd.f32 v1, v0;
	v1 =	vadd.f32 v2, v3;
	_ =	sdelay $0x1  }
0x2f8: {  	v0 =	vadd.f32 v1, v0;
	_ =	sdelay $0x1  }
0x2f9: {  	v0 =	vadd.f32 v0, v4;
	_ =	sdelay $0x1  }
0x2fa: {  	[tilespmem:s11+$0x142A0] =	vst v0  }
0x2fb: {  	v0 =	vld [tilespmem:s10+$0xFFFFFF10]  }
0x2fc: {  	v1 =	vld [tilespmem:s10+$0x90]  }
0x2fd: {  	v3 =	vld [tilespmem:s10+$0xFFFFFF90]  }
0x2fe: {  	v4 =	vld [tilespmem:s10+$0x10]  }
0x2ff: {  	s12 =	simm.s32 $0x200;
	v2 =	vld [tilespmem:s10+$0x110]  }
.LBB2_12:
0x300: {  	p0 =	sne.s32 s12, $0xFE00  }
0x301: {  	s10 =	sadd.s32 $0x280, s10;
	s13 =	smov.u32 s12;
	s12 =	sadd.s32 $0x200, s12  }
0x302: {  	_ = 	snop  }
0x303: {  	v0 =	vadd.f32 v3, v0  }
0x304: {  	v1 =	vadd.f32 v1, v4;
	_ =	sdelay $0x1  }
0x305: {  	v0 =	vadd.f32 v1, v0;
	_ =	sdelay $0x1  }
0x306: {  	v0 =	vadd.f32 v0, v2;
	_ =	sdelay $0x1  }
0x307: {  	[tilespmem:s11+$0x142B0] =	vst v0  }
0x308: {  	v0 =	vld [tilespmem:s10+$0xFFFFFEE0]  }
0x309: {  	v1 =	vld [tilespmem:s10+$0x60]  }
0x30a: {  	v2 =	vld [tilespmem:s10+$0xFFFFFFE0]  }
0x30b: {  	v3 =	vld [tilespmem:s10+$0xFFFFFF60];
	_ =	sdelay $0x3  }
0x30c: {  	v1 =	vadd.f32 v1, v2;
	v2 =	vld [tilespmem:s10+$0xE0]  }
0x30d: {  	v0 =	vadd.f32 v3, v0;
	_ =	sdelay $0x1  }
0x30e: {  	v0 =	vadd.f32 v1, v0;
	_ =	sdelay $0x1  }
0x30f: {  	v0 =	vadd.f32 v0, v2  }
0x310: {  	s11 =	sshra.s32 s13, $0x2  }
0x311: {  	[tilespmem:s11+$0x14280] =	vst v0  }
0x312: {  	v0 =	vld [tilespmem:s10+$0x70]  }
0x313: {  	v1 =	vld [tilespmem:s10+$0xFFFFFF70]  }
0x314: {  	v2 =	vld [tilespmem:s10+$0xFFFFFFF0]  }
0x315: {  	v3 =	vld [tilespmem:s10+$0xFFFFFEF0];
	_ =	sdelay $0x3  }
0x316: {  	v0 =	vadd.f32 v0, v2;
	v2 =	vld [tilespmem:s10+$0xF0]  }
0x317: {  	v1 =	vadd.f32 v1, v3;
	_ =	sdelay $0x1  }
0x318: {  	v0 =	vadd.f32 v0, v1;
	_ =	sdelay $0x1  }
0x319: {  	v0 =	vadd.f32 v0, v2;
	_ =	sdelay $0x1  }
0x31a: {  	[tilespmem:s11+$0x14290] =	vst v0  }
0x31b: {  	v0 =	vld [tilespmem:s10+$0xFFFFFF00]  }
0x31c: {  	v1 =	vld [tilespmem:s10+$0xFFFFFF80]  }
0x31d: {  	v2 =	vld [tilespmem:s10+$0x80]  }
0x31e: {  	v3 =	vld [tilespmem:s10+$0x0];
	_ =	sdelay $0x2  }
0x31f: {  	v0 =	vadd.f32 v1, v0  }
0x320: {  	v1 =	vld [tilespmem:s10+$0x100]  }
0x321: {  	v2 =	vadd.f32 v2, v3;
	_ =	sdelay $0x1  }
0x322: {  	v0 =	vadd.f32 v2, v0;
	_ =	sdelay $0x1  }
0x323: {  	v0 =	vadd.f32 v0, v1;
	_ =	sdelay $0x1  }
0x324: {  	[tilespmem:s11+$0x142A0] =	vst v0  }
.Ltmp5:
0x325: {  	v0 =	vld [tilespmem:s10+$0xFFFFFF10];
	(pc) =	sbr.rel @p0 .LBB2_12-.Ltmp5, $4  }
0x326: {  	v1 =	vld [tilespmem:s10+$0x90]  }
0x327: {  	v3 =	vld [tilespmem:s10+$0xFFFFFF90]  }
0x328: {  	v4 =	vld [tilespmem:s10+$0x10]  }
0x329: {  	v2 =	vld [tilespmem:s10+$0x110]  }
0x32a: {  	_ =	sdelay $0x2  }
0x32b: {  	v0 =	vadd.f32 v3, v0;
	v1 =	vadd.f32 v1, v4;
	_ =	sdelay $0x1  }
0x32c: {  	v0 =	vadd.f32 v1, v0;
	_ =	sdelay $0x1  }
0x32d: {  	v0 =	vadd.f32 v0, v2;
	_ =	sdelay $0x1  }
0x32e: {  	s10 =	simm.s32 $0x0;
	[tilespmem:s11+$0x142B0] =	vst v0  }
0x32f: {  	[hbm4b:s14+s10] =	stream.linear.scatter [tilespmem:s8], [sflag:$0x2], $0x4000, $0x38;
	[tilespmem:$0x18280] =	vst v63  }
0x330: {  	_ =	swait.ge [sflag:s25], $0x4000  }
0x331: {  	[sflag:s25] =	ssyncset.done $0x0  }
0x332: {  	s13 =	rddreg [dreg:$0x19];
	[sflag:s25] =	ssyncadd.s32 $0xFFFFC000  }
0x333: {  	[tilespmem:s10], [sflag:$0x2] =	stream.linear.gather [hbm4b:s13+s10], $0x80, $0x38;
	[tilespmem:$0x18280] =	vst v63  }
0x334: {  	_ =	swait.ge [sflag:s25], $0x80  }
0x335: {  	[sflag:s25] =	ssyncset.done $0x0  }
0x336: {  	s12 =	rddreg [dreg:$0x1a];
	[sflag:s25] =	ssyncadd.s32 $0xFFFFFF80  }
0x337: {  	[tilespmem:s26], [sflag:$0x2] =	stream.linear.gather [hbm4b:s12+s10], $0x80, $0x38;
	[tilespmem:$0x18280] =	vst v63  }
0x338: {  	_ =	swait.ge [sflag:s25], $0x80  }
0x339: {  	[sflag:s25] =	ssyncset.done $0x0  }
0x33a: {  	s13 =	rddreg [dreg:$0x1b];
	[sflag:s25] =	ssyncadd.s32 $0xFFFFFF80  }
0x33b: {  	[tilespmem:s28], [sflag:$0x2] =	stream.linear.gather [hbm4b:s13+s10], $0x80, $0x38;
	[tilespmem:$0x18280] =	vst v63  }
0x33c: {  	_ =	swait.ge [sflag:s25], $0x80  }
0x33d: {  	[sflag:s25] =	ssyncset.done $0x0  }
0x33e: {  	s12 =	rddreg [dreg:$0x1c];
	[sflag:s25] =	ssyncadd.s32 $0xFFFFFF80  }
0x33f: {  	[tilespmem:s29], [sflag:$0x2] =	stream.linear.gather [hbm4b:s12+s10], $0x80, $0x38;
	[tilespmem:$0x18280] =	vst v63  }
0x340: {  	_ =	swait.ge [sflag:s25], $0x80  }
0x341: {  	[sflag:s25] =	ssyncset.done $0x0  }
0x342: {  	s13 =	rddreg [dreg:$0x1d];
	[sflag:s25] =	ssyncadd.s32 $0xFFFFFF80  }
0x343: {  	[tilespmem:s30], [sflag:$0x2] =	stream.linear.gather [hbm4b:s13+s10], $0x80, $0x38;
	[tilespmem:$0x18280] =	vst v63  }
0x344: {  	_ =	swait.ge [sflag:s25], $0x80  }
0x345: {  	[sflag:s25] =	ssyncset.done $0x0  }
0x346: {  	[sflag:s25] =	ssyncadd.s32 $0xFFFFFF80  }
0x347: {  	[tilespmem:s31], [sflag:$0x1] =	stream.indirect.gather [hbm4b:s2+s26], $0x80, s10, s26, $0xb8;
	[tilespmem:$0x18280] =	vst v63  }
0x348: {  	_ = 	snop  }
0x349: {  	[tilespmem:s1], [sflag:$0x1] =	stream.indirect.gather [hbm4b:s2+s26], $0x80, s26, s26, $0xb8;
	[tilespmem:$0x18280] =	vst v63  }
0x34a: {  	_ = 	snop  }
0x34b: {  	[tilespmem:s0], [sflag:$0x1] =	stream.indirect.gather [hbm4b:s2+s26], $0x80, s28, s26, $0xb8;
	[tilespmem:$0x18280] =	vst v63  }
0x34c: {  	_ = 	snop  }
0x34d: {  	[tilespmem:s5], [sflag:$0x1] =	stream.indirect.gather [hbm4b:s2+s26], $0x80, s29, s26, $0xb8;
	[tilespmem:$0x18280] =	vst v63  }
0x34e: {  	_ = 	snop  }
0x34f: {  	[tilespmem:s6], [sflag:$0x1] =	stream.indirect.gather [hbm4b:s2+s26], $0x80, s30, s26, $0xb8;
	[tilespmem:$0x18280] =	vst v63  }
0x350: {  	_ =	swait.ge [sflag:s7], $0x4000  }
0x351: {  	[sflag:s7] =	ssyncset.done $0x0  }
0x352: {  	[sflag:s7] =	ssyncadd.s32 $0xFFFFC000  }
0x353: {  	_ =	swait.ge [sflag:s7], $0x4000  }
0x354: {  	[sflag:s7] =	ssyncset.done $0x0  }
0x355: {  	[sflag:s7] =	ssyncadd.s32 $0xFFFFC000  }
0x356: {  	_ =	swait.ge [sflag:s7], $0x4000  }
0x357: {  	[sflag:s7] =	ssyncset.done $0x0  }
0x358: {  	[sflag:s7] =	ssyncadd.s32 $0xFFFFC000  }
0x359: {  	_ =	swait.ge [sflag:s7], $0x4000  }
0x35a: {  	[sflag:s7] =	ssyncset.done $0x0  }
0x35b: {  	[sflag:s7] =	ssyncadd.s32 $0xFFFFC000  }
0x35c: {  	_ =	swait.ge [sflag:s7], $0x4000  }
0x35d: {  	[sflag:s7] =	ssyncset.done $0x0  }
0x35e: {  	s10 =	simm.s32 $0x3A0;
	[sflag:s7] =	ssyncadd.s32 $0xFFFFC000  }
0x35f: {  	v0 =	vld [tilespmem:s10+$0xFFFFFEE0]  }
0x360: {  	v1 =	vld [tilespmem:s10+$0x60]  }
0x361: {  	v2 =	vld [tilespmem:s10+$0xFFFFFFE0]  }
0x362: {  	v3 =	vld [tilespmem:s10+$0xFFFFFF60];
	_ =	sdelay $0x3  }
0x363: {  	v4 =	vld [tilespmem:s10+$0xE0]  }
0x364: {  	v1 =	vadd.f32 v1, v2;
	v0 =	vadd.f32 v3, v0;
	_ =	sdelay $0x1  }
0x365: {  	v0 =	vadd.f32 v1, v0;
	_ =	sdelay $0x1  }
0x366: {  	v0 =	vadd.f32 v0, v4  }
0x367: {  	s11 =	simm.s32 $0x0  }
0x368: {  	[tilespmem:s11+$0x14280] =	vst v0  }
0x369: {  	v0 =	vld [tilespmem:s10+$0x70]  }
0x36a: {  	v1 =	vld [tilespmem:s10+$0xFFFFFF70]  }
0x36b: {  	v2 =	vld [tilespmem:s10+$0xFFFFFFF0]  }
0x36c: {  	v3 =	vld [tilespmem:s10+$0xFFFFFEF0];
	_ =	sdelay $0x3  }
0x36d: {  	v4 =	vld [tilespmem:s10+$0xF0]  }
0x36e: {  	v0 =	vadd.f32 v0, v2;
	v1 =	vadd.f32 v1, v3;
	_ =	sdelay $0x1  }
0x36f: {  	v0 =	vadd.f32 v0, v1;
	_ =	sdelay $0x1  }
0x370: {  	v0 =	vadd.f32 v0, v4;
	_ =	sdelay $0x1  }
0x371: {  	[tilespmem:s11+$0x14290] =	vst v0  }
0x372: {  	v0 =	vld [tilespmem:s10+$0xFFFFFF00]  }
0x373: {  	v1 =	vld [tilespmem:s10+$0xFFFFFF80]  }
0x374: {  	v2 =	vld [tilespmem:s10+$0x80]  }
0x375: {  	v3 =	vld [tilespmem:s10+$0x0];
	_ =	sdelay $0x3  }
0x376: {  	v4 =	vld [tilespmem:s10+$0x100]  }
0x377: {  	v0 =	vadd.f32 v1, v0;
	v1 =	vadd.f32 v2, v3;
	_ =	sdelay $0x1  }
0x378: {  	v0 =	vadd.f32 v1, v0;
	_ =	sdelay $0x1  }
0x379: {  	v0 =	vadd.f32 v0, v4;
	_ =	sdelay $0x1  }
0x37a: {  	[tilespmem:s11+$0x142A0] =	vst v0  }
0x37b: {  	v0 =	vld [tilespmem:s10+$0xFFFFFF10]  }
0x37c: {  	v1 =	vld [tilespmem:s10+$0x90]  }
0x37d: {  	v3 =	vld [tilespmem:s10+$0xFFFFFF90]  }
0x37e: {  	v4 =	vld [tilespmem:s10+$0x10]  }
0x37f: {  	s12 =	simm.s32 $0x200;
	v2 =	vld [tilespmem:s10+$0x110]  }
.LBB2_14:
0x380: {  	p0 =	sne.s32 s12, $0xFE00  }
0x381: {  	s10 =	sadd.s32 $0x280, s10;
	s13 =	smov.u32 s12;
	s12 =	sadd.s32 $0x200, s12  }
0x382: {  	_ = 	snop  }
0x383: {  	v0 =	vadd.f32 v3, v0  }
0x384: {  	v1 =	vadd.f32 v1, v4;
	_ =	sdelay $0x1  }
0x385: {  	v0 =	vadd.f32 v1, v0;
	_ =	sdelay $0x1  }
0x386: {  	v0 =	vadd.f32 v0, v2;
	_ =	sdelay $0x1  }
0x387: {  	[tilespmem:s11+$0x142B0] =	vst v0  }
0x388: {  	v0 =	vld [tilespmem:s10+$0xFFFFFEE0]  }
0x389: {  	v1 =	vld [tilespmem:s10+$0x60]  }
0x38a: {  	v2 =	vld [tilespmem:s10+$0xFFFFFFE0]  }
0x38b: {  	v3 =	vld [tilespmem:s10+$0xFFFFFF60];
	_ =	sdelay $0x3  }
0x38c: {  	v1 =	vadd.f32 v1, v2;
	v2 =	vld [tilespmem:s10+$0xE0]  }
0x38d: {  	v0 =	vadd.f32 v3, v0;
	_ =	sdelay $0x1  }
0x38e: {  	v0 =	vadd.f32 v1, v0;
	_ =	sdelay $0x1  }
0x38f: {  	v0 =	vadd.f32 v0, v2  }
0x390: {  	s11 =	sshra.s32 s13, $0x2  }
0x391: {  	[tilespmem:s11+$0x14280] =	vst v0  }
0x392: {  	v0 =	vld [tilespmem:s10+$0x70]  }
0x393: {  	v1 =	vld [tilespmem:s10+$0xFFFFFF70]  }
0x394: {  	v2 =	vld [tilespmem:s10+$0xFFFFFFF0]  }
0x395: {  	v3 =	vld [tilespmem:s10+$0xFFFFFEF0];
	_ =	sdelay $0x3  }
0x396: {  	v0 =	vadd.f32 v0, v2;
	v2 =	vld [tilespmem:s10+$0xF0]  }
0x397: {  	v1 =	vadd.f32 v1, v3;
	_ =	sdelay $0x1  }
0x398: {  	v0 =	vadd.f32 v0, v1;
	_ =	sdelay $0x1  }
0x399: {  	v0 =	vadd.f32 v0, v2;
	_ =	sdelay $0x1  }
0x39a: {  	[tilespmem:s11+$0x14290] =	vst v0  }
0x39b: {  	v0 =	vld [tilespmem:s10+$0xFFFFFF00]  }
0x39c: {  	v1 =	vld [tilespmem:s10+$0xFFFFFF80]  }
0x39d: {  	v2 =	vld [tilespmem:s10+$0x80]  }
0x39e: {  	v3 =	vld [tilespmem:s10+$0x0];
	_ =	sdelay $0x2  }
0x39f: {  	v0 =	vadd.f32 v1, v0  }
0x3a0: {  	v1 =	vld [tilespmem:s10+$0x100]  }
0x3a1: {  	v2 =	vadd.f32 v2, v3;
	_ =	sdelay $0x1  }
0x3a2: {  	v0 =	vadd.f32 v2, v0;
	_ =	sdelay $0x1  }
0x3a3: {  	v0 =	vadd.f32 v0, v1;
	_ =	sdelay $0x1  }
0x3a4: {  	[tilespmem:s11+$0x142A0] =	vst v0  }
.Ltmp6:
0x3a5: {  	v0 =	vld [tilespmem:s10+$0xFFFFFF10];
	(pc) =	sbr.rel @p0 .LBB2_14-.Ltmp6, $4  }
0x3a6: {  	v1 =	vld [tilespmem:s10+$0x90]  }
0x3a7: {  	v3 =	vld [tilespmem:s10+$0xFFFFFF90]  }
0x3a8: {  	v4 =	vld [tilespmem:s10+$0x10]  }
0x3a9: {  	v2 =	vld [tilespmem:s10+$0x110]  }
0x3aa: {  	_ =	sdelay $0x2  }
0x3ab: {  	v0 =	vadd.f32 v3, v0;
	v1 =	vadd.f32 v1, v4;
	_ =	sdelay $0x1  }
0x3ac: {  	v0 =	vadd.f32 v1, v0;
	_ =	sdelay $0x1  }
0x3ad: {  	v0 =	vadd.f32 v0, v2;
	_ =	sdelay $0x1  }
0x3ae: {  	s10 =	simm.s32 $0x0;
	[tilespmem:s11+$0x142B0] =	vst v0  }
0x3af: {  	[hbm4b:s15+s10] =	stream.linear.scatter [tilespmem:s8], [sflag:$0x2], $0x4000, $0x38;
	[tilespmem:$0x18280] =	vst v63  }
0x3b0: {  	_ =	swait.ge [sflag:s25], $0x4000  }
0x3b1: {  	[sflag:s25] =	ssyncset.done $0x0  }
0x3b2: {  	s13 =	rddreg [dreg:$0x1e];
	[sflag:s25] =	ssyncadd.s32 $0xFFFFC000  }
0x3b3: {  	[tilespmem:s10], [sflag:$0x2] =	stream.linear.gather [hbm4b:s13+s10], $0x80, $0x38;
	[tilespmem:$0x18280] =	vst v63  }
0x3b4: {  	_ =	swait.ge [sflag:s25], $0x80  }
0x3b5: {  	[sflag:s25] =	ssyncset.done $0x0  }
0x3b6: {  	s12 =	rddreg [dreg:$0x1f];
	[sflag:s25] =	ssyncadd.s32 $0xFFFFFF80  }
0x3b7: {  	[tilespmem:s26], [sflag:$0x2] =	stream.linear.gather [hbm4b:s12+s10], $0x80, $0x38;
	[tilespmem:$0x18280] =	vst v63  }
0x3b8: {  	_ =	swait.ge [sflag:s25], $0x80  }
0x3b9: {  	s13 =	sld [smem:$0x7F6]  }
0x3ba: {  	[sflag:s25] =	ssyncset.done $0x0  }
0x3bb: {  	[sflag:s25] =	ssyncadd.s32 $0xFFFFFF80  }
0x3bc: {  	[tilespmem:s28], [sflag:$0x2] =	stream.linear.gather [hbm4b:s13+s10], $0x80, $0x38;
	[tilespmem:$0x18280] =	vst v63  }
0x3bd: {  	_ =	swait.ge [sflag:s25], $0x80  }
0x3be: {  	s12 =	sld [smem:$0x7F7]  }
0x3bf: {  	[sflag:s25] =	ssyncset.done $0x0  }
0x3c0: {  	[sflag:s25] =	ssyncadd.s32 $0xFFFFFF80  }
0x3c1: {  	[tilespmem:s29], [sflag:$0x2] =	stream.linear.gather [hbm4b:s12+s10], $0x80, $0x38;
	[tilespmem:$0x18280] =	vst v63  }
0x3c2: {  	_ =	swait.ge [sflag:s25], $0x80  }
0x3c3: {  	s13 =	sld [smem:$0x7F8]  }
0x3c4: {  	[sflag:s25] =	ssyncset.done $0x0  }
0x3c5: {  	[sflag:s25] =	ssyncadd.s32 $0xFFFFFF80  }
0x3c6: {  	[tilespmem:s30], [sflag:$0x2] =	stream.linear.gather [hbm4b:s13+s10], $0x80, $0x38;
	[tilespmem:$0x18280] =	vst v63  }
0x3c7: {  	_ =	swait.ge [sflag:s25], $0x80  }
0x3c8: {  	[sflag:s25] =	ssyncset.done $0x0  }
0x3c9: {  	[sflag:s25] =	ssyncadd.s32 $0xFFFFFF80  }
0x3ca: {  	[tilespmem:s31], [sflag:$0x1] =	stream.indirect.gather [hbm4b:s2+s26], $0x80, s10, s26, $0xb8;
	[tilespmem:$0x18280] =	vst v63  }
0x3cb: {  	_ = 	snop  }
0x3cc: {  	[tilespmem:s1], [sflag:$0x1] =	stream.indirect.gather [hbm4b:s2+s26], $0x80, s26, s26, $0xb8;
	[tilespmem:$0x18280] =	vst v63  }
0x3cd: {  	_ = 	snop  }
0x3ce: {  	[tilespmem:s0], [sflag:$0x1] =	stream.indirect.gather [hbm4b:s2+s26], $0x80, s28, s26, $0xb8;
	[tilespmem:$0x18280] =	vst v63  }
0x3cf: {  	_ = 	snop  }
0x3d0: {  	[tilespmem:s5], [sflag:$0x1] =	stream.indirect.gather [hbm4b:s2+s26], $0x80, s29, s26, $0xb8;
	[tilespmem:$0x18280] =	vst v63  }
0x3d1: {  	_ = 	snop  }
0x3d2: {  	[tilespmem:s6], [sflag:$0x1] =	stream.indirect.gather [hbm4b:s2+s26], $0x80, s30, s26, $0xb8;
	[tilespmem:$0x18280] =	vst v63  }
0x3d3: {  	_ =	swait.ge [sflag:s7], $0x4000  }
0x3d4: {  	[sflag:s7] =	ssyncset.done $0x0  }
0x3d5: {  	[sflag:s7] =	ssyncadd.s32 $0xFFFFC000  }
0x3d6: {  	_ =	swait.ge [sflag:s7], $0x4000  }
0x3d7: {  	[sflag:s7] =	ssyncset.done $0x0  }
0x3d8: {  	[sflag:s7] =	ssyncadd.s32 $0xFFFFC000  }
0x3d9: {  	_ =	swait.ge [sflag:s7], $0x4000  }
0x3da: {  	[sflag:s7] =	ssyncset.done $0x0  }
0x3db: {  	[sflag:s7] =	ssyncadd.s32 $0xFFFFC000  }
0x3dc: {  	_ =	swait.ge [sflag:s7], $0x4000  }
0x3dd: {  	[sflag:s7] =	ssyncset.done $0x0  }
0x3de: {  	[sflag:s7] =	ssyncadd.s32 $0xFFFFC000  }
0x3df: {  	_ =	swait.ge [sflag:s7], $0x4000  }
0x3e0: {  	[sflag:s7] =	ssyncset.done $0x0  }
0x3e1: {  	s10 =	simm.s32 $0x3A0;
	[sflag:s7] =	ssyncadd.s32 $0xFFFFC000  }
0x3e2: {  	v0 =	vld [tilespmem:s10+$0xFFFFFEE0]  }
0x3e3: {  	v1 =	vld [tilespmem:s10+$0x60]  }
0x3e4: {  	v2 =	vld [tilespmem:s10+$0xFFFFFFE0]  }
0x3e5: {  	v3 =	vld [tilespmem:s10+$0xFFFFFF60];
	_ =	sdelay $0x3  }
0x3e6: {  	v4 =	vld [tilespmem:s10+$0xE0]  }
0x3e7: {  	v1 =	vadd.f32 v1, v2;
	v0 =	vadd.f32 v3, v0;
	_ =	sdelay $0x1  }
0x3e8: {  	v0 =	vadd.f32 v1, v0;
	_ =	sdelay $0x1  }
0x3e9: {  	v0 =	vadd.f32 v0, v4  }
0x3ea: {  	s11 =	simm.s32 $0x0  }
0x3eb: {  	[tilespmem:s11+$0x14280] =	vst v0  }
0x3ec: {  	v0 =	vld [tilespmem:s10+$0x70]  }
0x3ed: {  	v1 =	vld [tilespmem:s10+$0xFFFFFF70]  }
0x3ee: {  	v2 =	vld [tilespmem:s10+$0xFFFFFFF0]  }
0x3ef: {  	v3 =	vld [tilespmem:s10+$0xFFFFFEF0];
	_ =	sdelay $0x3  }
0x3f0: {  	v4 =	vld [tilespmem:s10+$0xF0]  }
0x3f1: {  	v0 =	vadd.f32 v0, v2;
	v1 =	vadd.f32 v1, v3;
	_ =	sdelay $0x1  }
0x3f2: {  	v0 =	vadd.f32 v0, v1;
	_ =	sdelay $0x1  }
0x3f3: {  	v0 =	vadd.f32 v0, v4;
	_ =	sdelay $0x1  }
0x3f4: {  	[tilespmem:s11+$0x14290] =	vst v0  }
0x3f5: {  	v0 =	vld [tilespmem:s10+$0xFFFFFF00]  }
0x3f6: {  	v1 =	vld [tilespmem:s10+$0xFFFFFF80]  }
0x3f7: {  	v2 =	vld [tilespmem:s10+$0x80]  }
0x3f8: {  	v3 =	vld [tilespmem:s10+$0x0];
	_ =	sdelay $0x3  }
0x3f9: {  	v4 =	vld [tilespmem:s10+$0x100]  }
0x3fa: {  	v0 =	vadd.f32 v1, v0;
	v1 =	vadd.f32 v2, v3;
	_ =	sdelay $0x1  }
0x3fb: {  	v0 =	vadd.f32 v1, v0;
	_ =	sdelay $0x1  }
0x3fc: {  	v0 =	vadd.f32 v0, v4;
	_ =	sdelay $0x1  }
0x3fd: {  	[tilespmem:s11+$0x142A0] =	vst v0  }
0x3fe: {  	v0 =	vld [tilespmem:s10+$0xFFFFFF10]  }
0x3ff: {  	v1 =	vld [tilespmem:s10+$0x90]  }
0x400: {  	v3 =	vld [tilespmem:s10+$0xFFFFFF90]  }
0x401: {  	v4 =	vld [tilespmem:s10+$0x10]  }
0x402: {  	s12 =	simm.s32 $0x200;
	v2 =	vld [tilespmem:s10+$0x110]  }
.LBB2_16:
0x403: {  	p0 =	sne.s32 s12, $0xFE00  }
0x404: {  	s10 =	sadd.s32 $0x280, s10;
	s13 =	smov.u32 s12;
	s12 =	sadd.s32 $0x200, s12  }
0x405: {  	_ = 	snop  }
0x406: {  	v0 =	vadd.f32 v3, v0  }
0x407: {  	v1 =	vadd.f32 v1, v4;
	_ =	sdelay $0x1  }
0x408: {  	v0 =	vadd.f32 v1, v0;
	_ =	sdelay $0x1  }
0x409: {  	v0 =	vadd.f32 v0, v2;
	_ =	sdelay $0x1  }
0x40a: {  	[tilespmem:s11+$0x142B0] =	vst v0  }
0x40b: {  	v0 =	vld [tilespmem:s10+$0xFFFFFEE0]  }
0x40c: {  	v1 =	vld [tilespmem:s10+$0x60]  }
0x40d: {  	v2 =	vld [tilespmem:s10+$0xFFFFFFE0]  }
0x40e: {  	v3 =	vld [tilespmem:s10+$0xFFFFFF60];
	_ =	sdelay $0x3  }
0x40f: {  	v1 =	vadd.f32 v1, v2;
	v2 =	vld [tilespmem:s10+$0xE0]  }
0x410: {  	v0 =	vadd.f32 v3, v0;
	_ =	sdelay $0x1  }
0x411: {  	v0 =	vadd.f32 v1, v0;
	_ =	sdelay $0x1  }
0x412: {  	v0 =	vadd.f32 v0, v2  }
0x413: {  	s11 =	sshra.s32 s13, $0x2  }
0x414: {  	[tilespmem:s11+$0x14280] =	vst v0  }
0x415: {  	v0 =	vld [tilespmem:s10+$0x70]  }
0x416: {  	v1 =	vld [tilespmem:s10+$0xFFFFFF70]  }
0x417: {  	v2 =	vld [tilespmem:s10+$0xFFFFFFF0]  }
0x418: {  	v3 =	vld [tilespmem:s10+$0xFFFFFEF0];
	_ =	sdelay $0x3  }
0x419: {  	v0 =	vadd.f32 v0, v2;
	v2 =	vld [tilespmem:s10+$0xF0]  }
0x41a: {  	v1 =	vadd.f32 v1, v3;
	_ =	sdelay $0x1  }
0x41b: {  	v0 =	vadd.f32 v0, v1;
	_ =	sdelay $0x1  }
0x41c: {  	v0 =	vadd.f32 v0, v2;
	_ =	sdelay $0x1  }
0x41d: {  	[tilespmem:s11+$0x14290] =	vst v0  }
0x41e: {  	v0 =	vld [tilespmem:s10+$0xFFFFFF00]  }
0x41f: {  	v1 =	vld [tilespmem:s10+$0xFFFFFF80]  }
0x420: {  	v2 =	vld [tilespmem:s10+$0x80]  }
0x421: {  	v3 =	vld [tilespmem:s10+$0x0];
	_ =	sdelay $0x2  }
0x422: {  	v0 =	vadd.f32 v1, v0  }
0x423: {  	v1 =	vld [tilespmem:s10+$0x100]  }
0x424: {  	v2 =	vadd.f32 v2, v3;
	_ =	sdelay $0x1  }
0x425: {  	v0 =	vadd.f32 v2, v0;
	_ =	sdelay $0x1  }
0x426: {  	v0 =	vadd.f32 v0, v1;
	_ =	sdelay $0x1  }
0x427: {  	[tilespmem:s11+$0x142A0] =	vst v0  }
.Ltmp7:
0x428: {  	v0 =	vld [tilespmem:s10+$0xFFFFFF10];
	(pc) =	sbr.rel @p0 .LBB2_16-.Ltmp7, $4  }
0x429: {  	v1 =	vld [tilespmem:s10+$0x90]  }
0x42a: {  	v3 =	vld [tilespmem:s10+$0xFFFFFF90]  }
0x42b: {  	v4 =	vld [tilespmem:s10+$0x10]  }
0x42c: {  	v2 =	vld [tilespmem:s10+$0x110]  }
0x42d: {  	_ =	sdelay $0x2  }
0x42e: {  	v0 =	vadd.f32 v3, v0;
	v1 =	vadd.f32 v1, v4;
	_ =	sdelay $0x1  }
0x42f: {  	v0 =	vadd.f32 v1, v0;
	_ =	sdelay $0x1  }
0x430: {  	s9 =	sadd.s32 $0x1, s9;
	v0 =	vadd.f32 v0, v2  }
0x431: {  	p0 =	sne.s32 s9, s17  }
.Ltmp8:
0x432: {  	[tilespmem:s11+$0x142B0] =	vst v0;
	(pc) =	sbr.rel @p0 .LBB2_1-.Ltmp8, $4  }
0x433: {  	[hbm4b:s16+s3] =	stream.linear.scatter [tilespmem:s8], [sflag:$0x2], $0x4000, $0x38;
	[tilespmem:$0x18280] =	vst v63  }
0x434: {  	_ =	swait.ge [sflag:s25], $0x4000  }
0x435: {  	[sflag:s25] =	ssyncset.done $0x0  }
0x436: {  	[sflag:s25] =	ssyncadd.s32 $0xFFFFC000  }
0x437: {  	_ =	sfence.sel $0x180000  }
0x438: {  	[bflag:$0x0] =	sbarrier.arrive $0xFFFF  }
0x439: {  	_ =	strace $0x90000047  }
0x43a: {  	s0 =	stileid.u32;
	[bflag:$0x2] =	sbarrier.arrive $0xFFFF  }
0x43b: {  	p0 =	sne.s32 s0, $0x0;
	s0 =	rddreg [dreg:$0x2]  }
0x43c: {  	s0 =	sadd.s32 @!p0 $0x100000, s0  }
0x43d: {  	[sflag:s0] =	ssyncadd.tile.s32 @!p0 $0x1;
	_ =	shalt  }
.Lfunc_end2:
_tile_overlayer_lowered:
.L_overlay_start_2:
0x43e: {  	(tag) =	ssettag $0x2  }
0x43f: {  	s0 =	rddreg [dreg:$0x0];
	s2 =	stileid.u32  }
0x440: {  	s1 =	rddreg [dreg:$0x1];
	p0 =	sne.s32 s2, $0x0  }
0x441: {  	s3 =	rddreg [dreg:$0x2];
	[bflag:$0x3] =	sbarrier.arrive $0xFFFF;
	s2 =	simm.s32 @!p0 $0x1C02  }
0x442: {  	[timem:s3], [sflag:s2] =	dma.local @!p0 [hbm:s0], s1  }
0x443: {  	s0 =	simm.s32 @!p0 $0x2  }
0x444: {  	_ =	swait.ge @!p0 [sflag:s0], s1  }
0x445: {  	s1 =	ssub.s32 @!p0 $0x0, s1;
	[sflag:s0] =	ssyncset.done @!p0 $0x0  }
0x446: {  	[sflag:s0] =	ssyncadd.s32 @!p0 s1  }
0x447: {  	[bflag:$0x3] =	sbarrier.arrive $0xFFFF  }
0x448: {  	_ =	shalt  }

</sc_bundles>
